<compile_context>
chip_gen: v7x
topology: tpu7x:2x2x1
jax: 0.10.2.dev20260603
libtpu: 0.0.44.dev20260713+nightly
codegen_flags: <defaults>
</compile_context>

<pallas_src>
import functools

import jax
import jax.numpy as jnp
from jax import lax
from jax.experimental import pallas as pl
from jax.experimental.pallas import tpu as pltpu
from jax.experimental.pallas import tpu_sc as plsc

B = 4096
L = 200
D = 64
NC = 2
NS = 16
NW = NC * NS
BPW = B // NW
C0 = 104
C1 = L - C0


def _pool_call(uneigh, ineigh, user_emb_W, item_emb_W):
  Bh = uneigh.shape[0]
  BPW = Bh // NW
  mesh = plsc.VectorSubcoreMesh(core_axis_name="c", subcore_axis_name="s")
  out_t = (jax.ShapeDtypeStruct((Bh, D), jnp.float32),
           jax.ShapeDtypeStruct((Bh, D), jnp.float32))

  @functools.partial(
      pl.kernel, mesh=mesh, out_type=out_t,
      compiler_params=pltpu.CompilerParams(use_tc_tiling_on_sc=False),
      scratch_types=[
          pltpu.VMEM((BPW, L), jnp.int32),
          pltpu.VMEM((BPW, L), jnp.int32),
          pltpu.VMEM((L, D), jnp.float32),
          pltpu.VMEM((L, D), jnp.float32),
          pltpu.VMEM((L, D), jnp.float32),
          pltpu.VMEM((L, D), jnp.float32),
          pltpu.VMEM((BPW, D), jnp.float32),
          pltpu.VMEM((BPW, D), jnp.float32),
          pltpu.SemaphoreType.DMA,
          pltpu.SemaphoreType.DMA,
          pltpu.SemaphoreType.DMA,
          pltpu.SemaphoreType.DMA,
          pltpu.SemaphoreType.DMA,
      ])
  def pool(un_hbm, in_hbm, uemb_hbm, iemb_hbm,
           uout_hbm, iout_hbm,
           uneigh_v, ineigh_v, buf_a, buf_b, buf_c, buf_d, uout_v, iout_v,
           sem_a, sem_b, sem_c, sem_d, sem_n):
    wid = lax.axis_index("s") * NC + lax.axis_index("c")
    base = wid * BPW
    pltpu.async_copy(un_hbm.at[pl.ds(base, BPW)], uneigh_v, sem_n)
    pltpu.async_copy(in_hbm.at[pl.ds(base, BPW)], ineigh_v, sem_n)
    pltpu.make_async_copy(un_hbm.at[pl.ds(0, BPW)], uneigh_v, sem_n).wait()
    pltpu.make_async_copy(in_hbm.at[pl.ds(0, BPW)], ineigh_v, sem_n).wait()

    def fire(emb_hbm, neigh_v, i, buf, sem):
      pltpu.async_copy(emb_hbm.at[neigh_v.at[i, pl.ds(0, C0)]],
                       buf.at[pl.ds(0, C0)], sem)
      pltpu.async_copy(emb_hbm.at[neigh_v.at[i, pl.ds(C0, C1)]],
                       buf.at[pl.ds(C0, C1)], sem)

    def drain(emb_hbm, buf, sem):
      pltpu.make_async_copy(emb_hbm.at[pl.ds(0, L)], buf, sem).wait()

    def reduce_into(buf, out_v, i):
      def body(r, accs):
        return tuple(accs[c] + buf[r, pl.ds(16 * c, 16)] for c in range(4))
      z = jnp.zeros((16,), jnp.float32)
      accs = lax.fori_loop(0, L, body, (z, z, z, z), unroll=8)
      for c in range(4):
        out_v[i, pl.ds(16 * c, 16)] = accs[c]

    bufs = ((buf_a, sem_a), (buf_b, sem_b), (buf_c, sem_c), (buf_d, sem_d))

    def do_side(emb_hbm, neigh_v, out_v):
      for k, (buf, sem) in enumerate(bufs):
        fire(emb_hbm, neigh_v, k, buf, sem)

      @pl.loop(0, BPW, step=4)
      def _(i):
        for k, (buf, sem) in enumerate(bufs):
          drain(emb_hbm, buf, sem)
          reduce_into(buf, out_v, i + k)

          @pl.when(i + 4 + k < BPW)
          def _():
            fire(emb_hbm, neigh_v, i + 4 + k, buf, sem)

    do_side(uemb_hbm, uneigh_v, uout_v)
    do_side(iemb_hbm, ineigh_v, iout_v)
    pltpu.sync_copy(uout_v, uout_hbm.at[pl.ds(base, BPW)])
    pltpu.sync_copy(iout_v, iout_hbm.at[pl.ds(base, BPW)])

  return pool(uneigh, ineigh, user_emb_W, item_emb_W)


def _mlp_call(u_sum, i_sum, w1, b1, w2, b2, w3, b3, w4, b4, w5, b5):
  Bh = u_sum.shape[0]
  n = Bh * D
  rows = 4096
  grid = n // rows
  elems = rows // D
  u3 = u_sum.reshape(grid, 1, rows)
  v3 = i_sum.reshape(grid, 1, rows)
  w1t = w1.T
  w2t = w2.T.astype(jnp.bfloat16)
  w3t = w3.T.astype(jnp.bfloat16)
  w4t = w4.T.astype(jnp.bfloat16)
  w5t = w5.T
  b1c = b1.reshape(-1, 1)
  b2c = b2.reshape(-1, 1)
  b3c = b3.reshape(-1, 1)
  b4c = b4.reshape(-1, 1)
  b5c = b5.reshape(-1, 1)
  s2 = jnp.kron(jnp.eye(elems, dtype=jnp.float32),
                jnp.full((D, 1), 1.0 / D, jnp.float32))

  def bdot(w_ref, x):
    return jnp.dot(w_ref[...], x.astype(jnp.bfloat16),
                   preferred_element_type=jnp.float32)

  def body(u_ref, v_ref, w1_ref, b1_ref, w2_ref, b2_ref, w3_ref, b3_ref,
           w4_ref, b4_ref, w5_ref, b5_ref, s_ref, o_ref):
    w1v = w1_ref[...]
    u = u_ref[...].reshape(1, rows)
    v = v_ref[...].reshape(1, rows)
    h = jnp.maximum(w1v[:, 0:1] * u + w1v[:, 1:2] * v + b1_ref[...], 0.0)
    h = jnp.maximum(bdot(w2_ref, h) + b2_ref[...], 0.0)
    h = jnp.maximum(bdot(w3_ref, h) + b3_ref[...], 0.0)
    h = jnp.maximum(bdot(w4_ref, h) + b4_ref[...], 0.0)
    o = jnp.dot(w5_ref[...], h, preferred_element_type=jnp.float32) + b5_ref[...]
    m = jnp.dot(o, s_ref[...], preferred_element_type=jnp.float32)
    o_ref[...] = jax.nn.sigmoid(m).reshape(1, 1, elems)

  def full(a):
    nd = a.ndim
    return pl.BlockSpec(a.shape, lambda g, _nd=nd: (0,) * _nd)

  out = pl.pallas_call(
      body,
      grid=(grid,),
      in_specs=[
          pl.BlockSpec((1, 1, rows), lambda g: (g, 0, 0)),
          pl.BlockSpec((1, 1, rows), lambda g: (g, 0, 0)),
          full(w1t), full(b1c), full(w2t), full(b2c), full(w3t), full(b3c),
          full(w4t), full(b4c), full(w5t), full(b5c), full(s2),
      ],
      out_specs=pl.BlockSpec((1, 1, elems), lambda g: (g, 0, 0)),
      out_shape=jax.ShapeDtypeStruct((grid, 1, elems), jnp.float32),
  )(u3, v3, w1t, b1c, w2t, b2c, w3t, b3c, w4t, b4c, w5t, b5c, s2)
  return out.reshape(Bh)


def kernel(user_idxs, item_idxs, user_idx_tensor, item_idx_tensor,
           user_emb_W, item_emb_W, w1, b1, w2, b2, w3, b3, w4, b4, w5, b5):
  z32 = lax.shift_right_logical(user_idxs[0], 31).astype(jnp.int32)
  uneigh = jnp.take(user_idx_tensor + z32, user_idxs, axis=0).astype(jnp.int32)
  ineigh = jnp.take(item_idx_tensor + z32, item_idxs, axis=0).astype(jnp.int32)
  u_sum, i_sum = _pool_call(uneigh, ineigh, user_emb_W, item_emb_W)
  return _mlp_call(u_sum, i_sum, w1, b1, w2, b2, w3, b3, w4, b4, w5, b5)

# --- scband reference (transcript-rebuilt; emitter-appended) ---
"""Pipeline reference for scband-oneway-concat-53395033424503 (READ-ONLY COPY).

The authoritative reference and input builder live on the scoring server;
editing this copy changes nothing except your own understanding.
"""

import jax, jax.numpy as jnp
import numpy as np

B = 4096
N_USERS = 100000
N_ITEMS = 100000
L = 200  # multi_factor * top_k neighbors
D = 64   # emb_dim


def _linear_params(k, fan_in, fan_out):
    kw, kb = jax.random.split(k)
    bound = 1.0 / np.sqrt(fan_in)
    W = jax.random.uniform(kw, (fan_in, fan_out), minval=-bound, maxval=bound, dtype=jnp.float32)
    b = jax.random.uniform(kb, (fan_out,), minval=-bound, maxval=bound, dtype=jnp.float32)
    return W, b


def setup_inputs(seed: int = 0) -> dict:
    key = jax.random.key(seed)
    ks = jax.random.split(key, 12)
    user_idxs = jax.random.randint(ks[0], (B,), 0, N_USERS)
    item_idxs = jax.random.randint(ks[1], (B,), 0, N_ITEMS)
    user_idx_tensor = jax.random.randint(ks[2], (N_USERS, L), 0, N_USERS)
    item_idx_tensor = jax.random.randint(ks[3], (N_ITEMS, L), 0, N_ITEMS)
    user_emb_W = jax.random.normal(ks[4], (N_USERS, D), dtype=jnp.float32)
    item_emb_W = jax.random.normal(ks[5], (N_ITEMS, D), dtype=jnp.float32)
    # concat_linear_2 with input_dim=2, output_dim=1: 2 -> 20 -> 200 -> 200 -> 20 -> 1
    w1, b1 = _linear_params(ks[6], 2, 20)
    w2, b2 = _linear_params(ks[7], 20, 200)
    w3, b3 = _linear_params(ks[8], 200, 200)
    w4, b4 = _linear_params(ks[9], 200, 20)
    w5, b5 = _linear_params(ks[10], 20, 1)
    return {
        'user_idxs': user_idxs, 'item_idxs': item_idxs,
        'user_idx_tensor': user_idx_tensor, 'item_idx_tensor': item_idx_tensor,
        'user_emb_W': user_emb_W, 'item_emb_W': item_emb_W,
        'w1': w1, 'b1': b1, 'w2': w2, 'b2': b2, 'w3': w3, 'b3': b3,
        'w4': w4, 'b4': b4, 'w5': w5, 'b5': b5,
    }


def reference(user_idxs, item_idxs, user_idx_tensor, item_idx_tensor,
              user_emb_W, item_emb_W,
              w1, b1, w2, b2, w3, b3, w4, b4, w5, b5):
    # neighbor gather (index tensor lookup)
    user_neighs = jnp.take(user_idx_tensor, user_idxs, axis=0)      # [B, L]
    item_neighs = jnp.take(item_idx_tensor, item_idxs, axis=0)      # [B, L]
    # embedding gathers
    user_neigh_emb = jnp.take(user_emb_W, user_neighs, axis=0)      # [B, L, D]
    item_neigh_emb = jnp.take(item_emb_W, item_neighs, axis=0)      # [B, L, D]
    user_sum_emb = jnp.sum(user_neigh_emb, axis=1, keepdims=True)   # [B, 1, D]
    item_sum_emb = jnp.sum(item_neigh_emb, axis=1, keepdims=True)   # [B, 1, D]
    user_item_emb = jnp.concatenate((user_sum_emb, item_sum_emb), axis=1)  # [B, 2, D]
    x = jnp.transpose(user_item_emb, (0, 2, 1))                     # [B, D, 2]
    # concat_linear_2 MLP applied over last dim
    x = jax.nn.relu(x @ w1 + b1)
    x = jax.nn.relu(x @ w2 + b2)
    x = jax.nn.relu(x @ w3 + b3)
    x = jax.nn.relu(x @ w4 + b4)
    concat = x @ w5 + b5                                            # [B, D, 1]
    results = jax.nn.sigmoid(jnp.mean(concat, axis=1))              # [B, 1]
    return jnp.squeeze(results)                                     # [B]

if __name__ == "__main__":
    import jax
    _d = setup_inputs()
    print(jax.jit(kernel)(*tuple(_d.values())))

</pallas_src>

<mosaic_0001>
#map = affine_map<(d0, d1) -> (0, 0)>
module attributes {stable_mosaic.version = 14 : i64} {
  func.func @pool(%arg0: i32, %arg1: i32, %arg2: memref<4096x200xi32, #tpu.memory_space<hbm>>, %arg3: memref<4096x200xi32, #tpu.memory_space<hbm>>, %arg4: memref<100000x64xf32, #tpu.memory_space<hbm>>, %arg5: memref<100000x64xf32, #tpu.memory_space<hbm>>, %arg6: memref<4096x64xf32, #tpu.memory_space<hbm>>, %arg7: memref<4096x64xf32, #tpu.memory_space<hbm>>, %arg8: memref<128x200xi32, #tpu.memory_space<vmem>>, %arg9: memref<128x200xi32, #tpu.memory_space<vmem>>, %arg10: memref<200x64xf32, #tpu.memory_space<vmem>>, %arg11: memref<200x64xf32, #tpu.memory_space<vmem>>, %arg12: memref<200x64xf32, #tpu.memory_space<vmem>>, %arg13: memref<200x64xf32, #tpu.memory_space<vmem>>, %arg14: memref<128x64xf32, #tpu.memory_space<vmem>>, %arg15: memref<128x64xf32, #tpu.memory_space<vmem>>, %arg16: memref<!tpu.dma_semaphore, #tpu.memory_space<semaphore_mem>>, %arg17: memref<!tpu.dma_semaphore, #tpu.memory_space<semaphore_mem>>, %arg18: memref<!tpu.dma_semaphore, #tpu.memory_space<semaphore_mem>>, %arg19: memref<!tpu.dma_semaphore, #tpu.memory_space<semaphore_mem>>, %arg20: memref<!tpu.dma_semaphore, #tpu.memory_space<semaphore_mem>>) attributes {dimension_semantics = [#tpu.dimension_semantics<core_parallel>, #tpu.dimension_semantics<subcore_parallel>], iteration_bounds = array<i64: 2, 16>, scalar_prefetch = 0 : i64, scratch_operands = 13 : i64, tpu.core_type = #tpu.core_type<sc_vector_subcore>, window_params = [{transform_indices = #map}, {transform_indices = #map}, {transform_indices = #map}, {transform_indices = #map}, {transform_indices = #map}, {transform_indices = #map}]} {
    %mul3A = arith.constant 2 : i32
    %mul3A_0 = arith.muli %arg1, %mul3A : i32
    %add3A = arith.addi %mul3A_0, %arg0 : i32
    %mul3A_1 = arith.constant 128 : i32
    %mul3A_2 = arith.muli %add3A, %mul3A_1 : i32
    %dma_start3A = arith.constant 0 : i32
    %dma_start3A_3 = tpu.memref_slice %arg2[%mul3A_2, %dma_start3A] : memref<4096x200xi32, #tpu.memory_space<hbm>> -> memref<128x200xi32, #tpu.memory_space<hbm>>
    %dma_start3A_4 = arith.constant 0 : i32
    %dma_start3A_5 = tpu.memref_slice %arg2[%mul3A_2, %dma_start3A_4] : memref<4096x200xi32, #tpu.memory_space<hbm>> -> memref<128x200xi32, #tpu.memory_space<hbm>>
    tpu.enqueue_dma source(%dma_start3A_5 : memref<128x200xi32, #tpu.memory_space<hbm>>) target(%arg8 : memref<128x200xi32, #tpu.memory_space<vmem>>) target_semaphore(%arg20 : memref<!tpu.dma_semaphore, #tpu.memory_space<semaphore_mem>>)
    %dma_start3A_6 = arith.constant 0 : i32
    %dma_start3A_7 = tpu.memref_slice %arg3[%mul3A_2, %dma_start3A_6] : memref<4096x200xi32, #tpu.memory_space<hbm>> -> memref<128x200xi32, #tpu.memory_space<hbm>>
    %dma_start3A_8 = arith.constant 0 : i32
    %dma_start3A_9 = tpu.memref_slice %arg3[%mul3A_2, %dma_start3A_8] : memref<4096x200xi32, #tpu.memory_space<hbm>> -> memref<128x200xi32, #tpu.memory_space<hbm>>
    tpu.enqueue_dma source(%dma_start3A_9 : memref<128x200xi32, #tpu.memory_space<hbm>>) target(%arg9 : memref<128x200xi32, #tpu.memory_space<vmem>>) target_semaphore(%arg20 : memref<!tpu.dma_semaphore, #tpu.memory_space<semaphore_mem>>)
    %dma_wait3A = arith.constant 0 : i32
    %dma_wait3A_10 = arith.constant 0 : i32
    %dma_wait3A_11 = tpu.memref_slice %arg2[%dma_wait3A, %dma_wait3A_10] : memref<4096x200xi32, #tpu.memory_space<hbm>> -> memref<128x200xi32, #tpu.memory_space<hbm>>
    %dma_wait3A_12 = arith.constant 0 : i32
    %dma_wait3A_13 = arith.constant 0 : i32
    %dma_wait3A_14 = tpu.memref_slice %arg2[%dma_wait3A_12, %dma_wait3A_13] : memref<4096x200xi32, #tpu.memory_space<hbm>> -> memref<128x200xi32, #tpu.memory_space<hbm>>
    tpu.wait_dma2 semaphore(%arg20 : memref<!tpu.dma_semaphore, #tpu.memory_space<semaphore_mem>>) src(%dma_wait3A_14 : memref<128x200xi32, #tpu.memory_space<hbm>>) dst(%arg8 : memref<128x200xi32, #tpu.memory_space<vmem>>)
    %dma_wait3A_15 = arith.constant 0 : i32
    %dma_wait3A_16 = arith.constant 0 : i32
    %dma_wait3A_17 = tpu.memref_slice %arg3[%dma_wait3A_15, %dma_wait3A_16] : memref<4096x200xi32, #tpu.memory_space<hbm>> -> memref<128x200xi32, #tpu.memory_space<hbm>>
    %dma_wait3A_18 = arith.constant 0 : i32
    %dma_wait3A_19 = arith.constant 0 : i32
    %dma_wait3A_20 = tpu.memref_slice %arg3[%dma_wait3A_18, %dma_wait3A_19] : memref<4096x200xi32, #tpu.memory_space<hbm>> -> memref<128x200xi32, #tpu.memory_space<hbm>>
    tpu.wait_dma2 semaphore(%arg20 : memref<!tpu.dma_semaphore, #tpu.memory_space<semaphore_mem>>) src(%dma_wait3A_20 : memref<128x200xi32, #tpu.memory_space<hbm>>) dst(%arg9 : memref<128x200xi32, #tpu.memory_space<vmem>>)
    %dma_start3A_21 = arith.constant 0 : i32
    %dma_start3A_22 = arith.constant 0 : i32
    %dma_start3A_23 = arith.constant 0 : i32
    %dma_start3A_24 = tpu.memref_slice %arg10[%dma_start3A_22, %dma_start3A_23] : memref<200x64xf32, #tpu.memory_space<vmem>> -> memref<104x64xf32, #tpu.memory_space<vmem>>
    %dma_start3A_25 = arith.constant 0 : i32
    %dma_start3A_26 = tpu.memref_slice %arg8[%dma_start3A_21, %dma_start3A_25] : memref<128x200xi32, #tpu.memory_space<vmem>> -> memref<1x104xi32, #tpu.memory_space<vmem>>
    %dma_start3A_27 = tpu.memref_squeeze %dma_start3A_26 : memref<1x104xi32, #tpu.memory_space<vmem>> -> memref<104xi32, #tpu.memory_space<vmem>>
    %dma_start3A_28 = arith.constant 0 : i32
    %dma_start3A_29 = arith.constant 0 : i32
    %dma_start3A_30 = tpu.memref_slice %arg4[%dma_start3A_28, %dma_start3A_29] : memref<100000x64xf32, #tpu.memory_space<hbm>> -> memref<100000x64xf32, #tpu.memory_space<hbm>>
    tpu.enqueue_indirect_dma source(%dma_start3A_30 : memref<100000x64xf32, #tpu.memory_space<hbm>>) target(%dma_start3A_24 : memref<104x64xf32, #tpu.memory_space<vmem>>) offsets(%dma_start3A_27 : memref<104xi32, #tpu.memory_space<vmem>>) semaphore(%arg16 : memref<!tpu.dma_semaphore, #tpu.memory_space<semaphore_mem>>)
    %dma_start3A_31 = arith.constant 0 : i32
    %dma_start3A_32 = arith.constant 104 : i32
    %dma_start3A_33 = arith.constant 0 : i32
    %dma_start3A_34 = tpu.memref_slice %arg10[%dma_start3A_32, %dma_start3A_33] : memref<200x64xf32, #tpu.memory_space<vmem>> -> memref<96x64xf32, #tpu.memory_space<vmem>>
    %dma_start3A_35 = arith.constant 104 : i32
    %dma_start3A_36 = tpu.memref_slice %arg8[%dma_start3A_31, %dma_start3A_35] : memref<128x200xi32, #tpu.memory_space<vmem>> -> memref<1x96xi32, #tpu.memory_space<vmem>>
    %dma_start3A_37 = tpu.memref_squeeze %dma_start3A_36 : memref<1x96xi32, #tpu.memory_space<vmem>> -> memref<96xi32, #tpu.memory_space<vmem>>
    %dma_start3A_38 = arith.constant 0 : i32
    %dma_start3A_39 = arith.constant 0 : i32
    %dma_start3A_40 = tpu.memref_slice %arg4[%dma_start3A_38, %dma_start3A_39] : memref<100000x64xf32, #tpu.memory_space<hbm>> -> memref<100000x64xf32, #tpu.memory_space<hbm>>
    tpu.enqueue_indirect_dma source(%dma_start3A_40 : memref<100000x64xf32, #tpu.memory_space<hbm>>) target(%dma_start3A_34 : memref<96x64xf32, #tpu.memory_space<vmem>>) offsets(%dma_start3A_37 : memref<96xi32, #tpu.memory_space<vmem>>) semaphore(%arg16 : memref<!tpu.dma_semaphore, #tpu.memory_space<semaphore_mem>>)
    %dma_start3A_41 = arith.constant 1 : i32
    %dma_start3A_42 = arith.constant 0 : i32
    %dma_start3A_43 = arith.constant 0 : i32
    %dma_start3A_44 = tpu.memref_slice %arg11[%dma_start3A_42, %dma_start3A_43] : memref<200x64xf32, #tpu.memory_space<vmem>> -> memref<104x64xf32, #tpu.memory_space<vmem>>
    %dma_start3A_45 = arith.constant 0 : i32
    %dma_start3A_46 = tpu.memref_slice %arg8[%dma_start3A_41, %dma_start3A_45] : memref<128x200xi32, #tpu.memory_space<vmem>> -> memref<1x104xi32, #tpu.memory_space<vmem>>
    %dma_start3A_47 = tpu.memref_squeeze %dma_start3A_46 : memref<1x104xi32, #tpu.memory_space<vmem>> -> memref<104xi32, #tpu.memory_space<vmem>>
    %dma_start3A_48 = arith.constant 0 : i32
    %dma_start3A_49 = arith.constant 0 : i32
    %dma_start3A_50 = tpu.memref_slice %arg4[%dma_start3A_48, %dma_start3A_49] : memref<100000x64xf32, #tpu.memory_space<hbm>> -> memref<100000x64xf32, #tpu.memory_space<hbm>>
    tpu.enqueue_indirect_dma source(%dma_start3A_50 : memref<100000x64xf32, #tpu.memory_space<hbm>>) target(%dma_start3A_44 : memref<104x64xf32, #tpu.memory_space<vmem>>) offsets(%dma_start3A_47 : memref<104xi32, #tpu.memory_space<vmem>>) semaphore(%arg17 : memref<!tpu.dma_semaphore, #tpu.memory_space<semaphore_mem>>)
    %dma_start3A_51 = arith.constant 1 : i32
    %dma_start3A_52 = arith.constant 104 : i32
    %dma_start3A_53 = arith.constant 0 : i32
    %dma_start3A_54 = tpu.memref_slice %arg11[%dma_start3A_52, %dma_start3A_53] : memref<200x64xf32, #tpu.memory_space<vmem>> -> memref<96x64xf32, #tpu.memory_space<vmem>>
    %dma_start3A_55 = arith.constant 104 : i32
    %dma_start3A_56 = tpu.memref_slice %arg8[%dma_start3A_51, %dma_start3A_55] : memref<128x200xi32, #tpu.memory_space<vmem>> -> memref<1x96xi32, #tpu.memory_space<vmem>>
    %dma_start3A_57 = tpu.memref_squeeze %dma_start3A_56 : memref<1x96xi32, #tpu.memory_space<vmem>> -> memref<96xi32, #tpu.memory_space<vmem>>
    %dma_start3A_58 = arith.constant 0 : i32
    %dma_start3A_59 = arith.constant 0 : i32
    %dma_start3A_60 = tpu.memref_slice %arg4[%dma_start3A_58, %dma_start3A_59] : memref<100000x64xf32, #tpu.memory_space<hbm>> -> memref<100000x64xf32, #tpu.memory_space<hbm>>
    tpu.enqueue_indirect_dma source(%dma_start3A_60 : memref<100000x64xf32, #tpu.memory_space<hbm>>) target(%dma_start3A_54 : memref<96x64xf32, #tpu.memory_space<vmem>>) offsets(%dma_start3A_57 : memref<96xi32, #tpu.memory_space<vmem>>) semaphore(%arg17 : memref<!tpu.dma_semaphore, #tpu.memory_space<semaphore_mem>>)
    %dma_start3A_61 = arith.constant 2 : i32
    %dma_start3A_62 = arith.constant 0 : i32
    %dma_start3A_63 = arith.constant 0 : i32
    %dma_start3A_64 = tpu.memref_slice %arg12[%dma_start3A_62, %dma_start3A_63] : memref<200x64xf32, #tpu.memory_space<vmem>> -> memref<104x64xf32, #tpu.memory_space<vmem>>
    %dma_start3A_65 = arith.constant 0 : i32
    %dma_start3A_66 = tpu.memref_slice %arg8[%dma_start3A_61, %dma_start3A_65] : memref<128x200xi32, #tpu.memory_space<vmem>> -> memref<1x104xi32, #tpu.memory_space<vmem>>
    %dma_start3A_67 = tpu.memref_squeeze %dma_start3A_66 : memref<1x104xi32, #tpu.memory_space<vmem>> -> memref<104xi32, #tpu.memory_space<vmem>>
    %dma_start3A_68 = arith.constant 0 : i32
    %dma_start3A_69 = arith.constant 0 : i32
    %dma_start3A_70 = tpu.memref_slice %arg4[%dma_start3A_68, %dma_start3A_69] : memref<100000x64xf32, #tpu.memory_space<hbm>> -> memref<100000x64xf32, #tpu.memory_space<hbm>>
    tpu.enqueue_indirect_dma source(%dma_start3A_70 : memref<100000x64xf32, #tpu.memory_space<hbm>>) target(%dma_start3A_64 : memref<104x64xf32, #tpu.memory_space<vmem>>) offsets(%dma_start3A_67 : memref<104xi32, #tpu.memory_space<vmem>>) semaphore(%arg18 : memref<!tpu.dma_semaphore, #tpu.memory_space<semaphore_mem>>)
    %dma_start3A_71 = arith.constant 2 : i32
    %dma_start3A_72 = arith.constant 104 : i32
    %dma_start3A_73 = arith.constant 0 : i32
    %dma_start3A_74 = tpu.memref_slice %arg12[%dma_start3A_72, %dma_start3A_73] : memref<200x64xf32, #tpu.memory_space<vmem>> -> memref<96x64xf32, #tpu.memory_space<vmem>>
    %dma_start3A_75 = arith.constant 104 : i32
    %dma_start3A_76 = tpu.memref_slice %arg8[%dma_start3A_71, %dma_start3A_75] : memref<128x200xi32, #tpu.memory_space<vmem>> -> memref<1x96xi32, #tpu.memory_space<vmem>>
    %dma_start3A_77 = tpu.memref_squeeze %dma_start3A_76 : memref<1x96xi32, #tpu.memory_space<vmem>> -> memref<96xi32, #tpu.memory_space<vmem>>
    %dma_start3A_78 = arith.constant 0 : i32
    %dma_start3A_79 = arith.constant 0 : i32
    %dma_start3A_80 = tpu.memref_slice %arg4[%dma_start3A_78, %dma_start3A_79] : memref<100000x64xf32, #tpu.memory_space<hbm>> -> memref<100000x64xf32, #tpu.memory_space<hbm>>
    tpu.enqueue_indirect_dma source(%dma_start3A_80 : memref<100000x64xf32, #tpu.memory_space<hbm>>) target(%dma_start3A_74 : memref<96x64xf32, #tpu.memory_space<vmem>>) offsets(%dma_start3A_77 : memref<96xi32, #tpu.memory_space<vmem>>) semaphore(%arg18 : memref<!tpu.dma_semaphore, #tpu.memory_space<semaphore_mem>>)
    %dma_start3A_81 = arith.constant 3 : i32
    %dma_start3A_82 = arith.constant 0 : i32
    %dma_start3A_83 = arith.constant 0 : i32
    %dma_start3A_84 = tpu.memref_slice %arg13[%dma_start3A_82, %dma_start3A_83] : memref<200x64xf32, #tpu.memory_space<vmem>> -> memref<104x64xf32, #tpu.memory_space<vmem>>
    %dma_start3A_85 = arith.constant 0 : i32
    %dma_start3A_86 = tpu.memref_slice %arg8[%dma_start3A_81, %dma_start3A_85] : memref<128x200xi32, #tpu.memory_space<vmem>> -> memref<1x104xi32, #tpu.memory_space<vmem>>
    %dma_start3A_87 = tpu.memref_squeeze %dma_start3A_86 : memref<1x104xi32, #tpu.memory_space<vmem>> -> memref<104xi32, #tpu.memory_space<vmem>>
    %dma_start3A_88 = arith.constant 0 : i32
    %dma_start3A_89 = arith.constant 0 : i32
    %dma_start3A_90 = tpu.memref_slice %arg4[%dma_start3A_88, %dma_start3A_89] : memref<100000x64xf32, #tpu.memory_space<hbm>> -> memref<100000x64xf32, #tpu.memory_space<hbm>>
    tpu.enqueue_indirect_dma source(%dma_start3A_90 : memref<100000x64xf32, #tpu.memory_space<hbm>>) target(%dma_start3A_84 : memref<104x64xf32, #tpu.memory_space<vmem>>) offsets(%dma_start3A_87 : memref<104xi32, #tpu.memory_space<vmem>>) semaphore(%arg19 : memref<!tpu.dma_semaphore, #tpu.memory_space<semaphore_mem>>)
    %dma_start3A_91 = arith.constant 3 : i32
    %dma_start3A_92 = arith.constant 104 : i32
    %dma_start3A_93 = arith.constant 0 : i32
    %dma_start3A_94 = tpu.memref_slice %arg13[%dma_start3A_92, %dma_start3A_93] : memref<200x64xf32, #tpu.memory_space<vmem>> -> memref<96x64xf32, #tpu.memory_space<vmem>>
    %dma_start3A_95 = arith.constant 104 : i32
    %dma_start3A_96 = tpu.memref_slice %arg8[%dma_start3A_91, %dma_start3A_95] : memref<128x200xi32, #tpu.memory_space<vmem>> -> memref<1x96xi32, #tpu.memory_space<vmem>>
    %dma_start3A_97 = tpu.memref_squeeze %dma_start3A_96 : memref<1x96xi32, #tpu.memory_space<vmem>> -> memref<96xi32, #tpu.memory_space<vmem>>
    %dma_start3A_98 = arith.constant 0 : i32
    %dma_start3A_99 = arith.constant 0 : i32
    %dma_start3A_100 = tpu.memref_slice %arg4[%dma_start3A_98, %dma_start3A_99] : memref<100000x64xf32, #tpu.memory_space<hbm>> -> memref<100000x64xf32, #tpu.memory_space<hbm>>
    tpu.enqueue_indirect_dma source(%dma_start3A_100 : memref<100000x64xf32, #tpu.memory_space<hbm>>) target(%dma_start3A_94 : memref<96x64xf32, #tpu.memory_space<vmem>>) offsets(%dma_start3A_97 : memref<96xi32, #tpu.memory_space<vmem>>) semaphore(%arg19 : memref<!tpu.dma_semaphore, #tpu.memory_space<semaphore_mem>>)
    %scan3A = arith.constant 0 : i32
    %scan3A_101 = arith.constant 32 : i32
    %scan3A_102 = arith.addi %scan3A, %scan3A_101 : i32
    %scan3A_103 = arith.constant 1 : i32
    scf.for %scan3A_190 = %scan3A to %scan3A_102 step %scan3A_103  : i32 {
      %mul3A_191 = arith.constant 4 : i32
      %mul3A_192 = arith.muli %scan3A_190, %mul3A_191 : i32
      %add3A_193 = arith.constant 0 : i32
      %add3A_194 = arith.addi %add3A_193, %mul3A_192 : i32
      %dma_wait3A_195 = arith.constant 0 : i32
      %dma_wait3A_196 = arith.constant 0 : i32
      %dma_wait3A_197 = tpu.memref_slice %arg4[%dma_wait3A_195, %dma_wait3A_196] : memref<100000x64xf32, #tpu.memory_space<hbm>> -> memref<200x64xf32, #tpu.memory_space<hbm>>
      %dma_wait3A_198 = arith.constant 0 : i32
      %dma_wait3A_199 = arith.constant 0 : i32
      %dma_wait3A_200 = tpu.memref_slice %arg4[%dma_wait3A_198, %dma_wait3A_199] : memref<100000x64xf32, #tpu.memory_space<hbm>> -> memref<200x64xf32, #tpu.memory_space<hbm>>
      tpu.wait_dma2 semaphore(%arg16 : memref<!tpu.dma_semaphore, #tpu.memory_space<semaphore_mem>>) src(%dma_wait3A_200 : memref<200x64xf32, #tpu.memory_space<hbm>>) dst(%arg10 : memref<200x64xf32, #tpu.memory_space<vmem>>)
      %add3A_201 = arith.constant 0 : i32
      %add3A_202 = arith.addi %add3A_194, %add3A_201 : i32
      %broadcast_in_dim3A = arith.constant 0.000000e+00 : f32
      %broadcast_in_dim3A_203 = vector.broadcast %broadcast_in_dim3A : f32 to vector<16xf32>
      %scan3A_204 = arith.constant 0 : i32
      %scan3A_205 = arith.constant 200 : i32
      %scan3A_206 = arith.addi %scan3A_204, %scan3A_205 : i32
      %scan3A_207 = arith.constant 8 : i32
      %scan3A_208:4 = scf.for %scan3A_370 = %scan3A_204 to %scan3A_206 step %scan3A_207 iter_args(%scan3A_371 = %broadcast_in_dim3A_203, %scan3A_372 = %broadcast_in_dim3A_203, %scan3A_373 = %broadcast_in_dim3A_203, %scan3A_374 = %broadcast_in_dim3A_203) -> (vector<16xf32>, vector<16xf32>, vector<16xf32>, vector<16xf32>)  : i32 {
        %get3A = arith.index_cast %scan3A_370 : i32 to index
        %get3A_375 = arith.constant 0 : index
        %get3A_376 = tpu.vector_load %arg10[%get3A, %get3A_375] {strides = array<i32>} : memref<200x64xf32, #tpu.memory_space<vmem>>, vector<1x16xf32>,
        %get3A_377 = vector.shape_cast %get3A_376 : vector<1x16xf32> to vector<16xf32>
        %add3A_378 = arith.addf %scan3A_371, %get3A_377 : vector<16xf32>
        %get3A_379 = arith.index_cast %scan3A_370 : i32 to index
        %get3A_380 = arith.constant 16 : index
        %get3A_381 = tpu.vector_load %arg10[%get3A_379, %get3A_380] {strides = array<i32>} : memref<200x64xf32, #tpu.memory_space<vmem>>, vector<1x16xf32>,
        %get3A_382 = vector.shape_cast %get3A_381 : vector<1x16xf32> to vector<16xf32>
        %add3A_383 = arith.addf %scan3A_372, %get3A_382 : vector<16xf32>
        %get3A_384 = arith.index_cast %scan3A_370 : i32 to index
        %get3A_385 = arith.constant 32 : index
        %get3A_386 = tpu.vector_load %arg10[%get3A_384, %get3A_385] {strides = array<i32>} : memref<200x64xf32, #tpu.memory_space<vmem>>, vector<1x16xf32>,
        %get3A_387 = vector.shape_cast %get3A_386 : vector<1x16xf32> to vector<16xf32>
        %add3A_388 = arith.addf %scan3A_373, %get3A_387 : vector<16xf32>
        %get3A_389 = arith.index_cast %scan3A_370 : i32 to index
        %get3A_390 = arith.constant 48 : index
        %get3A_391 = tpu.vector_load %arg10[%get3A_389, %get3A_390] {strides = array<i32>} : memref<200x64xf32, #tpu.memory_space<vmem>>, vector<1x16xf32>,
        %get3A_392 = vector.shape_cast %get3A_391 : vector<1x16xf32> to vector<16xf32>
        %add3A_393 = arith.addf %scan3A_374, %get3A_392 : vector<16xf32>
        %scan3A_394 = arith.constant 1 : i32
        %scan3A_395 = arith.addi %scan3A_370, %scan3A_394 : i32
        %get3A_396 = arith.index_cast %scan3A_395 : i32 to index
        %get3A_397 = arith.constant 0 : index
        %get3A_398 = tpu.vector_load %arg10[%get3A_396, %get3A_397] {strides = array<i32>} : memref<200x64xf32, #tpu.memory_space<vmem>>, vector<1x16xf32>,
        %get3A_399 = vector.shape_cast %get3A_398 : vector<1x16xf32> to vector<16xf32>
        %add3A_400 = arith.addf %add3A_378, %get3A_399 : vector<16xf32>
        %get3A_401 = arith.index_cast %scan3A_395 : i32 to index
        %get3A_402 = arith.constant 16 : index
        %get3A_403 = tpu.vector_load %arg10[%get3A_401, %get3A_402] {strides = array<i32>} : memref<200x64xf32, #tpu.memory_space<vmem>>, vector<1x16xf32>,
        %get3A_404 = vector.shape_cast %get3A_403 : vector<1x16xf32> to vector<16xf32>
        %add3A_405 = arith.addf %add3A_383, %get3A_404 : vector<16xf32>
        %get3A_406 = arith.index_cast %scan3A_395 : i32 to index
        %get3A_407 = arith.constant 32 : index
        %get3A_408 = tpu.vector_load %arg10[%get3A_406, %get3A_407] {strides = array<i32>} : memref<200x64xf32, #tpu.memory_space<vmem>>, vector<1x16xf32>,
        %get3A_409 = vector.shape_cast %get3A_408 : vector<1x16xf32> to vector<16xf32>
        %add3A_410 = arith.addf %add3A_388, %get3A_409 : vector<16xf32>
        %get3A_411 = arith.index_cast %scan3A_395 : i32 to index
        %get3A_412 = arith.constant 48 : index
        %get3A_413 = tpu.vector_load %arg10[%get3A_411, %get3A_412] {strides = array<i32>} : memref<200x64xf32, #tpu.memory_space<vmem>>, vector<1x16xf32>,
        %get3A_414 = vector.shape_cast %get3A_413 : vector<1x16xf32> to vector<16xf32>
        %add3A_415 = arith.addf %add3A_393, %get3A_414 : vector<16xf32>
        %scan3A_416 = arith.constant 2 : i32
        %scan3A_417 = arith.addi %scan3A_370, %scan3A_416 : i32
        %get3A_418 = arith.index_cast %scan3A_417 : i32 to index
        %get3A_419 = arith.constant 0 : index
        %get3A_420 = tpu.vector_load %arg10[%get3A_418, %get3A_419] {strides = array<i32>} : memref<200x64xf32, #tpu.memory_space<vmem>>, vector<1x16xf32>,
        %get3A_421 = vector.shape_cast %get3A_420 : vector<1x16xf32> to vector<16xf32>
        %add3A_422 = arith.addf %add3A_400, %get3A_421 : vector<16xf32>
        %get3A_423 = arith.index_cast %scan3A_417 : i32 to index
        %get3A_424 = arith.constant 16 : index
        %get3A_425 = tpu.vector_load %arg10[%get3A_423, %get3A_424] {strides = array<i32>} : memref<200x64xf32, #tpu.memory_space<vmem>>, vector<1x16xf32>,
        %get3A_426 = vector.shape_cast %get3A_425 : vector<1x16xf32> to vector<16xf32>
        %add3A_427 = arith.addf %add3A_405, %get3A_426 : vector<16xf32>
        %get3A_428 = arith.index_cast %scan3A_417 : i32 to index
        %get3A_429 = arith.constant 32 : index
        %get3A_430 = tpu.vector_load %arg10[%get3A_428, %get3A_429] {strides = array<i32>} : memref<200x64xf32, #tpu.memory_space<vmem>>, vector<1x16xf32>,
        %get3A_431 = vector.shape_cast %get3A_430 : vector<1x16xf32> to vector<16xf32>
        %add3A_432 = arith.addf %add3A_410, %get3A_431 : vector<16xf32>
        %get3A_433 = arith.index_cast %scan3A_417 : i32 to index
        %get3A_434 = arith.constant 48 : index
        %get3A_435 = tpu.vector_load %arg10[%get3A_433, %get3A_434] {strides = array<i32>} : memref<200x64xf32, #tpu.memory_space<vmem>>, vector<1x16xf32>,
        %get3A_436 = vector.shape_cast %get3A_435 : vector<1x16xf32> to vector<16xf32>
        %add3A_437 = arith.addf %add3A_415, %get3A_436 : vector<16xf32>
        %scan3A_438 = arith.constant 3 : i32
        %scan3A_439 = arith.addi %scan3A_370, %scan3A_438 : i32
        %get3A_440 = arith.index_cast %scan3A_439 : i32 to index
        %get3A_441 = arith.constant 0 : index
        %get3A_442 = tpu.vector_load %arg10[%get3A_440, %get3A_441] {strides = array<i32>} : memref<200x64xf32, #tpu.memory_space<vmem>>, vector<1x16xf32>,
        %get3A_443 = vector.shape_cast %get3A_442 : vector<1x16xf32> to vector<16xf32>
        %add3A_444 = arith.addf %add3A_422, %get3A_443 : vector<16xf32>
        %get3A_445 = arith.index_cast %scan3A_439 : i32 to index
        %get3A_446 = arith.constant 16 : index
        %get3A_447 = tpu.vector_load %arg10[%get3A_445, %get3A_446] {strides = array<i32>} : memref<200x64xf32, #tpu.memory_space<vmem>>, vector<1x16xf32>,
        %get3A_448 = vector.shape_cast %get3A_447 : vector<1x16xf32> to vector<16xf32>
        %add3A_449 = arith.addf %add3A_427, %get3A_448 : vector<16xf32>
        %get3A_450 = arith.index_cast %scan3A_439 : i32 to index
        %get3A_451 = arith.constant 32 : index
        %get3A_452 = tpu.vector_load %arg10[%get3A_450, %get3A_451] {strides = array<i32>} : memref<200x64xf32, #tpu.memory_space<vmem>>, vector<1x16xf32>,
        %get3A_453 = vector.shape_cast %get3A_452 : vector<1x16xf32> to vector<16xf32>
        %add3A_454 = arith.addf %add3A_432, %get3A_453 : vector<16xf32>
        %get3A_455 = arith.index_cast %scan3A_439 : i32 to index
        %get3A_456 = arith.constant 48 : index
        %get3A_457 = tpu.vector_load %arg10[%get3A_455, %get3A_456] {strides = array<i32>} : memref<200x64xf32, #tpu.memory_space<vmem>>, vector<1x16xf32>,
        %get3A_458 = vector.shape_cast %get3A_457 : vector<1x16xf32> to vector<16xf32>
        %add3A_459 = arith.addf %add3A_437, %get3A_458 : vector<16xf32>
        %scan3A_460 = arith.constant 4 : i32
        %scan3A_461 = arith.addi %scan3A_370, %scan3A_460 : i32
        %get3A_462 = arith.index_cast %scan3A_461 : i32 to index
        %get3A_463 = arith.constant 0 : index
        %get3A_464 = tpu.vector_load %arg10[%get3A_462, %get3A_463] {strides = array<i32>} : memref<200x64xf32, #tpu.memory_space<vmem>>, vector<1x16xf32>,
        %get3A_465 = vector.shape_cast %get3A_464 : vector<1x16xf32> to vector<16xf32>
        %add3A_466 = arith.addf %add3A_444, %get3A_465 : vector<16xf32>
        %get3A_467 = arith.index_cast %scan3A_461 : i32 to index
        %get3A_468 = arith.constant 16 : index
        %get3A_469 = tpu.vector_load %arg10[%get3A_467, %get3A_468] {strides = array<i32>} : memref<200x64xf32, #tpu.memory_space<vmem>>, vector<1x16xf32>,
        %get3A_470 = vector.shape_cast %get3A_469 : vector<1x16xf32> to vector<16xf32>
        %add3A_471 = arith.addf %add3A_449, %get3A_470 : vector<16xf32>
        %get3A_472 = arith.index_cast %scan3A_461 : i32 to index
        %get3A_473 = arith.constant 32 : index
        %get3A_474 = tpu.vector_load %arg10[%get3A_472, %get3A_473] {strides = array<i32>} : memref<200x64xf32, #tpu.memory_space<vmem>>, vector<1x16xf32>,
        %get3A_475 = vector.shape_cast %get3A_474 : vector<1x16xf32> to vector<16xf32>
        %add3A_476 = arith.addf %add3A_454, %get3A_475 : vector<16xf32>
        %get3A_477 = arith.index_cast %scan3A_461 : i32 to index
        %get3A_478 = arith.constant 48 : index
        %get3A_479 = tpu.vector_load %arg10[%get3A_477, %get3A_478] {strides = array<i32>} : memref<200x64xf32, #tpu.memory_space<vmem>>, vector<1x16xf32>,
        %get3A_480 = vector.shape_cast %get3A_479 : vector<1x16xf32> to vector<16xf32>
        %add3A_481 = arith.addf %add3A_459, %get3A_480 : vector<16xf32>
        %scan3A_482 = arith.constant 5 : i32
        %scan3A_483 = arith.addi %scan3A_370, %scan3A_482 : i32
        %get3A_484 = arith.index_cast %scan3A_483 : i32 to index
        %get3A_485 = arith.constant 0 : index
        %get3A_486 = tpu.vector_load %arg10[%get3A_484, %get3A_485] {strides = array<i32>} : memref<200x64xf32, #tpu.memory_space<vmem>>, vector<1x16xf32>,
        %get3A_487 = vector.shape_cast %get3A_486 : vector<1x16xf32> to vector<16xf32>
        %add3A_488 = arith.addf %add3A_466, %get3A_487 : vector<16xf32>
        %get3A_489 = arith.index_cast %scan3A_483 : i32 to index
        %get3A_490 = arith.constant 16 : index
        %get3A_491 = tpu.vector_load %arg10[%get3A_489, %get3A_490] {strides = array<i32>} : memref<200x64xf32, #tpu.memory_space<vmem>>, vector<1x16xf32>,
        %get3A_492 = vector.shape_cast %get3A_491 : vector<1x16xf32> to vector<16xf32>
        %add3A_493 = arith.addf %add3A_471, %get3A_492 : vector<16xf32>
        %get3A_494 = arith.index_cast %scan3A_483 : i32 to index
        %get3A_495 = arith.constant 32 : index
        %get3A_496 = tpu.vector_load %arg10[%get3A_494, %get3A_495] {strides = array<i32>} : memref<200x64xf32, #tpu.memory_space<vmem>>, vector<1x16xf32>,
        %get3A_497 = vector.shape_cast %get3A_496 : vector<1x16xf32> to vector<16xf32>
        %add3A_498 = arith.addf %add3A_476, %get3A_497 : vector<16xf32>
        %get3A_499 = arith.index_cast %scan3A_483 : i32 to index
        %get3A_500 = arith.constant 48 : index
        %get3A_501 = tpu.vector_load %arg10[%get3A_499, %get3A_500] {strides = array<i32>} : memref<200x64xf32, #tpu.memory_space<vmem>>, vector<1x16xf32>,
        %get3A_502 = vector.shape_cast %get3A_501 : vector<1x16xf32> to vector<16xf32>
        %add3A_503 = arith.addf %add3A_481, %get3A_502 : vector<16xf32>
        %scan3A_504 = arith.constant 6 : i32
        %scan3A_505 = arith.addi %scan3A_370, %scan3A_504 : i32
        %get3A_506 = arith.index_cast %scan3A_505 : i32 to index
        %get3A_507 = arith.constant 0 : index
        %get3A_508 = tpu.vector_load %arg10[%get3A_506, %get3A_507] {strides = array<i32>} : memref<200x64xf32, #tpu.memory_space<vmem>>, vector<1x16xf32>,
        %get3A_509 = vector.shape_cast %get3A_508 : vector<1x16xf32> to vector<16xf32>
        %add3A_510 = arith.addf %add3A_488, %get3A_509 : vector<16xf32>
        %get3A_511 = arith.index_cast %scan3A_505 : i32 to index
        %get3A_512 = arith.constant 16 : index
        %get3A_513 = tpu.vector_load %arg10[%get3A_511, %get3A_512] {strides = array<i32>} : memref<200x64xf32, #tpu.memory_space<vmem>>, vector<1x16xf32>,
        %get3A_514 = vector.shape_cast %get3A_513 : vector<1x16xf32> to vector<16xf32>
        %add3A_515 = arith.addf %add3A_493, %get3A_514 : vector<16xf32>
        %get3A_516 = arith.index_cast %scan3A_505 : i32 to index
        %get3A_517 = arith.constant 32 : index
        %get3A_518 = tpu.vector_load %arg10[%get3A_516, %get3A_517] {strides = array<i32>} : memref<200x64xf32, #tpu.memory_space<vmem>>, vector<1x16xf32>,
        %get3A_519 = vector.shape_cast %get3A_518 : vector<1x16xf32> to vector<16xf32>
        %add3A_520 = arith.addf %add3A_498, %get3A_519 : vector<16xf32>
        %get3A_521 = arith.index_cast %scan3A_505 : i32 to index
        %get3A_522 = arith.constant 48 : index
        %get3A_523 = tpu.vector_load %arg10[%get3A_521, %get3A_522] {strides = array<i32>} : memref<200x64xf32, #tpu.memory_space<vmem>>, vector<1x16xf32>,
        %get3A_524 = vector.shape_cast %get3A_523 : vector<1x16xf32> to vector<16xf32>
        %add3A_525 = arith.addf %add3A_503, %get3A_524 : vector<16xf32>
        %scan3A_526 = arith.constant 7 : i32
        %scan3A_527 = arith.addi %scan3A_370, %scan3A_526 : i32
        %get3A_528 = arith.index_cast %scan3A_527 : i32 to index
        %get3A_529 = arith.constant 0 : index
        %get3A_530 = tpu.vector_load %arg10[%get3A_528, %get3A_529] {strides = array<i32>} : memref<200x64xf32, #tpu.memory_space<vmem>>, vector<1x16xf32>,
        %get3A_531 = vector.shape_cast %get3A_530 : vector<1x16xf32> to vector<16xf32>
        %add3A_532 = arith.addf %add3A_510, %get3A_531 : vector<16xf32>
        %get3A_533 = arith.index_cast %scan3A_527 : i32 to index
        %get3A_534 = arith.constant 16 : index
        %get3A_535 = tpu.vector_load %arg10[%get3A_533, %get3A_534] {strides = array<i32>} : memref<200x64xf32, #tpu.memory_space<vmem>>, vector<1x16xf32>,
        %get3A_536 = vector.shape_cast %get3A_535 : vector<1x16xf32> to vector<16xf32>
        %add3A_537 = arith.addf %add3A_515, %get3A_536 : vector<16xf32>
        %get3A_538 = arith.index_cast %scan3A_527 : i32 to index
        %get3A_539 = arith.constant 32 : index
        %get3A_540 = tpu.vector_load %arg10[%get3A_538, %get3A_539] {strides = array<i32>} : memref<200x64xf32, #tpu.memory_space<vmem>>, vector<1x16xf32>,
        %get3A_541 = vector.shape_cast %get3A_540 : vector<1x16xf32> to vector<16xf32>
        %add3A_542 = arith.addf %add3A_520, %get3A_541 : vector<16xf32>
        %get3A_543 = arith.index_cast %scan3A_527 : i32 to index
        %get3A_544 = arith.constant 48 : index
        %get3A_545 = tpu.vector_load %arg10[%get3A_543, %get3A_544] {strides = array<i32>} : memref<200x64xf32, #tpu.memory_space<vmem>>, vector<1x16xf32>,
        %get3A_546 = vector.shape_cast %get3A_545 : vector<1x16xf32> to vector<16xf32>
        %add3A_547 = arith.addf %add3A_525, %get3A_546 : vector<16xf32>
        scf.yield %add3A_532, %add3A_537, %add3A_542, %add3A_547 : vector<16xf32>, vector<16xf32>, vector<16xf32>, vector<16xf32>
      }
      %scan3A_209 = arith.constant 200 : i32
      %swap3A = arith.index_cast %add3A_202 : i32 to index
      %swap3A_210 = arith.constant 0 : index
      %swap3A_211 = tpu.vector_load %arg14[%swap3A, %swap3A_210] {strides = array<i32>} : memref<128x64xf32, #tpu.memory_space<vmem>>, vector<1x16xf32>,
      %swap3A_212 = vector.shape_cast %swap3A_211 : vector<1x16xf32> to vector<16xf32>
      %swap3A_213 = vector.shape_cast %scan3A_208#0 : vector<16xf32> to vector<1x16xf32>
      tpu.vector_store %arg14[%swap3A, %swap3A_210], %swap3A_213 {strides = array<i32>} : memref<128x64xf32, #tpu.memory_space<vmem>>, vector<1x16xf32>,
      %swap3A_214 = arith.index_cast %add3A_202 : i32 to index
      %swap3A_215 = arith.constant 16 : index
      %swap3A_216 = tpu.vector_load %arg14[%swap3A_214, %swap3A_215] {strides = array<i32>} : memref<128x64xf32, #tpu.memory_space<vmem>>, vector<1x16xf32>,
      %swap3A_217 = vector.shape_cast %swap3A_216 : vector<1x16xf32> to vector<16xf32>
      %swap3A_218 = vector.shape_cast %scan3A_208#1 : vector<16xf32> to vector<1x16xf32>
      tpu.vector_store %arg14[%swap3A_214, %swap3A_215], %swap3A_218 {strides = array<i32>} : memref<128x64xf32, #tpu.memory_space<vmem>>, vector<1x16xf32>,
      %swap3A_219 = arith.index_cast %add3A_202 : i32 to index
      %swap3A_220 = arith.constant 32 : index
      %swap3A_221 = tpu.vector_load %arg14[%swap3A_219, %swap3A_220] {strides = array<i32>} : memref<128x64xf32, #tpu.memory_space<vmem>>, vector<1x16xf32>,
      %swap3A_222 = vector.shape_cast %swap3A_221 : vector<1x16xf32> to vector<16xf32>
      %swap3A_223 = vector.shape_cast %scan3A_208#2 : vector<16xf32> to vector<1x16xf32>
      tpu.vector_store %arg14[%swap3A_219, %swap3A_220], %swap3A_223 {strides = array<i32>} : memref<128x64xf32, #tpu.memory_space<vmem>>, vector<1x16xf32>,
      %swap3A_224 = arith.index_cast %add3A_202 : i32 to index
      %swap3A_225 = arith.constant 48 : index
      %swap3A_226 = tpu.vector_load %arg14[%swap3A_224, %swap3A_225] {strides = array<i32>} : memref<128x64xf32, #tpu.memory_space<vmem>>, vector<1x16xf32>,
      %swap3A_227 = vector.shape_cast %swap3A_226 : vector<1x16xf32> to vector<16xf32>
      %swap3A_228 = vector.shape_cast %scan3A_208#3 : vector<16xf32> to vector<1x16xf32>
      tpu.vector_store %arg14[%swap3A_224, %swap3A_225], %swap3A_228 {strides = array<i32>} : memref<128x64xf32, #tpu.memory_space<vmem>>, vector<1x16xf32>,
      %add3A_229 = arith.constant 4 : i32
      %add3A_230 = arith.addi %add3A_194, %add3A_229 : i32
      %add3A_231 = arith.constant 0 : i32
      %add3A_232 = arith.addi %add3A_230, %add3A_231 : i32
      %lt3A = arith.constant 128 : i32
      %lt3A_233 = arith.cmpi slt, %add3A_232, %lt3A : i32
      %convert_element_type3A = arith.extui %lt3A_233 : i1 to i32
      %cond3A = arith.constant 0 : i32
      %cond3A_234 = arith.cmpi ne, %convert_element_type3A, %cond3A : i32
      scf.if %cond3A_234 {
        %add3A_370 = arith.constant 4 : i32
        %add3A_371 = arith.addi %add3A_194, %add3A_370 : i32
        %add3A_372 = arith.constant 0 : i32
        %add3A_373 = arith.addi %add3A_371, %add3A_372 : i32
        %dma_start3A_374 = arith.constant 0 : i32
        %dma_start3A_375 = arith.constant 0 : i32
        %dma_start3A_376 = tpu.memref_slice %arg10[%dma_start3A_374, %dma_start3A_375] : memref<200x64xf32, #tpu.memory_space<vmem>> -> memref<104x64xf32, #tpu.memory_space<vmem>>
        %dma_start3A_377 = arith.constant 0 : i32
        %dma_start3A_378 = tpu.memref_slice %arg8[%add3A_373, %dma_start3A_377] : memref<128x200xi32, #tpu.memory_space<vmem>> -> memref<1x104xi32, #tpu.memory_space<vmem>>
        %dma_start3A_379 = tpu.memref_squeeze %dma_start3A_378 : memref<1x104xi32, #tpu.memory_space<vmem>> -> memref<104xi32, #tpu.memory_space<vmem>>
        %dma_start3A_380 = arith.constant 0 : i32
        %dma_start3A_381 = arith.constant 0 : i32
        %dma_start3A_382 = tpu.memref_slice %arg4[%dma_start3A_380, %dma_start3A_381] : memref<100000x64xf32, #tpu.memory_space<hbm>> -> memref<100000x64xf32, #tpu.memory_space<hbm>>
        tpu.enqueue_indirect_dma source(%dma_start3A_382 : memref<100000x64xf32, #tpu.memory_space<hbm>>) target(%dma_start3A_376 : memref<104x64xf32, #tpu.memory_space<vmem>>) offsets(%dma_start3A_379 : memref<104xi32, #tpu.memory_space<vmem>>) semaphore(%arg16 : memref<!tpu.dma_semaphore, #tpu.memory_space<semaphore_mem>>)
        %dma_start3A_383 = arith.constant 104 : i32
        %dma_start3A_384 = arith.constant 0 : i32
        %dma_start3A_385 = tpu.memref_slice %arg10[%dma_start3A_383, %dma_start3A_384] : memref<200x64xf32, #tpu.memory_space<vmem>> -> memref<96x64xf32, #tpu.memory_space<vmem>>
        %dma_start3A_386 = arith.constant 104 : i32
        %dma_start3A_387 = tpu.memref_slice %arg8[%add3A_373, %dma_start3A_386] : memref<128x200xi32, #tpu.memory_space<vmem>> -> memref<1x96xi32, #tpu.memory_space<vmem>>
        %dma_start3A_388 = tpu.memref_squeeze %dma_start3A_387 : memref<1x96xi32, #tpu.memory_space<vmem>> -> memref<96xi32, #tpu.memory_space<vmem>>
        %dma_start3A_389 = arith.constant 0 : i32
        %dma_start3A_390 = arith.constant 0 : i32
        %dma_start3A_391 = tpu.memref_slice %arg4[%dma_start3A_389, %dma_start3A_390] : memref<100000x64xf32, #tpu.memory_space<hbm>> -> memref<100000x64xf32, #tpu.memory_space<hbm>>
        tpu.enqueue_indirect_dma source(%dma_start3A_391 : memref<100000x64xf32, #tpu.memory_space<hbm>>) target(%dma_start3A_385 : memref<96x64xf32, #tpu.memory_space<vmem>>) offsets(%dma_start3A_388 : memref<96xi32, #tpu.memory_space<vmem>>) semaphore(%arg16 : memref<!tpu.dma_semaphore, #tpu.memory_space<semaphore_mem>>)
      } else {
      }
      %dma_wait3A_235 = arith.constant 0 : i32
      %dma_wait3A_236 = arith.constant 0 : i32
      %dma_wait3A_237 = tpu.memref_slice %arg4[%dma_wait3A_235, %dma_wait3A_236] : memref<100000x64xf32, #tpu.memory_space<hbm>> -> memref<200x64xf32, #tpu.memory_space<hbm>>
      %dma_wait3A_238 = arith.constant 0 : i32
      %dma_wait3A_239 = arith.constant 0 : i32
      %dma_wait3A_240 = tpu.memref_slice %arg4[%dma_wait3A_238, %dma_wait3A_239] : memref<100000x64xf32, #tpu.memory_space<hbm>> -> memref<200x64xf32, #tpu.memory_space<hbm>>
      tpu.wait_dma2 semaphore(%arg17 : memref<!tpu.dma_semaphore, #tpu.memory_space<semaphore_mem>>) src(%dma_wait3A_240 : memref<200x64xf32, #tpu.memory_space<hbm>>) dst(%arg11 : memref<200x64xf32, #tpu.memory_space<vmem>>)
      %add3A_241 = arith.constant 1 : i32
      %add3A_242 = arith.addi %add3A_194, %add3A_241 : i32
      %broadcast_in_dim3A_243 = arith.constant 0.000000e+00 : f32
      %broadcast_in_dim3A_244 = vector.broadcast %broadcast_in_dim3A_243 : f32 to vector<16xf32>
      %scan3A_245 = arith.constant 0 : i32
      %scan3A_246 = arith.constant 200 : i32
      %scan3A_247 = arith.addi %scan3A_245, %scan3A_246 : i32
      %scan3A_248 = arith.constant 8 : i32
      %scan3A_249:4 = scf.for %scan3A_370 = %scan3A_245 to %scan3A_247 step %scan3A_248 iter_args(%scan3A_371 = %broadcast_in_dim3A_244, %scan3A_372 = %broadcast_in_dim3A_244, %scan3A_373 = %broadcast_in_dim3A_244, %scan3A_374 = %broadcast_in_dim3A_244) -> (vector<16xf32>, vector<16xf32>, vector<16xf32>, vector<16xf32>)  : i32 {
        %get3A = arith.index_cast %scan3A_370 : i32 to index
        %get3A_375 = arith.constant 0 : index
        %get3A_376 = tpu.vector_load %arg11[%get3A, %get3A_375] {strides = array<i32>} : memref<200x64xf32, #tpu.memory_space<vmem>>, vector<1x16xf32>,
        %get3A_377 = vector.shape_cast %get3A_376 : vector<1x16xf32> to vector<16xf32>
        %add3A_378 = arith.addf %scan3A_371, %get3A_377 : vector<16xf32>
        %get3A_379 = arith.index_cast %scan3A_370 : i32 to index
        %get3A_380 = arith.constant 16 : index
        %get3A_381 = tpu.vector_load %arg11[%get3A_379, %get3A_380] {strides = array<i32>} : memref<200x64xf32, #tpu.memory_space<vmem>>, vector<1x16xf32>,
        %get3A_382 = vector.shape_cast %get3A_381 : vector<1x16xf32> to vector<16xf32>
        %add3A_383 = arith.addf %scan3A_372, %get3A_382 : vector<16xf32>
        %get3A_384 = arith.index_cast %scan3A_370 : i32 to index
        %get3A_385 = arith.constant 32 : index
        %get3A_386 = tpu.vector_load %arg11[%get3A_384, %get3A_385] {strides = array<i32>} : memref<200x64xf32, #tpu.memory_space<vmem>>, vector<1x16xf32>,
        %get3A_387 = vector.shape_cast %get3A_386 : vector<1x16xf32> to vector<16xf32>
        %add3A_388 = arith.addf %scan3A_373, %get3A_387 : vector<16xf32>
        %get3A_389 = arith.index_cast %scan3A_370 : i32 to index
        %get3A_390 = arith.constant 48 : index
        %get3A_391 = tpu.vector_load %arg11[%get3A_389, %get3A_390] {strides = array<i32>} : memref<200x64xf32, #tpu.memory_space<vmem>>, vector<1x16xf32>,
        %get3A_392 = vector.shape_cast %get3A_391 : vector<1x16xf32> to vector<16xf32>
        %add3A_393 = arith.addf %scan3A_374, %get3A_392 : vector<16xf32>
        %scan3A_394 = arith.constant 1 : i32
        %scan3A_395 = arith.addi %scan3A_370, %scan3A_394 : i32
        %get3A_396 = arith.index_cast %scan3A_395 : i32 to index
        %get3A_397 = arith.constant 0 : index
        %get3A_398 = tpu.vector_load %arg11[%get3A_396, %get3A_397] {strides = array<i32>} : memref<200x64xf32, #tpu.memory_space<vmem>>, vector<1x16xf32>,
        %get3A_399 = vector.shape_cast %get3A_398 : vector<1x16xf32> to vector<16xf32>
        %add3A_400 = arith.addf %add3A_378, %get3A_399 : vector<16xf32>
        %get3A_401 = arith.index_cast %scan3A_395 : i32 to index
        %get3A_402 = arith.constant 16 : index
        %get3A_403 = tpu.vector_load %arg11[%get3A_401, %get3A_402] {strides = array<i32>} : memref<200x64xf32, #tpu.memory_space<vmem>>, vector<1x16xf32>,
        %get3A_404 = vector.shape_cast %get3A_403 : vector<1x16xf32> to vector<16xf32>
        %add3A_405 = arith.addf %add3A_383, %get3A_404 : vector<16xf32>
        %get3A_406 = arith.index_cast %scan3A_395 : i32 to index
        %get3A_407 = arith.constant 32 : index
        %get3A_408 = tpu.vector_load %arg11[%get3A_406, %get3A_407] {strides = array<i32>} : memref<200x64xf32, #tpu.memory_space<vmem>>, vector<1x16xf32>,
        %get3A_409 = vector.shape_cast %get3A_408 : vector<1x16xf32> to vector<16xf32>
        %add3A_410 = arith.addf %add3A_388, %get3A_409 : vector<16xf32>
        %get3A_411 = arith.index_cast %scan3A_395 : i32 to index
        %get3A_412 = arith.constant 48 : index
        %get3A_413 = tpu.vector_load %arg11[%get3A_411, %get3A_412] {strides = array<i32>} : memref<200x64xf32, #tpu.memory_space<vmem>>, vector<1x16xf32>,
        %get3A_414 = vector.shape_cast %get3A_413 : vector<1x16xf32> to vector<16xf32>
        %add3A_415 = arith.addf %add3A_393, %get3A_414 : vector<16xf32>
        %scan3A_416 = arith.constant 2 : i32
        %scan3A_417 = arith.addi %scan3A_370, %scan3A_416 : i32
        %get3A_418 = arith.index_cast %scan3A_417 : i32 to index
        %get3A_419 = arith.constant 0 : index
        %get3A_420 = tpu.vector_load %arg11[%get3A_418, %get3A_419] {strides = array<i32>} : memref<200x64xf32, #tpu.memory_space<vmem>>, vector<1x16xf32>,
        %get3A_421 = vector.shape_cast %get3A_420 : vector<1x16xf32> to vector<16xf32>
        %add3A_422 = arith.addf %add3A_400, %get3A_421 : vector<16xf32>
        %get3A_423 = arith.index_cast %scan3A_417 : i32 to index
        %get3A_424 = arith.constant 16 : index
        %get3A_425 = tpu.vector_load %arg11[%get3A_423, %get3A_424] {strides = array<i32>} : memref<200x64xf32, #tpu.memory_space<vmem>>, vector<1x16xf32>,
        %get3A_426 = vector.shape_cast %get3A_425 : vector<1x16xf32> to vector<16xf32>
        %add3A_427 = arith.addf %add3A_405, %get3A_426 : vector<16xf32>
        %get3A_428 = arith.index_cast %scan3A_417 : i32 to index
        %get3A_429 = arith.constant 32 : index
        %get3A_430 = tpu.vector_load %arg11[%get3A_428, %get3A_429] {strides = array<i32>} : memref<200x64xf32, #tpu.memory_space<vmem>>, vector<1x16xf32>,
        %get3A_431 = vector.shape_cast %get3A_430 : vector<1x16xf32> to vector<16xf32>
        %add3A_432 = arith.addf %add3A_410, %get3A_431 : vector<16xf32>
        %get3A_433 = arith.index_cast %scan3A_417 : i32 to index
        %get3A_434 = arith.constant 48 : index
        %get3A_435 = tpu.vector_load %arg11[%get3A_433, %get3A_434] {strides = array<i32>} : memref<200x64xf32, #tpu.memory_space<vmem>>, vector<1x16xf32>,
        %get3A_436 = vector.shape_cast %get3A_435 : vector<1x16xf32> to vector<16xf32>
        %add3A_437 = arith.addf %add3A_415, %get3A_436 : vector<16xf32>
        %scan3A_438 = arith.constant 3 : i32
        %scan3A_439 = arith.addi %scan3A_370, %scan3A_438 : i32
        %get3A_440 = arith.index_cast %scan3A_439 : i32 to index
        %get3A_441 = arith.constant 0 : index
        %get3A_442 = tpu.vector_load %arg11[%get3A_440, %get3A_441] {strides = array<i32>} : memref<200x64xf32, #tpu.memory_space<vmem>>, vector<1x16xf32>,
        %get3A_443 = vector.shape_cast %get3A_442 : vector<1x16xf32> to vector<16xf32>
        %add3A_444 = arith.addf %add3A_422, %get3A_443 : vector<16xf32>
        %get3A_445 = arith.index_cast %scan3A_439 : i32 to index
        %get3A_446 = arith.constant 16 : index
        %get3A_447 = tpu.vector_load %arg11[%get3A_445, %get3A_446] {strides = array<i32>} : memref<200x64xf32, #tpu.memory_space<vmem>>, vector<1x16xf32>,
        %get3A_448 = vector.shape_cast %get3A_447 : vector<1x16xf32> to vector<16xf32>
        %add3A_449 = arith.addf %add3A_427, %get3A_448 : vector<16xf32>
        %get3A_450 = arith.index_cast %scan3A_439 : i32 to index
        %get3A_451 = arith.constant 32 : index
        %get3A_452 = tpu.vector_load %arg11[%get3A_450, %get3A_451] {strides = array<i32>} : memref<200x64xf32, #tpu.memory_space<vmem>>, vector<1x16xf32>,
        %get3A_453 = vector.shape_cast %get3A_452 : vector<1x16xf32> to vector<16xf32>
        %add3A_454 = arith.addf %add3A_432, %get3A_453 : vector<16xf32>
        %get3A_455 = arith.index_cast %scan3A_439 : i32 to index
        %get3A_456 = arith.constant 48 : index
        %get3A_457 = tpu.vector_load %arg11[%get3A_455, %get3A_456] {strides = array<i32>} : memref<200x64xf32, #tpu.memory_space<vmem>>, vector<1x16xf32>,
        %get3A_458 = vector.shape_cast %get3A_457 : vector<1x16xf32> to vector<16xf32>
        %add3A_459 = arith.addf %add3A_437, %get3A_458 : vector<16xf32>
        %scan3A_460 = arith.constant 4 : i32
        %scan3A_461 = arith.addi %scan3A_370, %scan3A_460 : i32
        %get3A_462 = arith.index_cast %scan3A_461 : i32 to index
        %get3A_463 = arith.constant 0 : index
        %get3A_464 = tpu.vector_load %arg11[%get3A_462, %get3A_463] {strides = array<i32>} : memref<200x64xf32, #tpu.memory_space<vmem>>, vector<1x16xf32>,
        %get3A_465 = vector.shape_cast %get3A_464 : vector<1x16xf32> to vector<16xf32>
        %add3A_466 = arith.addf %add3A_444, %get3A_465 : vector<16xf32>
        %get3A_467 = arith.index_cast %scan3A_461 : i32 to index
        %get3A_468 = arith.constant 16 : index
        %get3A_469 = tpu.vector_load %arg11[%get3A_467, %get3A_468] {strides = array<i32>} : memref<200x64xf32, #tpu.memory_space<vmem>>, vector<1x16xf32>,
        %get3A_470 = vector.shape_cast %get3A_469 : vector<1x16xf32> to vector<16xf32>
        %add3A_471 = arith.addf %add3A_449, %get3A_470 : vector<16xf32>
        %get3A_472 = arith.index_cast %scan3A_461 : i32 to index
        %get3A_473 = arith.constant 32 : index
        %get3A_474 = tpu.vector_load %arg11[%get3A_472, %get3A_473] {strides = array<i32>} : memref<200x64xf32, #tpu.memory_space<vmem>>, vector<1x16xf32>,
        %get3A_475 = vector.shape_cast %get3A_474 : vector<1x16xf32> to vector<16xf32>
        %add3A_476 = arith.addf %add3A_454, %get3A_475 : vector<16xf32>
        %get3A_477 = arith.index_cast %scan3A_461 : i32 to index
        %get3A_478 = arith.constant 48 : index
        %get3A_479 = tpu.vector_load %arg11[%get3A_477, %get3A_478] {strides = array<i32>} : memref<200x64xf32, #tpu.memory_space<vmem>>, vector<1x16xf32>,
        %get3A_480 = vector.shape_cast %get3A_479 : vector<1x16xf32> to vector<16xf32>
        %add3A_481 = arith.addf %add3A_459, %get3A_480 : vector<16xf32>
        %scan3A_482 = arith.constant 5 : i32
        %scan3A_483 = arith.addi %scan3A_370, %scan3A_482 : i32
        %get3A_484 = arith.index_cast %scan3A_483 : i32 to index
        %get3A_485 = arith.constant 0 : index
        %get3A_486 = tpu.vector_load %arg11[%get3A_484, %get3A_485] {strides = array<i32>} : memref<200x64xf32, #tpu.memory_space<vmem>>, vector<1x16xf32>,
        %get3A_487 = vector.shape_cast %get3A_486 : vector<1x16xf32> to vector<16xf32>
        %add3A_488 = arith.addf %add3A_466, %get3A_487 : vector<16xf32>
        %get3A_489 = arith.index_cast %scan3A_483 : i32 to index
        %get3A_490 = arith.constant 16 : index
        %get3A_491 = tpu.vector_load %arg11[%get3A_489, %get3A_490] {strides = array<i32>} : memref<200x64xf32, #tpu.memory_space<vmem>>, vector<1x16xf32>,
        %get3A_492 = vector.shape_cast %get3A_491 : vector<1x16xf32> to vector<16xf32>
        %add3A_493 = arith.addf %add3A_471, %get3A_492 : vector<16xf32>
        %get3A_494 = arith.index_cast %scan3A_483 : i32 to index
        %get3A_495 = arith.constant 32 : index
        %get3A_496 = tpu.vector_load %arg11[%get3A_494, %get3A_495] {strides = array<i32>} : memref<200x64xf32, #tpu.memory_space<vmem>>, vector<1x16xf32>,
        %get3A_497 = vector.shape_cast %get3A_496 : vector<1x16xf32> to vector<16xf32>
        %add3A_498 = arith.addf %add3A_476, %get3A_497 : vector<16xf32>
        %get3A_499 = arith.index_cast %scan3A_483 : i32 to index
        %get3A_500 = arith.constant 48 : index
        %get3A_501 = tpu.vector_load %arg11[%get3A_499, %get3A_500] {strides = array<i32>} : memref<200x64xf32, #tpu.memory_space<vmem>>, vector<1x16xf32>,
        %get3A_502 = vector.shape_cast %get3A_501 : vector<1x16xf32> to vector<16xf32>
        %add3A_503 = arith.addf %add3A_481, %get3A_502 : vector<16xf32>
        %scan3A_504 = arith.constant 6 : i32
        %scan3A_505 = arith.addi %scan3A_370, %scan3A_504 : i32
        %get3A_506 = arith.index_cast %scan3A_505 : i32 to index
        %get3A_507 = arith.constant 0 : index
        %get3A_508 = tpu.vector_load %arg11[%get3A_506, %get3A_507] {strides = array<i32>} : memref<200x64xf32, #tpu.memory_space<vmem>>, vector<1x16xf32>,
        %get3A_509 = vector.shape_cast %get3A_508 : vector<1x16xf32> to vector<16xf32>
        %add3A_510 = arith.addf %add3A_488, %get3A_509 : vector<16xf32>
        %get3A_511 = arith.index_cast %scan3A_505 : i32 to index
        %get3A_512 = arith.constant 16 : index
        %get3A_513 = tpu.vector_load %arg11[%get3A_511, %get3A_512] {strides = array<i32>} : memref<200x64xf32, #tpu.memory_space<vmem>>, vector<1x16xf32>,
        %get3A_514 = vector.shape_cast %get3A_513 : vector<1x16xf32> to vector<16xf32>
        %add3A_515 = arith.addf %add3A_493, %get3A_514 : vector<16xf32>
        %get3A_516 = arith.index_cast %scan3A_505 : i32 to index
        %get3A_517 = arith.constant 32 : index
        %get3A_518 = tpu.vector_load %arg11[%get3A_516, %get3A_517] {strides = array<i32>} : memref<200x64xf32, #tpu.memory_space<vmem>>, vector<1x16xf32>,
        %get3A_519 = vector.shape_cast %get3A_518 : vector<1x16xf32> to vector<16xf32>
        %add3A_520 = arith.addf %add3A_498, %get3A_519 : vector<16xf32>
        %get3A_521 = arith.index_cast %scan3A_505 : i32 to index
        %get3A_522 = arith.constant 48 : index
        %get3A_523 = tpu.vector_load %arg11[%get3A_521, %get3A_522] {strides = array<i32>} : memref<200x64xf32, #tpu.memory_space<vmem>>, vector<1x16xf32>,
        %get3A_524 = vector.shape_cast %get3A_523 : vector<1x16xf32> to vector<16xf32>
        %add3A_525 = arith.addf %add3A_503, %get3A_524 : vector<16xf32>
        %scan3A_526 = arith.constant 7 : i32
        %scan3A_527 = arith.addi %scan3A_370, %scan3A_526 : i32
        %get3A_528 = arith.index_cast %scan3A_527 : i32 to index
        %get3A_529 = arith.constant 0 : index
        %get3A_530 = tpu.vector_load %arg11[%get3A_528, %get3A_529] {strides = array<i32>} : memref<200x64xf32, #tpu.memory_space<vmem>>, vector<1x16xf32>,
        %get3A_531 = vector.shape_cast %get3A_530 : vector<1x16xf32> to vector<16xf32>
        %add3A_532 = arith.addf %add3A_510, %get3A_531 : vector<16xf32>
        %get3A_533 = arith.index_cast %scan3A_527 : i32 to index
        %get3A_534 = arith.constant 16 : index
        %get3A_535 = tpu.vector_load %arg11[%get3A_533, %get3A_534] {strides = array<i32>} : memref<200x64xf32, #tpu.memory_space<vmem>>, vector<1x16xf32>,
        %get3A_536 = vector.shape_cast %get3A_535 : vector<1x16xf32> to vector<16xf32>
        %add3A_537 = arith.addf %add3A_515, %get3A_536 : vector<16xf32>
        %get3A_538 = arith.index_cast %scan3A_527 : i32 to index
        %get3A_539 = arith.constant 32 : index
        %get3A_540 = tpu.vector_load %arg11[%get3A_538, %get3A_539] {strides = array<i32>} : memref<200x64xf32, #tpu.memory_space<vmem>>, vector<1x16xf32>,
        %get3A_541 = vector.shape_cast %get3A_540 : vector<1x16xf32> to vector<16xf32>
        %add3A_542 = arith.addf %add3A_520, %get3A_541 : vector<16xf32>
        %get3A_543 = arith.index_cast %scan3A_527 : i32 to index
        %get3A_544 = arith.constant 48 : index
        %get3A_545 = tpu.vector_load %arg11[%get3A_543, %get3A_544] {strides = array<i32>} : memref<200x64xf32, #tpu.memory_space<vmem>>, vector<1x16xf32>,
        %get3A_546 = vector.shape_cast %get3A_545 : vector<1x16xf32> to vector<16xf32>
        %add3A_547 = arith.addf %add3A_525, %get3A_546 : vector<16xf32>
        scf.yield %add3A_532, %add3A_537, %add3A_542, %add3A_547 : vector<16xf32>, vector<16xf32>, vector<16xf32>, vector<16xf32>
      }
      %scan3A_250 = arith.constant 200 : i32
      %swap3A_251 = arith.index_cast %add3A_242 : i32 to index
      %swap3A_252 = arith.constant 0 : index
      %swap3A_253 = tpu.vector_load %arg14[%swap3A_251, %swap3A_252] {strides = array<i32>} : memref<128x64xf32, #tpu.memory_space<vmem>>, vector<1x16xf32>,
      %swap3A_254 = vector.shape_cast %swap3A_253 : vector<1x16xf32> to vector<16xf32>
      %swap3A_255 = vector.shape_cast %scan3A_249#0 : vector<16xf32> to vector<1x16xf32>
      tpu.vector_store %arg14[%swap3A_251, %swap3A_252], %swap3A_255 {strides = array<i32>} : memref<128x64xf32, #tpu.memory_space<vmem>>, vector<1x16xf32>,
      %swap3A_256 = arith.index_cast %add3A_242 : i32 to index
      %swap3A_257 = arith.constant 16 : index
      %swap3A_258 = tpu.vector_load %arg14[%swap3A_256, %swap3A_257] {strides = array<i32>} : memref<128x64xf32, #tpu.memory_space<vmem>>, vector<1x16xf32>,
      %swap3A_259 = vector.shape_cast %swap3A_258 : vector<1x16xf32> to vector<16xf32>
      %swap3A_260 = vector.shape_cast %scan3A_249#1 : vector<16xf32> to vector<1x16xf32>
      tpu.vector_store %arg14[%swap3A_256, %swap3A_257], %swap3A_260 {strides = array<i32>} : memref<128x64xf32, #tpu.memory_space<vmem>>, vector<1x16xf32>,
      %swap3A_261 = arith.index_cast %add3A_242 : i32 to index
      %swap3A_262 = arith.constant 32 : index
      %swap3A_263 = tpu.vector_load %arg14[%swap3A_261, %swap3A_262] {strides = array<i32>} : memref<128x64xf32, #tpu.memory_space<vmem>>, vector<1x16xf32>,
      %swap3A_264 = vector.shape_cast %swap3A_263 : vector<1x16xf32> to vector<16xf32>
      %swap3A_265 = vector.shape_cast %scan3A_249#2 : vector<16xf32> to vector<1x16xf32>
      tpu.vector_store %arg14[%swap3A_261, %swap3A_262], %swap3A_265 {strides = array<i32>} : memref<128x64xf32, #tpu.memory_space<vmem>>, vector<1x16xf32>,
      %swap3A_266 = arith.index_cast %add3A_242 : i32 to index
      %swap3A_267 = arith.constant 48 : index
      %swap3A_268 = tpu.vector_load %arg14[%swap3A_266, %swap3A_267] {strides = array<i32>} : memref<128x64xf32, #tpu.memory_space<vmem>>, vector<1x16xf32>,
      %swap3A_269 = vector.shape_cast %swap3A_268 : vector<1x16xf32> to vector<16xf32>
      %swap3A_270 = vector.shape_cast %scan3A_249#3 : vector<16xf32> to vector<1x16xf32>
      tpu.vector_store %arg14[%swap3A_266, %swap3A_267], %swap3A_270 {strides = array<i32>} : memref<128x64xf32, #tpu.memory_space<vmem>>, vector<1x16xf32>,
      %add3A_271 = arith.constant 4 : i32
      %add3A_272 = arith.addi %add3A_194, %add3A_271 : i32
      %add3A_273 = arith.constant 1 : i32
      %add3A_274 = arith.addi %add3A_272, %add3A_273 : i32
      %lt3A_275 = arith.constant 128 : i32
      %lt3A_276 = arith.cmpi slt, %add3A_274, %lt3A_275 : i32
      %convert_element_type3A_277 = arith.extui %lt3A_276 : i1 to i32
      %cond3A_278 = arith.constant 0 : i32
      %cond3A_279 = arith.cmpi ne, %convert_element_type3A_277, %cond3A_278 : i32
      scf.if %cond3A_279 {
        %add3A_370 = arith.constant 4 : i32
        %add3A_371 = arith.addi %add3A_194, %add3A_370 : i32
        %add3A_372 = arith.constant 1 : i32
        %add3A_373 = arith.addi %add3A_371, %add3A_372 : i32
        %dma_start3A_374 = arith.constant 0 : i32
        %dma_start3A_375 = arith.constant 0 : i32
        %dma_start3A_376 = tpu.memref_slice %arg11[%dma_start3A_374, %dma_start3A_375] : memref<200x64xf32, #tpu.memory_space<vmem>> -> memref<104x64xf32, #tpu.memory_space<vmem>>
        %dma_start3A_377 = arith.constant 0 : i32
        %dma_start3A_378 = tpu.memref_slice %arg8[%add3A_373, %dma_start3A_377] : memref<128x200xi32, #tpu.memory_space<vmem>> -> memref<1x104xi32, #tpu.memory_space<vmem>>
        %dma_start3A_379 = tpu.memref_squeeze %dma_start3A_378 : memref<1x104xi32, #tpu.memory_space<vmem>> -> memref<104xi32, #tpu.memory_space<vmem>>
        %dma_start3A_380 = arith.constant 0 : i32
        %dma_start3A_381 = arith.constant 0 : i32
        %dma_start3A_382 = tpu.memref_slice %arg4[%dma_start3A_380, %dma_start3A_381] : memref<100000x64xf32, #tpu.memory_space<hbm>> -> memref<100000x64xf32, #tpu.memory_space<hbm>>
        tpu.enqueue_indirect_dma source(%dma_start3A_382 : memref<100000x64xf32, #tpu.memory_space<hbm>>) target(%dma_start3A_376 : memref<104x64xf32, #tpu.memory_space<vmem>>) offsets(%dma_start3A_379 : memref<104xi32, #tpu.memory_space<vmem>>) semaphore(%arg17 : memref<!tpu.dma_semaphore, #tpu.memory_space<semaphore_mem>>)
        %dma_start3A_383 = arith.constant 104 : i32
        %dma_start3A_384 = arith.constant 0 : i32
        %dma_start3A_385 = tpu.memref_slice %arg11[%dma_start3A_383, %dma_start3A_384] : memref<200x64xf32, #tpu.memory_space<vmem>> -> memref<96x64xf32, #tpu.memory_space<vmem>>
        %dma_start3A_386 = arith.constant 104 : i32
        %dma_start3A_387 = tpu.memref_slice %arg8[%add3A_373, %dma_start3A_386] : memref<128x200xi32, #tpu.memory_space<vmem>> -> memref<1x96xi32, #tpu.memory_space<vmem>>
        %dma_start3A_388 = tpu.memref_squeeze %dma_start3A_387 : memref<1x96xi32, #tpu.memory_space<vmem>> -> memref<96xi32, #tpu.memory_space<vmem>>
        %dma_start3A_389 = arith.constant 0 : i32
        %dma_start3A_390 = arith.constant 0 : i32
        %dma_start3A_391 = tpu.memref_slice %arg4[%dma_start3A_389, %dma_start3A_390] : memref<100000x64xf32, #tpu.memory_space<hbm>> -> memref<100000x64xf32, #tpu.memory_space<hbm>>
        tpu.enqueue_indirect_dma source(%dma_start3A_391 : memref<100000x64xf32, #tpu.memory_space<hbm>>) target(%dma_start3A_385 : memref<96x64xf32, #tpu.memory_space<vmem>>) offsets(%dma_start3A_388 : memref<96xi32, #tpu.memory_space<vmem>>) semaphore(%arg17 : memref<!tpu.dma_semaphore, #tpu.memory_space<semaphore_mem>>)
      } else {
      }
      %dma_wait3A_280 = arith.constant 0 : i32
      %dma_wait3A_281 = arith.constant 0 : i32
      %dma_wait3A_282 = tpu.memref_slice %arg4[%dma_wait3A_280, %dma_wait3A_281] : memref<100000x64xf32, #tpu.memory_space<hbm>> -> memref<200x64xf32, #tpu.memory_space<hbm>>
      %dma_wait3A_283 = arith.constant 0 : i32
      %dma_wait3A_284 = arith.constant 0 : i32
      %dma_wait3A_285 = tpu.memref_slice %arg4[%dma_wait3A_283, %dma_wait3A_284] : memref<100000x64xf32, #tpu.memory_space<hbm>> -> memref<200x64xf32, #tpu.memory_space<hbm>>
      tpu.wait_dma2 semaphore(%arg18 : memref<!tpu.dma_semaphore, #tpu.memory_space<semaphore_mem>>) src(%dma_wait3A_285 : memref<200x64xf32, #tpu.memory_space<hbm>>) dst(%arg12 : memref<200x64xf32, #tpu.memory_space<vmem>>)
      %add3A_286 = arith.constant 2 : i32
      %add3A_287 = arith.addi %add3A_194, %add3A_286 : i32
      %broadcast_in_dim3A_288 = arith.constant 0.000000e+00 : f32
      %broadcast_in_dim3A_289 = vector.broadcast %broadcast_in_dim3A_288 : f32 to vector<16xf32>
      %scan3A_290 = arith.constant 0 : i32
      %scan3A_291 = arith.constant 200 : i32
      %scan3A_292 = arith.addi %scan3A_290, %scan3A_291 : i32
      %scan3A_293 = arith.constant 8 : i32
      %scan3A_294:4 = scf.for %scan3A_370 = %scan3A_290 to %scan3A_292 step %scan3A_293 iter_args(%scan3A_371 = %broadcast_in_dim3A_289, %scan3A_372 = %broadcast_in_dim3A_289, %scan3A_373 = %broadcast_in_dim3A_289, %scan3A_374 = %broadcast_in_dim3A_289) -> (vector<16xf32>, vector<16xf32>, vector<16xf32>, vector<16xf32>)  : i32 {
        %get3A = arith.index_cast %scan3A_370 : i32 to index
        %get3A_375 = arith.constant 0 : index
        %get3A_376 = tpu.vector_load %arg12[%get3A, %get3A_375] {strides = array<i32>} : memref<200x64xf32, #tpu.memory_space<vmem>>, vector<1x16xf32>,
        %get3A_377 = vector.shape_cast %get3A_376 : vector<1x16xf32> to vector<16xf32>
        %add3A_378 = arith.addf %scan3A_371, %get3A_377 : vector<16xf32>
        %get3A_379 = arith.index_cast %scan3A_370 : i32 to index
        %get3A_380 = arith.constant 16 : index
        %get3A_381 = tpu.vector_load %arg12[%get3A_379, %get3A_380] {strides = array<i32>} : memref<200x64xf32, #tpu.memory_space<vmem>>, vector<1x16xf32>,
        %get3A_382 = vector.shape_cast %get3A_381 : vector<1x16xf32> to vector<16xf32>
        %add3A_383 = arith.addf %scan3A_372, %get3A_382 : vector<16xf32>
        %get3A_384 = arith.index_cast %scan3A_370 : i32 to index
        %get3A_385 = arith.constant 32 : index
        %get3A_386 = tpu.vector_load %arg12[%get3A_384, %get3A_385] {strides = array<i32>} : memref<200x64xf32, #tpu.memory_space<vmem>>, vector<1x16xf32>,
        %get3A_387 = vector.shape_cast %get3A_386 : vector<1x16xf32> to vector<16xf32>
        %add3A_388 = arith.addf %scan3A_373, %get3A_387 : vector<16xf32>
        %get3A_389 = arith.index_cast %scan3A_370 : i32 to index
        %get3A_390 = arith.constant 48 : index
        %get3A_391 = tpu.vector_load %arg12[%get3A_389, %get3A_390] {strides = array<i32>} : memref<200x64xf32, #tpu.memory_space<vmem>>, vector<1x16xf32>,
        %get3A_392 = vector.shape_cast %get3A_391 : vector<1x16xf32> to vector<16xf32>
        %add3A_393 = arith.addf %scan3A_374, %get3A_392 : vector<16xf32>
        %scan3A_394 = arith.constant 1 : i32
        %scan3A_395 = arith.addi %scan3A_370, %scan3A_394 : i32
        %get3A_396 = arith.index_cast %scan3A_395 : i32 to index
        %get3A_397 = arith.constant 0 : index
        %get3A_398 = tpu.vector_load %arg12[%get3A_396, %get3A_397] {strides = array<i32>} : memref<200x64xf32, #tpu.memory_space<vmem>>, vector<1x16xf32>,
        %get3A_399 = vector.shape_cast %get3A_398 : vector<1x16xf32> to vector<16xf32>
        %add3A_400 = arith.addf %add3A_378, %get3A_399 : vector<16xf32>
        %get3A_401 = arith.index_cast %scan3A_395 : i32 to index
        %get3A_402 = arith.constant 16 : index
        %get3A_403 = tpu.vector_load %arg12[%get3A_401, %get3A_402] {strides = array<i32>} : memref<200x64xf32, #tpu.memory_space<vmem>>, vector<1x16xf32>,
        %get3A_404 = vector.shape_cast %get3A_403 : vector<1x16xf32> to vector<16xf32>
        %add3A_405 = arith.addf %add3A_383, %get3A_404 : vector<16xf32>
        %get3A_406 = arith.index_cast %scan3A_395 : i32 to index
        %get3A_407 = arith.constant 32 : index
        %get3A_408 = tpu.vector_load %arg12[%get3A_406, %get3A_407] {strides = array<i32>} : memref<200x64xf32, #tpu.memory_space<vmem>>, vector<1x16xf32>,
        %get3A_409 = vector.shape_cast %get3A_408 : vector<1x16xf32> to vector<16xf32>
        %add3A_410 = arith.addf %add3A_388, %get3A_409 : vector<16xf32>
        %get3A_411 = arith.index_cast %scan3A_395 : i32 to index
        %get3A_412 = arith.constant 48 : index
        %get3A_413 = tpu.vector_load %arg12[%get3A_411, %get3A_412] {strides = array<i32>} : memref<200x64xf32, #tpu.memory_space<vmem>>, vector<1x16xf32>,
        %get3A_414 = vector.shape_cast %get3A_413 : vector<1x16xf32> to vector<16xf32>
        %add3A_415 = arith.addf %add3A_393, %get3A_414 : vector<16xf32>
        %scan3A_416 = arith.constant 2 : i32
        %scan3A_417 = arith.addi %scan3A_370, %scan3A_416 : i32
        %get3A_418 = arith.index_cast %scan3A_417 : i32 to index
        %get3A_419 = arith.constant 0 : index
        %get3A_420 = tpu.vector_load %arg12[%get3A_418, %get3A_419] {strides = array<i32>} : memref<200x64xf32, #tpu.memory_space<vmem>>, vector<1x16xf32>,
        %get3A_421 = vector.shape_cast %get3A_420 : vector<1x16xf32> to vector<16xf32>
        %add3A_422 = arith.addf %add3A_400, %get3A_421 : vector<16xf32>
        %get3A_423 = arith.index_cast %scan3A_417 : i32 to index
        %get3A_424 = arith.constant 16 : index
        %get3A_425 = tpu.vector_load %arg12[%get3A_423, %get3A_424] {strides = array<i32>} : memref<200x64xf32, #tpu.memory_space<vmem>>, vector<1x16xf32>,
        %get3A_426 = vector.shape_cast %get3A_425 : vector<1x16xf32> to vector<16xf32>
        %add3A_427 = arith.addf %add3A_405, %get3A_426 : vector<16xf32>
        %get3A_428 = arith.index_cast %scan3A_417 : i32 to index
        %get3A_429 = arith.constant 32 : index
        %get3A_430 = tpu.vector_load %arg12[%get3A_428, %get3A_429] {strides = array<i32>} : memref<200x64xf32, #tpu.memory_space<vmem>>, vector<1x16xf32>,
        %get3A_431 = vector.shape_cast %get3A_430 : vector<1x16xf32> to vector<16xf32>
        %add3A_432 = arith.addf %add3A_410, %get3A_431 : vector<16xf32>
        %get3A_433 = arith.index_cast %scan3A_417 : i32 to index
        %get3A_434 = arith.constant 48 : index
        %get3A_435 = tpu.vector_load %arg12[%get3A_433, %get3A_434] {strides = array<i32>} : memref<200x64xf32, #tpu.memory_space<vmem>>, vector<1x16xf32>,
        %get3A_436 = vector.shape_cast %get3A_435 : vector<1x16xf32> to vector<16xf32>
        %add3A_437 = arith.addf %add3A_415, %get3A_436 : vector<16xf32>
        %scan3A_438 = arith.constant 3 : i32
        %scan3A_439 = arith.addi %scan3A_370, %scan3A_438 : i32
        %get3A_440 = arith.index_cast %scan3A_439 : i32 to index
        %get3A_441 = arith.constant 0 : index
        %get3A_442 = tpu.vector_load %arg12[%get3A_440, %get3A_441] {strides = array<i32>} : memref<200x64xf32, #tpu.memory_space<vmem>>, vector<1x16xf32>,
        %get3A_443 = vector.shape_cast %get3A_442 : vector<1x16xf32> to vector<16xf32>
        %add3A_444 = arith.addf %add3A_422, %get3A_443 : vector<16xf32>
        %get3A_445 = arith.index_cast %scan3A_439 : i32 to index
        %get3A_446 = arith.constant 16 : index
        %get3A_447 = tpu.vector_load %arg12[%get3A_445, %get3A_446] {strides = array<i32>} : memref<200x64xf32, #tpu.memory_space<vmem>>, vector<1x16xf32>,
        %get3A_448 = vector.shape_cast %get3A_447 : vector<1x16xf32> to vector<16xf32>
        %add3A_449 = arith.addf %add3A_427, %get3A_448 : vector<16xf32>
        %get3A_450 = arith.index_cast %scan3A_439 : i32 to index
        %get3A_451 = arith.constant 32 : index
        %get3A_452 = tpu.vector_load %arg12[%get3A_450, %get3A_451] {strides = array<i32>} : memref<200x64xf32, #tpu.memory_space<vmem>>, vector<1x16xf32>,
        %get3A_453 = vector.shape_cast %get3A_452 : vector<1x16xf32> to vector<16xf32>
        %add3A_454 = arith.addf %add3A_432, %get3A_453 : vector<16xf32>
        %get3A_455 = arith.index_cast %scan3A_439 : i32 to index
        %get3A_456 = arith.constant 48 : index
        %get3A_457 = tpu.vector_load %arg12[%get3A_455, %get3A_456] {strides = array<i32>} : memref<200x64xf32, #tpu.memory_space<vmem>>, vector<1x16xf32>,
        %get3A_458 = vector.shape_cast %get3A_457 : vector<1x16xf32> to vector<16xf32>
        %add3A_459 = arith.addf %add3A_437, %get3A_458 : vector<16xf32>
        %scan3A_460 = arith.constant 4 : i32
        %scan3A_461 = arith.addi %scan3A_370, %scan3A_460 : i32
        %get3A_462 = arith.index_cast %scan3A_461 : i32 to index
        %get3A_463 = arith.constant 0 : index
        %get3A_464 = tpu.vector_load %arg12[%get3A_462, %get3A_463] {strides = array<i32>} : memref<200x64xf32, #tpu.memory_space<vmem>>, vector<1x16xf32>,
        %get3A_465 = vector.shape_cast %get3A_464 : vector<1x16xf32> to vector<16xf32>
        %add3A_466 = arith.addf %add3A_444, %get3A_465 : vector<16xf32>
        %get3A_467 = arith.index_cast %scan3A_461 : i32 to index
        %get3A_468 = arith.constant 16 : index
        %get3A_469 = tpu.vector_load %arg12[%get3A_467, %get3A_468] {strides = array<i32>} : memref<200x64xf32, #tpu.memory_space<vmem>>, vector<1x16xf32>,
        %get3A_470 = vector.shape_cast %get3A_469 : vector<1x16xf32> to vector<16xf32>
        %add3A_471 = arith.addf %add3A_449, %get3A_470 : vector<16xf32>
        %get3A_472 = arith.index_cast %scan3A_461 : i32 to index
        %get3A_473 = arith.constant 32 : index
        %get3A_474 = tpu.vector_load %arg12[%get3A_472, %get3A_473] {strides = array<i32>} : memref<200x64xf32, #tpu.memory_space<vmem>>, vector<1x16xf32>,
        %get3A_475 = vector.shape_cast %get3A_474 : vector<1x16xf32> to vector<16xf32>
        %add3A_476 = arith.addf %add3A_454, %get3A_475 : vector<16xf32>
        %get3A_477 = arith.index_cast %scan3A_461 : i32 to index
        %get3A_478 = arith.constant 48 : index
        %get3A_479 = tpu.vector_load %arg12[%get3A_477, %get3A_478] {strides = array<i32>} : memref<200x64xf32, #tpu.memory_space<vmem>>, vector<1x16xf32>,
        %get3A_480 = vector.shape_cast %get3A_479 : vector<1x16xf32> to vector<16xf32>
        %add3A_481 = arith.addf %add3A_459, %get3A_480 : vector<16xf32>
        %scan3A_482 = arith.constant 5 : i32
        %scan3A_483 = arith.addi %scan3A_370, %scan3A_482 : i32
        %get3A_484 = arith.index_cast %scan3A_483 : i32 to index
        %get3A_485 = arith.constant 0 : index
        %get3A_486 = tpu.vector_load %arg12[%get3A_484, %get3A_485] {strides = array<i32>} : memref<200x64xf32, #tpu.memory_space<vmem>>, vector<1x16xf32>,
        %get3A_487 = vector.shape_cast %get3A_486 : vector<1x16xf32> to vector<16xf32>
        %add3A_488 = arith.addf %add3A_466, %get3A_487 : vector<16xf32>
        %get3A_489 = arith.index_cast %scan3A_483 : i32 to index
        %get3A_490 = arith.constant 16 : index
        %get3A_491 = tpu.vector_load %arg12[%get3A_489, %get3A_490] {strides = array<i32>} : memref<200x64xf32, #tpu.memory_space<vmem>>, vector<1x16xf32>,
        %get3A_492 = vector.shape_cast %get3A_491 : vector<1x16xf32> to vector<16xf32>
        %add3A_493 = arith.addf %add3A_471, %get3A_492 : vector<16xf32>
        %get3A_494 = arith.index_cast %scan3A_483 : i32 to index
        %get3A_495 = arith.constant 32 : index
        %get3A_496 = tpu.vector_load %arg12[%get3A_494, %get3A_495] {strides = array<i32>} : memref<200x64xf32, #tpu.memory_space<vmem>>, vector<1x16xf32>,
        %get3A_497 = vector.shape_cast %get3A_496 : vector<1x16xf32> to vector<16xf32>
        %add3A_498 = arith.addf %add3A_476, %get3A_497 : vector<16xf32>
        %get3A_499 = arith.index_cast %scan3A_483 : i32 to index
        %get3A_500 = arith.constant 48 : index
        %get3A_501 = tpu.vector_load %arg12[%get3A_499, %get3A_500] {strides = array<i32>} : memref<200x64xf32, #tpu.memory_space<vmem>>, vector<1x16xf32>,
        %get3A_502 = vector.shape_cast %get3A_501 : vector<1x16xf32> to vector<16xf32>
        %add3A_503 = arith.addf %add3A_481, %get3A_502 : vector<16xf32>
        %scan3A_504 = arith.constant 6 : i32
        %scan3A_505 = arith.addi %scan3A_370, %scan3A_504 : i32
        %get3A_506 = arith.index_cast %scan3A_505 : i32 to index
        %get3A_507 = arith.constant 0 : index
        %get3A_508 = tpu.vector_load %arg12[%get3A_506, %get3A_507] {strides = array<i32>} : memref<200x64xf32, #tpu.memory_space<vmem>>, vector<1x16xf32>,
        %get3A_509 = vector.shape_cast %get3A_508 : vector<1x16xf32> to vector<16xf32>
        %add3A_510 = arith.addf %add3A_488, %get3A_509 : vector<16xf32>
        %get3A_511 = arith.index_cast %scan3A_505 : i32 to index
        %get3A_512 = arith.constant 16 : index
        %get3A_513 = tpu.vector_load %arg12[%get3A_511, %get3A_512] {strides = array<i32>} : memref<200x64xf32, #tpu.memory_space<vmem>>, vector<1x16xf32>,
        %get3A_514 = vector.shape_cast %get3A_513 : vector<1x16xf32> to vector<16xf32>
        %add3A_515 = arith.addf %add3A_493, %get3A_514 : vector<16xf32>
        %get3A_516 = arith.index_cast %scan3A_505 : i32 to index
        %get3A_517 = arith.constant 32 : index
        %get3A_518 = tpu.vector_load %arg12[%get3A_516, %get3A_517] {strides = array<i32>} : memref<200x64xf32, #tpu.memory_space<vmem>>, vector<1x16xf32>,
        %get3A_519 = vector.shape_cast %get3A_518 : vector<1x16xf32> to vector<16xf32>
        %add3A_520 = arith.addf %add3A_498, %get3A_519 : vector<16xf32>
        %get3A_521 = arith.index_cast %scan3A_505 : i32 to index
        %get3A_522 = arith.constant 48 : index
        %get3A_523 = tpu.vector_load %arg12[%get3A_521, %get3A_522] {strides = array<i32>} : memref<200x64xf32, #tpu.memory_space<vmem>>, vector<1x16xf32>,
        %get3A_524 = vector.shape_cast %get3A_523 : vector<1x16xf32> to vector<16xf32>
        %add3A_525 = arith.addf %add3A_503, %get3A_524 : vector<16xf32>
        %scan3A_526 = arith.constant 7 : i32
        %scan3A_527 = arith.addi %scan3A_370, %scan3A_526 : i32
        %get3A_528 = arith.index_cast %scan3A_527 : i32 to index
        %get3A_529 = arith.constant 0 : index
        %get3A_530 = tpu.vector_load %arg12[%get3A_528, %get3A_529] {strides = array<i32>} : memref<200x64xf32, #tpu.memory_space<vmem>>, vector<1x16xf32>,
        %get3A_531 = vector.shape_cast %get3A_530 : vector<1x16xf32> to vector<16xf32>
        %add3A_532 = arith.addf %add3A_510, %get3A_531 : vector<16xf32>
        %get3A_533 = arith.index_cast %scan3A_527 : i32 to index
        %get3A_534 = arith.constant 16 : index
        %get3A_535 = tpu.vector_load %arg12[%get3A_533, %get3A_534] {strides = array<i32>} : memref<200x64xf32, #tpu.memory_space<vmem>>, vector<1x16xf32>,
        %get3A_536 = vector.shape_cast %get3A_535 : vector<1x16xf32> to vector<16xf32>
        %add3A_537 = arith.addf %add3A_515, %get3A_536 : vector<16xf32>
        %get3A_538 = arith.index_cast %scan3A_527 : i32 to index
        %get3A_539 = arith.constant 32 : index
        %get3A_540 = tpu.vector_load %arg12[%get3A_538, %get3A_539] {strides = array<i32>} : memref<200x64xf32, #tpu.memory_space<vmem>>, vector<1x16xf32>,
        %get3A_541 = vector.shape_cast %get3A_540 : vector<1x16xf32> to vector<16xf32>
        %add3A_542 = arith.addf %add3A_520, %get3A_541 : vector<16xf32>
        %get3A_543 = arith.index_cast %scan3A_527 : i32 to index
        %get3A_544 = arith.constant 48 : index
        %get3A_545 = tpu.vector_load %arg12[%get3A_543, %get3A_544] {strides = array<i32>} : memref<200x64xf32, #tpu.memory_space<vmem>>, vector<1x16xf32>,
        %get3A_546 = vector.shape_cast %get3A_545 : vector<1x16xf32> to vector<16xf32>
        %add3A_547 = arith.addf %add3A_525, %get3A_546 : vector<16xf32>
        scf.yield %add3A_532, %add3A_537, %add3A_542, %add3A_547 : vector<16xf32>, vector<16xf32>, vector<16xf32>, vector<16xf32>
      }
      %scan3A_295 = arith.constant 200 : i32
      %swap3A_296 = arith.index_cast %add3A_287 : i32 to index
      %swap3A_297 = arith.constant 0 : index
      %swap3A_298 = tpu.vector_load %arg14[%swap3A_296, %swap3A_297] {strides = array<i32>} : memref<128x64xf32, #tpu.memory_space<vmem>>, vector<1x16xf32>,
      %swap3A_299 = vector.shape_cast %swap3A_298 : vector<1x16xf32> to vector<16xf32>
      %swap3A_300 = vector.shape_cast %scan3A_294#0 : vector<16xf32> to vector<1x16xf32>
      tpu.vector_store %arg14[%swap3A_296, %swap3A_297], %swap3A_300 {strides = array<i32>} : memref<128x64xf32, #tpu.memory_space<vmem>>, vector<1x16xf32>,
      %swap3A_301 = arith.index_cast %add3A_287 : i32 to index
      %swap3A_302 = arith.constant 16 : index
      %swap3A_303 = tpu.vector_load %arg14[%swap3A_301, %swap3A_302] {strides = array<i32>} : memref<128x64xf32, #tpu.memory_space<vmem>>, vector<1x16xf32>,
      %swap3A_304 = vector.shape_cast %swap3A_303 : vector<1x16xf32> to vector<16xf32>
      %swap3A_305 = vector.shape_cast %scan3A_294#1 : vector<16xf32> to vector<1x16xf32>
      tpu.vector_store %arg14[%swap3A_301, %swap3A_302], %swap3A_305 {strides = array<i32>} : memref<128x64xf32, #tpu.memory_space<vmem>>, vector<1x16xf32>,
      %swap3A_306 = arith.index_cast %add3A_287 : i32 to index
      %swap3A_307 = arith.constant 32 : index
      %swap3A_308 = tpu.vector_load %arg14[%swap3A_306, %swap3A_307] {strides = array<i32>} : memref<128x64xf32, #tpu.memory_space<vmem>>, vector<1x16xf32>,
      %swap3A_309 = vector.shape_cast %swap3A_308 : vector<1x16xf32> to vector<16xf32>
      %swap3A_310 = vector.shape_cast %scan3A_294#2 : vector<16xf32> to vector<1x16xf32>
      tpu.vector_store %arg14[%swap3A_306, %swap3A_307], %swap3A_310 {strides = array<i32>} : memref<128x64xf32, #tpu.memory_space<vmem>>, vector<1x16xf32>,
      %swap3A_311 = arith.index_cast %add3A_287 : i32 to index
      %swap3A_312 = arith.constant 48 : index
      %swap3A_313 = tpu.vector_load %arg14[%swap3A_311, %swap3A_312] {strides = array<i32>} : memref<128x64xf32, #tpu.memory_space<vmem>>, vector<1x16xf32>,
      %swap3A_314 = vector.shape_cast %swap3A_313 : vector<1x16xf32> to vector<16xf32>
      %swap3A_315 = vector.shape_cast %scan3A_294#3 : vector<16xf32> to vector<1x16xf32>
      tpu.vector_store %arg14[%swap3A_311, %swap3A_312], %swap3A_315 {strides = array<i32>} : memref<128x64xf32, #tpu.memory_space<vmem>>, vector<1x16xf32>,
      %add3A_316 = arith.constant 4 : i32
      %add3A_317 = arith.addi %add3A_194, %add3A_316 : i32
      %add3A_318 = arith.constant 2 : i32
      %add3A_319 = arith.addi %add3A_317, %add3A_318 : i32
      %lt3A_320 = arith.constant 128 : i32
      %lt3A_321 = arith.cmpi slt, %add3A_319, %lt3A_320 : i32
      %convert_element_type3A_322 = arith.extui %lt3A_321 : i1 to i32
      %cond3A_323 = arith.constant 0 : i32
      %cond3A_324 = arith.cmpi ne, %convert_element_type3A_322, %cond3A_323 : i32
      scf.if %cond3A_324 {
        %add3A_370 = arith.constant 4 : i32
        %add3A_371 = arith.addi %add3A_194, %add3A_370 : i32
        %add3A_372 = arith.constant 2 : i32
        %add3A_373 = arith.addi %add3A_371, %add3A_372 : i32
        %dma_start3A_374 = arith.constant 0 : i32
        %dma_start3A_375 = arith.constant 0 : i32
        %dma_start3A_376 = tpu.memref_slice %arg12[%dma_start3A_374, %dma_start3A_375] : memref<200x64xf32, #tpu.memory_space<vmem>> -> memref<104x64xf32, #tpu.memory_space<vmem>>
        %dma_start3A_377 = arith.constant 0 : i32
        %dma_start3A_378 = tpu.memref_slice %arg8[%add3A_373, %dma_start3A_377] : memref<128x200xi32, #tpu.memory_space<vmem>> -> memref<1x104xi32, #tpu.memory_space<vmem>>
        %dma_start3A_379 = tpu.memref_squeeze %dma_start3A_378 : memref<1x104xi32, #tpu.memory_space<vmem>> -> memref<104xi32, #tpu.memory_space<vmem>>
        %dma_start3A_380 = arith.constant 0 : i32
        %dma_start3A_381 = arith.constant 0 : i32
        %dma_start3A_382 = tpu.memref_slice %arg4[%dma_start3A_380, %dma_start3A_381] : memref<100000x64xf32, #tpu.memory_space<hbm>> -> memref<100000x64xf32, #tpu.memory_space<hbm>>
        tpu.enqueue_indirect_dma source(%dma_start3A_382 : memref<100000x64xf32, #tpu.memory_space<hbm>>) target(%dma_start3A_376 : memref<104x64xf32, #tpu.memory_space<vmem>>) offsets(%dma_start3A_379 : memref<104xi32, #tpu.memory_space<vmem>>) semaphore(%arg18 : memref<!tpu.dma_semaphore, #tpu.memory_space<semaphore_mem>>)
        %dma_start3A_383 = arith.constant 104 : i32
        %dma_start3A_384 = arith.constant 0 : i32
        %dma_start3A_385 = tpu.memref_slice %arg12[%dma_start3A_383, %dma_start3A_384] : memref<200x64xf32, #tpu.memory_space<vmem>> -> memref<96x64xf32, #tpu.memory_space<vmem>>
        %dma_start3A_386 = arith.constant 104 : i32
        %dma_start3A_387 = tpu.memref_slice %arg8[%add3A_373, %dma_start3A_386] : memref<128x200xi32, #tpu.memory_space<vmem>> -> memref<1x96xi32, #tpu.memory_space<vmem>>
        %dma_start3A_388 = tpu.memref_squeeze %dma_start3A_387 : memref<1x96xi32, #tpu.memory_space<vmem>> -> memref<96xi32, #tpu.memory_space<vmem>>
        %dma_start3A_389 = arith.constant 0 : i32
        %dma_start3A_390 = arith.constant 0 : i32
        %dma_start3A_391 = tpu.memref_slice %arg4[%dma_start3A_389, %dma_start3A_390] : memref<100000x64xf32, #tpu.memory_space<hbm>> -> memref<100000x64xf32, #tpu.memory_space<hbm>>
        tpu.enqueue_indirect_dma source(%dma_start3A_391 : memref<100000x64xf32, #tpu.memory_space<hbm>>) target(%dma_start3A_385 : memref<96x64xf32, #tpu.memory_space<vmem>>) offsets(%dma_start3A_388 : memref<96xi32, #tpu.memory_space<vmem>>) semaphore(%arg18 : memref<!tpu.dma_semaphore, #tpu.memory_space<semaphore_mem>>)
      } else {
      }
      %dma_wait3A_325 = arith.constant 0 : i32
      %dma_wait3A_326 = arith.constant 0 : i32
      %dma_wait3A_327 = tpu.memref_slice %arg4[%dma_wait3A_325, %dma_wait3A_326] : memref<100000x64xf32, #tpu.memory_space<hbm>> -> memref<200x64xf32, #tpu.memory_space<hbm>>
      %dma_wait3A_328 = arith.constant 0 : i32
      %dma_wait3A_329 = arith.constant 0 : i32
      %dma_wait3A_330 = tpu.memref_slice %arg4[%dma_wait3A_328, %dma_wait3A_329] : memref<100000x64xf32, #tpu.memory_space<hbm>> -> memref<200x64xf32, #tpu.memory_space<hbm>>
      tpu.wait_dma2 semaphore(%arg19 : memref<!tpu.dma_semaphore, #tpu.memory_space<semaphore_mem>>) src(%dma_wait3A_330 : memref<200x64xf32, #tpu.memory_space<hbm>>) dst(%arg13 : memref<200x64xf32, #tpu.memory_space<vmem>>)
      %add3A_331 = arith.constant 3 : i32
      %add3A_332 = arith.addi %add3A_194, %add3A_331 : i32
      %broadcast_in_dim3A_333 = arith.constant 0.000000e+00 : f32
      %broadcast_in_dim3A_334 = vector.broadcast %broadcast_in_dim3A_333 : f32 to vector<16xf32>
      %scan3A_335 = arith.constant 0 : i32
      %scan3A_336 = arith.constant 200 : i32
      %scan3A_337 = arith.addi %scan3A_335, %scan3A_336 : i32
      %scan3A_338 = arith.constant 8 : i32
      %scan3A_339:4 = scf.for %scan3A_370 = %scan3A_335 to %scan3A_337 step %scan3A_338 iter_args(%scan3A_371 = %broadcast_in_dim3A_334, %scan3A_372 = %broadcast_in_dim3A_334, %scan3A_373 = %broadcast_in_dim3A_334, %scan3A_374 = %broadcast_in_dim3A_334) -> (vector<16xf32>, vector<16xf32>, vector<16xf32>, vector<16xf32>)  : i32 {
        %get3A = arith.index_cast %scan3A_370 : i32 to index
        %get3A_375 = arith.constant 0 : index
        %get3A_376 = tpu.vector_load %arg13[%get3A, %get3A_375] {strides = array<i32>} : memref<200x64xf32, #tpu.memory_space<vmem>>, vector<1x16xf32>,
        %get3A_377 = vector.shape_cast %get3A_376 : vector<1x16xf32> to vector<16xf32>
        %add3A_378 = arith.addf %scan3A_371, %get3A_377 : vector<16xf32>
        %get3A_379 = arith.index_cast %scan3A_370 : i32 to index
        %get3A_380 = arith.constant 16 : index
        %get3A_381 = tpu.vector_load %arg13[%get3A_379, %get3A_380] {strides = array<i32>} : memref<200x64xf32, #tpu.memory_space<vmem>>, vector<1x16xf32>,
        %get3A_382 = vector.shape_cast %get3A_381 : vector<1x16xf32> to vector<16xf32>
        %add3A_383 = arith.addf %scan3A_372, %get3A_382 : vector<16xf32>
        %get3A_384 = arith.index_cast %scan3A_370 : i32 to index
        %get3A_385 = arith.constant 32 : index
        %get3A_386 = tpu.vector_load %arg13[%get3A_384, %get3A_385] {strides = array<i32>} : memref<200x64xf32, #tpu.memory_space<vmem>>, vector<1x16xf32>,
        %get3A_387 = vector.shape_cast %get3A_386 : vector<1x16xf32> to vector<16xf32>
        %add3A_388 = arith.addf %scan3A_373, %get3A_387 : vector<16xf32>
        %get3A_389 = arith.index_cast %scan3A_370 : i32 to index
        %get3A_390 = arith.constant 48 : index
        %get3A_391 = tpu.vector_load %arg13[%get3A_389, %get3A_390] {strides = array<i32>} : memref<200x64xf32, #tpu.memory_space<vmem>>, vector<1x16xf32>,
        %get3A_392 = vector.shape_cast %get3A_391 : vector<1x16xf32> to vector<16xf32>
        %add3A_393 = arith.addf %scan3A_374, %get3A_392 : vector<16xf32>
        %scan3A_394 = arith.constant 1 : i32
        %scan3A_395 = arith.addi %scan3A_370, %scan3A_394 : i32
        %get3A_396 = arith.index_cast %scan3A_395 : i32 to index
        %get3A_397 = arith.constant 0 : index
        %get3A_398 = tpu.vector_load %arg13[%get3A_396, %get3A_397] {strides = array<i32>} : memref<200x64xf32, #tpu.memory_space<vmem>>, vector<1x16xf32>,
        %get3A_399 = vector.shape_cast %get3A_398 : vector<1x16xf32> to vector<16xf32>
        %add3A_400 = arith.addf %add3A_378, %get3A_399 : vector<16xf32>
        %get3A_401 = arith.index_cast %scan3A_395 : i32 to index
        %get3A_402 = arith.constant 16 : index
        %get3A_403 = tpu.vector_load %arg13[%get3A_401, %get3A_402] {strides = array<i32>} : memref<200x64xf32, #tpu.memory_space<vmem>>, vector<1x16xf32>,
        %get3A_404 = vector.shape_cast %get3A_403 : vector<1x16xf32> to vector<16xf32>
        %add3A_405 = arith.addf %add3A_383, %get3A_404 : vector<16xf32>
        %get3A_406 = arith.index_cast %scan3A_395 : i32 to index
        %get3A_407 = arith.constant 32 : index
        %get3A_408 = tpu.vector_load %arg13[%get3A_406, %get3A_407] {strides = array<i32>} : memref<200x64xf32, #tpu.memory_space<vmem>>, vector<1x16xf32>,
        %get3A_409 = vector.shape_cast %get3A_408 : vector<1x16xf32> to vector<16xf32>
        %add3A_410 = arith.addf %add3A_388, %get3A_409 : vector<16xf32>
        %get3A_411 = arith.index_cast %scan3A_395 : i32 to index
        %get3A_412 = arith.constant 48 : index
        %get3A_413 = tpu.vector_load %arg13[%get3A_411, %get3A_412] {strides = array<i32>} : memref<200x64xf32, #tpu.memory_space<vmem>>, vector<1x16xf32>,
        %get3A_414 = vector.shape_cast %get3A_413 : vector<1x16xf32> to vector<16xf32>
        %add3A_415 = arith.addf %add3A_393, %get3A_414 : vector<16xf32>
        %scan3A_416 = arith.constant 2 : i32
        %scan3A_417 = arith.addi %scan3A_370, %scan3A_416 : i32
        %get3A_418 = arith.index_cast %scan3A_417 : i32 to index
        %get3A_419 = arith.constant 0 : index
        %get3A_420 = tpu.vector_load %arg13[%get3A_418, %get3A_419] {strides = array<i32>} : memref<200x64xf32, #tpu.memory_space<vmem>>, vector<1x16xf32>,
        %get3A_421 = vector.shape_cast %get3A_420 : vector<1x16xf32> to vector<16xf32>
        %add3A_422 = arith.addf %add3A_400, %get3A_421 : vector<16xf32>
        %get3A_423 = arith.index_cast %scan3A_417 : i32 to index
        %get3A_424 = arith.constant 16 : index
        %get3A_425 = tpu.vector_load %arg13[%get3A_423, %get3A_424] {strides = array<i32>} : memref<200x64xf32, #tpu.memory_space<vmem>>, vector<1x16xf32>,
        %get3A_426 = vector.shape_cast %get3A_425 : vector<1x16xf32> to vector<16xf32>
        %add3A_427 = arith.addf %add3A_405, %get3A_426 : vector<16xf32>
        %get3A_428 = arith.index_cast %scan3A_417 : i32 to index
        %get3A_429 = arith.constant 32 : index
        %get3A_430 = tpu.vector_load %arg13[%get3A_428, %get3A_429] {strides = array<i32>} : memref<200x64xf32, #tpu.memory_space<vmem>>, vector<1x16xf32>,
        %get3A_431 = vector.shape_cast %get3A_430 : vector<1x16xf32> to vector<16xf32>
        %add3A_432 = arith.addf %add3A_410, %get3A_431 : vector<16xf32>
        %get3A_433 = arith.index_cast %scan3A_417 : i32 to index
        %get3A_434 = arith.constant 48 : index
        %get3A_435 = tpu.vector_load %arg13[%get3A_433, %get3A_434] {strides = array<i32>} : memref<200x64xf32, #tpu.memory_space<vmem>>, vector<1x16xf32>,
        %get3A_436 = vector.shape_cast %get3A_435 : vector<1x16xf32> to vector<16xf32>
        %add3A_437 = arith.addf %add3A_415, %get3A_436 : vector<16xf32>
        %scan3A_438 = arith.constant 3 : i32
        %scan3A_439 = arith.addi %scan3A_370, %scan3A_438 : i32
        %get3A_440 = arith.index_cast %scan3A_439 : i32 to index
        %get3A_441 = arith.constant 0 : index
        %get3A_442 = tpu.vector_load %arg13[%get3A_440, %get3A_441] {strides = array<i32>} : memref<200x64xf32, #tpu.memory_space<vmem>>, vector<1x16xf32>,
        %get3A_443 = vector.shape_cast %get3A_442 : vector<1x16xf32> to vector<16xf32>
        %add3A_444 = arith.addf %add3A_422, %get3A_443 : vector<16xf32>
        %get3A_445 = arith.index_cast %scan3A_439 : i32 to index
        %get3A_446 = arith.constant 16 : index
        %get3A_447 = tpu.vector_load %arg13[%get3A_445, %get3A_446] {strides = array<i32>} : memref<200x64xf32, #tpu.memory_space<vmem>>, vector<1x16xf32>,
        %get3A_448 = vector.shape_cast %get3A_447 : vector<1x16xf32> to vector<16xf32>
        %add3A_449 = arith.addf %add3A_427, %get3A_448 : vector<16xf32>
        %get3A_450 = arith.index_cast %scan3A_439 : i32 to index
        %get3A_451 = arith.constant 32 : index
        %get3A_452 = tpu.vector_load %arg13[%get3A_450, %get3A_451] {strides = array<i32>} : memref<200x64xf32, #tpu.memory_space<vmem>>, vector<1x16xf32>,
        %get3A_453 = vector.shape_cast %get3A_452 : vector<1x16xf32> to vector<16xf32>
        %add3A_454 = arith.addf %add3A_432, %get3A_453 : vector<16xf32>
        %get3A_455 = arith.index_cast %scan3A_439 : i32 to index
        %get3A_456 = arith.constant 48 : index
        %get3A_457 = tpu.vector_load %arg13[%get3A_455, %get3A_456] {strides = array<i32>} : memref<200x64xf32, #tpu.memory_space<vmem>>, vector<1x16xf32>,
        %get3A_458 = vector.shape_cast %get3A_457 : vector<1x16xf32> to vector<16xf32>
        %add3A_459 = arith.addf %add3A_437, %get3A_458 : vector<16xf32>
        %scan3A_460 = arith.constant 4 : i32
        %scan3A_461 = arith.addi %scan3A_370, %scan3A_460 : i32
        %get3A_462 = arith.index_cast %scan3A_461 : i32 to index
        %get3A_463 = arith.constant 0 : index
        %get3A_464 = tpu.vector_load %arg13[%get3A_462, %get3A_463] {strides = array<i32>} : memref<200x64xf32, #tpu.memory_space<vmem>>, vector<1x16xf32>,
        %get3A_465 = vector.shape_cast %get3A_464 : vector<1x16xf32> to vector<16xf32>
        %add3A_466 = arith.addf %add3A_444, %get3A_465 : vector<16xf32>
        %get3A_467 = arith.index_cast %scan3A_461 : i32 to index
        %get3A_468 = arith.constant 16 : index
        %get3A_469 = tpu.vector_load %arg13[%get3A_467, %get3A_468] {strides = array<i32>} : memref<200x64xf32, #tpu.memory_space<vmem>>, vector<1x16xf32>,
        %get3A_470 = vector.shape_cast %get3A_469 : vector<1x16xf32> to vector<16xf32>
        %add3A_471 = arith.addf %add3A_449, %get3A_470 : vector<16xf32>
        %get3A_472 = arith.index_cast %scan3A_461 : i32 to index
        %get3A_473 = arith.constant 32 : index
        %get3A_474 = tpu.vector_load %arg13[%get3A_472, %get3A_473] {strides = array<i32>} : memref<200x64xf32, #tpu.memory_space<vmem>>, vector<1x16xf32>,
        %get3A_475 = vector.shape_cast %get3A_474 : vector<1x16xf32> to vector<16xf32>
        %add3A_476 = arith.addf %add3A_454, %get3A_475 : vector<16xf32>
        %get3A_477 = arith.index_cast %scan3A_461 : i32 to index
        %get3A_478 = arith.constant 48 : index
        %get3A_479 = tpu.vector_load %arg13[%get3A_477, %get3A_478] {strides = array<i32>} : memref<200x64xf32, #tpu.memory_space<vmem>>, vector<1x16xf32>,
        %get3A_480 = vector.shape_cast %get3A_479 : vector<1x16xf32> to vector<16xf32>
        %add3A_481 = arith.addf %add3A_459, %get3A_480 : vector<16xf32>
        %scan3A_482 = arith.constant 5 : i32
        %scan3A_483 = arith.addi %scan3A_370, %scan3A_482 : i32
        %get3A_484 = arith.index_cast %scan3A_483 : i32 to index
        %get3A_485 = arith.constant 0 : index
        %get3A_486 = tpu.vector_load %arg13[%get3A_484, %get3A_485] {strides = array<i32>} : memref<200x64xf32, #tpu.memory_space<vmem>>, vector<1x16xf32>,
        %get3A_487 = vector.shape_cast %get3A_486 : vector<1x16xf32> to vector<16xf32>
        %add3A_488 = arith.addf %add3A_466, %get3A_487 : vector<16xf32>
        %get3A_489 = arith.index_cast %scan3A_483 : i32 to index
        %get3A_490 = arith.constant 16 : index
        %get3A_491 = tpu.vector_load %arg13[%get3A_489, %get3A_490] {strides = array<i32>} : memref<200x64xf32, #tpu.memory_space<vmem>>, vector<1x16xf32>,
        %get3A_492 = vector.shape_cast %get3A_491 : vector<1x16xf32> to vector<16xf32>
        %add3A_493 = arith.addf %add3A_471, %get3A_492 : vector<16xf32>
        %get3A_494 = arith.index_cast %scan3A_483 : i32 to index
        %get3A_495 = arith.constant 32 : index
        %get3A_496 = tpu.vector_load %arg13[%get3A_494, %get3A_495] {strides = array<i32>} : memref<200x64xf32, #tpu.memory_space<vmem>>, vector<1x16xf32>,
        %get3A_497 = vector.shape_cast %get3A_496 : vector<1x16xf32> to vector<16xf32>
        %add3A_498 = arith.addf %add3A_476, %get3A_497 : vector<16xf32>
        %get3A_499 = arith.index_cast %scan3A_483 : i32 to index
        %get3A_500 = arith.constant 48 : index
        %get3A_501 = tpu.vector_load %arg13[%get3A_499, %get3A_500] {strides = array<i32>} : memref<200x64xf32, #tpu.memory_space<vmem>>, vector<1x16xf32>,
        %get3A_502 = vector.shape_cast %get3A_501 : vector<1x16xf32> to vector<16xf32>
        %add3A_503 = arith.addf %add3A_481, %get3A_502 : vector<16xf32>
        %scan3A_504 = arith.constant 6 : i32
        %scan3A_505 = arith.addi %scan3A_370, %scan3A_504 : i32
        %get3A_506 = arith.index_cast %scan3A_505 : i32 to index
        %get3A_507 = arith.constant 0 : index
        %get3A_508 = tpu.vector_load %arg13[%get3A_506, %get3A_507] {strides = array<i32>} : memref<200x64xf32, #tpu.memory_space<vmem>>, vector<1x16xf32>,
        %get3A_509 = vector.shape_cast %get3A_508 : vector<1x16xf32> to vector<16xf32>
        %add3A_510 = arith.addf %add3A_488, %get3A_509 : vector<16xf32>
        %get3A_511 = arith.index_cast %scan3A_505 : i32 to index
        %get3A_512 = arith.constant 16 : index
        %get3A_513 = tpu.vector_load %arg13[%get3A_511, %get3A_512] {strides = array<i32>} : memref<200x64xf32, #tpu.memory_space<vmem>>, vector<1x16xf32>,
        %get3A_514 = vector.shape_cast %get3A_513 : vector<1x16xf32> to vector<16xf32>
        %add3A_515 = arith.addf %add3A_493, %get3A_514 : vector<16xf32>
        %get3A_516 = arith.index_cast %scan3A_505 : i32 to index
        %get3A_517 = arith.constant 32 : index
        %get3A_518 = tpu.vector_load %arg13[%get3A_516, %get3A_517] {strides = array<i32>} : memref<200x64xf32, #tpu.memory_space<vmem>>, vector<1x16xf32>,
        %get3A_519 = vector.shape_cast %get3A_518 : vector<1x16xf32> to vector<16xf32>
        %add3A_520 = arith.addf %add3A_498, %get3A_519 : vector<16xf32>
        %get3A_521 = arith.index_cast %scan3A_505 : i32 to index
        %get3A_522 = arith.constant 48 : index
        %get3A_523 = tpu.vector_load %arg13[%get3A_521, %get3A_522] {strides = array<i32>} : memref<200x64xf32, #tpu.memory_space<vmem>>, vector<1x16xf32>,
        %get3A_524 = vector.shape_cast %get3A_523 : vector<1x16xf32> to vector<16xf32>
        %add3A_525 = arith.addf %add3A_503, %get3A_524 : vector<16xf32>
        %scan3A_526 = arith.constant 7 : i32
        %scan3A_527 = arith.addi %scan3A_370, %scan3A_526 : i32
        %get3A_528 = arith.index_cast %scan3A_527 : i32 to index
        %get3A_529 = arith.constant 0 : index
        %get3A_530 = tpu.vector_load %arg13[%get3A_528, %get3A_529] {strides = array<i32>} : memref<200x64xf32, #tpu.memory_space<vmem>>, vector<1x16xf32>,
        %get3A_531 = vector.shape_cast %get3A_530 : vector<1x16xf32> to vector<16xf32>
        %add3A_532 = arith.addf %add3A_510, %get3A_531 : vector<16xf32>
        %get3A_533 = arith.index_cast %scan3A_527 : i32 to index
        %get3A_534 = arith.constant 16 : index
        %get3A_535 = tpu.vector_load %arg13[%get3A_533, %get3A_534] {strides = array<i32>} : memref<200x64xf32, #tpu.memory_space<vmem>>, vector<1x16xf32>,
        %get3A_536 = vector.shape_cast %get3A_535 : vector<1x16xf32> to vector<16xf32>
        %add3A_537 = arith.addf %add3A_515, %get3A_536 : vector<16xf32>
        %get3A_538 = arith.index_cast %scan3A_527 : i32 to index
        %get3A_539 = arith.constant 32 : index
        %get3A_540 = tpu.vector_load %arg13[%get3A_538, %get3A_539] {strides = array<i32>} : memref<200x64xf32, #tpu.memory_space<vmem>>, vector<1x16xf32>,
        %get3A_541 = vector.shape_cast %get3A_540 : vector<1x16xf32> to vector<16xf32>
        %add3A_542 = arith.addf %add3A_520, %get3A_541 : vector<16xf32>
        %get3A_543 = arith.index_cast %scan3A_527 : i32 to index
        %get3A_544 = arith.constant 48 : index
        %get3A_545 = tpu.vector_load %arg13[%get3A_543, %get3A_544] {strides = array<i32>} : memref<200x64xf32, #tpu.memory_space<vmem>>, vector<1x16xf32>,
        %get3A_546 = vector.shape_cast %get3A_545 : vector<1x16xf32> to vector<16xf32>
        %add3A_547 = arith.addf %add3A_525, %get3A_546 : vector<16xf32>
        scf.yield %add3A_532, %add3A_537, %add3A_542, %add3A_547 : vector<16xf32>, vector<16xf32>, vector<16xf32>, vector<16xf32>
      }
      %scan3A_340 = arith.constant 200 : i32
      %swap3A_341 = arith.index_cast %add3A_332 : i32 to index
      %swap3A_342 = arith.constant 0 : index
      %swap3A_343 = tpu.vector_load %arg14[%swap3A_341, %swap3A_342] {strides = array<i32>} : memref<128x64xf32, #tpu.memory_space<vmem>>, vector<1x16xf32>,
      %swap3A_344 = vector.shape_cast %swap3A_343 : vector<1x16xf32> to vector<16xf32>
      %swap3A_345 = vector.shape_cast %scan3A_339#0 : vector<16xf32> to vector<1x16xf32>
      tpu.vector_store %arg14[%swap3A_341, %swap3A_342], %swap3A_345 {strides = array<i32>} : memref<128x64xf32, #tpu.memory_space<vmem>>, vector<1x16xf32>,
      %swap3A_346 = arith.index_cast %add3A_332 : i32 to index
      %swap3A_347 = arith.constant 16 : index
      %swap3A_348 = tpu.vector_load %arg14[%swap3A_346, %swap3A_347] {strides = array<i32>} : memref<128x64xf32, #tpu.memory_space<vmem>>, vector<1x16xf32>,
      %swap3A_349 = vector.shape_cast %swap3A_348 : vector<1x16xf32> to vector<16xf32>
      %swap3A_350 = vector.shape_cast %scan3A_339#1 : vector<16xf32> to vector<1x16xf32>
      tpu.vector_store %arg14[%swap3A_346, %swap3A_347], %swap3A_350 {strides = array<i32>} : memref<128x64xf32, #tpu.memory_space<vmem>>, vector<1x16xf32>,
      %swap3A_351 = arith.index_cast %add3A_332 : i32 to index
      %swap3A_352 = arith.constant 32 : index
      %swap3A_353 = tpu.vector_load %arg14[%swap3A_351, %swap3A_352] {strides = array<i32>} : memref<128x64xf32, #tpu.memory_space<vmem>>, vector<1x16xf32>,
      %swap3A_354 = vector.shape_cast %swap3A_353 : vector<1x16xf32> to vector<16xf32>
      %swap3A_355 = vector.shape_cast %scan3A_339#2 : vector<16xf32> to vector<1x16xf32>
      tpu.vector_store %arg14[%swap3A_351, %swap3A_352], %swap3A_355 {strides = array<i32>} : memref<128x64xf32, #tpu.memory_space<vmem>>, vector<1x16xf32>,
      %swap3A_356 = arith.index_cast %add3A_332 : i32 to index
      %swap3A_357 = arith.constant 48 : index
      %swap3A_358 = tpu.vector_load %arg14[%swap3A_356, %swap3A_357] {strides = array<i32>} : memref<128x64xf32, #tpu.memory_space<vmem>>, vector<1x16xf32>,
      %swap3A_359 = vector.shape_cast %swap3A_358 : vector<1x16xf32> to vector<16xf32>
      %swap3A_360 = vector.shape_cast %scan3A_339#3 : vector<16xf32> to vector<1x16xf32>
      tpu.vector_store %arg14[%swap3A_356, %swap3A_357], %swap3A_360 {strides = array<i32>} : memref<128x64xf32, #tpu.memory_space<vmem>>, vector<1x16xf32>,
      %add3A_361 = arith.constant 4 : i32
      %add3A_362 = arith.addi %add3A_194, %add3A_361 : i32
      %add3A_363 = arith.constant 3 : i32
      %add3A_364 = arith.addi %add3A_362, %add3A_363 : i32
      %lt3A_365 = arith.constant 128 : i32
      %lt3A_366 = arith.cmpi slt, %add3A_364, %lt3A_365 : i32
      %convert_element_type3A_367 = arith.extui %lt3A_366 : i1 to i32
      %cond3A_368 = arith.constant 0 : i32
      %cond3A_369 = arith.cmpi ne, %convert_element_type3A_367, %cond3A_368 : i32
      scf.if %cond3A_369 {
        %add3A_370 = arith.constant 4 : i32
        %add3A_371 = arith.addi %add3A_194, %add3A_370 : i32
        %add3A_372 = arith.constant 3 : i32
        %add3A_373 = arith.addi %add3A_371, %add3A_372 : i32
        %dma_start3A_374 = arith.constant 0 : i32
        %dma_start3A_375 = arith.constant 0 : i32
        %dma_start3A_376 = tpu.memref_slice %arg13[%dma_start3A_374, %dma_start3A_375] : memref<200x64xf32, #tpu.memory_space<vmem>> -> memref<104x64xf32, #tpu.memory_space<vmem>>
        %dma_start3A_377 = arith.constant 0 : i32
        %dma_start3A_378 = tpu.memref_slice %arg8[%add3A_373, %dma_start3A_377] : memref<128x200xi32, #tpu.memory_space<vmem>> -> memref<1x104xi32, #tpu.memory_space<vmem>>
        %dma_start3A_379 = tpu.memref_squeeze %dma_start3A_378 : memref<1x104xi32, #tpu.memory_space<vmem>> -> memref<104xi32, #tpu.memory_space<vmem>>
        %dma_start3A_380 = arith.constant 0 : i32
        %dma_start3A_381 = arith.constant 0 : i32
        %dma_start3A_382 = tpu.memref_slice %arg4[%dma_start3A_380, %dma_start3A_381] : memref<100000x64xf32, #tpu.memory_space<hbm>> -> memref<100000x64xf32, #tpu.memory_space<hbm>>
        tpu.enqueue_indirect_dma source(%dma_start3A_382 : memref<100000x64xf32, #tpu.memory_space<hbm>>) target(%dma_start3A_376 : memref<104x64xf32, #tpu.memory_space<vmem>>) offsets(%dma_start3A_379 : memref<104xi32, #tpu.memory_space<vmem>>) semaphore(%arg19 : memref<!tpu.dma_semaphore, #tpu.memory_space<semaphore_mem>>)
        %dma_start3A_383 = arith.constant 104 : i32
        %dma_start3A_384 = arith.constant 0 : i32
        %dma_start3A_385 = tpu.memref_slice %arg13[%dma_start3A_383, %dma_start3A_384] : memref<200x64xf32, #tpu.memory_space<vmem>> -> memref<96x64xf32, #tpu.memory_space<vmem>>
        %dma_start3A_386 = arith.constant 104 : i32
        %dma_start3A_387 = tpu.memref_slice %arg8[%add3A_373, %dma_start3A_386] : memref<128x200xi32, #tpu.memory_space<vmem>> -> memref<1x96xi32, #tpu.memory_space<vmem>>
        %dma_start3A_388 = tpu.memref_squeeze %dma_start3A_387 : memref<1x96xi32, #tpu.memory_space<vmem>> -> memref<96xi32, #tpu.memory_space<vmem>>
        %dma_start3A_389 = arith.constant 0 : i32
        %dma_start3A_390 = arith.constant 0 : i32
        %dma_start3A_391 = tpu.memref_slice %arg4[%dma_start3A_389, %dma_start3A_390] : memref<100000x64xf32, #tpu.memory_space<hbm>> -> memref<100000x64xf32, #tpu.memory_space<hbm>>
        tpu.enqueue_indirect_dma source(%dma_start3A_391 : memref<100000x64xf32, #tpu.memory_space<hbm>>) target(%dma_start3A_385 : memref<96x64xf32, #tpu.memory_space<vmem>>) offsets(%dma_start3A_388 : memref<96xi32, #tpu.memory_space<vmem>>) semaphore(%arg19 : memref<!tpu.dma_semaphore, #tpu.memory_space<semaphore_mem>>)
      } else {
      }
    }
    %scan3A_104 = arith.constant 32 : i32
    %dma_start3A_105 = arith.constant 0 : i32
    %dma_start3A_106 = arith.constant 0 : i32
    %dma_start3A_107 = arith.constant 0 : i32
    %dma_start3A_108 = tpu.memref_slice %arg10[%dma_start3A_106, %dma_start3A_107] : memref<200x64xf32, #tpu.memory_space<vmem>> -> memref<104x64xf32, #tpu.memory_space<vmem>>
    %dma_start3A_109 = arith.constant 0 : i32
    %dma_start3A_110 = tpu.memref_slice %arg9[%dma_start3A_105, %dma_start3A_109] : memref<128x200xi32, #tpu.memory_space<vmem>> -> memref<1x104xi32, #tpu.memory_space<vmem>>
    %dma_start3A_111 = tpu.memref_squeeze %dma_start3A_110 : memref<1x104xi32, #tpu.memory_space<vmem>> -> memref<104xi32, #tpu.memory_space<vmem>>
    %dma_start3A_112 = arith.constant 0 : i32
    %dma_start3A_113 = arith.constant 0 : i32
    %dma_start3A_114 = tpu.memref_slice %arg5[%dma_start3A_112, %dma_start3A_113] : memref<100000x64xf32, #tpu.memory_space<hbm>> -> memref<100000x64xf32, #tpu.memory_space<hbm>>
    tpu.enqueue_indirect_dma source(%dma_start3A_114 : memref<100000x64xf32, #tpu.memory_space<hbm>>) target(%dma_start3A_108 : memref<104x64xf32, #tpu.memory_space<vmem>>) offsets(%dma_start3A_111 : memref<104xi32, #tpu.memory_space<vmem>>) semaphore(%arg16 : memref<!tpu.dma_semaphore, #tpu.memory_space<semaphore_mem>>)
    %dma_start3A_115 = arith.constant 0 : i32
    %dma_start3A_116 = arith.constant 104 : i32
    %dma_start3A_117 = arith.constant 0 : i32
    %dma_start3A_118 = tpu.memref_slice %arg10[%dma_start3A_116, %dma_start3A_117] : memref<200x64xf32, #tpu.memory_space<vmem>> -> memref<96x64xf32, #tpu.memory_space<vmem>>
    %dma_start3A_119 = arith.constant 104 : i32
    %dma_start3A_120 = tpu.memref_slice %arg9[%dma_start3A_115, %dma_start3A_119] : memref<128x200xi32, #tpu.memory_space<vmem>> -> memref<1x96xi32, #tpu.memory_space<vmem>>
    %dma_start3A_121 = tpu.memref_squeeze %dma_start3A_120 : memref<1x96xi32, #tpu.memory_space<vmem>> -> memref<96xi32, #tpu.memory_space<vmem>>
    %dma_start3A_122 = arith.constant 0 : i32
    %dma_start3A_123 = arith.constant 0 : i32
    %dma_start3A_124 = tpu.memref_slice %arg5[%dma_start3A_122, %dma_start3A_123] : memref<100000x64xf32, #tpu.memory_space<hbm>> -> memref<100000x64xf32, #tpu.memory_space<hbm>>
    tpu.enqueue_indirect_dma source(%dma_start3A_124 : memref<100000x64xf32, #tpu.memory_space<hbm>>) target(%dma_start3A_118 : memref<96x64xf32, #tpu.memory_space<vmem>>) offsets(%dma_start3A_121 : memref<96xi32, #tpu.memory_space<vmem>>) semaphore(%arg16 : memref<!tpu.dma_semaphore, #tpu.memory_space<semaphore_mem>>)
    %dma_start3A_125 = arith.constant 1 : i32
    %dma_start3A_126 = arith.constant 0 : i32
    %dma_start3A_127 = arith.constant 0 : i32
    %dma_start3A_128 = tpu.memref_slice %arg11[%dma_start3A_126, %dma_start3A_127] : memref<200x64xf32, #tpu.memory_space<vmem>> -> memref<104x64xf32, #tpu.memory_space<vmem>>
    %dma_start3A_129 = arith.constant 0 : i32
    %dma_start3A_130 = tpu.memref_slice %arg9[%dma_start3A_125, %dma_start3A_129] : memref<128x200xi32, #tpu.memory_space<vmem>> -> memref<1x104xi32, #tpu.memory_space<vmem>>
    %dma_start3A_131 = tpu.memref_squeeze %dma_start3A_130 : memref<1x104xi32, #tpu.memory_space<vmem>> -> memref<104xi32, #tpu.memory_space<vmem>>
    %dma_start3A_132 = arith.constant 0 : i32
    %dma_start3A_133 = arith.constant 0 : i32
    %dma_start3A_134 = tpu.memref_slice %arg5[%dma_start3A_132, %dma_start3A_133] : memref<100000x64xf32, #tpu.memory_space<hbm>> -> memref<100000x64xf32, #tpu.memory_space<hbm>>
    tpu.enqueue_indirect_dma source(%dma_start3A_134 : memref<100000x64xf32, #tpu.memory_space<hbm>>) target(%dma_start3A_128 : memref<104x64xf32, #tpu.memory_space<vmem>>) offsets(%dma_start3A_131 : memref<104xi32, #tpu.memory_space<vmem>>) semaphore(%arg17 : memref<!tpu.dma_semaphore, #tpu.memory_space<semaphore_mem>>)
    %dma_start3A_135 = arith.constant 1 : i32
    %dma_start3A_136 = arith.constant 104 : i32
    %dma_start3A_137 = arith.constant 0 : i32
    %dma_start3A_138 = tpu.memref_slice %arg11[%dma_start3A_136, %dma_start3A_137] : memref<200x64xf32, #tpu.memory_space<vmem>> -> memref<96x64xf32, #tpu.memory_space<vmem>>
    %dma_start3A_139 = arith.constant 104 : i32
    %dma_start3A_140 = tpu.memref_slice %arg9[%dma_start3A_135, %dma_start3A_139] : memref<128x200xi32, #tpu.memory_space<vmem>> -> memref<1x96xi32, #tpu.memory_space<vmem>>
    %dma_start3A_141 = tpu.memref_squeeze %dma_start3A_140 : memref<1x96xi32, #tpu.memory_space<vmem>> -> memref<96xi32, #tpu.memory_space<vmem>>
    %dma_start3A_142 = arith.constant 0 : i32
    %dma_start3A_143 = arith.constant 0 : i32
    %dma_start3A_144 = tpu.memref_slice %arg5[%dma_start3A_142, %dma_start3A_143] : memref<100000x64xf32, #tpu.memory_space<hbm>> -> memref<100000x64xf32, #tpu.memory_space<hbm>>
    tpu.enqueue_indirect_dma source(%dma_start3A_144 : memref<100000x64xf32, #tpu.memory_space<hbm>>) target(%dma_start3A_138 : memref<96x64xf32, #tpu.memory_space<vmem>>) offsets(%dma_start3A_141 : memref<96xi32, #tpu.memory_space<vmem>>) semaphore(%arg17 : memref<!tpu.dma_semaphore, #tpu.memory_space<semaphore_mem>>)
    %dma_start3A_145 = arith.constant 2 : i32
    %dma_start3A_146 = arith.constant 0 : i32
    %dma_start3A_147 = arith.constant 0 : i32
    %dma_start3A_148 = tpu.memref_slice %arg12[%dma_start3A_146, %dma_start3A_147] : memref<200x64xf32, #tpu.memory_space<vmem>> -> memref<104x64xf32, #tpu.memory_space<vmem>>
    %dma_start3A_149 = arith.constant 0 : i32
    %dma_start3A_150 = tpu.memref_slice %arg9[%dma_start3A_145, %dma_start3A_149] : memref<128x200xi32, #tpu.memory_space<vmem>> -> memref<1x104xi32, #tpu.memory_space<vmem>>
    %dma_start3A_151 = tpu.memref_squeeze %dma_start3A_150 : memref<1x104xi32, #tpu.memory_space<vmem>> -> memref<104xi32, #tpu.memory_space<vmem>>
    %dma_start3A_152 = arith.constant 0 : i32
    %dma_start3A_153 = arith.constant 0 : i32
    %dma_start3A_154 = tpu.memref_slice %arg5[%dma_start3A_152, %dma_start3A_153] : memref<100000x64xf32, #tpu.memory_space<hbm>> -> memref<100000x64xf32, #tpu.memory_space<hbm>>
    tpu.enqueue_indirect_dma source(%dma_start3A_154 : memref<100000x64xf32, #tpu.memory_space<hbm>>) target(%dma_start3A_148 : memref<104x64xf32, #tpu.memory_space<vmem>>) offsets(%dma_start3A_151 : memref<104xi32, #tpu.memory_space<vmem>>) semaphore(%arg18 : memref<!tpu.dma_semaphore, #tpu.memory_space<semaphore_mem>>)
    %dma_start3A_155 = arith.constant 2 : i32
    %dma_start3A_156 = arith.constant 104 : i32
    %dma_start3A_157 = arith.constant 0 : i32
    %dma_start3A_158 = tpu.memref_slice %arg12[%dma_start3A_156, %dma_start3A_157] : memref<200x64xf32, #tpu.memory_space<vmem>> -> memref<96x64xf32, #tpu.memory_space<vmem>>
    %dma_start3A_159 = arith.constant 104 : i32
    %dma_start3A_160 = tpu.memref_slice %arg9[%dma_start3A_155, %dma_start3A_159] : memref<128x200xi32, #tpu.memory_space<vmem>> -> memref<1x96xi32, #tpu.memory_space<vmem>>
    %dma_start3A_161 = tpu.memref_squeeze %dma_start3A_160 : memref<1x96xi32, #tpu.memory_space<vmem>> -> memref<96xi32, #tpu.memory_space<vmem>>
    %dma_start3A_162 = arith.constant 0 : i32
    %dma_start3A_163 = arith.constant 0 : i32
    %dma_start3A_164 = tpu.memref_slice %arg5[%dma_start3A_162, %dma_start3A_163] : memref<100000x64xf32, #tpu.memory_space<hbm>> -> memref<100000x64xf32, #tpu.memory_space<hbm>>
    tpu.enqueue_indirect_dma source(%dma_start3A_164 : memref<100000x64xf32, #tpu.memory_space<hbm>>) target(%dma_start3A_158 : memref<96x64xf32, #tpu.memory_space<vmem>>) offsets(%dma_start3A_161 : memref<96xi32, #tpu.memory_space<vmem>>) semaphore(%arg18 : memref<!tpu.dma_semaphore, #tpu.memory_space<semaphore_mem>>)
    %dma_start3A_165 = arith.constant 3 : i32
    %dma_start3A_166 = arith.constant 0 : i32
    %dma_start3A_167 = arith.constant 0 : i32
    %dma_start3A_168 = tpu.memref_slice %arg13[%dma_start3A_166, %dma_start3A_167] : memref<200x64xf32, #tpu.memory_space<vmem>> -> memref<104x64xf32, #tpu.memory_space<vmem>>
    %dma_start3A_169 = arith.constant 0 : i32
    %dma_start3A_170 = tpu.memref_slice %arg9[%dma_start3A_165, %dma_start3A_169] : memref<128x200xi32, #tpu.memory_space<vmem>> -> memref<1x104xi32, #tpu.memory_space<vmem>>
    %dma_start3A_171 = tpu.memref_squeeze %dma_start3A_170 : memref<1x104xi32, #tpu.memory_space<vmem>> -> memref<104xi32, #tpu.memory_space<vmem>>
    %dma_start3A_172 = arith.constant 0 : i32
    %dma_start3A_173 = arith.constant 0 : i32
    %dma_start3A_174 = tpu.memref_slice %arg5[%dma_start3A_172, %dma_start3A_173] : memref<100000x64xf32, #tpu.memory_space<hbm>> -> memref<100000x64xf32, #tpu.memory_space<hbm>>
    tpu.enqueue_indirect_dma source(%dma_start3A_174 : memref<100000x64xf32, #tpu.memory_space<hbm>>) target(%dma_start3A_168 : memref<104x64xf32, #tpu.memory_space<vmem>>) offsets(%dma_start3A_171 : memref<104xi32, #tpu.memory_space<vmem>>) semaphore(%arg19 : memref<!tpu.dma_semaphore, #tpu.memory_space<semaphore_mem>>)
    %dma_start3A_175 = arith.constant 3 : i32
    %dma_start3A_176 = arith.constant 104 : i32
    %dma_start3A_177 = arith.constant 0 : i32
    %dma_start3A_178 = tpu.memref_slice %arg13[%dma_start3A_176, %dma_start3A_177] : memref<200x64xf32, #tpu.memory_space<vmem>> -> memref<96x64xf32, #tpu.memory_space<vmem>>
    %dma_start3A_179 = arith.constant 104 : i32
    %dma_start3A_180 = tpu.memref_slice %arg9[%dma_start3A_175, %dma_start3A_179] : memref<128x200xi32, #tpu.memory_space<vmem>> -> memref<1x96xi32, #tpu.memory_space<vmem>>
    %dma_start3A_181 = tpu.memref_squeeze %dma_start3A_180 : memref<1x96xi32, #tpu.memory_space<vmem>> -> memref<96xi32, #tpu.memory_space<vmem>>
    %dma_start3A_182 = arith.constant 0 : i32
    %dma_start3A_183 = arith.constant 0 : i32
    %dma_start3A_184 = tpu.memref_slice %arg5[%dma_start3A_182, %dma_start3A_183] : memref<100000x64xf32, #tpu.memory_space<hbm>> -> memref<100000x64xf32, #tpu.memory_space<hbm>>
    tpu.enqueue_indirect_dma source(%dma_start3A_184 : memref<100000x64xf32, #tpu.memory_space<hbm>>) target(%dma_start3A_178 : memref<96x64xf32, #tpu.memory_space<vmem>>) offsets(%dma_start3A_181 : memref<96xi32, #tpu.memory_space<vmem>>) semaphore(%arg19 : memref<!tpu.dma_semaphore, #tpu.memory_space<semaphore_mem>>)
    %scan3A_185 = arith.constant 0 : i32
    %scan3A_186 = arith.constant 32 : i32
    %scan3A_187 = arith.addi %scan3A_185, %scan3A_186 : i32
    %scan3A_188 = arith.constant 1 : i32
    scf.for %scan3A_190 = %scan3A_185 to %scan3A_187 step %scan3A_188  : i32 {
      %mul3A_191 = arith.constant 4 : i32
      %mul3A_192 = arith.muli %scan3A_190, %mul3A_191 : i32
      %add3A_193 = arith.constant 0 : i32
      %add3A_194 = arith.addi %add3A_193, %mul3A_192 : i32
      %dma_wait3A_195 = arith.constant 0 : i32
      %dma_wait3A_196 = arith.constant 0 : i32
      %dma_wait3A_197 = tpu.memref_slice %arg5[%dma_wait3A_195, %dma_wait3A_196] : memref<100000x64xf32, #tpu.memory_space<hbm>> -> memref<200x64xf32, #tpu.memory_space<hbm>>
      %dma_wait3A_198 = arith.constant 0 : i32
      %dma_wait3A_199 = arith.constant 0 : i32
      %dma_wait3A_200 = tpu.memref_slice %arg5[%dma_wait3A_198, %dma_wait3A_199] : memref<100000x64xf32, #tpu.memory_space<hbm>> -> memref<200x64xf32, #tpu.memory_space<hbm>>
      tpu.wait_dma2 semaphore(%arg16 : memref<!tpu.dma_semaphore, #tpu.memory_space<semaphore_mem>>) src(%dma_wait3A_200 : memref<200x64xf32, #tpu.memory_space<hbm>>) dst(%arg10 : memref<200x64xf32, #tpu.memory_space<vmem>>)
      %add3A_201 = arith.constant 0 : i32
      %add3A_202 = arith.addi %add3A_194, %add3A_201 : i32
      %broadcast_in_dim3A = arith.constant 0.000000e+00 : f32
      %broadcast_in_dim3A_203 = vector.broadcast %broadcast_in_dim3A : f32 to vector<16xf32>
      %scan3A_204 = arith.constant 0 : i32
      %scan3A_205 = arith.constant 200 : i32
      %scan3A_206 = arith.addi %scan3A_204, %scan3A_205 : i32
      %scan3A_207 = arith.constant 8 : i32
      %scan3A_208:4 = scf.for %scan3A_370 = %scan3A_204 to %scan3A_206 step %scan3A_207 iter_args(%scan3A_371 = %broadcast_in_dim3A_203, %scan3A_372 = %broadcast_in_dim3A_203, %scan3A_373 = %broadcast_in_dim3A_203, %scan3A_374 = %broadcast_in_dim3A_203) -> (vector<16xf32>, vector<16xf32>, vector<16xf32>, vector<16xf32>)  : i32 {
        %get3A = arith.index_cast %scan3A_370 : i32 to index
        %get3A_375 = arith.constant 0 : index
        %get3A_376 = tpu.vector_load %arg10[%get3A, %get3A_375] {strides = array<i32>} : memref<200x64xf32, #tpu.memory_space<vmem>>, vector<1x16xf32>,
        %get3A_377 = vector.shape_cast %get3A_376 : vector<1x16xf32> to vector<16xf32>
        %add3A_378 = arith.addf %scan3A_371, %get3A_377 : vector<16xf32>
        %get3A_379 = arith.index_cast %scan3A_370 : i32 to index
        %get3A_380 = arith.constant 16 : index
        %get3A_381 = tpu.vector_load %arg10[%get3A_379, %get3A_380] {strides = array<i32>} : memref<200x64xf32, #tpu.memory_space<vmem>>, vector<1x16xf32>,
        %get3A_382 = vector.shape_cast %get3A_381 : vector<1x16xf32> to vector<16xf32>
        %add3A_383 = arith.addf %scan3A_372, %get3A_382 : vector<16xf32>
        %get3A_384 = arith.index_cast %scan3A_370 : i32 to index
        %get3A_385 = arith.constant 32 : index
        %get3A_386 = tpu.vector_load %arg10[%get3A_384, %get3A_385] {strides = array<i32>} : memref<200x64xf32, #tpu.memory_space<vmem>>, vector<1x16xf32>,
        %get3A_387 = vector.shape_cast %get3A_386 : vector<1x16xf32> to vector<16xf32>
        %add3A_388 = arith.addf %scan3A_373, %get3A_387 : vector<16xf32>
        %get3A_389 = arith.index_cast %scan3A_370 : i32 to index
        %get3A_390 = arith.constant 48 : index
        %get3A_391 = tpu.vector_load %arg10[%get3A_389, %get3A_390] {strides = array<i32>} : memref<200x64xf32, #tpu.memory_space<vmem>>, vector<1x16xf32>,
        %get3A_392 = vector.shape_cast %get3A_391 : vector<1x16xf32> to vector<16xf32>
        %add3A_393 = arith.addf %scan3A_374, %get3A_392 : vector<16xf32>
        %scan3A_394 = arith.constant 1 : i32
        %scan3A_395 = arith.addi %scan3A_370, %scan3A_394 : i32
        %get3A_396 = arith.index_cast %scan3A_395 : i32 to index
        %get3A_397 = arith.constant 0 : index
        %get3A_398 = tpu.vector_load %arg10[%get3A_396, %get3A_397] {strides = array<i32>} : memref<200x64xf32, #tpu.memory_space<vmem>>, vector<1x16xf32>,
        %get3A_399 = vector.shape_cast %get3A_398 : vector<1x16xf32> to vector<16xf32>
        %add3A_400 = arith.addf %add3A_378, %get3A_399 : vector<16xf32>
        %get3A_401 = arith.index_cast %scan3A_395 : i32 to index
        %get3A_402 = arith.constant 16 : index
        %get3A_403 = tpu.vector_load %arg10[%get3A_401, %get3A_402] {strides = array<i32>} : memref<200x64xf32, #tpu.memory_space<vmem>>, vector<1x16xf32>,
        %get3A_404 = vector.shape_cast %get3A_403 : vector<1x16xf32> to vector<16xf32>
        %add3A_405 = arith.addf %add3A_383, %get3A_404 : vector<16xf32>
        %get3A_406 = arith.index_cast %scan3A_395 : i32 to index
        %get3A_407 = arith.constant 32 : index
        %get3A_408 = tpu.vector_load %arg10[%get3A_406, %get3A_407] {strides = array<i32>} : memref<200x64xf32, #tpu.memory_space<vmem>>, vector<1x16xf32>,
        %get3A_409 = vector.shape_cast %get3A_408 : vector<1x16xf32> to vector<16xf32>
        %add3A_410 = arith.addf %add3A_388, %get3A_409 : vector<16xf32>
        %get3A_411 = arith.index_cast %scan3A_395 : i32 to index
        %get3A_412 = arith.constant 48 : index
        %get3A_413 = tpu.vector_load %arg10[%get3A_411, %get3A_412] {strides = array<i32>} : memref<200x64xf32, #tpu.memory_space<vmem>>, vector<1x16xf32>,
        %get3A_414 = vector.shape_cast %get3A_413 : vector<1x16xf32> to vector<16xf32>
        %add3A_415 = arith.addf %add3A_393, %get3A_414 : vector<16xf32>
        %scan3A_416 = arith.constant 2 : i32
        %scan3A_417 = arith.addi %scan3A_370, %scan3A_416 : i32
        %get3A_418 = arith.index_cast %scan3A_417 : i32 to index
        %get3A_419 = arith.constant 0 : index
        %get3A_420 = tpu.vector_load %arg10[%get3A_418, %get3A_419] {strides = array<i32>} : memref<200x64xf32, #tpu.memory_space<vmem>>, vector<1x16xf32>,
        %get3A_421 = vector.shape_cast %get3A_420 : vector<1x16xf32> to vector<16xf32>
        %add3A_422 = arith.addf %add3A_400, %get3A_421 : vector<16xf32>
        %get3A_423 = arith.index_cast %scan3A_417 : i32 to index
        %get3A_424 = arith.constant 16 : index
        %get3A_425 = tpu.vector_load %arg10[%get3A_423, %get3A_424] {strides = array<i32>} : memref<200x64xf32, #tpu.memory_space<vmem>>, vector<1x16xf32>,
        %get3A_426 = vector.shape_cast %get3A_425 : vector<1x16xf32> to vector<16xf32>
        %add3A_427 = arith.addf %add3A_405, %get3A_426 : vector<16xf32>
        %get3A_428 = arith.index_cast %scan3A_417 : i32 to index
        %get3A_429 = arith.constant 32 : index
        %get3A_430 = tpu.vector_load %arg10[%get3A_428, %get3A_429] {strides = array<i32>} : memref<200x64xf32, #tpu.memory_space<vmem>>, vector<1x16xf32>,
        %get3A_431 = vector.shape_cast %get3A_430 : vector<1x16xf32> to vector<16xf32>
        %add3A_432 = arith.addf %add3A_410, %get3A_431 : vector<16xf32>
        %get3A_433 = arith.index_cast %scan3A_417 : i32 to index
        %get3A_434 = arith.constant 48 : index
        %get3A_435 = tpu.vector_load %arg10[%get3A_433, %get3A_434] {strides = array<i32>} : memref<200x64xf32, #tpu.memory_space<vmem>>, vector<1x16xf32>,
        %get3A_436 = vector.shape_cast %get3A_435 : vector<1x16xf32> to vector<16xf32>
        %add3A_437 = arith.addf %add3A_415, %get3A_436 : vector<16xf32>
        %scan3A_438 = arith.constant 3 : i32
        %scan3A_439 = arith.addi %scan3A_370, %scan3A_438 : i32
        %get3A_440 = arith.index_cast %scan3A_439 : i32 to index
        %get3A_441 = arith.constant 0 : index
        %get3A_442 = tpu.vector_load %arg10[%get3A_440, %get3A_441] {strides = array<i32>} : memref<200x64xf32, #tpu.memory_space<vmem>>, vector<1x16xf32>,
        %get3A_443 = vector.shape_cast %get3A_442 : vector<1x16xf32> to vector<16xf32>
        %add3A_444 = arith.addf %add3A_422, %get3A_443 : vector<16xf32>
        %get3A_445 = arith.index_cast %scan3A_439 : i32 to index
        %get3A_446 = arith.constant 16 : index
        %get3A_447 = tpu.vector_load %arg10[%get3A_445, %get3A_446] {strides = array<i32>} : memref<200x64xf32, #tpu.memory_space<vmem>>, vector<1x16xf32>,
        %get3A_448 = vector.shape_cast %get3A_447 : vector<1x16xf32> to vector<16xf32>
        %add3A_449 = arith.addf %add3A_427, %get3A_448 : vector<16xf32>
        %get3A_450 = arith.index_cast %scan3A_439 : i32 to index
        %get3A_451 = arith.constant 32 : index
        %get3A_452 = tpu.vector_load %arg10[%get3A_450, %get3A_451] {strides = array<i32>} : memref<200x64xf32, #tpu.memory_space<vmem>>, vector<1x16xf32>,
        %get3A_453 = vector.shape_cast %get3A_452 : vector<1x16xf32> to vector<16xf32>
        %add3A_454 = arith.addf %add3A_432, %get3A_453 : vector<16xf32>
        %get3A_455 = arith.index_cast %scan3A_439 : i32 to index
        %get3A_456 = arith.constant 48 : index
        %get3A_457 = tpu.vector_load %arg10[%get3A_455, %get3A_456] {strides = array<i32>} : memref<200x64xf32, #tpu.memory_space<vmem>>, vector<1x16xf32>,
        %get3A_458 = vector.shape_cast %get3A_457 : vector<1x16xf32> to vector<16xf32>
        %add3A_459 = arith.addf %add3A_437, %get3A_458 : vector<16xf32>
        %scan3A_460 = arith.constant 4 : i32
        %scan3A_461 = arith.addi %scan3A_370, %scan3A_460 : i32
        %get3A_462 = arith.index_cast %scan3A_461 : i32 to index
        %get3A_463 = arith.constant 0 : index
        %get3A_464 = tpu.vector_load %arg10[%get3A_462, %get3A_463] {strides = array<i32>} : memref<200x64xf32, #tpu.memory_space<vmem>>, vector<1x16xf32>,
        %get3A_465 = vector.shape_cast %get3A_464 : vector<1x16xf32> to vector<16xf32>
        %add3A_466 = arith.addf %add3A_444, %get3A_465 : vector<16xf32>
        %get3A_467 = arith.index_cast %scan3A_461 : i32 to index
        %get3A_468 = arith.constant 16 : index
        %get3A_469 = tpu.vector_load %arg10[%get3A_467, %get3A_468] {strides = array<i32>} : memref<200x64xf32, #tpu.memory_space<vmem>>, vector<1x16xf32>,
        %get3A_470 = vector.shape_cast %get3A_469 : vector<1x16xf32> to vector<16xf32>
        %add3A_471 = arith.addf %add3A_449, %get3A_470 : vector<16xf32>
        %get3A_472 = arith.index_cast %scan3A_461 : i32 to index
        %get3A_473 = arith.constant 32 : index
        %get3A_474 = tpu.vector_load %arg10[%get3A_472, %get3A_473] {strides = array<i32>} : memref<200x64xf32, #tpu.memory_space<vmem>>, vector<1x16xf32>,
        %get3A_475 = vector.shape_cast %get3A_474 : vector<1x16xf32> to vector<16xf32>
        %add3A_476 = arith.addf %add3A_454, %get3A_475 : vector<16xf32>
        %get3A_477 = arith.index_cast %scan3A_461 : i32 to index
        %get3A_478 = arith.constant 48 : index
        %get3A_479 = tpu.vector_load %arg10[%get3A_477, %get3A_478] {strides = array<i32>} : memref<200x64xf32, #tpu.memory_space<vmem>>, vector<1x16xf32>,
        %get3A_480 = vector.shape_cast %get3A_479 : vector<1x16xf32> to vector<16xf32>
        %add3A_481 = arith.addf %add3A_459, %get3A_480 : vector<16xf32>
        %scan3A_482 = arith.constant 5 : i32
        %scan3A_483 = arith.addi %scan3A_370, %scan3A_482 : i32
        %get3A_484 = arith.index_cast %scan3A_483 : i32 to index
        %get3A_485 = arith.constant 0 : index
        %get3A_486 = tpu.vector_load %arg10[%get3A_484, %get3A_485] {strides = array<i32>} : memref<200x64xf32, #tpu.memory_space<vmem>>, vector<1x16xf32>,
        %get3A_487 = vector.shape_cast %get3A_486 : vector<1x16xf32> to vector<16xf32>
        %add3A_488 = arith.addf %add3A_466, %get3A_487 : vector<16xf32>
        %get3A_489 = arith.index_cast %scan3A_483 : i32 to index
        %get3A_490 = arith.constant 16 : index
        %get3A_491 = tpu.vector_load %arg10[%get3A_489, %get3A_490] {strides = array<i32>} : memref<200x64xf32, #tpu.memory_space<vmem>>, vector<1x16xf32>,
        %get3A_492 = vector.shape_cast %get3A_491 : vector<1x16xf32> to vector<16xf32>
        %add3A_493 = arith.addf %add3A_471, %get3A_492 : vector<16xf32>
        %get3A_494 = arith.index_cast %scan3A_483 : i32 to index
        %get3A_495 = arith.constant 32 : index
        %get3A_496 = tpu.vector_load %arg10[%get3A_494, %get3A_495] {strides = array<i32>} : memref<200x64xf32, #tpu.memory_space<vmem>>, vector<1x16xf32>,
        %get3A_497 = vector.shape_cast %get3A_496 : vector<1x16xf32> to vector<16xf32>
        %add3A_498 = arith.addf %add3A_476, %get3A_497 : vector<16xf32>
        %get3A_499 = arith.index_cast %scan3A_483 : i32 to index
        %get3A_500 = arith.constant 48 : index
        %get3A_501 = tpu.vector_load %arg10[%get3A_499, %get3A_500] {strides = array<i32>} : memref<200x64xf32, #tpu.memory_space<vmem>>, vector<1x16xf32>,
        %get3A_502 = vector.shape_cast %get3A_501 : vector<1x16xf32> to vector<16xf32>
        %add3A_503 = arith.addf %add3A_481, %get3A_502 : vector<16xf32>
        %scan3A_504 = arith.constant 6 : i32
        %scan3A_505 = arith.addi %scan3A_370, %scan3A_504 : i32
        %get3A_506 = arith.index_cast %scan3A_505 : i32 to index
        %get3A_507 = arith.constant 0 : index
        %get3A_508 = tpu.vector_load %arg10[%get3A_506, %get3A_507] {strides = array<i32>} : memref<200x64xf32, #tpu.memory_space<vmem>>, vector<1x16xf32>,
        %get3A_509 = vector.shape_cast %get3A_508 : vector<1x16xf32> to vector<16xf32>
        %add3A_510 = arith.addf %add3A_488, %get3A_509 : vector<16xf32>
        %get3A_511 = arith.index_cast %scan3A_505 : i32 to index
        %get3A_512 = arith.constant 16 : index
        %get3A_513 = tpu.vector_load %arg10[%get3A_511, %get3A_512] {strides = array<i32>} : memref<200x64xf32, #tpu.memory_space<vmem>>, vector<1x16xf32>,
        %get3A_514 = vector.shape_cast %get3A_513 : vector<1x16xf32> to vector<16xf32>
        %add3A_515 = arith.addf %add3A_493, %get3A_514 : vector<16xf32>
        %get3A_516 = arith.index_cast %scan3A_505 : i32 to index
        %get3A_517 = arith.constant 32 : index
        %get3A_518 = tpu.vector_load %arg10[%get3A_516, %get3A_517] {strides = array<i32>} : memref<200x64xf32, #tpu.memory_space<vmem>>, vector<1x16xf32>,
        %get3A_519 = vector.shape_cast %get3A_518 : vector<1x16xf32> to vector<16xf32>
        %add3A_520 = arith.addf %add3A_498, %get3A_519 : vector<16xf32>
        %get3A_521 = arith.index_cast %scan3A_505 : i32 to index
        %get3A_522 = arith.constant 48 : index
        %get3A_523 = tpu.vector_load %arg10[%get3A_521, %get3A_522] {strides = array<i32>} : memref<200x64xf32, #tpu.memory_space<vmem>>, vector<1x16xf32>,
        %get3A_524 = vector.shape_cast %get3A_523 : vector<1x16xf32> to vector<16xf32>
        %add3A_525 = arith.addf %add3A_503, %get3A_524 : vector<16xf32>
        %scan3A_526 = arith.constant 7 : i32
        %scan3A_527 = arith.addi %scan3A_370, %scan3A_526 : i32
        %get3A_528 = arith.index_cast %scan3A_527 : i32 to index
        %get3A_529 = arith.constant 0 : index
        %get3A_530 = tpu.vector_load %arg10[%get3A_528, %get3A_529] {strides = array<i32>} : memref<200x64xf32, #tpu.memory_space<vmem>>, vector<1x16xf32>,
        %get3A_531 = vector.shape_cast %get3A_530 : vector<1x16xf32> to vector<16xf32>
        %add3A_532 = arith.addf %add3A_510, %get3A_531 : vector<16xf32>
        %get3A_533 = arith.index_cast %scan3A_527 : i32 to index
        %get3A_534 = arith.constant 16 : index
        %get3A_535 = tpu.vector_load %arg10[%get3A_533, %get3A_534] {strides = array<i32>} : memref<200x64xf32, #tpu.memory_space<vmem>>, vector<1x16xf32>,
        %get3A_536 = vector.shape_cast %get3A_535 : vector<1x16xf32> to vector<16xf32>
        %add3A_537 = arith.addf %add3A_515, %get3A_536 : vector<16xf32>
        %get3A_538 = arith.index_cast %scan3A_527 : i32 to index
        %get3A_539 = arith.constant 32 : index
        %get3A_540 = tpu.vector_load %arg10[%get3A_538, %get3A_539] {strides = array<i32>} : memref<200x64xf32, #tpu.memory_space<vmem>>, vector<1x16xf32>,
        %get3A_541 = vector.shape_cast %get3A_540 : vector<1x16xf32> to vector<16xf32>
        %add3A_542 = arith.addf %add3A_520, %get3A_541 : vector<16xf32>
        %get3A_543 = arith.index_cast %scan3A_527 : i32 to index
        %get3A_544 = arith.constant 48 : index
        %get3A_545 = tpu.vector_load %arg10[%get3A_543, %get3A_544] {strides = array<i32>} : memref<200x64xf32, #tpu.memory_space<vmem>>, vector<1x16xf32>,
        %get3A_546 = vector.shape_cast %get3A_545 : vector<1x16xf32> to vector<16xf32>
        %add3A_547 = arith.addf %add3A_525, %get3A_546 : vector<16xf32>
        scf.yield %add3A_532, %add3A_537, %add3A_542, %add3A_547 : vector<16xf32>, vector<16xf32>, vector<16xf32>, vector<16xf32>
      }
      %scan3A_209 = arith.constant 200 : i32
      %swap3A = arith.index_cast %add3A_202 : i32 to index
      %swap3A_210 = arith.constant 0 : index
      %swap3A_211 = tpu.vector_load %arg15[%swap3A, %swap3A_210] {strides = array<i32>} : memref<128x64xf32, #tpu.memory_space<vmem>>, vector<1x16xf32>,
      %swap3A_212 = vector.shape_cast %swap3A_211 : vector<1x16xf32> to vector<16xf32>
      %swap3A_213 = vector.shape_cast %scan3A_208#0 : vector<16xf32> to vector<1x16xf32>
      tpu.vector_store %arg15[%swap3A, %swap3A_210], %swap3A_213 {strides = array<i32>} : memref<128x64xf32, #tpu.memory_space<vmem>>, vector<1x16xf32>,
      %swap3A_214 = arith.index_cast %add3A_202 : i32 to index
      %swap3A_215 = arith.constant 16 : index
      %swap3A_216 = tpu.vector_load %arg15[%swap3A_214, %swap3A_215] {strides = array<i32>} : memref<128x64xf32, #tpu.memory_space<vmem>>, vector<1x16xf32>,
      %swap3A_217 = vector.shape_cast %swap3A_216 : vector<1x16xf32> to vector<16xf32>
      %swap3A_218 = vector.shape_cast %scan3A_208#1 : vector<16xf32> to vector<1x16xf32>
      tpu.vector_store %arg15[%swap3A_214, %swap3A_215], %swap3A_218 {strides = array<i32>} : memref<128x64xf32, #tpu.memory_space<vmem>>, vector<1x16xf32>,
      %swap3A_219 = arith.index_cast %add3A_202 : i32 to index
      %swap3A_220 = arith.constant 32 : index
      %swap3A_221 = tpu.vector_load %arg15[%swap3A_219, %swap3A_220] {strides = array<i32>} : memref<128x64xf32, #tpu.memory_space<vmem>>, vector<1x16xf32>,
      %swap3A_222 = vector.shape_cast %swap3A_221 : vector<1x16xf32> to vector<16xf32>
      %swap3A_223 = vector.shape_cast %scan3A_208#2 : vector<16xf32> to vector<1x16xf32>
      tpu.vector_store %arg15[%swap3A_219, %swap3A_220], %swap3A_223 {strides = array<i32>} : memref<128x64xf32, #tpu.memory_space<vmem>>, vector<1x16xf32>,
      %swap3A_224 = arith.index_cast %add3A_202 : i32 to index
      %swap3A_225 = arith.constant 48 : index
      %swap3A_226 = tpu.vector_load %arg15[%swap3A_224, %swap3A_225] {strides = array<i32>} : memref<128x64xf32, #tpu.memory_space<vmem>>, vector<1x16xf32>,
      %swap3A_227 = vector.shape_cast %swap3A_226 : vector<1x16xf32> to vector<16xf32>
      %swap3A_228 = vector.shape_cast %scan3A_208#3 : vector<16xf32> to vector<1x16xf32>
      tpu.vector_store %arg15[%swap3A_224, %swap3A_225], %swap3A_228 {strides = array<i32>} : memref<128x64xf32, #tpu.memory_space<vmem>>, vector<1x16xf32>,
      %add3A_229 = arith.constant 4 : i32
      %add3A_230 = arith.addi %add3A_194, %add3A_229 : i32
      %add3A_231 = arith.constant 0 : i32
      %add3A_232 = arith.addi %add3A_230, %add3A_231 : i32
      %lt3A = arith.constant 128 : i32
      %lt3A_233 = arith.cmpi slt, %add3A_232, %lt3A : i32
      %convert_element_type3A = arith.extui %lt3A_233 : i1 to i32
      %cond3A = arith.constant 0 : i32
      %cond3A_234 = arith.cmpi ne, %convert_element_type3A, %cond3A : i32
      scf.if %cond3A_234 {
        %add3A_370 = arith.constant 4 : i32
        %add3A_371 = arith.addi %add3A_194, %add3A_370 : i32
        %add3A_372 = arith.constant 0 : i32
        %add3A_373 = arith.addi %add3A_371, %add3A_372 : i32
        %dma_start3A_374 = arith.constant 0 : i32
        %dma_start3A_375 = arith.constant 0 : i32
        %dma_start3A_376 = tpu.memref_slice %arg10[%dma_start3A_374, %dma_start3A_375] : memref<200x64xf32, #tpu.memory_space<vmem>> -> memref<104x64xf32, #tpu.memory_space<vmem>>
        %dma_start3A_377 = arith.constant 0 : i32
        %dma_start3A_378 = tpu.memref_slice %arg9[%add3A_373, %dma_start3A_377] : memref<128x200xi32, #tpu.memory_space<vmem>> -> memref<1x104xi32, #tpu.memory_space<vmem>>
        %dma_start3A_379 = tpu.memref_squeeze %dma_start3A_378 : memref<1x104xi32, #tpu.memory_space<vmem>> -> memref<104xi32, #tpu.memory_space<vmem>>
        %dma_start3A_380 = arith.constant 0 : i32
        %dma_start3A_381 = arith.constant 0 : i32
        %dma_start3A_382 = tpu.memref_slice %arg5[%dma_start3A_380, %dma_start3A_381] : memref<100000x64xf32, #tpu.memory_space<hbm>> -> memref<100000x64xf32, #tpu.memory_space<hbm>>
        tpu.enqueue_indirect_dma source(%dma_start3A_382 : memref<100000x64xf32, #tpu.memory_space<hbm>>) target(%dma_start3A_376 : memref<104x64xf32, #tpu.memory_space<vmem>>) offsets(%dma_start3A_379 : memref<104xi32, #tpu.memory_space<vmem>>) semaphore(%arg16 : memref<!tpu.dma_semaphore, #tpu.memory_space<semaphore_mem>>)
        %dma_start3A_383 = arith.constant 104 : i32
        %dma_start3A_384 = arith.constant 0 : i32
        %dma_start3A_385 = tpu.memref_slice %arg10[%dma_start3A_383, %dma_start3A_384] : memref<200x64xf32, #tpu.memory_space<vmem>> -> memref<96x64xf32, #tpu.memory_space<vmem>>
        %dma_start3A_386 = arith.constant 104 : i32
        %dma_start3A_387 = tpu.memref_slice %arg9[%add3A_373, %dma_start3A_386] : memref<128x200xi32, #tpu.memory_space<vmem>> -> memref<1x96xi32, #tpu.memory_space<vmem>>
        %dma_start3A_388 = tpu.memref_squeeze %dma_start3A_387 : memref<1x96xi32, #tpu.memory_space<vmem>> -> memref<96xi32, #tpu.memory_space<vmem>>
        %dma_start3A_389 = arith.constant 0 : i32
        %dma_start3A_390 = arith.constant 0 : i32
        %dma_start3A_391 = tpu.memref_slice %arg5[%dma_start3A_389, %dma_start3A_390] : memref<100000x64xf32, #tpu.memory_space<hbm>> -> memref<100000x64xf32, #tpu.memory_space<hbm>>
        tpu.enqueue_indirect_dma source(%dma_start3A_391 : memref<100000x64xf32, #tpu.memory_space<hbm>>) target(%dma_start3A_385 : memref<96x64xf32, #tpu.memory_space<vmem>>) offsets(%dma_start3A_388 : memref<96xi32, #tpu.memory_space<vmem>>) semaphore(%arg16 : memref<!tpu.dma_semaphore, #tpu.memory_space<semaphore_mem>>)
      } else {
      }
      %dma_wait3A_235 = arith.constant 0 : i32
      %dma_wait3A_236 = arith.constant 0 : i32
      %dma_wait3A_237 = tpu.memref_slice %arg5[%dma_wait3A_235, %dma_wait3A_236] : memref<100000x64xf32, #tpu.memory_space<hbm>> -> memref<200x64xf32, #tpu.memory_space<hbm>>
      %dma_wait3A_238 = arith.constant 0 : i32
      %dma_wait3A_239 = arith.constant 0 : i32
      %dma_wait3A_240 = tpu.memref_slice %arg5[%dma_wait3A_238, %dma_wait3A_239] : memref<100000x64xf32, #tpu.memory_space<hbm>> -> memref<200x64xf32, #tpu.memory_space<hbm>>
      tpu.wait_dma2 semaphore(%arg17 : memref<!tpu.dma_semaphore, #tpu.memory_space<semaphore_mem>>) src(%dma_wait3A_240 : memref<200x64xf32, #tpu.memory_space<hbm>>) dst(%arg11 : memref<200x64xf32, #tpu.memory_space<vmem>>)
      %add3A_241 = arith.constant 1 : i32
      %add3A_242 = arith.addi %add3A_194, %add3A_241 : i32
      %broadcast_in_dim3A_243 = arith.constant 0.000000e+00 : f32
      %broadcast_in_dim3A_244 = vector.broadcast %broadcast_in_dim3A_243 : f32 to vector<16xf32>
      %scan3A_245 = arith.constant 0 : i32
      %scan3A_246 = arith.constant 200 : i32
      %scan3A_247 = arith.addi %scan3A_245, %scan3A_246 : i32
      %scan3A_248 = arith.constant 8 : i32
      %scan3A_249:4 = scf.for %scan3A_370 = %scan3A_245 to %scan3A_247 step %scan3A_248 iter_args(%scan3A_371 = %broadcast_in_dim3A_244, %scan3A_372 = %broadcast_in_dim3A_244, %scan3A_373 = %broadcast_in_dim3A_244, %scan3A_374 = %broadcast_in_dim3A_244) -> (vector<16xf32>, vector<16xf32>, vector<16xf32>, vector<16xf32>)  : i32 {
        %get3A = arith.index_cast %scan3A_370 : i32 to index
        %get3A_375 = arith.constant 0 : index
        %get3A_376 = tpu.vector_load %arg11[%get3A, %get3A_375] {strides = array<i32>} : memref<200x64xf32, #tpu.memory_space<vmem>>, vector<1x16xf32>,
        %get3A_377 = vector.shape_cast %get3A_376 : vector<1x16xf32> to vector<16xf32>
        %add3A_378 = arith.addf %scan3A_371, %get3A_377 : vector<16xf32>
        %get3A_379 = arith.index_cast %scan3A_370 : i32 to index
        %get3A_380 = arith.constant 16 : index
        %get3A_381 = tpu.vector_load %arg11[%get3A_379, %get3A_380] {strides = array<i32>} : memref<200x64xf32, #tpu.memory_space<vmem>>, vector<1x16xf32>,
        %get3A_382 = vector.shape_cast %get3A_381 : vector<1x16xf32> to vector<16xf32>
        %add3A_383 = arith.addf %scan3A_372, %get3A_382 : vector<16xf32>
        %get3A_384 = arith.index_cast %scan3A_370 : i32 to index
        %get3A_385 = arith.constant 32 : index
        %get3A_386 = tpu.vector_load %arg11[%get3A_384, %get3A_385] {strides = array<i32>} : memref<200x64xf32, #tpu.memory_space<vmem>>, vector<1x16xf32>,
        %get3A_387 = vector.shape_cast %get3A_386 : vector<1x16xf32> to vector<16xf32>
        %add3A_388 = arith.addf %scan3A_373, %get3A_387 : vector<16xf32>
        %get3A_389 = arith.index_cast %scan3A_370 : i32 to index
        %get3A_390 = arith.constant 48 : index
        %get3A_391 = tpu.vector_load %arg11[%get3A_389, %get3A_390] {strides = array<i32>} : memref<200x64xf32, #tpu.memory_space<vmem>>, vector<1x16xf32>,
        %get3A_392 = vector.shape_cast %get3A_391 : vector<1x16xf32> to vector<16xf32>
        %add3A_393 = arith.addf %scan3A_374, %get3A_392 : vector<16xf32>
        %scan3A_394 = arith.constant 1 : i32
        %scan3A_395 = arith.addi %scan3A_370, %scan3A_394 : i32
        %get3A_396 = arith.index_cast %scan3A_395 : i32 to index
        %get3A_397 = arith.constant 0 : index
        %get3A_398 = tpu.vector_load %arg11[%get3A_396, %get3A_397] {strides = array<i32>} : memref<200x64xf32, #tpu.memory_space<vmem>>, vector<1x16xf32>,
        %get3A_399 = vector.shape_cast %get3A_398 : vector<1x16xf32> to vector<16xf32>
        %add3A_400 = arith.addf %add3A_378, %get3A_399 : vector<16xf32>
        %get3A_401 = arith.index_cast %scan3A_395 : i32 to index
        %get3A_402 = arith.constant 16 : index
        %get3A_403 = tpu.vector_load %arg11[%get3A_401, %get3A_402] {strides = array<i32>} : memref<200x64xf32, #tpu.memory_space<vmem>>, vector<1x16xf32>,
        %get3A_404 = vector.shape_cast %get3A_403 : vector<1x16xf32> to vector<16xf32>
        %add3A_405 = arith.addf %add3A_383, %get3A_404 : vector<16xf32>
        %get3A_406 = arith.index_cast %scan3A_395 : i32 to index
        %get3A_407 = arith.constant 32 : index
        %get3A_408 = tpu.vector_load %arg11[%get3A_406, %get3A_407] {strides = array<i32>} : memref<200x64xf32, #tpu.memory_space<vmem>>, vector<1x16xf32>,
        %get3A_409 = vector.shape_cast %get3A_408 : vector<1x16xf32> to vector<16xf32>
        %add3A_410 = arith.addf %add3A_388, %get3A_409 : vector<16xf32>
        %get3A_411 = arith.index_cast %scan3A_395 : i32 to index
        %get3A_412 = arith.constant 48 : index
        %get3A_413 = tpu.vector_load %arg11[%get3A_411, %get3A_412] {strides = array<i32>} : memref<200x64xf32, #tpu.memory_space<vmem>>, vector<1x16xf32>,
        %get3A_414 = vector.shape_cast %get3A_413 : vector<1x16xf32> to vector<16xf32>
        %add3A_415 = arith.addf %add3A_393, %get3A_414 : vector<16xf32>
        %scan3A_416 = arith.constant 2 : i32
        %scan3A_417 = arith.addi %scan3A_370, %scan3A_416 : i32
        %get3A_418 = arith.index_cast %scan3A_417 : i32 to index
        %get3A_419 = arith.constant 0 : index
        %get3A_420 = tpu.vector_load %arg11[%get3A_418, %get3A_419] {strides = array<i32>} : memref<200x64xf32, #tpu.memory_space<vmem>>, vector<1x16xf32>,
        %get3A_421 = vector.shape_cast %get3A_420 : vector<1x16xf32> to vector<16xf32>
        %add3A_422 = arith.addf %add3A_400, %get3A_421 : vector<16xf32>
        %get3A_423 = arith.index_cast %scan3A_417 : i32 to index
        %get3A_424 = arith.constant 16 : index
        %get3A_425 = tpu.vector_load %arg11[%get3A_423, %get3A_424] {strides = array<i32>} : memref<200x64xf32, #tpu.memory_space<vmem>>, vector<1x16xf32>,
        %get3A_426 = vector.shape_cast %get3A_425 : vector<1x16xf32> to vector<16xf32>
        %add3A_427 = arith.addf %add3A_405, %get3A_426 : vector<16xf32>
        %get3A_428 = arith.index_cast %scan3A_417 : i32 to index
        %get3A_429 = arith.constant 32 : index
        %get3A_430 = tpu.vector_load %arg11[%get3A_428, %get3A_429] {strides = array<i32>} : memref<200x64xf32, #tpu.memory_space<vmem>>, vector<1x16xf32>,
        %get3A_431 = vector.shape_cast %get3A_430 : vector<1x16xf32> to vector<16xf32>
        %add3A_432 = arith.addf %add3A_410, %get3A_431 : vector<16xf32>
        %get3A_433 = arith.index_cast %scan3A_417 : i32 to index
        %get3A_434 = arith.constant 48 : index
        %get3A_435 = tpu.vector_load %arg11[%get3A_433, %get3A_434] {strides = array<i32>} : memref<200x64xf32, #tpu.memory_space<vmem>>, vector<1x16xf32>,
        %get3A_436 = vector.shape_cast %get3A_435 : vector<1x16xf32> to vector<16xf32>
        %add3A_437 = arith.addf %add3A_415, %get3A_436 : vector<16xf32>
        %scan3A_438 = arith.constant 3 : i32
        %scan3A_439 = arith.addi %scan3A_370, %scan3A_438 : i32
        %get3A_440 = arith.index_cast %scan3A_439 : i32 to index
        %get3A_441 = arith.constant 0 : index
        %get3A_442 = tpu.vector_load %arg11[%get3A_440, %get3A_441] {strides = array<i32>} : memref<200x64xf32, #tpu.memory_space<vmem>>, vector<1x16xf32>,
        %get3A_443 = vector.shape_cast %get3A_442 : vector<1x16xf32> to vector<16xf32>
        %add3A_444 = arith.addf %add3A_422, %get3A_443 : vector<16xf32>
        %get3A_445 = arith.index_cast %scan3A_439 : i32 to index
        %get3A_446 = arith.constant 16 : index
        %get3A_447 = tpu.vector_load %arg11[%get3A_445, %get3A_446] {strides = array<i32>} : memref<200x64xf32, #tpu.memory_space<vmem>>, vector<1x16xf32>,
        %get3A_448 = vector.shape_cast %get3A_447 : vector<1x16xf32> to vector<16xf32>
        %add3A_449 = arith.addf %add3A_427, %get3A_448 : vector<16xf32>
        %get3A_450 = arith.index_cast %scan3A_439 : i32 to index
        %get3A_451 = arith.constant 32 : index
        %get3A_452 = tpu.vector_load %arg11[%get3A_450, %get3A_451] {strides = array<i32>} : memref<200x64xf32, #tpu.memory_space<vmem>>, vector<1x16xf32>,
        %get3A_453 = vector.shape_cast %get3A_452 : vector<1x16xf32> to vector<16xf32>
        %add3A_454 = arith.addf %add3A_432, %get3A_453 : vector<16xf32>
        %get3A_455 = arith.index_cast %scan3A_439 : i32 to index
        %get3A_456 = arith.constant 48 : index
        %get3A_457 = tpu.vector_load %arg11[%get3A_455, %get3A_456] {strides = array<i32>} : memref<200x64xf32, #tpu.memory_space<vmem>>, vector<1x16xf32>,
        %get3A_458 = vector.shape_cast %get3A_457 : vector<1x16xf32> to vector<16xf32>
        %add3A_459 = arith.addf %add3A_437, %get3A_458 : vector<16xf32>
        %scan3A_460 = arith.constant 4 : i32
        %scan3A_461 = arith.addi %scan3A_370, %scan3A_460 : i32
        %get3A_462 = arith.index_cast %scan3A_461 : i32 to index
        %get3A_463 = arith.constant 0 : index
        %get3A_464 = tpu.vector_load %arg11[%get3A_462, %get3A_463] {strides = array<i32>} : memref<200x64xf32, #tpu.memory_space<vmem>>, vector<1x16xf32>,
        %get3A_465 = vector.shape_cast %get3A_464 : vector<1x16xf32> to vector<16xf32>
        %add3A_466 = arith.addf %add3A_444, %get3A_465 : vector<16xf32>
        %get3A_467 = arith.index_cast %scan3A_461 : i32 to index
        %get3A_468 = arith.constant 16 : index
        %get3A_469 = tpu.vector_load %arg11[%get3A_467, %get3A_468] {strides = array<i32>} : memref<200x64xf32, #tpu.memory_space<vmem>>, vector<1x16xf32>,
        %get3A_470 = vector.shape_cast %get3A_469 : vector<1x16xf32> to vector<16xf32>
        %add3A_471 = arith.addf %add3A_449, %get3A_470 : vector<16xf32>
        %get3A_472 = arith.index_cast %scan3A_461 : i32 to index
        %get3A_473 = arith.constant 32 : index
        %get3A_474 = tpu.vector_load %arg11[%get3A_472, %get3A_473] {strides = array<i32>} : memref<200x64xf32, #tpu.memory_space<vmem>>, vector<1x16xf32>,
        %get3A_475 = vector.shape_cast %get3A_474 : vector<1x16xf32> to vector<16xf32>
        %add3A_476 = arith.addf %add3A_454, %get3A_475 : vector<16xf32>
        %get3A_477 = arith.index_cast %scan3A_461 : i32 to index
        %get3A_478 = arith.constant 48 : index
        %get3A_479 = tpu.vector_load %arg11[%get3A_477, %get3A_478] {strides = array<i32>} : memref<200x64xf32, #tpu.memory_space<vmem>>, vector<1x16xf32>,
        %get3A_480 = vector.shape_cast %get3A_479 : vector<1x16xf32> to vector<16xf32>
        %add3A_481 = arith.addf %add3A_459, %get3A_480 : vector<16xf32>
        %scan3A_482 = arith.constant 5 : i32
        %scan3A_483 = arith.addi %scan3A_370, %scan3A_482 : i32
        %get3A_484 = arith.index_cast %scan3A_483 : i32 to index
        %get3A_485 = arith.constant 0 : index
        %get3A_486 = tpu.vector_load %arg11[%get3A_484, %get3A_485] {strides = array<i32>} : memref<200x64xf32, #tpu.memory_space<vmem>>, vector<1x16xf32>,
        %get3A_487 = vector.shape_cast %get3A_486 : vector<1x16xf32> to vector<16xf32>
        %add3A_488 = arith.addf %add3A_466, %get3A_487 : vector<16xf32>
        %get3A_489 = arith.index_cast %scan3A_483 : i32 to index
        %get3A_490 = arith.constant 16 : index
        %get3A_491 = tpu.vector_load %arg11[%get3A_489, %get3A_490] {strides = array<i32>} : memref<200x64xf32, #tpu.memory_space<vmem>>, vector<1x16xf32>,
        %get3A_492 = vector.shape_cast %get3A_491 : vector<1x16xf32> to vector<16xf32>
        %add3A_493 = arith.addf %add3A_471, %get3A_492 : vector<16xf32>
        %get3A_494 = arith.index_cast %scan3A_483 : i32 to index
        %get3A_495 = arith.constant 32 : index
        %get3A_496 = tpu.vector_load %arg11[%get3A_494, %get3A_495] {strides = array<i32>} : memref<200x64xf32, #tpu.memory_space<vmem>>, vector<1x16xf32>,
        %get3A_497 = vector.shape_cast %get3A_496 : vector<1x16xf32> to vector<16xf32>
        %add3A_498 = arith.addf %add3A_476, %get3A_497 : vector<16xf32>
        %get3A_499 = arith.index_cast %scan3A_483 : i32 to index
        %get3A_500 = arith.constant 48 : index
        %get3A_501 = tpu.vector_load %arg11[%get3A_499, %get3A_500] {strides = array<i32>} : memref<200x64xf32, #tpu.memory_space<vmem>>, vector<1x16xf32>,
        %get3A_502 = vector.shape_cast %get3A_501 : vector<1x16xf32> to vector<16xf32>
        %add3A_503 = arith.addf %add3A_481, %get3A_502 : vector<16xf32>
        %scan3A_504 = arith.constant 6 : i32
        %scan3A_505 = arith.addi %scan3A_370, %scan3A_504 : i32
        %get3A_506 = arith.index_cast %scan3A_505 : i32 to index
        %get3A_507 = arith.constant 0 : index
        %get3A_508 = tpu.vector_load %arg11[%get3A_506, %get3A_507] {strides = array<i32>} : memref<200x64xf32, #tpu.memory_space<vmem>>, vector<1x16xf32>,
        %get3A_509 = vector.shape_cast %get3A_508 : vector<1x16xf32> to vector<16xf32>
        %add3A_510 = arith.addf %add3A_488, %get3A_509 : vector<16xf32>
        %get3A_511 = arith.index_cast %scan3A_505 : i32 to index
        %get3A_512 = arith.constant 16 : index
        %get3A_513 = tpu.vector_load %arg11[%get3A_511, %get3A_512] {strides = array<i32>} : memref<200x64xf32, #tpu.memory_space<vmem>>, vector<1x16xf32>,
        %get3A_514 = vector.shape_cast %get3A_513 : vector<1x16xf32> to vector<16xf32>
        %add3A_515 = arith.addf %add3A_493, %get3A_514 : vector<16xf32>
        %get3A_516 = arith.index_cast %scan3A_505 : i32 to index
        %get3A_517 = arith.constant 32 : index
        %get3A_518 = tpu.vector_load %arg11[%get3A_516, %get3A_517] {strides = array<i32>} : memref<200x64xf32, #tpu.memory_space<vmem>>, vector<1x16xf32>,
        %get3A_519 = vector.shape_cast %get3A_518 : vector<1x16xf32> to vector<16xf32>
        %add3A_520 = arith.addf %add3A_498, %get3A_519 : vector<16xf32>
        %get3A_521 = arith.index_cast %scan3A_505 : i32 to index
        %get3A_522 = arith.constant 48 : index
        %get3A_523 = tpu.vector_load %arg11[%get3A_521, %get3A_522] {strides = array<i32>} : memref<200x64xf32, #tpu.memory_space<vmem>>, vector<1x16xf32>,
        %get3A_524 = vector.shape_cast %get3A_523 : vector<1x16xf32> to vector<16xf32>
        %add3A_525 = arith.addf %add3A_503, %get3A_524 : vector<16xf32>
        %scan3A_526 = arith.constant 7 : i32
        %scan3A_527 = arith.addi %scan3A_370, %scan3A_526 : i32
        %get3A_528 = arith.index_cast %scan3A_527 : i32 to index
        %get3A_529 = arith.constant 0 : index
        %get3A_530 = tpu.vector_load %arg11[%get3A_528, %get3A_529] {strides = array<i32>} : memref<200x64xf32, #tpu.memory_space<vmem>>, vector<1x16xf32>,
        %get3A_531 = vector.shape_cast %get3A_530 : vector<1x16xf32> to vector<16xf32>
        %add3A_532 = arith.addf %add3A_510, %get3A_531 : vector<16xf32>
        %get3A_533 = arith.index_cast %scan3A_527 : i32 to index
        %get3A_534 = arith.constant 16 : index
        %get3A_535 = tpu.vector_load %arg11[%get3A_533, %get3A_534] {strides = array<i32>} : memref<200x64xf32, #tpu.memory_space<vmem>>, vector<1x16xf32>,
        %get3A_536 = vector.shape_cast %get3A_535 : vector<1x16xf32> to vector<16xf32>
        %add3A_537 = arith.addf %add3A_515, %get3A_536 : vector<16xf32>
        %get3A_538 = arith.index_cast %scan3A_527 : i32 to index
        %get3A_539 = arith.constant 32 : index
        %get3A_540 = tpu.vector_load %arg11[%get3A_538, %get3A_539] {strides = array<i32>} : memref<200x64xf32, #tpu.memory_space<vmem>>, vector<1x16xf32>,
        %get3A_541 = vector.shape_cast %get3A_540 : vector<1x16xf32> to vector<16xf32>
        %add3A_542 = arith.addf %add3A_520, %get3A_541 : vector<16xf32>
        %get3A_543 = arith.index_cast %scan3A_527 : i32 to index
        %get3A_544 = arith.constant 48 : index
        %get3A_545 = tpu.vector_load %arg11[%get3A_543, %get3A_544] {strides = array<i32>} : memref<200x64xf32, #tpu.memory_space<vmem>>, vector<1x16xf32>,
        %get3A_546 = vector.shape_cast %get3A_545 : vector<1x16xf32> to vector<16xf32>
        %add3A_547 = arith.addf %add3A_525, %get3A_546 : vector<16xf32>
        scf.yield %add3A_532, %add3A_537, %add3A_542, %add3A_547 : vector<16xf32>, vector<16xf32>, vector<16xf32>, vector<16xf32>
      }
      %scan3A_250 = arith.constant 200 : i32
      %swap3A_251 = arith.index_cast %add3A_242 : i32 to index
      %swap3A_252 = arith.constant 0 : index
      %swap3A_253 = tpu.vector_load %arg15[%swap3A_251, %swap3A_252] {strides = array<i32>} : memref<128x64xf32, #tpu.memory_space<vmem>>, vector<1x16xf32>,
      %swap3A_254 = vector.shape_cast %swap3A_253 : vector<1x16xf32> to vector<16xf32>
      %swap3A_255 = vector.shape_cast %scan3A_249#0 : vector<16xf32> to vector<1x16xf32>
      tpu.vector_store %arg15[%swap3A_251, %swap3A_252], %swap3A_255 {strides = array<i32>} : memref<128x64xf32, #tpu.memory_space<vmem>>, vector<1x16xf32>,
      %swap3A_256 = arith.index_cast %add3A_242 : i32 to index
      %swap3A_257 = arith.constant 16 : index
      %swap3A_258 = tpu.vector_load %arg15[%swap3A_256, %swap3A_257] {strides = array<i32>} : memref<128x64xf32, #tpu.memory_space<vmem>>, vector<1x16xf32>,
      %swap3A_259 = vector.shape_cast %swap3A_258 : vector<1x16xf32> to vector<16xf32>
      %swap3A_260 = vector.shape_cast %scan3A_249#1 : vector<16xf32> to vector<1x16xf32>
      tpu.vector_store %arg15[%swap3A_256, %swap3A_257], %swap3A_260 {strides = array<i32>} : memref<128x64xf32, #tpu.memory_space<vmem>>, vector<1x16xf32>,
      %swap3A_261 = arith.index_cast %add3A_242 : i32 to index
      %swap3A_262 = arith.constant 32 : index
      %swap3A_263 = tpu.vector_load %arg15[%swap3A_261, %swap3A_262] {strides = array<i32>} : memref<128x64xf32, #tpu.memory_space<vmem>>, vector<1x16xf32>,
      %swap3A_264 = vector.shape_cast %swap3A_263 : vector<1x16xf32> to vector<16xf32>
      %swap3A_265 = vector.shape_cast %scan3A_249#2 : vector<16xf32> to vector<1x16xf32>
      tpu.vector_store %arg15[%swap3A_261, %swap3A_262], %swap3A_265 {strides = array<i32>} : memref<128x64xf32, #tpu.memory_space<vmem>>, vector<1x16xf32>,
      %swap3A_266 = arith.index_cast %add3A_242 : i32 to index
      %swap3A_267 = arith.constant 48 : index
      %swap3A_268 = tpu.vector_load %arg15[%swap3A_266, %swap3A_267] {strides = array<i32>} : memref<128x64xf32, #tpu.memory_space<vmem>>, vector<1x16xf32>,
      %swap3A_269 = vector.shape_cast %swap3A_268 : vector<1x16xf32> to vector<16xf32>
      %swap3A_270 = vector.shape_cast %scan3A_249#3 : vector<16xf32> to vector<1x16xf32>
      tpu.vector_store %arg15[%swap3A_266, %swap3A_267], %swap3A_270 {strides = array<i32>} : memref<128x64xf32, #tpu.memory_space<vmem>>, vector<1x16xf32>,
      %add3A_271 = arith.constant 4 : i32
      %add3A_272 = arith.addi %add3A_194, %add3A_271 : i32
      %add3A_273 = arith.constant 1 : i32
      %add3A_274 = arith.addi %add3A_272, %add3A_273 : i32
      %lt3A_275 = arith.constant 128 : i32
      %lt3A_276 = arith.cmpi slt, %add3A_274, %lt3A_275 : i32
      %convert_element_type3A_277 = arith.extui %lt3A_276 : i1 to i32
      %cond3A_278 = arith.constant 0 : i32
      %cond3A_279 = arith.cmpi ne, %convert_element_type3A_277, %cond3A_278 : i32
      scf.if %cond3A_279 {
        %add3A_370 = arith.constant 4 : i32
        %add3A_371 = arith.addi %add3A_194, %add3A_370 : i32
        %add3A_372 = arith.constant 1 : i32
        %add3A_373 = arith.addi %add3A_371, %add3A_372 : i32
        %dma_start3A_374 = arith.constant 0 : i32
        %dma_start3A_375 = arith.constant 0 : i32
        %dma_start3A_376 = tpu.memref_slice %arg11[%dma_start3A_374, %dma_start3A_375] : memref<200x64xf32, #tpu.memory_space<vmem>> -> memref<104x64xf32, #tpu.memory_space<vmem>>
        %dma_start3A_377 = arith.constant 0 : i32
        %dma_start3A_378 = tpu.memref_slice %arg9[%add3A_373, %dma_start3A_377] : memref<128x200xi32, #tpu.memory_space<vmem>> -> memref<1x104xi32, #tpu.memory_space<vmem>>
        %dma_start3A_379 = tpu.memref_squeeze %dma_start3A_378 : memref<1x104xi32, #tpu.memory_space<vmem>> -> memref<104xi32, #tpu.memory_space<vmem>>
        %dma_start3A_380 = arith.constant 0 : i32
        %dma_start3A_381 = arith.constant 0 : i32
        %dma_start3A_382 = tpu.memref_slice %arg5[%dma_start3A_380, %dma_start3A_381] : memref<100000x64xf32, #tpu.memory_space<hbm>> -> memref<100000x64xf32, #tpu.memory_space<hbm>>
        tpu.enqueue_indirect_dma source(%dma_start3A_382 : memref<100000x64xf32, #tpu.memory_space<hbm>>) target(%dma_start3A_376 : memref<104x64xf32, #tpu.memory_space<vmem>>) offsets(%dma_start3A_379 : memref<104xi32, #tpu.memory_space<vmem>>) semaphore(%arg17 : memref<!tpu.dma_semaphore, #tpu.memory_space<semaphore_mem>>)
        %dma_start3A_383 = arith.constant 104 : i32
        %dma_start3A_384 = arith.constant 0 : i32
        %dma_start3A_385 = tpu.memref_slice %arg11[%dma_start3A_383, %dma_start3A_384] : memref<200x64xf32, #tpu.memory_space<vmem>> -> memref<96x64xf32, #tpu.memory_space<vmem>>
        %dma_start3A_386 = arith.constant 104 : i32
        %dma_start3A_387 = tpu.memref_slice %arg9[%add3A_373, %dma_start3A_386] : memref<128x200xi32, #tpu.memory_space<vmem>> -> memref<1x96xi32, #tpu.memory_space<vmem>>
        %dma_start3A_388 = tpu.memref_squeeze %dma_start3A_387 : memref<1x96xi32, #tpu.memory_space<vmem>> -> memref<96xi32, #tpu.memory_space<vmem>>
        %dma_start3A_389 = arith.constant 0 : i32
        %dma_start3A_390 = arith.constant 0 : i32
        %dma_start3A_391 = tpu.memref_slice %arg5[%dma_start3A_389, %dma_start3A_390] : memref<100000x64xf32, #tpu.memory_space<hbm>> -> memref<100000x64xf32, #tpu.memory_space<hbm>>
        tpu.enqueue_indirect_dma source(%dma_start3A_391 : memref<100000x64xf32, #tpu.memory_space<hbm>>) target(%dma_start3A_385 : memref<96x64xf32, #tpu.memory_space<vmem>>) offsets(%dma_start3A_388 : memref<96xi32, #tpu.memory_space<vmem>>) semaphore(%arg17 : memref<!tpu.dma_semaphore, #tpu.memory_space<semaphore_mem>>)
      } else {
      }
      %dma_wait3A_280 = arith.constant 0 : i32
      %dma_wait3A_281 = arith.constant 0 : i32
      %dma_wait3A_282 = tpu.memref_slice %arg5[%dma_wait3A_280, %dma_wait3A_281] : memref<100000x64xf32, #tpu.memory_space<hbm>> -> memref<200x64xf32, #tpu.memory_space<hbm>>
      %dma_wait3A_283 = arith.constant 0 : i32
      %dma_wait3A_284 = arith.constant 0 : i32
      %dma_wait3A_285 = tpu.memref_slice %arg5[%dma_wait3A_283, %dma_wait3A_284] : memref<100000x64xf32, #tpu.memory_space<hbm>> -> memref<200x64xf32, #tpu.memory_space<hbm>>
      tpu.wait_dma2 semaphore(%arg18 : memref<!tpu.dma_semaphore, #tpu.memory_space<semaphore_mem>>) src(%dma_wait3A_285 : memref<200x64xf32, #tpu.memory_space<hbm>>) dst(%arg12 : memref<200x64xf32, #tpu.memory_space<vmem>>)
      %add3A_286 = arith.constant 2 : i32
      %add3A_287 = arith.addi %add3A_194, %add3A_286 : i32
      %broadcast_in_dim3A_288 = arith.constant 0.000000e+00 : f32
      %broadcast_in_dim3A_289 = vector.broadcast %broadcast_in_dim3A_288 : f32 to vector<16xf32>
      %scan3A_290 = arith.constant 0 : i32
      %scan3A_291 = arith.constant 200 : i32
      %scan3A_292 = arith.addi %scan3A_290, %scan3A_291 : i32
      %scan3A_293 = arith.constant 8 : i32
      %scan3A_294:4 = scf.for %scan3A_370 = %scan3A_290 to %scan3A_292 step %scan3A_293 iter_args(%scan3A_371 = %broadcast_in_dim3A_289, %scan3A_372 = %broadcast_in_dim3A_289, %scan3A_373 = %broadcast_in_dim3A_289, %scan3A_374 = %broadcast_in_dim3A_289) -> (vector<16xf32>, vector<16xf32>, vector<16xf32>, vector<16xf32>)  : i32 {
        %get3A = arith.index_cast %scan3A_370 : i32 to index
        %get3A_375 = arith.constant 0 : index
        %get3A_376 = tpu.vector_load %arg12[%get3A, %get3A_375] {strides = array<i32>} : memref<200x64xf32, #tpu.memory_space<vmem>>, vector<1x16xf32>,
        %get3A_377 = vector.shape_cast %get3A_376 : vector<1x16xf32> to vector<16xf32>
        %add3A_378 = arith.addf %scan3A_371, %get3A_377 : vector<16xf32>
        %get3A_379 = arith.index_cast %scan3A_370 : i32 to index
        %get3A_380 = arith.constant 16 : index
        %get3A_381 = tpu.vector_load %arg12[%get3A_379, %get3A_380] {strides = array<i32>} : memref<200x64xf32, #tpu.memory_space<vmem>>, vector<1x16xf32>,
        %get3A_382 = vector.shape_cast %get3A_381 : vector<1x16xf32> to vector<16xf32>
        %add3A_383 = arith.addf %scan3A_372, %get3A_382 : vector<16xf32>
        %get3A_384 = arith.index_cast %scan3A_370 : i32 to index
        %get3A_385 = arith.constant 32 : index
        %get3A_386 = tpu.vector_load %arg12[%get3A_384, %get3A_385] {strides = array<i32>} : memref<200x64xf32, #tpu.memory_space<vmem>>, vector<1x16xf32>,
        %get3A_387 = vector.shape_cast %get3A_386 : vector<1x16xf32> to vector<16xf32>
        %add3A_388 = arith.addf %scan3A_373, %get3A_387 : vector<16xf32>
        %get3A_389 = arith.index_cast %scan3A_370 : i32 to index
        %get3A_390 = arith.constant 48 : index
        %get3A_391 = tpu.vector_load %arg12[%get3A_389, %get3A_390] {strides = array<i32>} : memref<200x64xf32, #tpu.memory_space<vmem>>, vector<1x16xf32>,
        %get3A_392 = vector.shape_cast %get3A_391 : vector<1x16xf32> to vector<16xf32>
        %add3A_393 = arith.addf %scan3A_374, %get3A_392 : vector<16xf32>
        %scan3A_394 = arith.constant 1 : i32
        %scan3A_395 = arith.addi %scan3A_370, %scan3A_394 : i32
        %get3A_396 = arith.index_cast %scan3A_395 : i32 to index
        %get3A_397 = arith.constant 0 : index
        %get3A_398 = tpu.vector_load %arg12[%get3A_396, %get3A_397] {strides = array<i32>} : memref<200x64xf32, #tpu.memory_space<vmem>>, vector<1x16xf32>,
        %get3A_399 = vector.shape_cast %get3A_398 : vector<1x16xf32> to vector<16xf32>
        %add3A_400 = arith.addf %add3A_378, %get3A_399 : vector<16xf32>
        %get3A_401 = arith.index_cast %scan3A_395 : i32 to index
        %get3A_402 = arith.constant 16 : index
        %get3A_403 = tpu.vector_load %arg12[%get3A_401, %get3A_402] {strides = array<i32>} : memref<200x64xf32, #tpu.memory_space<vmem>>, vector<1x16xf32>,
        %get3A_404 = vector.shape_cast %get3A_403 : vector<1x16xf32> to vector<16xf32>
        %add3A_405 = arith.addf %add3A_383, %get3A_404 : vector<16xf32>
        %get3A_406 = arith.index_cast %scan3A_395 : i32 to index
        %get3A_407 = arith.constant 32 : index
        %get3A_408 = tpu.vector_load %arg12[%get3A_406, %get3A_407] {strides = array<i32>} : memref<200x64xf32, #tpu.memory_space<vmem>>, vector<1x16xf32>,
        %get3A_409 = vector.shape_cast %get3A_408 : vector<1x16xf32> to vector<16xf32>
        %add3A_410 = arith.addf %add3A_388, %get3A_409 : vector<16xf32>
        %get3A_411 = arith.index_cast %scan3A_395 : i32 to index
        %get3A_412 = arith.constant 48 : index
        %get3A_413 = tpu.vector_load %arg12[%get3A_411, %get3A_412] {strides = array<i32>} : memref<200x64xf32, #tpu.memory_space<vmem>>, vector<1x16xf32>,
        %get3A_414 = vector.shape_cast %get3A_413 : vector<1x16xf32> to vector<16xf32>
        %add3A_415 = arith.addf %add3A_393, %get3A_414 : vector<16xf32>
        %scan3A_416 = arith.constant 2 : i32
        %scan3A_417 = arith.addi %scan3A_370, %scan3A_416 : i32
        %get3A_418 = arith.index_cast %scan3A_417 : i32 to index
        %get3A_419 = arith.constant 0 : index
        %get3A_420 = tpu.vector_load %arg12[%get3A_418, %get3A_419] {strides = array<i32>} : memref<200x64xf32, #tpu.memory_space<vmem>>, vector<1x16xf32>,
        %get3A_421 = vector.shape_cast %get3A_420 : vector<1x16xf32> to vector<16xf32>
        %add3A_422 = arith.addf %add3A_400, %get3A_421 : vector<16xf32>
        %get3A_423 = arith.index_cast %scan3A_417 : i32 to index
        %get3A_424 = arith.constant 16 : index
        %get3A_425 = tpu.vector_load %arg12[%get3A_423, %get3A_424] {strides = array<i32>} : memref<200x64xf32, #tpu.memory_space<vmem>>, vector<1x16xf32>,
        %get3A_426 = vector.shape_cast %get3A_425 : vector<1x16xf32> to vector<16xf32>
        %add3A_427 = arith.addf %add3A_405, %get3A_426 : vector<16xf32>
        %get3A_428 = arith.index_cast %scan3A_417 : i32 to index
        %get3A_429 = arith.constant 32 : index
        %get3A_430 = tpu.vector_load %arg12[%get3A_428, %get3A_429] {strides = array<i32>} : memref<200x64xf32, #tpu.memory_space<vmem>>, vector<1x16xf32>,
        %get3A_431 = vector.shape_cast %get3A_430 : vector<1x16xf32> to vector<16xf32>
        %add3A_432 = arith.addf %add3A_410, %get3A_431 : vector<16xf32>
        %get3A_433 = arith.index_cast %scan3A_417 : i32 to index
        %get3A_434 = arith.constant 48 : index
        %get3A_435 = tpu.vector_load %arg12[%get3A_433, %get3A_434] {strides = array<i32>} : memref<200x64xf32, #tpu.memory_space<vmem>>, vector<1x16xf32>,
        %get3A_436 = vector.shape_cast %get3A_435 : vector<1x16xf32> to vector<16xf32>
        %add3A_437 = arith.addf %add3A_415, %get3A_436 : vector<16xf32>
        %scan3A_438 = arith.constant 3 : i32
        %scan3A_439 = arith.addi %scan3A_370, %scan3A_438 : i32
        %get3A_440 = arith.index_cast %scan3A_439 : i32 to index
        %get3A_441 = arith.constant 0 : index
        %get3A_442 = tpu.vector_load %arg12[%get3A_440, %get3A_441] {strides = array<i32>} : memref<200x64xf32, #tpu.memory_space<vmem>>, vector<1x16xf32>,
        %get3A_443 = vector.shape_cast %get3A_442 : vector<1x16xf32> to vector<16xf32>
        %add3A_444 = arith.addf %add3A_422, %get3A_443 : vector<16xf32>
        %get3A_445 = arith.index_cast %scan3A_439 : i32 to index
        %get3A_446 = arith.constant 16 : index
        %get3A_447 = tpu.vector_load %arg12[%get3A_445, %get3A_446] {strides = array<i32>} : memref<200x64xf32, #tpu.memory_space<vmem>>, vector<1x16xf32>,
        %get3A_448 = vector.shape_cast %get3A_447 : vector<1x16xf32> to vector<16xf32>
        %add3A_449 = arith.addf %add3A_427, %get3A_448 : vector<16xf32>
        %get3A_450 = arith.index_cast %scan3A_439 : i32 to index
        %get3A_451 = arith.constant 32 : index
        %get3A_452 = tpu.vector_load %arg12[%get3A_450, %get3A_451] {strides = array<i32>} : memref<200x64xf32, #tpu.memory_space<vmem>>, vector<1x16xf32>,
        %get3A_453 = vector.shape_cast %get3A_452 : vector<1x16xf32> to vector<16xf32>
        %add3A_454 = arith.addf %add3A_432, %get3A_453 : vector<16xf32>
        %get3A_455 = arith.index_cast %scan3A_439 : i32 to index
        %get3A_456 = arith.constant 48 : index
        %get3A_457 = tpu.vector_load %arg12[%get3A_455, %get3A_456] {strides = array<i32>} : memref<200x64xf32, #tpu.memory_space<vmem>>, vector<1x16xf32>,
        %get3A_458 = vector.shape_cast %get3A_457 : vector<1x16xf32> to vector<16xf32>
        %add3A_459 = arith.addf %add3A_437, %get3A_458 : vector<16xf32>
        %scan3A_460 = arith.constant 4 : i32
        %scan3A_461 = arith.addi %scan3A_370, %scan3A_460 : i32
        %get3A_462 = arith.index_cast %scan3A_461 : i32 to index
        %get3A_463 = arith.constant 0 : index
        %get3A_464 = tpu.vector_load %arg12[%get3A_462, %get3A_463] {strides = array<i32>} : memref<200x64xf32, #tpu.memory_space<vmem>>, vector<1x16xf32>,
        %get3A_465 = vector.shape_cast %get3A_464 : vector<1x16xf32> to vector<16xf32>
        %add3A_466 = arith.addf %add3A_444, %get3A_465 : vector<16xf32>
        %get3A_467 = arith.index_cast %scan3A_461 : i32 to index
        %get3A_468 = arith.constant 16 : index
        %get3A_469 = tpu.vector_load %arg12[%get3A_467, %get3A_468] {strides = array<i32>} : memref<200x64xf32, #tpu.memory_space<vmem>>, vector<1x16xf32>,
        %get3A_470 = vector.shape_cast %get3A_469 : vector<1x16xf32> to vector<16xf32>
        %add3A_471 = arith.addf %add3A_449, %get3A_470 : vector<16xf32>
        %get3A_472 = arith.index_cast %scan3A_461 : i32 to index
        %get3A_473 = arith.constant 32 : index
        %get3A_474 = tpu.vector_load %arg12[%get3A_472, %get3A_473] {strides = array<i32>} : memref<200x64xf32, #tpu.memory_space<vmem>>, vector<1x16xf32>,
        %get3A_475 = vector.shape_cast %get3A_474 : vector<1x16xf32> to vector<16xf32>
        %add3A_476 = arith.addf %add3A_454, %get3A_475 : vector<16xf32>
        %get3A_477 = arith.index_cast %scan3A_461 : i32 to index
        %get3A_478 = arith.constant 48 : index
        %get3A_479 = tpu.vector_load %arg12[%get3A_477, %get3A_478] {strides = array<i32>} : memref<200x64xf32, #tpu.memory_space<vmem>>, vector<1x16xf32>,
        %get3A_480 = vector.shape_cast %get3A_479 : vector<1x16xf32> to vector<16xf32>
        %add3A_481 = arith.addf %add3A_459, %get3A_480 : vector<16xf32>
        %scan3A_482 = arith.constant 5 : i32
        %scan3A_483 = arith.addi %scan3A_370, %scan3A_482 : i32
        %get3A_484 = arith.index_cast %scan3A_483 : i32 to index
        %get3A_485 = arith.constant 0 : index
        %get3A_486 = tpu.vector_load %arg12[%get3A_484, %get3A_485] {strides = array<i32>} : memref<200x64xf32, #tpu.memory_space<vmem>>, vector<1x16xf32>,
        %get3A_487 = vector.shape_cast %get3A_486 : vector<1x16xf32> to vector<16xf32>
        %add3A_488 = arith.addf %add3A_466, %get3A_487 : vector<16xf32>
        %get3A_489 = arith.index_cast %scan3A_483 : i32 to index
        %get3A_490 = arith.constant 16 : index
        %get3A_491 = tpu.vector_load %arg12[%get3A_489, %get3A_490] {strides = array<i32>} : memref<200x64xf32, #tpu.memory_space<vmem>>, vector<1x16xf32>,
        %get3A_492 = vector.shape_cast %get3A_491 : vector<1x16xf32> to vector<16xf32>
        %add3A_493 = arith.addf %add3A_471, %get3A_492 : vector<16xf32>
        %get3A_494 = arith.index_cast %scan3A_483 : i32 to index
        %get3A_495 = arith.constant 32 : index
        %get3A_496 = tpu.vector_load %arg12[%get3A_494, %get3A_495] {strides = array<i32>} : memref<200x64xf32, #tpu.memory_space<vmem>>, vector<1x16xf32>,
        %get3A_497 = vector.shape_cast %get3A_496 : vector<1x16xf32> to vector<16xf32>
        %add3A_498 = arith.addf %add3A_476, %get3A_497 : vector<16xf32>
        %get3A_499 = arith.index_cast %scan3A_483 : i32 to index
        %get3A_500 = arith.constant 48 : index
        %get3A_501 = tpu.vector_load %arg12[%get3A_499, %get3A_500] {strides = array<i32>} : memref<200x64xf32, #tpu.memory_space<vmem>>, vector<1x16xf32>,
        %get3A_502 = vector.shape_cast %get3A_501 : vector<1x16xf32> to vector<16xf32>
        %add3A_503 = arith.addf %add3A_481, %get3A_502 : vector<16xf32>
        %scan3A_504 = arith.constant 6 : i32
        %scan3A_505 = arith.addi %scan3A_370, %scan3A_504 : i32
        %get3A_506 = arith.index_cast %scan3A_505 : i32 to index
        %get3A_507 = arith.constant 0 : index
        %get3A_508 = tpu.vector_load %arg12[%get3A_506, %get3A_507] {strides = array<i32>} : memref<200x64xf32, #tpu.memory_space<vmem>>, vector<1x16xf32>,
        %get3A_509 = vector.shape_cast %get3A_508 : vector<1x16xf32> to vector<16xf32>
        %add3A_510 = arith.addf %add3A_488, %get3A_509 : vector<16xf32>
        %get3A_511 = arith.index_cast %scan3A_505 : i32 to index
        %get3A_512 = arith.constant 16 : index
        %get3A_513 = tpu.vector_load %arg12[%get3A_511, %get3A_512] {strides = array<i32>} : memref<200x64xf32, #tpu.memory_space<vmem>>, vector<1x16xf32>,
        %get3A_514 = vector.shape_cast %get3A_513 : vector<1x16xf32> to vector<16xf32>
        %add3A_515 = arith.addf %add3A_493, %get3A_514 : vector<16xf32>
        %get3A_516 = arith.index_cast %scan3A_505 : i32 to index
        %get3A_517 = arith.constant 32 : index
        %get3A_518 = tpu.vector_load %arg12[%get3A_516, %get3A_517] {strides = array<i32>} : memref<200x64xf32, #tpu.memory_space<vmem>>, vector<1x16xf32>,
        %get3A_519 = vector.shape_cast %get3A_518 : vector<1x16xf32> to vector<16xf32>
        %add3A_520 = arith.addf %add3A_498, %get3A_519 : vector<16xf32>
        %get3A_521 = arith.index_cast %scan3A_505 : i32 to index
        %get3A_522 = arith.constant 48 : index
        %get3A_523 = tpu.vector_load %arg12[%get3A_521, %get3A_522] {strides = array<i32>} : memref<200x64xf32, #tpu.memory_space<vmem>>, vector<1x16xf32>,
        %get3A_524 = vector.shape_cast %get3A_523 : vector<1x16xf32> to vector<16xf32>
        %add3A_525 = arith.addf %add3A_503, %get3A_524 : vector<16xf32>
        %scan3A_526 = arith.constant 7 : i32
        %scan3A_527 = arith.addi %scan3A_370, %scan3A_526 : i32
        %get3A_528 = arith.index_cast %scan3A_527 : i32 to index
        %get3A_529 = arith.constant 0 : index
        %get3A_530 = tpu.vector_load %arg12[%get3A_528, %get3A_529] {strides = array<i32>} : memref<200x64xf32, #tpu.memory_space<vmem>>, vector<1x16xf32>,
        %get3A_531 = vector.shape_cast %get3A_530 : vector<1x16xf32> to vector<16xf32>
        %add3A_532 = arith.addf %add3A_510, %get3A_531 : vector<16xf32>
        %get3A_533 = arith.index_cast %scan3A_527 : i32 to index
        %get3A_534 = arith.constant 16 : index
        %get3A_535 = tpu.vector_load %arg12[%get3A_533, %get3A_534] {strides = array<i32>} : memref<200x64xf32, #tpu.memory_space<vmem>>, vector<1x16xf32>,
        %get3A_536 = vector.shape_cast %get3A_535 : vector<1x16xf32> to vector<16xf32>
        %add3A_537 = arith.addf %add3A_515, %get3A_536 : vector<16xf32>
        %get3A_538 = arith.index_cast %scan3A_527 : i32 to index
        %get3A_539 = arith.constant 32 : index
        %get3A_540 = tpu.vector_load %arg12[%get3A_538, %get3A_539] {strides = array<i32>} : memref<200x64xf32, #tpu.memory_space<vmem>>, vector<1x16xf32>,
        %get3A_541 = vector.shape_cast %get3A_540 : vector<1x16xf32> to vector<16xf32>
        %add3A_542 = arith.addf %add3A_520, %get3A_541 : vector<16xf32>
        %get3A_543 = arith.index_cast %scan3A_527 : i32 to index
        %get3A_544 = arith.constant 48 : index
        %get3A_545 = tpu.vector_load %arg12[%get3A_543, %get3A_544] {strides = array<i32>} : memref<200x64xf32, #tpu.memory_space<vmem>>, vector<1x16xf32>,
        %get3A_546 = vector.shape_cast %get3A_545 : vector<1x16xf32> to vector<16xf32>
        %add3A_547 = arith.addf %add3A_525, %get3A_546 : vector<16xf32>
        scf.yield %add3A_532, %add3A_537, %add3A_542, %add3A_547 : vector<16xf32>, vector<16xf32>, vector<16xf32>, vector<16xf32>
      }
      %scan3A_295 = arith.constant 200 : i32
      %swap3A_296 = arith.index_cast %add3A_287 : i32 to index
      %swap3A_297 = arith.constant 0 : index
      %swap3A_298 = tpu.vector_load %arg15[%swap3A_296, %swap3A_297] {strides = array<i32>} : memref<128x64xf32, #tpu.memory_space<vmem>>, vector<1x16xf32>,
      %swap3A_299 = vector.shape_cast %swap3A_298 : vector<1x16xf32> to vector<16xf32>
      %swap3A_300 = vector.shape_cast %scan3A_294#0 : vector<16xf32> to vector<1x16xf32>
      tpu.vector_store %arg15[%swap3A_296, %swap3A_297], %swap3A_300 {strides = array<i32>} : memref<128x64xf32, #tpu.memory_space<vmem>>, vector<1x16xf32>,
      %swap3A_301 = arith.index_cast %add3A_287 : i32 to index
      %swap3A_302 = arith.constant 16 : index
      %swap3A_303 = tpu.vector_load %arg15[%swap3A_301, %swap3A_302] {strides = array<i32>} : memref<128x64xf32, #tpu.memory_space<vmem>>, vector<1x16xf32>,
      %swap3A_304 = vector.shape_cast %swap3A_303 : vector<1x16xf32> to vector<16xf32>
      %swap3A_305 = vector.shape_cast %scan3A_294#1 : vector<16xf32> to vector<1x16xf32>
      tpu.vector_store %arg15[%swap3A_301, %swap3A_302], %swap3A_305 {strides = array<i32>} : memref<128x64xf32, #tpu.memory_space<vmem>>, vector<1x16xf32>,
      %swap3A_306 = arith.index_cast %add3A_287 : i32 to index
      %swap3A_307 = arith.constant 32 : index
      %swap3A_308 = tpu.vector_load %arg15[%swap3A_306, %swap3A_307] {strides = array<i32>} : memref<128x64xf32, #tpu.memory_space<vmem>>, vector<1x16xf32>,
      %swap3A_309 = vector.shape_cast %swap3A_308 : vector<1x16xf32> to vector<16xf32>
      %swap3A_310 = vector.shape_cast %scan3A_294#2 : vector<16xf32> to vector<1x16xf32>
      tpu.vector_store %arg15[%swap3A_306, %swap3A_307], %swap3A_310 {strides = array<i32>} : memref<128x64xf32, #tpu.memory_space<vmem>>, vector<1x16xf32>,
      %swap3A_311 = arith.index_cast %add3A_287 : i32 to index
      %swap3A_312 = arith.constant 48 : index
      %swap3A_313 = tpu.vector_load %arg15[%swap3A_311, %swap3A_312] {strides = array<i32>} : memref<128x64xf32, #tpu.memory_space<vmem>>, vector<1x16xf32>,
      %swap3A_314 = vector.shape_cast %swap3A_313 : vector<1x16xf32> to vector<16xf32>
      %swap3A_315 = vector.shape_cast %scan3A_294#3 : vector<16xf32> to vector<1x16xf32>
      tpu.vector_store %arg15[%swap3A_311, %swap3A_312], %swap3A_315 {strides = array<i32>} : memref<128x64xf32, #tpu.memory_space<vmem>>, vector<1x16xf32>,
      %add3A_316 = arith.constant 4 : i32
      %add3A_317 = arith.addi %add3A_194, %add3A_316 : i32
      %add3A_318 = arith.constant 2 : i32
      %add3A_319 = arith.addi %add3A_317, %add3A_318 : i32
      %lt3A_320 = arith.constant 128 : i32
      %lt3A_321 = arith.cmpi slt, %add3A_319, %lt3A_320 : i32
      %convert_element_type3A_322 = arith.extui %lt3A_321 : i1 to i32
      %cond3A_323 = arith.constant 0 : i32
      %cond3A_324 = arith.cmpi ne, %convert_element_type3A_322, %cond3A_323 : i32
      scf.if %cond3A_324 {
        %add3A_370 = arith.constant 4 : i32
        %add3A_371 = arith.addi %add3A_194, %add3A_370 : i32
        %add3A_372 = arith.constant 2 : i32
        %add3A_373 = arith.addi %add3A_371, %add3A_372 : i32
        %dma_start3A_374 = arith.constant 0 : i32
        %dma_start3A_375 = arith.constant 0 : i32
        %dma_start3A_376 = tpu.memref_slice %arg12[%dma_start3A_374, %dma_start3A_375] : memref<200x64xf32, #tpu.memory_space<vmem>> -> memref<104x64xf32, #tpu.memory_space<vmem>>
        %dma_start3A_377 = arith.constant 0 : i32
        %dma_start3A_378 = tpu.memref_slice %arg9[%add3A_373, %dma_start3A_377] : memref<128x200xi32, #tpu.memory_space<vmem>> -> memref<1x104xi32, #tpu.memory_space<vmem>>
        %dma_start3A_379 = tpu.memref_squeeze %dma_start3A_378 : memref<1x104xi32, #tpu.memory_space<vmem>> -> memref<104xi32, #tpu.memory_space<vmem>>
        %dma_start3A_380 = arith.constant 0 : i32
        %dma_start3A_381 = arith.constant 0 : i32
        %dma_start3A_382 = tpu.memref_slice %arg5[%dma_start3A_380, %dma_start3A_381] : memref<100000x64xf32, #tpu.memory_space<hbm>> -> memref<100000x64xf32, #tpu.memory_space<hbm>>
        tpu.enqueue_indirect_dma source(%dma_start3A_382 : memref<100000x64xf32, #tpu.memory_space<hbm>>) target(%dma_start3A_376 : memref<104x64xf32, #tpu.memory_space<vmem>>) offsets(%dma_start3A_379 : memref<104xi32, #tpu.memory_space<vmem>>) semaphore(%arg18 : memref<!tpu.dma_semaphore, #tpu.memory_space<semaphore_mem>>)
        %dma_start3A_383 = arith.constant 104 : i32
        %dma_start3A_384 = arith.constant 0 : i32
        %dma_start3A_385 = tpu.memref_slice %arg12[%dma_start3A_383, %dma_start3A_384] : memref<200x64xf32, #tpu.memory_space<vmem>> -> memref<96x64xf32, #tpu.memory_space<vmem>>
        %dma_start3A_386 = arith.constant 104 : i32
        %dma_start3A_387 = tpu.memref_slice %arg9[%add3A_373, %dma_start3A_386] : memref<128x200xi32, #tpu.memory_space<vmem>> -> memref<1x96xi32, #tpu.memory_space<vmem>>
        %dma_start3A_388 = tpu.memref_squeeze %dma_start3A_387 : memref<1x96xi32, #tpu.memory_space<vmem>> -> memref<96xi32, #tpu.memory_space<vmem>>
        %dma_start3A_389 = arith.constant 0 : i32
        %dma_start3A_390 = arith.constant 0 : i32
        %dma_start3A_391 = tpu.memref_slice %arg5[%dma_start3A_389, %dma_start3A_390] : memref<100000x64xf32, #tpu.memory_space<hbm>> -> memref<100000x64xf32, #tpu.memory_space<hbm>>
        tpu.enqueue_indirect_dma source(%dma_start3A_391 : memref<100000x64xf32, #tpu.memory_space<hbm>>) target(%dma_start3A_385 : memref<96x64xf32, #tpu.memory_space<vmem>>) offsets(%dma_start3A_388 : memref<96xi32, #tpu.memory_space<vmem>>) semaphore(%arg18 : memref<!tpu.dma_semaphore, #tpu.memory_space<semaphore_mem>>)
      } else {
      }
      %dma_wait3A_325 = arith.constant 0 : i32
      %dma_wait3A_326 = arith.constant 0 : i32
      %dma_wait3A_327 = tpu.memref_slice %arg5[%dma_wait3A_325, %dma_wait3A_326] : memref<100000x64xf32, #tpu.memory_space<hbm>> -> memref<200x64xf32, #tpu.memory_space<hbm>>
      %dma_wait3A_328 = arith.constant 0 : i32
      %dma_wait3A_329 = arith.constant 0 : i32
      %dma_wait3A_330 = tpu.memref_slice %arg5[%dma_wait3A_328, %dma_wait3A_329] : memref<100000x64xf32, #tpu.memory_space<hbm>> -> memref<200x64xf32, #tpu.memory_space<hbm>>
      tpu.wait_dma2 semaphore(%arg19 : memref<!tpu.dma_semaphore, #tpu.memory_space<semaphore_mem>>) src(%dma_wait3A_330 : memref<200x64xf32, #tpu.memory_space<hbm>>) dst(%arg13 : memref<200x64xf32, #tpu.memory_space<vmem>>)
      %add3A_331 = arith.constant 3 : i32
      %add3A_332 = arith.addi %add3A_194, %add3A_331 : i32
      %broadcast_in_dim3A_333 = arith.constant 0.000000e+00 : f32
      %broadcast_in_dim3A_334 = vector.broadcast %broadcast_in_dim3A_333 : f32 to vector<16xf32>
      %scan3A_335 = arith.constant 0 : i32
      %scan3A_336 = arith.constant 200 : i32
      %scan3A_337 = arith.addi %scan3A_335, %scan3A_336 : i32
      %scan3A_338 = arith.constant 8 : i32
      %scan3A_339:4 = scf.for %scan3A_370 = %scan3A_335 to %scan3A_337 step %scan3A_338 iter_args(%scan3A_371 = %broadcast_in_dim3A_334, %scan3A_372 = %broadcast_in_dim3A_334, %scan3A_373 = %broadcast_in_dim3A_334, %scan3A_374 = %broadcast_in_dim3A_334) -> (vector<16xf32>, vector<16xf32>, vector<16xf32>, vector<16xf32>)  : i32 {
        %get3A = arith.index_cast %scan3A_370 : i32 to index
        %get3A_375 = arith.constant 0 : index
        %get3A_376 = tpu.vector_load %arg13[%get3A, %get3A_375] {strides = array<i32>} : memref<200x64xf32, #tpu.memory_space<vmem>>, vector<1x16xf32>,
        %get3A_377 = vector.shape_cast %get3A_376 : vector<1x16xf32> to vector<16xf32>
        %add3A_378 = arith.addf %scan3A_371, %get3A_377 : vector<16xf32>
        %get3A_379 = arith.index_cast %scan3A_370 : i32 to index
        %get3A_380 = arith.constant 16 : index
        %get3A_381 = tpu.vector_load %arg13[%get3A_379, %get3A_380] {strides = array<i32>} : memref<200x64xf32, #tpu.memory_space<vmem>>, vector<1x16xf32>,
        %get3A_382 = vector.shape_cast %get3A_381 : vector<1x16xf32> to vector<16xf32>
        %add3A_383 = arith.addf %scan3A_372, %get3A_382 : vector<16xf32>
        %get3A_384 = arith.index_cast %scan3A_370 : i32 to index
        %get3A_385 = arith.constant 32 : index
        %get3A_386 = tpu.vector_load %arg13[%get3A_384, %get3A_385] {strides = array<i32>} : memref<200x64xf32, #tpu.memory_space<vmem>>, vector<1x16xf32>,
        %get3A_387 = vector.shape_cast %get3A_386 : vector<1x16xf32> to vector<16xf32>
        %add3A_388 = arith.addf %scan3A_373, %get3A_387 : vector<16xf32>
        %get3A_389 = arith.index_cast %scan3A_370 : i32 to index
        %get3A_390 = arith.constant 48 : index
        %get3A_391 = tpu.vector_load %arg13[%get3A_389, %get3A_390] {strides = array<i32>} : memref<200x64xf32, #tpu.memory_space<vmem>>, vector<1x16xf32>,
        %get3A_392 = vector.shape_cast %get3A_391 : vector<1x16xf32> to vector<16xf32>
        %add3A_393 = arith.addf %scan3A_374, %get3A_392 : vector<16xf32>
        %scan3A_394 = arith.constant 1 : i32
        %scan3A_395 = arith.addi %scan3A_370, %scan3A_394 : i32
        %get3A_396 = arith.index_cast %scan3A_395 : i32 to index
        %get3A_397 = arith.constant 0 : index
        %get3A_398 = tpu.vector_load %arg13[%get3A_396, %get3A_397] {strides = array<i32>} : memref<200x64xf32, #tpu.memory_space<vmem>>, vector<1x16xf32>,
        %get3A_399 = vector.shape_cast %get3A_398 : vector<1x16xf32> to vector<16xf32>
        %add3A_400 = arith.addf %add3A_378, %get3A_399 : vector<16xf32>
        %get3A_401 = arith.index_cast %scan3A_395 : i32 to index
        %get3A_402 = arith.constant 16 : index
        %get3A_403 = tpu.vector_load %arg13[%get3A_401, %get3A_402] {strides = array<i32>} : memref<200x64xf32, #tpu.memory_space<vmem>>, vector<1x16xf32>,
        %get3A_404 = vector.shape_cast %get3A_403 : vector<1x16xf32> to vector<16xf32>
        %add3A_405 = arith.addf %add3A_383, %get3A_404 : vector<16xf32>
        %get3A_406 = arith.index_cast %scan3A_395 : i32 to index
        %get3A_407 = arith.constant 32 : index
        %get3A_408 = tpu.vector_load %arg13[%get3A_406, %get3A_407] {strides = array<i32>} : memref<200x64xf32, #tpu.memory_space<vmem>>, vector<1x16xf32>,
        %get3A_409 = vector.shape_cast %get3A_408 : vector<1x16xf32> to vector<16xf32>
        %add3A_410 = arith.addf %add3A_388, %get3A_409 : vector<16xf32>
        %get3A_411 = arith.index_cast %scan3A_395 : i32 to index
        %get3A_412 = arith.constant 48 : index
        %get3A_413 = tpu.vector_load %arg13[%get3A_411, %get3A_412] {strides = array<i32>} : memref<200x64xf32, #tpu.memory_space<vmem>>, vector<1x16xf32>,
        %get3A_414 = vector.shape_cast %get3A_413 : vector<1x16xf32> to vector<16xf32>
        %add3A_415 = arith.addf %add3A_393, %get3A_414 : vector<16xf32>
        %scan3A_416 = arith.constant 2 : i32
        %scan3A_417 = arith.addi %scan3A_370, %scan3A_416 : i32
        %get3A_418 = arith.index_cast %scan3A_417 : i32 to index
        %get3A_419 = arith.constant 0 : index
        %get3A_420 = tpu.vector_load %arg13[%get3A_418, %get3A_419] {strides = array<i32>} : memref<200x64xf32, #tpu.memory_space<vmem>>, vector<1x16xf32>,
        %get3A_421 = vector.shape_cast %get3A_420 : vector<1x16xf32> to vector<16xf32>
        %add3A_422 = arith.addf %add3A_400, %get3A_421 : vector<16xf32>
        %get3A_423 = arith.index_cast %scan3A_417 : i32 to index
        %get3A_424 = arith.constant 16 : index
        %get3A_425 = tpu.vector_load %arg13[%get3A_423, %get3A_424] {strides = array<i32>} : memref<200x64xf32, #tpu.memory_space<vmem>>, vector<1x16xf32>,
        %get3A_426 = vector.shape_cast %get3A_425 : vector<1x16xf32> to vector<16xf32>
        %add3A_427 = arith.addf %add3A_405, %get3A_426 : vector<16xf32>
        %get3A_428 = arith.index_cast %scan3A_417 : i32 to index
        %get3A_429 = arith.constant 32 : index
        %get3A_430 = tpu.vector_load %arg13[%get3A_428, %get3A_429] {strides = array<i32>} : memref<200x64xf32, #tpu.memory_space<vmem>>, vector<1x16xf32>,
        %get3A_431 = vector.shape_cast %get3A_430 : vector<1x16xf32> to vector<16xf32>
        %add3A_432 = arith.addf %add3A_410, %get3A_431 : vector<16xf32>
        %get3A_433 = arith.index_cast %scan3A_417 : i32 to index
        %get3A_434 = arith.constant 48 : index
        %get3A_435 = tpu.vector_load %arg13[%get3A_433, %get3A_434] {strides = array<i32>} : memref<200x64xf32, #tpu.memory_space<vmem>>, vector<1x16xf32>,
        %get3A_436 = vector.shape_cast %get3A_435 : vector<1x16xf32> to vector<16xf32>
        %add3A_437 = arith.addf %add3A_415, %get3A_436 : vector<16xf32>
        %scan3A_438 = arith.constant 3 : i32
        %scan3A_439 = arith.addi %scan3A_370, %scan3A_438 : i32
        %get3A_440 = arith.index_cast %scan3A_439 : i32 to index
        %get3A_441 = arith.constant 0 : index
        %get3A_442 = tpu.vector_load %arg13[%get3A_440, %get3A_441] {strides = array<i32>} : memref<200x64xf32, #tpu.memory_space<vmem>>, vector<1x16xf32>,
        %get3A_443 = vector.shape_cast %get3A_442 : vector<1x16xf32> to vector<16xf32>
        %add3A_444 = arith.addf %add3A_422, %get3A_443 : vector<16xf32>
        %get3A_445 = arith.index_cast %scan3A_439 : i32 to index
        %get3A_446 = arith.constant 16 : index
        %get3A_447 = tpu.vector_load %arg13[%get3A_445, %get3A_446] {strides = array<i32>} : memref<200x64xf32, #tpu.memory_space<vmem>>, vector<1x16xf32>,
        %get3A_448 = vector.shape_cast %get3A_447 : vector<1x16xf32> to vector<16xf32>
        %add3A_449 = arith.addf %add3A_427, %get3A_448 : vector<16xf32>
        %get3A_450 = arith.index_cast %scan3A_439 : i32 to index
        %get3A_451 = arith.constant 32 : index
        %get3A_452 = tpu.vector_load %arg13[%get3A_450, %get3A_451] {strides = array<i32>} : memref<200x64xf32, #tpu.memory_space<vmem>>, vector<1x16xf32>,
        %get3A_453 = vector.shape_cast %get3A_452 : vector<1x16xf32> to vector<16xf32>
        %add3A_454 = arith.addf %add3A_432, %get3A_453 : vector<16xf32>
        %get3A_455 = arith.index_cast %scan3A_439 : i32 to index
        %get3A_456 = arith.constant 48 : index
        %get3A_457 = tpu.vector_load %arg13[%get3A_455, %get3A_456] {strides = array<i32>} : memref<200x64xf32, #tpu.memory_space<vmem>>, vector<1x16xf32>,
        %get3A_458 = vector.shape_cast %get3A_457 : vector<1x16xf32> to vector<16xf32>
        %add3A_459 = arith.addf %add3A_437, %get3A_458 : vector<16xf32>
        %scan3A_460 = arith.constant 4 : i32
        %scan3A_461 = arith.addi %scan3A_370, %scan3A_460 : i32
        %get3A_462 = arith.index_cast %scan3A_461 : i32 to index
        %get3A_463 = arith.constant 0 : index
        %get3A_464 = tpu.vector_load %arg13[%get3A_462, %get3A_463] {strides = array<i32>} : memref<200x64xf32, #tpu.memory_space<vmem>>, vector<1x16xf32>,
        %get3A_465 = vector.shape_cast %get3A_464 : vector<1x16xf32> to vector<16xf32>
        %add3A_466 = arith.addf %add3A_444, %get3A_465 : vector<16xf32>
        %get3A_467 = arith.index_cast %scan3A_461 : i32 to index
        %get3A_468 = arith.constant 16 : index
        %get3A_469 = tpu.vector_load %arg13[%get3A_467, %get3A_468] {strides = array<i32>} : memref<200x64xf32, #tpu.memory_space<vmem>>, vector<1x16xf32>,
        %get3A_470 = vector.shape_cast %get3A_469 : vector<1x16xf32> to vector<16xf32>
        %add3A_471 = arith.addf %add3A_449, %get3A_470 : vector<16xf32>
        %get3A_472 = arith.index_cast %scan3A_461 : i32 to index
        %get3A_473 = arith.constant 32 : index
        %get3A_474 = tpu.vector_load %arg13[%get3A_472, %get3A_473] {strides = array<i32>} : memref<200x64xf32, #tpu.memory_space<vmem>>, vector<1x16xf32>,
        %get3A_475 = vector.shape_cast %get3A_474 : vector<1x16xf32> to vector<16xf32>
        %add3A_476 = arith.addf %add3A_454, %get3A_475 : vector<16xf32>
        %get3A_477 = arith.index_cast %scan3A_461 : i32 to index
        %get3A_478 = arith.constant 48 : index
        %get3A_479 = tpu.vector_load %arg13[%get3A_477, %get3A_478] {strides = array<i32>} : memref<200x64xf32, #tpu.memory_space<vmem>>, vector<1x16xf32>,
        %get3A_480 = vector.shape_cast %get3A_479 : vector<1x16xf32> to vector<16xf32>
        %add3A_481 = arith.addf %add3A_459, %get3A_480 : vector<16xf32>
        %scan3A_482 = arith.constant 5 : i32
        %scan3A_483 = arith.addi %scan3A_370, %scan3A_482 : i32
        %get3A_484 = arith.index_cast %scan3A_483 : i32 to index
        %get3A_485 = arith.constant 0 : index
        %get3A_486 = tpu.vector_load %arg13[%get3A_484, %get3A_485] {strides = array<i32>} : memref<200x64xf32, #tpu.memory_space<vmem>>, vector<1x16xf32>,
        %get3A_487 = vector.shape_cast %get3A_486 : vector<1x16xf32> to vector<16xf32>
        %add3A_488 = arith.addf %add3A_466, %get3A_487 : vector<16xf32>
        %get3A_489 = arith.index_cast %scan3A_483 : i32 to index
        %get3A_490 = arith.constant 16 : index
        %get3A_491 = tpu.vector_load %arg13[%get3A_489, %get3A_490] {strides = array<i32>} : memref<200x64xf32, #tpu.memory_space<vmem>>, vector<1x16xf32>,
        %get3A_492 = vector.shape_cast %get3A_491 : vector<1x16xf32> to vector<16xf32>
        %add3A_493 = arith.addf %add3A_471, %get3A_492 : vector<16xf32>
        %get3A_494 = arith.index_cast %scan3A_483 : i32 to index
        %get3A_495 = arith.constant 32 : index
        %get3A_496 = tpu.vector_load %arg13[%get3A_494, %get3A_495] {strides = array<i32>} : memref<200x64xf32, #tpu.memory_space<vmem>>, vector<1x16xf32>,
        %get3A_497 = vector.shape_cast %get3A_496 : vector<1x16xf32> to vector<16xf32>
        %add3A_498 = arith.addf %add3A_476, %get3A_497 : vector<16xf32>
        %get3A_499 = arith.index_cast %scan3A_483 : i32 to index
        %get3A_500 = arith.constant 48 : index
        %get3A_501 = tpu.vector_load %arg13[%get3A_499, %get3A_500] {strides = array<i32>} : memref<200x64xf32, #tpu.memory_space<vmem>>, vector<1x16xf32>,
        %get3A_502 = vector.shape_cast %get3A_501 : vector<1x16xf32> to vector<16xf32>
        %add3A_503 = arith.addf %add3A_481, %get3A_502 : vector<16xf32>
        %scan3A_504 = arith.constant 6 : i32
        %scan3A_505 = arith.addi %scan3A_370, %scan3A_504 : i32
        %get3A_506 = arith.index_cast %scan3A_505 : i32 to index
        %get3A_507 = arith.constant 0 : index
        %get3A_508 = tpu.vector_load %arg13[%get3A_506, %get3A_507] {strides = array<i32>} : memref<200x64xf32, #tpu.memory_space<vmem>>, vector<1x16xf32>,
        %get3A_509 = vector.shape_cast %get3A_508 : vector<1x16xf32> to vector<16xf32>
        %add3A_510 = arith.addf %add3A_488, %get3A_509 : vector<16xf32>
        %get3A_511 = arith.index_cast %scan3A_505 : i32 to index
        %get3A_512 = arith.constant 16 : index
        %get3A_513 = tpu.vector_load %arg13[%get3A_511, %get3A_512] {strides = array<i32>} : memref<200x64xf32, #tpu.memory_space<vmem>>, vector<1x16xf32>,
        %get3A_514 = vector.shape_cast %get3A_513 : vector<1x16xf32> to vector<16xf32>
        %add3A_515 = arith.addf %add3A_493, %get3A_514 : vector<16xf32>
        %get3A_516 = arith.index_cast %scan3A_505 : i32 to index
        %get3A_517 = arith.constant 32 : index
        %get3A_518 = tpu.vector_load %arg13[%get3A_516, %get3A_517] {strides = array<i32>} : memref<200x64xf32, #tpu.memory_space<vmem>>, vector<1x16xf32>,
        %get3A_519 = vector.shape_cast %get3A_518 : vector<1x16xf32> to vector<16xf32>
        %add3A_520 = arith.addf %add3A_498, %get3A_519 : vector<16xf32>
        %get3A_521 = arith.index_cast %scan3A_505 : i32 to index
        %get3A_522 = arith.constant 48 : index
        %get3A_523 = tpu.vector_load %arg13[%get3A_521, %get3A_522] {strides = array<i32>} : memref<200x64xf32, #tpu.memory_space<vmem>>, vector<1x16xf32>,
        %get3A_524 = vector.shape_cast %get3A_523 : vector<1x16xf32> to vector<16xf32>
        %add3A_525 = arith.addf %add3A_503, %get3A_524 : vector<16xf32>
        %scan3A_526 = arith.constant 7 : i32
        %scan3A_527 = arith.addi %scan3A_370, %scan3A_526 : i32
        %get3A_528 = arith.index_cast %scan3A_527 : i32 to index
        %get3A_529 = arith.constant 0 : index
        %get3A_530 = tpu.vector_load %arg13[%get3A_528, %get3A_529] {strides = array<i32>} : memref<200x64xf32, #tpu.memory_space<vmem>>, vector<1x16xf32>,
        %get3A_531 = vector.shape_cast %get3A_530 : vector<1x16xf32> to vector<16xf32>
        %add3A_532 = arith.addf %add3A_510, %get3A_531 : vector<16xf32>
        %get3A_533 = arith.index_cast %scan3A_527 : i32 to index
        %get3A_534 = arith.constant 16 : index
        %get3A_535 = tpu.vector_load %arg13[%get3A_533, %get3A_534] {strides = array<i32>} : memref<200x64xf32, #tpu.memory_space<vmem>>, vector<1x16xf32>,
        %get3A_536 = vector.shape_cast %get3A_535 : vector<1x16xf32> to vector<16xf32>
        %add3A_537 = arith.addf %add3A_515, %get3A_536 : vector<16xf32>
        %get3A_538 = arith.index_cast %scan3A_527 : i32 to index
        %get3A_539 = arith.constant 32 : index
        %get3A_540 = tpu.vector_load %arg13[%get3A_538, %get3A_539] {strides = array<i32>} : memref<200x64xf32, #tpu.memory_space<vmem>>, vector<1x16xf32>,
        %get3A_541 = vector.shape_cast %get3A_540 : vector<1x16xf32> to vector<16xf32>
        %add3A_542 = arith.addf %add3A_520, %get3A_541 : vector<16xf32>
        %get3A_543 = arith.index_cast %scan3A_527 : i32 to index
        %get3A_544 = arith.constant 48 : index
        %get3A_545 = tpu.vector_load %arg13[%get3A_543, %get3A_544] {strides = array<i32>} : memref<200x64xf32, #tpu.memory_space<vmem>>, vector<1x16xf32>,
        %get3A_546 = vector.shape_cast %get3A_545 : vector<1x16xf32> to vector<16xf32>
        %add3A_547 = arith.addf %add3A_525, %get3A_546 : vector<16xf32>
        scf.yield %add3A_532, %add3A_537, %add3A_542, %add3A_547 : vector<16xf32>, vector<16xf32>, vector<16xf32>, vector<16xf32>
      }
      %scan3A_340 = arith.constant 200 : i32
      %swap3A_341 = arith.index_cast %add3A_332 : i32 to index
      %swap3A_342 = arith.constant 0 : index
      %swap3A_343 = tpu.vector_load %arg15[%swap3A_341, %swap3A_342] {strides = array<i32>} : memref<128x64xf32, #tpu.memory_space<vmem>>, vector<1x16xf32>,
      %swap3A_344 = vector.shape_cast %swap3A_343 : vector<1x16xf32> to vector<16xf32>
      %swap3A_345 = vector.shape_cast %scan3A_339#0 : vector<16xf32> to vector<1x16xf32>
      tpu.vector_store %arg15[%swap3A_341, %swap3A_342], %swap3A_345 {strides = array<i32>} : memref<128x64xf32, #tpu.memory_space<vmem>>, vector<1x16xf32>,
      %swap3A_346 = arith.index_cast %add3A_332 : i32 to index
      %swap3A_347 = arith.constant 16 : index
      %swap3A_348 = tpu.vector_load %arg15[%swap3A_346, %swap3A_347] {strides = array<i32>} : memref<128x64xf32, #tpu.memory_space<vmem>>, vector<1x16xf32>,
      %swap3A_349 = vector.shape_cast %swap3A_348 : vector<1x16xf32> to vector<16xf32>
      %swap3A_350 = vector.shape_cast %scan3A_339#1 : vector<16xf32> to vector<1x16xf32>
      tpu.vector_store %arg15[%swap3A_346, %swap3A_347], %swap3A_350 {strides = array<i32>} : memref<128x64xf32, #tpu.memory_space<vmem>>, vector<1x16xf32>,
      %swap3A_351 = arith.index_cast %add3A_332 : i32 to index
      %swap3A_352 = arith.constant 32 : index
      %swap3A_353 = tpu.vector_load %arg15[%swap3A_351, %swap3A_352] {strides = array<i32>} : memref<128x64xf32, #tpu.memory_space<vmem>>, vector<1x16xf32>,
      %swap3A_354 = vector.shape_cast %swap3A_353 : vector<1x16xf32> to vector<16xf32>
      %swap3A_355 = vector.shape_cast %scan3A_339#2 : vector<16xf32> to vector<1x16xf32>
      tpu.vector_store %arg15[%swap3A_351, %swap3A_352], %swap3A_355 {strides = array<i32>} : memref<128x64xf32, #tpu.memory_space<vmem>>, vector<1x16xf32>,
      %swap3A_356 = arith.index_cast %add3A_332 : i32 to index
      %swap3A_357 = arith.constant 48 : index
      %swap3A_358 = tpu.vector_load %arg15[%swap3A_356, %swap3A_357] {strides = array<i32>} : memref<128x64xf32, #tpu.memory_space<vmem>>, vector<1x16xf32>,
      %swap3A_359 = vector.shape_cast %swap3A_358 : vector<1x16xf32> to vector<16xf32>
      %swap3A_360 = vector.shape_cast %scan3A_339#3 : vector<16xf32> to vector<1x16xf32>
      tpu.vector_store %arg15[%swap3A_356, %swap3A_357], %swap3A_360 {strides = array<i32>} : memref<128x64xf32, #tpu.memory_space<vmem>>, vector<1x16xf32>,
      %add3A_361 = arith.constant 4 : i32
      %add3A_362 = arith.addi %add3A_194, %add3A_361 : i32
      %add3A_363 = arith.constant 3 : i32
      %add3A_364 = arith.addi %add3A_362, %add3A_363 : i32
      %lt3A_365 = arith.constant 128 : i32
      %lt3A_366 = arith.cmpi slt, %add3A_364, %lt3A_365 : i32
      %convert_element_type3A_367 = arith.extui %lt3A_366 : i1 to i32
      %cond3A_368 = arith.constant 0 : i32
      %cond3A_369 = arith.cmpi ne, %convert_element_type3A_367, %cond3A_368 : i32
      scf.if %cond3A_369 {
        %add3A_370 = arith.constant 4 : i32
        %add3A_371 = arith.addi %add3A_194, %add3A_370 : i32
        %add3A_372 = arith.constant 3 : i32
        %add3A_373 = arith.addi %add3A_371, %add3A_372 : i32
        %dma_start3A_374 = arith.constant 0 : i32
        %dma_start3A_375 = arith.constant 0 : i32
        %dma_start3A_376 = tpu.memref_slice %arg13[%dma_start3A_374, %dma_start3A_375] : memref<200x64xf32, #tpu.memory_space<vmem>> -> memref<104x64xf32, #tpu.memory_space<vmem>>
        %dma_start3A_377 = arith.constant 0 : i32
        %dma_start3A_378 = tpu.memref_slice %arg9[%add3A_373, %dma_start3A_377] : memref<128x200xi32, #tpu.memory_space<vmem>> -> memref<1x104xi32, #tpu.memory_space<vmem>>
        %dma_start3A_379 = tpu.memref_squeeze %dma_start3A_378 : memref<1x104xi32, #tpu.memory_space<vmem>> -> memref<104xi32, #tpu.memory_space<vmem>>
        %dma_start3A_380 = arith.constant 0 : i32
        %dma_start3A_381 = arith.constant 0 : i32
        %dma_start3A_382 = tpu.memref_slice %arg5[%dma_start3A_380, %dma_start3A_381] : memref<100000x64xf32, #tpu.memory_space<hbm>> -> memref<100000x64xf32, #tpu.memory_space<hbm>>
        tpu.enqueue_indirect_dma source(%dma_start3A_382 : memref<100000x64xf32, #tpu.memory_space<hbm>>) target(%dma_start3A_376 : memref<104x64xf32, #tpu.memory_space<vmem>>) offsets(%dma_start3A_379 : memref<104xi32, #tpu.memory_space<vmem>>) semaphore(%arg19 : memref<!tpu.dma_semaphore, #tpu.memory_space<semaphore_mem>>)
        %dma_start3A_383 = arith.constant 104 : i32
        %dma_start3A_384 = arith.constant 0 : i32
        %dma_start3A_385 = tpu.memref_slice %arg13[%dma_start3A_383, %dma_start3A_384] : memref<200x64xf32, #tpu.memory_space<vmem>> -> memref<96x64xf32, #tpu.memory_space<vmem>>
        %dma_start3A_386 = arith.constant 104 : i32
        %dma_start3A_387 = tpu.memref_slice %arg9[%add3A_373, %dma_start3A_386] : memref<128x200xi32, #tpu.memory_space<vmem>> -> memref<1x96xi32, #tpu.memory_space<vmem>>
        %dma_start3A_388 = tpu.memref_squeeze %dma_start3A_387 : memref<1x96xi32, #tpu.memory_space<vmem>> -> memref<96xi32, #tpu.memory_space<vmem>>
        %dma_start3A_389 = arith.constant 0 : i32
        %dma_start3A_390 = arith.constant 0 : i32
        %dma_start3A_391 = tpu.memref_slice %arg5[%dma_start3A_389, %dma_start3A_390] : memref<100000x64xf32, #tpu.memory_space<hbm>> -> memref<100000x64xf32, #tpu.memory_space<hbm>>
        tpu.enqueue_indirect_dma source(%dma_start3A_391 : memref<100000x64xf32, #tpu.memory_space<hbm>>) target(%dma_start3A_385 : memref<96x64xf32, #tpu.memory_space<vmem>>) offsets(%dma_start3A_388 : memref<96xi32, #tpu.memory_space<vmem>>) semaphore(%arg19 : memref<!tpu.dma_semaphore, #tpu.memory_space<semaphore_mem>>)
      } else {
      }
    }
    %scan3A_189 = arith.constant 32 : i32
    "tpu.region"() ({
      %run_scoped3A = tpu.sem_alloc : memref<!tpu.dma_semaphore, #tpu.memory_space<semaphore_mem>>
      %dma_start3A_190 = arith.constant 0 : i32
      %dma_start3A_191 = tpu.memref_slice %arg6[%mul3A_2, %dma_start3A_190] : memref<4096x64xf32, #tpu.memory_space<hbm>> -> memref<128x64xf32, #tpu.memory_space<hbm>>
      %dma_start3A_192 = arith.constant 0 : i32
      %dma_start3A_193 = tpu.memref_slice %arg6[%mul3A_2, %dma_start3A_192] : memref<4096x64xf32, #tpu.memory_space<hbm>> -> memref<128x64xf32, #tpu.memory_space<hbm>>
      tpu.enqueue_dma source(%arg14 : memref<128x64xf32, #tpu.memory_space<vmem>>) target(%dma_start3A_193 : memref<128x64xf32, #tpu.memory_space<hbm>>) target_semaphore(%run_scoped3A : memref<!tpu.dma_semaphore, #tpu.memory_space<semaphore_mem>>)
      %dma_wait3A_194 = arith.constant 0 : i32
      %dma_wait3A_195 = tpu.memref_slice %arg6[%mul3A_2, %dma_wait3A_194] : memref<4096x64xf32, #tpu.memory_space<hbm>> -> memref<128x64xf32, #tpu.memory_space<hbm>>
      %dma_wait3A_196 = arith.constant 0 : i32
      %dma_wait3A_197 = tpu.memref_slice %arg6[%mul3A_2, %dma_wait3A_196] : memref<4096x64xf32, #tpu.memory_space<hbm>> -> memref<128x64xf32, #tpu.memory_space<hbm>>
      tpu.wait_dma2 semaphore(%run_scoped3A : memref<!tpu.dma_semaphore, #tpu.memory_space<semaphore_mem>>) src(%arg14 : memref<128x64xf32, #tpu.memory_space<vmem>>) dst(%dma_wait3A_197 : memref<128x64xf32, #tpu.memory_space<hbm>>)
      tpu.yield
    }) : () -> ()
    "tpu.region"() ({
      %run_scoped3A = tpu.sem_alloc : memref<!tpu.dma_semaphore, #tpu.memory_space<semaphore_mem>>
      %dma_start3A_190 = arith.constant 0 : i32
      %dma_start3A_191 = tpu.memref_slice %arg7[%mul3A_2, %dma_start3A_190] : memref<4096x64xf32, #tpu.memory_space<hbm>> -> memref<128x64xf32, #tpu.memory_space<hbm>>
      %dma_start3A_192 = arith.constant 0 : i32
      %dma_start3A_193 = tpu.memref_slice %arg7[%mul3A_2, %dma_start3A_192] : memref<4096x64xf32, #tpu.memory_space<hbm>> -> memref<128x64xf32, #tpu.memory_space<hbm>>
      tpu.enqueue_dma source(%arg15 : memref<128x64xf32, #tpu.memory_space<vmem>>) target(%dma_start3A_193 : memref<128x64xf32, #tpu.memory_space<hbm>>) target_semaphore(%run_scoped3A : memref<!tpu.dma_semaphore, #tpu.memory_space<semaphore_mem>>)
      %dma_wait3A_194 = arith.constant 0 : i32
      %dma_wait3A_195 = tpu.memref_slice %arg7[%mul3A_2, %dma_wait3A_194] : memref<4096x64xf32, #tpu.memory_space<hbm>> -> memref<128x64xf32, #tpu.memory_space<hbm>>
      %dma_wait3A_196 = arith.constant 0 : i32
      %dma_wait3A_197 = tpu.memref_slice %arg7[%mul3A_2, %dma_wait3A_196] : memref<4096x64xf32, #tpu.memory_space<hbm>> -> memref<128x64xf32, #tpu.memory_space<hbm>>
      tpu.wait_dma2 semaphore(%run_scoped3A : memref<!tpu.dma_semaphore, #tpu.memory_space<semaphore_mem>>) src(%arg15 : memref<128x64xf32, #tpu.memory_space<vmem>>) dst(%dma_wait3A_197 : memref<128x64xf32, #tpu.memory_space<hbm>>)
      tpu.yield
    }) : () -> ()
    return
  }
}

module attributes {stable_mosaic.version = 14 : i64} {
  func.func @body(%arg0: i32, %arg1: memref<1x1x4096xf32, #tpu.memory_space<vmem>>, %arg2: memref<1x1x4096xf32, #tpu.memory_space<vmem>>, %arg3: memref<20x2xf32, #tpu.memory_space<vmem>>, %arg4: memref<20x1xf32, #tpu.memory_space<vmem>>, %arg5: memref<200x20xbf16, #tpu.memory_space<vmem>>, %arg6: memref<200x1xf32, #tpu.memory_space<vmem>>, %arg7: memref<200x200xbf16, #tpu.memory_space<vmem>>, %arg8: memref<200x1xf32, #tpu.memory_space<vmem>>, %arg9: memref<20x200xbf16, #tpu.memory_space<vmem>>, %arg10: memref<20x1xf32, #tpu.memory_space<vmem>>, %arg11: memref<1x20xf32, #tpu.memory_space<vmem>>, %arg12: memref<1x1xf32, #tpu.memory_space<vmem>>, %arg13: memref<4096x64xf32, #tpu.memory_space<vmem>>, %arg14: memref<1x1x64xf32, #tpu.memory_space<vmem>>) attributes {dimension_semantics = [#tpu.dimension_semantics<arbitrary>], iteration_bounds = array<i64: 64>, scalar_prefetch = 0 : i64, scratch_operands = 0 : i64, tpu.core_type = #tpu.core_type<tc>, window_params = [{transform_indices = @transform_0, window_bounds = array<i64: 1, 1, 4096>}, {transform_indices = @transform_1, window_bounds = array<i64: 1, 1, 4096>}, {pipeline_mode = #tpu.pipeline_mode<synchronous>, transform_indices = @transform_2, window_bounds = array<i64: 20, 2>}, {pipeline_mode = #tpu.pipeline_mode<synchronous>, transform_indices = @transform_3, window_bounds = array<i64: 20, 1>}, {pipeline_mode = #tpu.pipeline_mode<synchronous>, transform_indices = @transform_4, window_bounds = array<i64: 200, 20>}, {pipeline_mode = #tpu.pipeline_mode<synchronous>, transform_indices = @transform_5, window_bounds = array<i64: 200, 1>}, {pipeline_mode = #tpu.pipeline_mode<synchronous>, transform_indices = @transform_6, window_bounds = array<i64: 200, 200>}, {pipeline_mode = #tpu.pipeline_mode<synchronous>, transform_indices = @transform_7, window_bounds = array<i64: 200, 1>}, {pipeline_mode = #tpu.pipeline_mode<synchronous>, transform_indices = @transform_8, window_bounds = array<i64: 20, 200>}, {pipeline_mode = #tpu.pipeline_mode<synchronous>, transform_indices = @transform_9, window_bounds = array<i64: 20, 1>}, {pipeline_mode = #tpu.pipeline_mode<synchronous>, transform_indices = @transform_10, window_bounds = array<i64: 1, 20>}, {pipeline_mode = #tpu.pipeline_mode<synchronous>, transform_indices = @transform_11, window_bounds = array<i64: 1, 1>}, {pipeline_mode = #tpu.pipeline_mode<synchronous>, transform_indices = @transform_12, window_bounds = array<i64: 4096, 64>}, {transform_indices = @transform_13, window_bounds = array<i64: 1, 1, 64>}]} {
    %get3A = arith.constant 0 : index
    %get3A_0 = arith.constant 0 : index
    %get3A_1 = vector.load %arg3[%get3A, %get3A_0] : memref<20x2xf32, #tpu.memory_space<vmem>>, vector<20x2xf32>
    %get3A_2 = arith.constant 0 : index
    %get3A_3 = arith.constant 0 : index
    %get3A_4 = arith.constant 0 : index
    %get3A_5 = vector.load %arg1[%get3A_2, %get3A_3, %get3A_4] : memref<1x1x4096xf32, #tpu.memory_space<vmem>>, vector<1x1x4096xf32>
    %reshape3A = vector.shape_cast %get3A_5 : vector<1x1x4096xf32> to vector<1x4096xf32>
    %get3A_6 = arith.constant 0 : index
    %get3A_7 = arith.constant 0 : index
    %get3A_8 = arith.constant 0 : index
    %get3A_9 = vector.load %arg2[%get3A_6, %get3A_7, %get3A_8] : memref<1x1x4096xf32, #tpu.memory_space<vmem>>, vector<1x1x4096xf32>
    %reshape3A_10 = vector.shape_cast %get3A_9 : vector<1x1x4096xf32> to vector<1x4096xf32>
    %slice3A = vector.extract_strided_slice %get3A_1 {offsets = [0, 0], sizes = [20, 1], strides = [1, 1]} : vector<20x2xf32> to vector<20x1xf32>
    %mul3A = vector.broadcast %slice3A : vector<20x1xf32> to vector<20x4096xf32>
    %mul3A_11 = vector.broadcast %reshape3A : vector<1x4096xf32> to vector<20x4096xf32>
    %mul3A_12 = arith.mulf %mul3A, %mul3A_11 : vector<20x4096xf32>
    %slice3A_13 = vector.extract_strided_slice %get3A_1 {offsets = [0, 1], sizes = [20, 1], strides = [1, 1]} : vector<20x2xf32> to vector<20x1xf32>
    %mul3A_14 = vector.broadcast %slice3A_13 : vector<20x1xf32> to vector<20x4096xf32>
    %mul3A_15 = vector.broadcast %reshape3A_10 : vector<1x4096xf32> to vector<20x4096xf32>
    %mul3A_16 = arith.mulf %mul3A_14, %mul3A_15 : vector<20x4096xf32>
    %add3A = arith.addf %mul3A_12, %mul3A_16 : vector<20x4096xf32>
    %get3A_17 = arith.constant 0 : index
    %get3A_18 = arith.constant 0 : index
    %get3A_19 = vector.load %arg4[%get3A_17, %get3A_18] : memref<20x1xf32, #tpu.memory_space<vmem>>, vector<20x1xf32>
    %add3A_20 = vector.broadcast %get3A_19 : vector<20x1xf32> to vector<20x4096xf32>
    %add3A_21 = arith.addf %add3A, %add3A_20 : vector<20x4096xf32>
    %max3A = arith.constant 0.000000e+00 : f32
    %max3A_22 = vector.broadcast %max3A : f32 to vector<20x4096xf32>
    %max3A_23 = arith.maximumf %add3A_21, %max3A_22 : vector<20x4096xf32>
    %get3A_24 = arith.constant 0 : index
    %get3A_25 = arith.constant 0 : index
    %get3A_26 = vector.load %arg5[%get3A_24, %get3A_25] : memref<200x20xbf16, #tpu.memory_space<vmem>>, vector<200x20xbf16>
    %convert_element_type3A = arith.truncf %max3A_23 : vector<20x4096xf32> to vector<20x4096xbf16>
    %dot_general3A = arith.constant dense<0.000000e+00> : vector<200x4096xf32>
    %dot_general3A_27 = tpu.matmul %get3A_26, %convert_element_type3A, %dot_general3A {dimension_numbers = #tpu.dot_dimension_numbers<[1], [0], [0], [1], [0, 0, 1, 1], [], []>, transpose_lhs_hint = false} : vector<200x20xbf16>, vector<20x4096xbf16>, vector<200x4096xf32> -> vector<200x4096xf32>
    %get3A_28 = arith.constant 0 : index
    %get3A_29 = arith.constant 0 : index
    %get3A_30 = vector.load %arg6[%get3A_28, %get3A_29] : memref<200x1xf32, #tpu.memory_space<vmem>>, vector<200x1xf32>
    %add3A_31 = vector.broadcast %get3A_30 : vector<200x1xf32> to vector<200x4096xf32>
    %add3A_32 = arith.addf %dot_general3A_27, %add3A_31 : vector<200x4096xf32>
    %max3A_33 = arith.constant 0.000000e+00 : f32
    %max3A_34 = vector.broadcast %max3A_33 : f32 to vector<200x4096xf32>
    %max3A_35 = arith.maximumf %add3A_32, %max3A_34 : vector<200x4096xf32>
    %get3A_36 = arith.constant 0 : index
    %get3A_37 = arith.constant 0 : index
    %get3A_38 = vector.load %arg7[%get3A_36, %get3A_37] : memref<200x200xbf16, #tpu.memory_space<vmem>>, vector<200x200xbf16>
    %convert_element_type3A_39 = arith.truncf %max3A_35 : vector<200x4096xf32> to vector<200x4096xbf16>
    %dot_general3A_40 = arith.constant dense<0.000000e+00> : vector<200x4096xf32>
    %dot_general3A_41 = tpu.matmul %get3A_38, %convert_element_type3A_39, %dot_general3A_40 {dimension_numbers = #tpu.dot_dimension_numbers<[1], [0], [0], [1], [0, 0, 1, 1], [], []>, transpose_lhs_hint = false} : vector<200x200xbf16>, vector<200x4096xbf16>, vector<200x4096xf32> -> vector<200x4096xf32>
    %get3A_42 = arith.constant 0 : index
    %get3A_43 = arith.constant 0 : index
    %get3A_44 = vector.load %arg8[%get3A_42, %get3A_43] : memref<200x1xf32, #tpu.memory_space<vmem>>, vector<200x1xf32>
    %add3A_45 = vector.broadcast %get3A_44 : vector<200x1xf32> to vector<200x4096xf32>
    %add3A_46 = arith.addf %dot_general3A_41, %add3A_45 : vector<200x4096xf32>
    %max3A_47 = arith.constant 0.000000e+00 : f32
    %max3A_48 = vector.broadcast %max3A_47 : f32 to vector<200x4096xf32>
    %max3A_49 = arith.maximumf %add3A_46, %max3A_48 : vector<200x4096xf32>
    %get3A_50 = arith.constant 0 : index
    %get3A_51 = arith.constant 0 : index
    %get3A_52 = vector.load %arg9[%get3A_50, %get3A_51] : memref<20x200xbf16, #tpu.memory_space<vmem>>, vector<20x200xbf16>
    %convert_element_type3A_53 = arith.truncf %max3A_49 : vector<200x4096xf32> to vector<200x4096xbf16>
    %dot_general3A_54 = arith.constant dense<0.000000e+00> : vector<20x4096xf32>
    %dot_general3A_55 = tpu.matmul %get3A_52, %convert_element_type3A_53, %dot_general3A_54 {dimension_numbers = #tpu.dot_dimension_numbers<[1], [0], [0], [1], [0, 0, 1, 1], [], []>, transpose_lhs_hint = false} : vector<20x200xbf16>, vector<200x4096xbf16>, vector<20x4096xf32> -> vector<20x4096xf32>
    %get3A_56 = arith.constant 0 : index
    %get3A_57 = arith.constant 0 : index
    %get3A_58 = vector.load %arg10[%get3A_56, %get3A_57] : memref<20x1xf32, #tpu.memory_space<vmem>>, vector<20x1xf32>
    %add3A_59 = vector.broadcast %get3A_58 : vector<20x1xf32> to vector<20x4096xf32>
    %add3A_60 = arith.addf %dot_general3A_55, %add3A_59 : vector<20x4096xf32>
    %max3A_61 = arith.constant 0.000000e+00 : f32
    %max3A_62 = vector.broadcast %max3A_61 : f32 to vector<20x4096xf32>
    %max3A_63 = arith.maximumf %add3A_60, %max3A_62 : vector<20x4096xf32>
    %get3A_64 = arith.constant 0 : index
    %get3A_65 = arith.constant 0 : index
    %get3A_66 = vector.load %arg11[%get3A_64, %get3A_65] : memref<1x20xf32, #tpu.memory_space<vmem>>, vector<1x20xf32>
    %dot_general3A_67 = arith.constant dense<0.000000e+00> : vector<1x4096xf32>
    %dot_general3A_68 = tpu.matmul %get3A_66, %max3A_63, %dot_general3A_67 {dimension_numbers = #tpu.dot_dimension_numbers<[1], [0], [0], [1], [0, 0, 1, 1], [], []>, transpose_lhs_hint = false} : vector<1x20xf32>, vector<20x4096xf32>, vector<1x4096xf32> -> vector<1x4096xf32>
    %get3A_69 = arith.constant 0 : index
    %get3A_70 = arith.constant 0 : index
    %get3A_71 = vector.load %arg12[%get3A_69, %get3A_70] : memref<1x1xf32, #tpu.memory_space<vmem>>, vector<1x1xf32>
    %add3A_72 = vector.broadcast %get3A_71 : vector<1x1xf32> to vector<1x4096xf32>
    %add3A_73 = arith.addf %dot_general3A_68, %add3A_72 : vector<1x4096xf32>
    %get3A_74 = arith.constant 0 : index
    %get3A_75 = arith.constant 0 : index
    %get3A_76 = vector.load %arg13[%get3A_74, %get3A_75] : memref<4096x64xf32, #tpu.memory_space<vmem>>, vector<4096x64xf32>
    %dot_general3A_77 = arith.constant dense<0.000000e+00> : vector<1x64xf32>
    %dot_general3A_78 = tpu.matmul %add3A_73, %get3A_76, %dot_general3A_77 {dimension_numbers = #tpu.dot_dimension_numbers<[1], [0], [0], [1], [0, 0, 1, 1], [], []>, transpose_lhs_hint = false} : vector<1x4096xf32>, vector<4096x64xf32>, vector<1x64xf32> -> vector<1x64xf32>
    %logistic3A = arith.negf %dot_general3A_78 : vector<1x64xf32>
    %logistic3A_79 = math.exp %logistic3A : vector<1x64xf32>
    %logistic3A_80 = arith.constant 1.000000e+00 : f32
    %logistic3A_81 = vector.broadcast %logistic3A_80 : f32 to vector<1x64xf32>
    %logistic3A_82 = arith.addf %logistic3A_81, %logistic3A_79 : vector<1x64xf32>
    %logistic3A_83 = arith.divf %logistic3A_81, %logistic3A_82 : vector<1x64xf32>
    %reshape3A_84 = vector.shape_cast %logistic3A_83 : vector<1x64xf32> to vector<1x1x64xf32>
    %swap3A = arith.constant 0 : index
    %swap3A_85 = arith.constant 0 : index
    %swap3A_86 = arith.constant 0 : index
    %swap3A_87 = vector.load %arg14[%swap3A, %swap3A_85, %swap3A_86] : memref<1x1x64xf32, #tpu.memory_space<vmem>>, vector<1x1x64xf32>
    tpu.vector_store %arg14[%swap3A, %swap3A_85, %swap3A_86], %reshape3A_84 {strides = array<i32>} : memref<1x1x64xf32, #tpu.memory_space<vmem>>, vector<1x1x64xf32>,
    return
  }
  func.func @transform_0(%arg0: i32) -> (i32, i32, i32) {
    %c0_i32 = arith.constant 0 : i32
    %c0_i32_0 = arith.constant 0 : i32
    %c0_i32_1 = arith.constant 0 : i32
    return %arg0, %c0_i32, %c0_i32_0 : i32, i32, i32
  }
  func.func @transform_1(%arg0: i32) -> (i32, i32, i32) {
    %c0_i32 = arith.constant 0 : i32
    %c0_i32_0 = arith.constant 0 : i32
    %c0_i32_1 = arith.constant 0 : i32
    return %arg0, %c0_i32, %c0_i32_0 : i32, i32, i32
  }
  func.func @transform_2(%arg0: i32) -> (i32, i32) {
    %c0_i32 = arith.constant 0 : i32
    %c0_i32_0 = arith.constant 0 : i32
    %c0_i32_1 = arith.constant 0 : i32
    return %c0_i32, %c0_i32_0 : i32, i32
  }
  func.func @transform_3(%arg0: i32) -> (i32, i32) {
    %c0_i32 = arith.constant 0 : i32
    %c0_i32_0 = arith.constant 0 : i32
    %c0_i32_1 = arith.constant 0 : i32
    return %c0_i32, %c0_i32_0 : i32, i32
  }
  func.func @transform_4(%arg0: i32) -> (i32, i32) {
    %c0_i32 = arith.constant 0 : i32
    %c0_i32_0 = arith.constant 0 : i32
    %c0_i32_1 = arith.constant 0 : i32
    return %c0_i32, %c0_i32_0 : i32, i32
  }
  func.func @transform_5(%arg0: i32) -> (i32, i32) {
    %c0_i32 = arith.constant 0 : i32
    %c0_i32_0 = arith.constant 0 : i32
    %c0_i32_1 = arith.constant 0 : i32
    return %c0_i32, %c0_i32_0 : i32, i32
  }
  func.func @transform_6(%arg0: i32) -> (i32, i32) {
    %c0_i32 = arith.constant 0 : i32
    %c0_i32_0 = arith.constant 0 : i32
    %c0_i32_1 = arith.constant 0 : i32
    return %c0_i32, %c0_i32_0 : i32, i32
  }
  func.func @transform_7(%arg0: i32) -> (i32, i32) {
    %c0_i32 = arith.constant 0 : i32
    %c0_i32_0 = arith.constant 0 : i32
    %c0_i32_1 = arith.constant 0 : i32
    return %c0_i32, %c0_i32_0 : i32, i32
  }
  func.func @transform_8(%arg0: i32) -> (i32, i32) {
    %c0_i32 = arith.constant 0 : i32
    %c0_i32_0 = arith.constant 0 : i32
    %c0_i32_1 = arith.constant 0 : i32
    return %c0_i32, %c0_i32_0 : i32, i32
  }
  func.func @transform_9(%arg0: i32) -> (i32, i32) {
    %c0_i32 = arith.constant 0 : i32
    %c0_i32_0 = arith.constant 0 : i32
    %c0_i32_1 = arith.constant 0 : i32
    return %c0_i32, %c0_i32_0 : i32, i32
  }
  func.func @transform_10(%arg0: i32) -> (i32, i32) {
    %c0_i32 = arith.constant 0 : i32
    %c0_i32_0 = arith.constant 0 : i32
    %c0_i32_1 = arith.constant 0 : i32
    return %c0_i32, %c0_i32_0 : i32, i32
  }
  func.func @transform_11(%arg0: i32) -> (i32, i32) {
    %c0_i32 = arith.constant 0 : i32
    %c0_i32_0 = arith.constant 0 : i32
    %c0_i32_1 = arith.constant 0 : i32
    return %c0_i32, %c0_i32_0 : i32, i32
  }
  func.func @transform_12(%arg0: i32) -> (i32, i32) {
    %c0_i32 = arith.constant 0 : i32
    %c0_i32_0 = arith.constant 0 : i32
    %c0_i32_1 = arith.constant 0 : i32
    return %c0_i32, %c0_i32_0 : i32, i32
  }
  func.func @transform_13(%arg0: i32) -> (i32, i32, i32) {
    %c0_i32 = arith.constant 0 : i32
    %c0_i32_0 = arith.constant 0 : i32
    %c0_i32_1 = arith.constant 0 : i32
    return %arg0, %c0_i32, %c0_i32_0 : i32, i32, i32
  }
}

</mosaic_0001>

<sc_bundles>
// kernel: gather_offload_async_start.1
scs
__scs_entry_jumppad:
0x0: {  	(pc) =	sbr.rel $0x88, $3  }
0x1: {  	(tag) =	ssettag $0x0;
	lr =	simm.s32 $0x1  }
0x2: {  	[smem:$0x3F91] =	sst lr;
	_ =	strace $0xD0000000  }
0x3: {  	_ = 	snop  }
0x4: {  	_ = 	snop  }
0x5: {  	_ = 	snop  }
0x6: {  	_ = 	snop  }
0x7: {  	_ = 	snop  }
__scs_overlays_trampoline_lowered:
0x8: {  	[smem:$0x3FA0] =	sst s0  }
0x9: {  	[smem:$0x3FA1] =	sst s1  }
0xa: {  	[smem:$0x3FA2] =	sst s2  }
0xb: {  	[smem:$0x3FA3] =	sst s3  }
0xc: {  	[smem:$0x3FA4] =	sst s4  }
0xd: {  	[smem:$0x3FA5] =	sst s5  }
0xe: {  	[smem:$0x3FA6] =	sst s6  }
0xf: {  	[smem:$0x3FA7] =	sst s7  }
0x10: {  	[smem:$0x3FA8] =	sst s8  }
0x11: {  	[smem:$0x3FA9] =	sst s9;
	s0 =	simm.s32 @!p0 $0x0  }
0x12: {  	s1 =	sld [smem:$0x3F8F];
	s0 =	simm.s32 @p0 $0x1  }
0x13: {  	[smem:$0x3FAA] =	sst s0;
	s0 =	simm.s32 @!p1 $0x0  }
0x14: {  	s2 =	sld [smem:$0x3F8E];
	s0 =	simm.s32 @p1 $0x1  }
0x15: {  	[smem:$0x3FAB] =	sst s0;
	s0 =	simm.s32 @!p2 $0x0  }
0x16: {  	s3 =	sld [smem:$0x3FDB];
	s0 =	simm.s32 @p2 $0x1  }
0x17: {  	s4 =	simm.s32 $0x1BF5;
	[smem:$0x3FAD] =	sst s0  }
0x18: {  	s0 =	sld [smem:$0x3F90];
	_ =	swait.ge [sflag:s4], $0x0  }
0x19: {  	s7 =	sld [smem:$0x3F91]  }
0x1a: {  	s8 =	sadd.s32 $0xFFFFE003, lr  }
0x1b: {  	s9 =	sadd.s32 $0xFFFFFEF7, lr;
	s5 =	simm.s32 $0xFFFFFFFF;
	p2 =	slt.u32 s8, $0xFFFFF086  }
0x1c: {  	p1 =	slt.u32 s9, $0xF7A;
	s5 =	simm.s32 @!p2 $0x0  }
0x1d: {  	s5 =	simm.s32 @p1 $0x1;
	p0 =	seq.s32 s7, s2  }
0x1e: {  	s7 =	smul.u32 @!p0 $0xF7A, s2;
	p2 =	seq.s32 @!p0 s5, $0x0  }
0x1f: {  	s9 =	smul.u32 $0xF7A, s1;
	s8 =	simm.s32 @!p0 $0x1BF5;
	p2 =	por !p2, p0  }
0x20: {  	[sflag:s8] =	ssyncset.s32 @!p0 $0xFFFFF086;
	s6 =	sadd.s32 @!p0 s3, s7;
	s7 =	simm.s32 @!p0 $0x108  }
0x21: {  	s3 =	sadd.s32 s3, s9;
	s6 =	sadd.s32 @!p0 $0x88, s6;
	s7 =	simm.s32 @p2 $0x1082  }
0x22: {  	[simem:s7], [sflag:s8] =	dma.local @!p0 [hbm:s6], $0xF7A  }
0x23: {  	s9 =	sor.u32 $0xD0000000, s2;
	s6 =	simm.s32 $0x108;
	_ =	swait.ge @!p0 [sflag:s8], $0x0  }
0x24: {  	s3 =	sadd.s32 $0x88, s3;
	s6 =	simm.s32 @!p1 $0x1082;
	[sflag:s4] =	ssyncset.s32 $0xFFFFF086  }
0x25: {  	[simem:s6], [sflag:s4] =	dma.local [hbm:s3], $0xF7A  }
0x26: {  	[smem:$0x3F91] =	sst s1;
	(tag) =	ssettag s2;
	_ =	strace s9  }
0x27: {  	s1 =	sld [smem:$0x3FA1]  }
0x28: {  	s2 =	sld [smem:$0x3FA2]  }
0x29: {  	s4 =	sld [smem:$0x3FA4]  }
0x2a: {  	p0 =	seq.s32 s5, $0x0;
	s5 =	sld [smem:$0x3FA5]  }
0x2b: {  	s6 =	sld [smem:$0x3FA6]  }
0x2c: {  	s7 =	sld [smem:$0x3FA7]  }
0x2d: {  	s3 =	simm.s32 $0x108;
	s8 =	sld [smem:$0x3FA8]  }
0x2e: {  	s3 =	simm.s32 @!p0 $0x1082;
	s9 =	sld [smem:$0x3FA9]  }
0x2f: {  	lr =	sadd.s32 s0, s3;
	s0 =	sld [smem:$0x3FA0]  }
0x30: {  	s3 =	sld [smem:$0x3FA3]  }
0x31: {  	[smem:$0x3FAC] =	sst s10  }
0x32: {  	s10 =	sld [smem:$0x3FAA];
	_ =	sdelay $0x3  }
0x33: {  	p0 =	seq.s32 s10, $0x1;
	s10 =	sld [smem:$0x3FAC];
	_ =	sdelay $0x3  }
0x34: {  	[smem:$0x3FAC] =	sst s10  }
0x35: {  	s10 =	sld [smem:$0x3FAB];
	_ =	sdelay $0x3  }
0x36: {  	p1 =	seq.s32 s10, $0x1;
	s10 =	sld [smem:$0x3FAC];
	_ =	sdelay $0x3  }
0x37: {  	[smem:$0x3FAC] =	sst s10  }
0x38: {  	s10 =	sld [smem:$0x3FAD]  }
0x39: {  	_ = 	snop;
	(pc) =	sbr.ind lr, $3  }
0x3a: {  	_ = 	snop  }
0x3b: {  	_ = 	snop  }
0x3c: {  	p2 =	seq.s32 s10, $0x1;
	s10 =	sld [smem:$0x3FAC]  }
0x3d: {  	_ =	shalt  }
0x3e: {  	_ =	shalt  }
0x3f: {  	_ =	shalt  }
0x40: {  	_ =	shalt  }
0x41: {  	_ =	shalt  }
0x42: {  	_ =	shalt  }
0x43: {  	_ =	shalt  }
0x44: {  	_ =	shalt  }
0x45: {  	_ =	shalt  }
0x46: {  	_ =	shalt  }
0x47: {  	_ =	shalt  }
0x48: {  	_ =	shalt  }
0x49: {  	_ =	shalt  }
0x4a: {  	_ =	shalt  }
0x4b: {  	_ =	shalt  }
0x4c: {  	_ =	shalt  }
0x4d: {  	_ =	shalt  }
0x4e: {  	_ =	shalt  }
0x4f: {  	_ =	shalt  }
0x50: {  	_ =	shalt  }
0x51: {  	_ =	shalt  }
0x52: {  	_ =	shalt  }
0x53: {  	_ =	shalt  }
0x54: {  	_ =	shalt  }
0x55: {  	_ =	shalt  }
0x56: {  	_ =	shalt  }
0x57: {  	_ =	shalt  }
0x58: {  	_ =	shalt  }
0x59: {  	_ =	shalt  }
0x5a: {  	_ =	shalt  }
0x5b: {  	_ =	shalt  }
0x5c: {  	_ =	shalt  }
0x5d: {  	_ =	shalt  }
0x5e: {  	_ =	shalt  }
0x5f: {  	_ =	shalt  }
0x60: {  	_ =	shalt  }
0x61: {  	_ =	shalt  }
0x62: {  	_ =	shalt  }
0x63: {  	_ =	shalt  }
0x64: {  	_ =	shalt  }
0x65: {  	_ =	shalt  }
0x66: {  	_ =	shalt  }
0x67: {  	_ =	shalt  }
0x68: {  	_ =	shalt  }
0x69: {  	_ =	shalt  }
0x6a: {  	_ =	shalt  }
0x6b: {  	_ =	shalt  }
0x6c: {  	_ =	shalt  }
0x6d: {  	_ =	shalt  }
0x6e: {  	_ =	shalt  }
0x6f: {  	_ =	shalt  }
0x70: {  	_ =	shalt  }
0x71: {  	_ =	shalt  }
0x72: {  	_ =	shalt  }
0x73: {  	_ =	shalt  }
0x74: {  	_ =	shalt  }
0x75: {  	_ =	shalt  }
0x76: {  	_ =	shalt  }
0x77: {  	_ =	shalt  }
0x78: {  	_ =	shalt  }
0x79: {  	_ =	shalt  }
0x7a: {  	_ =	shalt  }
0x7b: {  	_ =	shalt  }
0x7c: {  	_ =	shalt  }
0x7d: {  	_ =	shalt  }
0x7e: {  	_ =	shalt  }
0x7f: {  	_ =	shalt  }
0x80: {  	_ =	shalt  }
0x81: {  	_ =	shalt  }
0x82: {  	_ =	shalt  }
0x83: {  	_ =	shalt  }
0x84: {  	_ =	shalt  }
0x85: {  	_ =	shalt  }
0x86: {  	_ =	shalt  }
0x87: {  	_ =	shalt  }
.Lfunc_end0:
.L_simem_size_0:
called_computation.1_lowered:
.L_overlay_start_0:
0x88: {  	s2 =	sld [smem:$0x3FD9]  }
0x89: {  	s3 =	sld [smem:$0x3FFE];
	_ =	sdelay $0x1  }
0x8a: {  	s1 =	srdreg.scid  }
0x8b: {  	s0 =	sand.u32 $0x1, s1  }
0x8c: {  	s16 =	sshll.u32 s0, $0xA;
	s2 =	sadd.s32 s3, s2  }
0x8d: {  	s2 =	sadd.s32 s2, s16  }
0x8e: {  	[smem:$0x3FB8] =	sst s2  }
0x8f: {  	_ = 	snop  }
0x90: {  	(tm) =	ssettm $0x1  }
0x91: {  	s17 =	sld [smem:$0x3FFB];
	_ =	sdelay $0x3  }
0x92: {  	_ =	strace s17  }
0x93: {  	s2 =	sld [smem:$0x3FFC];
	_ =	sdelay $0x3  }
0x94: {  	_ =	strace s2  }
0x95: {  	s2 =	sld [smem:$0x3FFD];
	_ =	sdelay $0x3  }
0x96: {  	_ =	strace s2  }
0x97: {  	_ =	strace $0x8FFFFFFF  }
0x98: {  	s18 =	sld [smem:$0x3FDB];
	_ =	sdelay $0x1  }
0x99: {  	s19 =	simm.s32 $_scs_section_size  }
0x9a: {  	s4 =	simm.s32 $_size__tile_overlayer_lowered;
	s5 =	simm.s32 $_tile_overlayer_lowered  }
0x9b: {  	s22 =	simm.s32 $0x1BFF;
	s21 =	sshll.u32 s5, $0x1;
	s2 =	sadd.s32 s19, s18  }
0x9c: {  	s6 =	simm.s32 $0x0;
	s20 =	sshll.u32 s4, $0x1;
	s4 =	sadd.s32 s21, s2  }
0x9d: {  	[timem:s6], [sflag:s22] =	dma.local [hbm:s4], s20  }
0x9e: {  	_ =	swait.ge [sflag:s22], s20  }
0x9f: {  	s3 =	ssub.s32 $0x0, s20;
	[sflag:s22] =	ssyncset.done $0x0  }
0xa0: {  	[sflag:s22] =	ssyncadd.s32 s3;
	_ =	sdelay $0x1  }
0xa1: {  	s23 =	simm.s32 $0x1B8B  }
0xa2: {  	_ =	swait.ge [sflag:s23], $0x1  }
0xa3: {  	[sflag:s23] =	ssyncset.done $0x0  }
0xa4: {  	s25 =	simm.s32 $0x1B8E;
	s24 =	sld [smem:$0x3FFE];
	[sflag:s23] =	ssyncadd.s32 $0xFFFFFFFF  }
0xa5: {  	s26 =	simm.s32 $execute0_lowered;
	[smem:$0x3FD2] =	sst s25  }
0xa6: {  	s4 =	sshll.u32 s26, $0x1;
	_ =	strace $0x80000046;
	[dreg:$0x1] =	wrdreg $0xFFFFFFFF  }
0xa7: {  	s28 =	simm.s32 $_size_execute0_lowered;
	s2 =	sadd.s32 s2, s4;
	[dreg:$0x0] =	wrdreg $0x0  }
0xa8: {  	s4 =	sshll.u32 s28, $0x1;
	[dreg:$0x2] =	wrdreg s2  }
0xa9: {  	[dreg:$0x3] =	wrdreg s4  }
0xaa: {  	[dreg:$0x4] =	wrdreg $0xC0  }
0xab: {  	_ =	task [dreg:s6], $0x5FFFF  }
0xac: {  	[dreg:$0x1] =	wrdreg $0xFFFFFFFF  }
0xad: {  	[dreg:$0x0] =	wrdreg $0x60  }
0xae: {  	[dreg:$0x2] =	wrdreg s24  }
0xaf: {  	[dreg:$0x3] =	wrdreg $0xA  }
0xb0: {  	_ =	task.clear_ibuf [dreg:s6], $0x4FFFF;
	_ =	strace $0x90000046  }
0xb1: {  	s29 =	simm.s32 $0xA;
	_ =	strace $0x80000048  }
0xb2: {  	_ =	swait.ge [sflag:s29], $0x1  }
0xb3: {  	[sflag:s29] =	ssyncadd.s32 $0xFFFFFFFF  }
0xb4: {  	_ =	strace $0x90000048  }
0xb5: {  	_ =	sfence  }
0xb6: {  	s30 =	sld [smem:$0x0];
	_ =	sdelay $0x2  }
0xb7: {  	s31 =	sshll.u32 s1, $0xD;
	s1 =	sshrl.u32 s1, $0x2  }
0xb8: {  	s3 =	sand.u32 $0x4000, s31;
	s1 =	sadd.s32 s1, s30  }
0xb9: {  	s0 =	sor.u32 s3, s0;
	s1 =	sshll.u32 s1, $0x11  }
0xba: {  	s0 =	sor.u32 s1, s0  }
0xbb: {  	s0 =	sadd.s32 $0x8F2B, s0  }
0xbc: {  	[sflag:s0] =	ssyncadd.remote.s32 $0x1  }
0xbd: {  	_ =	sfence.sel $0xFFFF  }
0xbe: {  	[dreg:$0x0] =	wrdreg $0xFFFFFFFF;
	(pc) =	sbr.abs _section_cstart, $3  }
0xbf: {  	[dreg:$0x1] =	wrdreg $0xFFFFFFFF  }
0xc0: {  	_ =	task.clear_ibuf [dreg:s6], $0x2FFFF;
	_ =	strace $0x9FFFFFFF  }
0xc1: {  	(tm) =	ssettm $0x7FFFFFFF  }
tec
execute0_lowered:
.L_overlay_start_1:
0x0: {  	(tag) =	ssettag $0x1  }
0x1: {  	s7 =	rddreg [dreg:$0x0]  }
0x2: {  	s0 =	rddreg [dreg:$0x1];
	_ =	strace $0x80000047  }
0x3: {  	s1 =	srdreg.scid;
	s4 =	simm.s32 $0x1;
	s9 =	simm.s32 $0x3  }
0x4: {  	s12 =	simm.s32 $0x0;
	s10 =	simm.s32 $0x0;
	s5 =	sshll.u32 s1, $0x4  }
.Ltmp0:
0x5: {  	s1 =	stileid.u32;
	s5 =	sand.u32 $0x10, s5;
	(pc) =	sbr.rel .LBB2_1-.Ltmp0, $4  }
0x6: {  	s2 =	sadd.s32 $0x4CA600, s7;
	s3 =	sadd.s32 $0x4600, s7;
	s6 =	sor.u32 s1, s5  }
0x7: {  	[sflag:s4] =	ssyncpa.u1 $0x0;
	s5 =	simm.s32 $0x2;
	s6 =	sshll.u32 s6, $0x7  }
0x8: {  	s7 =	sadd.s32 $0x4800, s7;
	[sflag:s5] =	ssyncpa.u1 $0x0;
	s8 =	sadd.s32 $0x80, s6  }
0x9: {  	vm0 =	vmmov $0xff;
	vm1 =	vcmask $0x3F20;
	[sflag:s9] =	ssyncpa.u1 $0x0;
	s9 =	simm.s32 $0x80;
	s11 =	smov.u32 s6  }
.LBB2_10:
0xa: {  	[hbm:s16] =	stream.linear.scatter [tilespmem:s13], [sflag:$0x3], $0x800, $0x38;
	[tilespmem:$0x10100] =	vst v63  }
.LBB2_11:
0xb: {  	p0 =	seq.s32 s10, $0x2  }
.Ltmp1:
0xc: {  	_ = 	snop;
	(pc) =	sbr.rel @p0 .LBB2_13-.Ltmp1, $1  }
0xd: {  	_ =	sdelay $0x3  }
.LBB2_12:
0xe: {  	s12 =	sadd.s32 $0x80, s11  }
0xf: {  	s13 =	smov.u32 s6;
	p0 =	slt.s32 s12, s8  }
0x10: {  	s13 =	smov.u32 @p0 s12  }
0x11: {  	s10 =	sadd.s32 $0x1, s10;
	s12 =	smov.u32 s11;
	s11 =	smov.u32 s13  }
.LBB2_1:
0x12: {  	p0 =	sne.s32 s10, $0x0  }
.Ltmp2:
0x13: {  	_ = 	snop;
	(pc) =	sbr.rel @!p0 .LBB2_2-.Ltmp2, $1  }
0x14: {  	_ =	sdelay $0x3  }
0x15: {  	s13 =	sand.u32 $0x1, s10  }
0x16: {  	p0 =	seq.s32 s13, $0x0  }
.Ltmp3:
0x17: {  	_ = 	snop;
	(pc) =	sbr.rel @p0 .LBB2_11-.Ltmp3, $1  }
0x18: {  	_ =	sdelay $0x3  }
0x19: {  	_ =	swait.ge [sflag:s5], $0x80  }
0x1a: {  	[sflag:s5] =	ssyncset.done $0x0  }
0x1b: {  	s13 =	simm.s32 $0x0;
	[sflag:s5] =	ssyncadd.s32 $0xFFFFFF80  }
.LBB2_5:
0x1c: {  	s14 =	sshll.u32 s13, $0x4  }
0x1d: {  	s14 =	sand.u32 $0x3FFFFFF0, s14  }
0x1e: {  	v0 =	vld.msk [tilespmem:s14+$0x80 ss:$0x1], $0xffff;
	_ =	sdelay $0x4  }
0x1f: {  	vm2 =	vgt.s32 v0, $0x0  }
0x20: {  	v0 =	vnsel vm2, $0x0, v0  }
0x21: {  	v0 =	vmin.u32 v0, $0x1869F  }
0x22: {  	s31 =	sshll.u32 s13, $0xC;
	v1 =	vshll.u32 v0, $0x5;
	v0 =	vshll.u32 v0, $0x4  }
0x23: {  	s14 =	sand.u32 $0x3FFFF000, s31;
	v1 =	vand.u32 $0x3FFF00, v1;
	v0 =	vand.u32 $0x70, v0  }
0x24: {  	p0 =	por $0x1, $0x1;
	s15 =	simm.s32 $0x0;
	s14 =	sadd.s32 $0x8100, s14;
	v0 =	vor.u32 v0, v1  }
.LBB2_6:
0x25: {  	_ =	sdelay $0x1  }
0x26: {  	s15 =	sshra.s32 s15, $0x2;
	p1 =	por p0, p0  }
.Ltmp4:
0x27: {  	s15 =	sadd.s32 s15, s14;
	(pc) =	sbr.rel @p1 .LBB2_6-.Ltmp4, $4  }
0x28: {  	[tilespmem:s15], [sflag:$0x1] =	stream.indirect_vreg.gather [hbm:s2], $0x80, v0, vm0, $0x38;
	[tilespmem:$0x10100] =	vst v63  }
0x29: {  	s15 =	sadd.s32 $0x800, s15  }
0x2a: {  	[tilespmem:s15], [sflag:$0x1] =	stream.indirect_vreg.gather [hbm:s2], $0x80, v0, vm1, $0x38;
	[tilespmem:$0x10100] =	vst v63  }
0x2b: {  	p0 =	por $0x0, $0x0;
	v0 =	vadd.s32 $0x80, v0;
	s15 =	simm.s32 $0x1000  }
0x2c: {  	s13 =	sadd.s32 $0x1, s13  }
0x2d: {  	p0 =	sne.s32 s13, $0x8  }
.Ltmp5:
0x2e: {  	_ = 	snop;
	(pc) =	sbr.rel @p0 .LBB2_5-.Ltmp5, $1  }
0x2f: {  	_ =	sdelay $0x3  }
0x30: {  	s13 =	sshll.u32 s12, $0x5  }
0x31: {  	_ =	swait.ge [sflag:s4], $0x8000;
	s31 =	sshll.u32 s12, $0x4;
	s13 =	sand.u32 $0xFFFFFF00, s13  }
0x32: {  	s14 =	simm.s32 $0x100;
	s12 =	sand.u32 $0x70, s31;
	s13 =	sadd.s32 s13, s7  }
0x33: {  	s15 =	simm.s32 $0x8900;
	[sflag:s4] =	ssyncset.done $0x0;
	s12 =	sadd.s32 s12, s13  }
0x34: {  	[sflag:s4] =	ssyncadd.s32 $0xFFFF8000;
	s13 =	simm.s32 $0x8100;
	s16 =	sadd.s32 $0x0, s12  }
.LBB2_9:
0x35: {  	[hbm:s16] =	stream.linear.scatter [tilespmem:s13], [sflag:$0x3], $0x800, $0x38;
	[tilespmem:$0x10100] =	vst v63  }
0x36: {  	s16 =	smov.u32 s14;
	s13 =	smov.u32 s15;
	p0 =	sne.s32 s14, $0xF00  }
.Ltmp6:
0x37: {  	s14 =	sadd.s32 $0x100, s14;
	(pc) =	sbr.rel @p0 .LBB2_9-.Ltmp6, $2  }
0x38: {  	_ =	sdelay $0x2  }
0x39: {  	s15 =	sadd.s32 $0x800, s15;
	s16 =	sadd.s32 s16, s12  }
.Ltmp7:
0x3a: {  	_ = 	snop;
	(pc) =	sbr.rel .LBB2_10-.Ltmp7, $1  }
0x3b: {  	_ =	sdelay $0x3  }
.LBB2_2:
.Ltmp8:
0x3c: {  	(pc) =	sbr.rel .LBB2_12-.Ltmp8, $4  }
0x3d: {  	_ = 	snop  }
0x3e: {  	s12 =	sshrl.u32 s11, $0x3  }
0x3f: {  	s13 =	sand.u32 $0x7, s11;
	s12 =	sadd.s32 s3, s12  }
0x40: {  	[tilespmem:s9], [sflag:$0x2] =	stream.linear.gather [hbm4b:s12+s13], $0x80, $0x38;
	[tilespmem:$0x10100] =	vst v63  }
.LBB2_13:
0x41: {  	s2 =	simm.s32 $0x3  }
0x42: {  	_ =	swait.ge [sflag:s2], $0x8000  }
0x43: {  	[sflag:s2] =	ssyncset.done $0x0  }
0x44: {  	[sflag:s2] =	ssyncadd.s32 $0xFFFF8000  }
0x45: {  	_ =	sfence.sel $0x180000  }
0x46: {  	s3 =	simm.s32 $0x2;
	[bflag:$0x0] =	sbarrier.arrive $0xFFFF  }
0x47: {  	[sflag:s3] =	ssyncpa.u1 $0x1  }
0x48: {  	s31 =	simm.s32 $0x1;
	[sflag:s2] =	ssyncpa.u1 $0x1  }
0x49: {  	[sflag:s31] =	ssyncpa.u1 $0x1  }
0x4a: {  	p0 =	sne.s32 s1, $0x0;
	_ =	strace $0x90000047  }
0x4b: {  	s0 =	sadd.s32 @!p0 $0x100000, s0;
	[bflag:$0x2] =	sbarrier.arrive $0xFFFF  }
0x4c: {  	[sflag:s0] =	ssyncadd.tile.s32 @!p0 $0x1;
	_ =	shalt  }
.Lfunc_end2:
_tile_overlayer_lowered:
.L_overlay_start_2:
0x4d: {  	(tag) =	ssettag $0x2  }
0x4e: {  	s0 =	rddreg [dreg:$0x0];
	s2 =	stileid.u32  }
0x4f: {  	s1 =	rddreg [dreg:$0x1];
	p0 =	sne.s32 s2, $0x0  }
0x50: {  	s3 =	rddreg [dreg:$0x2];
	[bflag:$0x3] =	sbarrier.arrive $0xFFFF;
	s2 =	simm.s32 @!p0 $0x1C01  }
0x51: {  	[timem:s3], [sflag:s2] =	dma.local @!p0 [hbm:s0], s1  }
0x52: {  	s0 =	simm.s32 @!p0 $0x1  }
0x53: {  	_ =	swait.ge @!p0 [sflag:s0], s1  }
0x54: {  	s1 =	ssub.s32 @!p0 $0x0, s1;
	[sflag:s0] =	ssyncset.done @!p0 $0x0  }
0x55: {  	[sflag:s0] =	ssyncadd.s32 @!p0 s1  }
0x56: {  	[bflag:$0x3] =	sbarrier.arrive $0xFFFF  }
0x57: {  	_ =	shalt  }

// kernel: gather_offload_async_start
scs
__scs_entry_jumppad:
0x0: {  	(pc) =	sbr.rel $0x88, $3  }
0x1: {  	(tag) =	ssettag $0x0;
	lr =	simm.s32 $0x1  }
0x2: {  	[smem:$0x3F91] =	sst lr;
	_ =	strace $0xD0000000  }
0x3: {  	_ = 	snop  }
0x4: {  	_ = 	snop  }
0x5: {  	_ = 	snop  }
0x6: {  	_ = 	snop  }
0x7: {  	_ = 	snop  }
__scs_overlays_trampoline_lowered:
0x8: {  	[smem:$0x3FA0] =	sst s0  }
0x9: {  	[smem:$0x3FA1] =	sst s1  }
0xa: {  	[smem:$0x3FA2] =	sst s2  }
0xb: {  	[smem:$0x3FA3] =	sst s3  }
0xc: {  	[smem:$0x3FA4] =	sst s4  }
0xd: {  	[smem:$0x3FA5] =	sst s5  }
0xe: {  	[smem:$0x3FA6] =	sst s6  }
0xf: {  	[smem:$0x3FA7] =	sst s7  }
0x10: {  	[smem:$0x3FA8] =	sst s8  }
0x11: {  	[smem:$0x3FA9] =	sst s9;
	s0 =	simm.s32 @!p0 $0x0  }
0x12: {  	s1 =	sld [smem:$0x3F8F];
	s0 =	simm.s32 @p0 $0x1  }
0x13: {  	[smem:$0x3FAA] =	sst s0;
	s0 =	simm.s32 @!p1 $0x0  }
0x14: {  	s2 =	sld [smem:$0x3F8E];
	s0 =	simm.s32 @p1 $0x1  }
0x15: {  	[smem:$0x3FAB] =	sst s0;
	s0 =	simm.s32 @!p2 $0x0  }
0x16: {  	s3 =	sld [smem:$0x3FDB];
	s0 =	simm.s32 @p2 $0x1  }
0x17: {  	s4 =	simm.s32 $0x1BF5;
	[smem:$0x3FAD] =	sst s0  }
0x18: {  	s0 =	sld [smem:$0x3F90];
	_ =	swait.ge [sflag:s4], $0x0  }
0x19: {  	s7 =	sld [smem:$0x3F91]  }
0x1a: {  	s8 =	sadd.s32 $0xFFFFE003, lr  }
0x1b: {  	s9 =	sadd.s32 $0xFFFFFEF7, lr;
	s5 =	simm.s32 $0xFFFFFFFF;
	p2 =	slt.u32 s8, $0xFFFFF086  }
0x1c: {  	p1 =	slt.u32 s9, $0xF7A;
	s5 =	simm.s32 @!p2 $0x0  }
0x1d: {  	s5 =	simm.s32 @p1 $0x1;
	p0 =	seq.s32 s7, s2  }
0x1e: {  	s7 =	smul.u32 @!p0 $0xF7A, s2;
	p2 =	seq.s32 @!p0 s5, $0x0  }
0x1f: {  	s9 =	smul.u32 $0xF7A, s1;
	s8 =	simm.s32 @!p0 $0x1BF5;
	p2 =	por !p2, p0  }
0x20: {  	[sflag:s8] =	ssyncset.s32 @!p0 $0xFFFFF086;
	s6 =	sadd.s32 @!p0 s3, s7;
	s7 =	simm.s32 @!p0 $0x108  }
0x21: {  	s3 =	sadd.s32 s3, s9;
	s6 =	sadd.s32 @!p0 $0x88, s6;
	s7 =	simm.s32 @p2 $0x1082  }
0x22: {  	[simem:s7], [sflag:s8] =	dma.local @!p0 [hbm:s6], $0xF7A  }
0x23: {  	s9 =	sor.u32 $0xD0000000, s2;
	s6 =	simm.s32 $0x108;
	_ =	swait.ge @!p0 [sflag:s8], $0x0  }
0x24: {  	s3 =	sadd.s32 $0x88, s3;
	s6 =	simm.s32 @!p1 $0x1082;
	[sflag:s4] =	ssyncset.s32 $0xFFFFF086  }
0x25: {  	[simem:s6], [sflag:s4] =	dma.local [hbm:s3], $0xF7A  }
0x26: {  	[smem:$0x3F91] =	sst s1;
	(tag) =	ssettag s2;
	_ =	strace s9  }
0x27: {  	s1 =	sld [smem:$0x3FA1]  }
0x28: {  	s2 =	sld [smem:$0x3FA2]  }
0x29: {  	s4 =	sld [smem:$0x3FA4]  }
0x2a: {  	p0 =	seq.s32 s5, $0x0;
	s5 =	sld [smem:$0x3FA5]  }
0x2b: {  	s6 =	sld [smem:$0x3FA6]  }
0x2c: {  	s7 =	sld [smem:$0x3FA7]  }
0x2d: {  	s3 =	simm.s32 $0x108;
	s8 =	sld [smem:$0x3FA8]  }
0x2e: {  	s3 =	simm.s32 @!p0 $0x1082;
	s9 =	sld [smem:$0x3FA9]  }
0x2f: {  	lr =	sadd.s32 s0, s3;
	s0 =	sld [smem:$0x3FA0]  }
0x30: {  	s3 =	sld [smem:$0x3FA3]  }
0x31: {  	[smem:$0x3FAC] =	sst s10  }
0x32: {  	s10 =	sld [smem:$0x3FAA];
	_ =	sdelay $0x3  }
0x33: {  	p0 =	seq.s32 s10, $0x1;
	s10 =	sld [smem:$0x3FAC];
	_ =	sdelay $0x3  }
0x34: {  	[smem:$0x3FAC] =	sst s10  }
0x35: {  	s10 =	sld [smem:$0x3FAB];
	_ =	sdelay $0x3  }
0x36: {  	p1 =	seq.s32 s10, $0x1;
	s10 =	sld [smem:$0x3FAC];
	_ =	sdelay $0x3  }
0x37: {  	[smem:$0x3FAC] =	sst s10  }
0x38: {  	s10 =	sld [smem:$0x3FAD]  }
0x39: {  	_ = 	snop;
	(pc) =	sbr.ind lr, $3  }
0x3a: {  	_ = 	snop  }
0x3b: {  	_ = 	snop  }
0x3c: {  	p2 =	seq.s32 s10, $0x1;
	s10 =	sld [smem:$0x3FAC]  }
0x3d: {  	_ =	shalt  }
0x3e: {  	_ =	shalt  }
0x3f: {  	_ =	shalt  }
0x40: {  	_ =	shalt  }
0x41: {  	_ =	shalt  }
0x42: {  	_ =	shalt  }
0x43: {  	_ =	shalt  }
0x44: {  	_ =	shalt  }
0x45: {  	_ =	shalt  }
0x46: {  	_ =	shalt  }
0x47: {  	_ =	shalt  }
0x48: {  	_ =	shalt  }
0x49: {  	_ =	shalt  }
0x4a: {  	_ =	shalt  }
0x4b: {  	_ =	shalt  }
0x4c: {  	_ =	shalt  }
0x4d: {  	_ =	shalt  }
0x4e: {  	_ =	shalt  }
0x4f: {  	_ =	shalt  }
0x50: {  	_ =	shalt  }
0x51: {  	_ =	shalt  }
0x52: {  	_ =	shalt  }
0x53: {  	_ =	shalt  }
0x54: {  	_ =	shalt  }
0x55: {  	_ =	shalt  }
0x56: {  	_ =	shalt  }
0x57: {  	_ =	shalt  }
0x58: {  	_ =	shalt  }
0x59: {  	_ =	shalt  }
0x5a: {  	_ =	shalt  }
0x5b: {  	_ =	shalt  }
0x5c: {  	_ =	shalt  }
0x5d: {  	_ =	shalt  }
0x5e: {  	_ =	shalt  }
0x5f: {  	_ =	shalt  }
0x60: {  	_ =	shalt  }
0x61: {  	_ =	shalt  }
0x62: {  	_ =	shalt  }
0x63: {  	_ =	shalt  }
0x64: {  	_ =	shalt  }
0x65: {  	_ =	shalt  }
0x66: {  	_ =	shalt  }
0x67: {  	_ =	shalt  }
0x68: {  	_ =	shalt  }
0x69: {  	_ =	shalt  }
0x6a: {  	_ =	shalt  }
0x6b: {  	_ =	shalt  }
0x6c: {  	_ =	shalt  }
0x6d: {  	_ =	shalt  }
0x6e: {  	_ =	shalt  }
0x6f: {  	_ =	shalt  }
0x70: {  	_ =	shalt  }
0x71: {  	_ =	shalt  }
0x72: {  	_ =	shalt  }
0x73: {  	_ =	shalt  }
0x74: {  	_ =	shalt  }
0x75: {  	_ =	shalt  }
0x76: {  	_ =	shalt  }
0x77: {  	_ =	shalt  }
0x78: {  	_ =	shalt  }
0x79: {  	_ =	shalt  }
0x7a: {  	_ =	shalt  }
0x7b: {  	_ =	shalt  }
0x7c: {  	_ =	shalt  }
0x7d: {  	_ =	shalt  }
0x7e: {  	_ =	shalt  }
0x7f: {  	_ =	shalt  }
0x80: {  	_ =	shalt  }
0x81: {  	_ =	shalt  }
0x82: {  	_ =	shalt  }
0x83: {  	_ =	shalt  }
0x84: {  	_ =	shalt  }
0x85: {  	_ =	shalt  }
0x86: {  	_ =	shalt  }
0x87: {  	_ =	shalt  }
.Lfunc_end0:
.L_simem_size_0:
called_computation_lowered:
.L_overlay_start_0:
0x88: {  	s2 =	sld [smem:$0x3FD9]  }
0x89: {  	s3 =	sld [smem:$0x3FFE];
	_ =	sdelay $0x1  }
0x8a: {  	s1 =	srdreg.scid  }
0x8b: {  	s0 =	sand.u32 $0x1, s1  }
0x8c: {  	s17 =	sshll.u32 s0, $0xA;
	s2 =	sadd.s32 s3, s2  }
0x8d: {  	s2 =	sadd.s32 s2, s17  }
0x8e: {  	[smem:$0x3FB8] =	sst s2  }
0x8f: {  	_ = 	snop  }
0x90: {  	s18 =	sld [smem:$0x3FD0];
	(tm) =	ssettm $0x1  }
0x91: {  	s19 =	sld [smem:$0x3FFB];
	_ =	sdelay $0x3  }
0x92: {  	_ =	strace s19  }
0x93: {  	s2 =	sld [smem:$0x3FFC];
	_ =	sdelay $0x3  }
0x94: {  	_ =	strace s2  }
0x95: {  	s2 =	sld [smem:$0x3FFD];
	_ =	sdelay $0x3  }
0x96: {  	_ =	strace s2  }
0x97: {  	_ =	strace $0x8FFFFFFF  }
0x98: {  	s20 =	sld [smem:$0x3FDB];
	_ =	sdelay $0x1  }
0x99: {  	s4 =	simm.s32 $_scs_section_size  }
0x9a: {  	s5 =	simm.s32 $_size__tile_overlayer_lowered;
	s6 =	simm.s32 $_tile_overlayer_lowered  }
0x9b: {  	s7 =	simm.s32 $0x1BFF;
	s21 =	sshll.u32 s6, $0x1;
	s4 =	sadd.s32 s4, s20  }
0x9c: {  	s22 =	simm.s32 $0x0;
	s5 =	sshll.u32 s5, $0x1;
	s6 =	sadd.s32 s21, s4  }
0x9d: {  	[timem:s22], [sflag:s7] =	dma.local [hbm:s6], s5  }
0x9e: {  	_ =	swait.ge [sflag:s7], s5  }
0x9f: {  	s5 =	ssub.s32 $0x0, s5;
	[sflag:s7] =	ssyncset.done $0x0  }
0xa0: {  	[sflag:s7] =	ssyncadd.s32 s5;
	_ =	sdelay $0x1  }
0xa1: {  	s23 =	simm.s32 $0x1B8B  }
0xa2: {  	_ =	swait.ge [sflag:s23], $0x1  }
0xa3: {  	[sflag:s23] =	ssyncset.done $0x0  }
0xa4: {  	[sflag:s23] =	ssyncadd.s32 $0xFFFFFFFF  }
0xa5: {  	s5 =	sld [smem:$0x0]  }
0xa6: {  	s6 =	sand.u32 $0xFFFFFFFE, s1  }
0xa7: {  	p0 =	sne.s32 s1, s6  }
0xa8: {  	s6 =	sshll.u32 @p0 s6, $0xE  }
0xa9: {  	s6 =	sadd.s32 @p0 $0x11B8D, s6;
	s7 =	sshll.u32 @p0 s5, $0x11  }
0xaa: {  	s6 =	sor.u32 @p0 s7, s6  }
0xab: {  	[sflag:s6] =	ssyncadd.remote.s32 @p0 $0x1;
	_ =	sdelay $0x1  }
0xac: {  	s6 =	simm.s32 @p0 $0x1B8D  }
0xad: {  	_ =	swait.eq @p0 [sflag:s6], $0x1  }
0xae: {  	[sflag:s6] =	ssyncadd.s32 @p0 $0xFFFFFFFF  }
0xaf: {  	s7 =	sshll.u32 @!p0 s1, $0xE  }
0xb0: {  	s7 =	sor.u32 @!p0 $0x4000, s7;
	s6 =	simm.s32 @!p0 $0x1B8D  }
0xb1: {  	s5 =	sshll.u32 @!p0 s5, $0x11;
	s7 =	sadd.s32 @!p0 $0x11B8D, s7;
	_ =	swait.eq @!p0 [sflag:s6], $0x1  }
0xb2: {  	s5 =	sor.u32 @!p0 s5, s7;
	[sflag:s6] =	ssyncadd.s32 @!p0 $0xFFFFFFFF  }
0xb3: {  	s25 =	simm.s32 $0x1B8E;
	s24 =	sld [smem:$0x3FFE];
	[sflag:s5] =	ssyncadd.remote.s32 @!p0 $0x1  }
0xb4: {  	s26 =	simm.s32 $execute0_lowered;
	[smem:$0x3FD2] =	sst s25  }
0xb5: {  	s6 =	sshll.u32 s26, $0x1;
	_ =	strace $0x80000049;
	[dreg:$0x1] =	wrdreg $0xFFFFFFFF  }
0xb6: {  	s28 =	simm.s32 $_size_execute0_lowered;
	s4 =	sadd.s32 s4, s6;
	[dreg:$0x0] =	wrdreg $0x0  }
0xb7: {  	s6 =	sshll.u32 s28, $0x1;
	[dreg:$0x2] =	wrdreg s4  }
0xb8: {  	[dreg:$0x3] =	wrdreg s6  }
0xb9: {  	[dreg:$0x4] =	wrdreg $0xC0  }
0xba: {  	_ =	task [dreg:s22], $0x5FFFF  }
0xbb: {  	[dreg:$0x1] =	wrdreg $0xFFFFFFFF  }
0xbc: {  	[dreg:$0x0] =	wrdreg $0x60  }
0xbd: {  	[dreg:$0x2] =	wrdreg s24  }
0xbe: {  	[dreg:$0x3] =	wrdreg s18  }
0xbf: {  	[dreg:$0x4] =	wrdreg $0x9  }
0xc0: {  	_ =	task.clear_ibuf [dreg:s22], $0x5FFFF;
	_ =	strace $0x90000049  }
0xc1: {  	s29 =	simm.s32 $0x9;
	_ =	strace $0x8000004B  }
0xc2: {  	_ =	swait.ge [sflag:s29], $0x1  }
0xc3: {  	[sflag:s29] =	ssyncadd.s32 $0xFFFFFFFF  }
0xc4: {  	_ =	strace $0x9000004B  }
0xc5: {  	_ =	sfence  }
0xc6: {  	s30 =	sld [smem:$0x0];
	_ =	sdelay $0x2  }
0xc7: {  	s31 =	sshll.u32 s1, $0xD;
	s1 =	sshrl.u32 s1, $0x2  }
0xc8: {  	s4 =	sand.u32 $0x4000, s31;
	s1 =	sadd.s32 s1, s30  }
0xc9: {  	s0 =	sor.u32 s4, s0;
	s1 =	sshll.u32 s1, $0x11  }
0xca: {  	s0 =	sor.u32 s1, s0  }
0xcb: {  	s0 =	sadd.s32 $0x8F2B, s0  }
0xcc: {  	[sflag:s0] =	ssyncadd.remote.s32 $0x1  }
0xcd: {  	_ =	sfence.sel $0xFFFF  }
0xce: {  	[dreg:$0x0] =	wrdreg $0xFFFFFFFF;
	(pc) =	sbr.abs _section_cstart, $3  }
0xcf: {  	[dreg:$0x1] =	wrdreg $0xFFFFFFFF  }
0xd0: {  	_ =	task.clear_ibuf [dreg:s22], $0x2FFFF;
	_ =	strace $0x9FFFFFFF  }
0xd1: {  	(tm) =	ssettm $0x7FFFFFFF  }
tec
execute0_lowered:
.L_overlay_start_1:
0x0: {  	(tag) =	ssettag $0x1  }
0x1: {  	s7 =	rddreg [dreg:$0x0]  }
0x2: {  	s2 =	rddreg [dreg:$0x1]  }
0x3: {  	s0 =	rddreg [dreg:$0x2]  }
0x4: {  	s1 =	srdreg.scid;
	_ =	strace $0x8000004A;
	s4 =	simm.s32 $0x1  }
0x5: {  	s9 =	simm.s32 $0x3;
	s12 =	simm.s32 $0x0;
	s5 =	sshll.u32 s1, $0x4  }
.Ltmp0:
0x6: {  	s1 =	stileid.u32;
	s5 =	sand.u32 $0x10, s5;
	(pc) =	sbr.rel .LBB2_1-.Ltmp0, $4  }
0x7: {  	s10 =	simm.s32 $0x0;
	s3 =	sadd.s32 $0x7D7A00, s7;
	s6 =	sor.u32 s1, s5  }
0x8: {  	[sflag:s4] =	ssyncpa.u1 $0x0;
	s5 =	simm.s32 $0x2;
	s6 =	sshll.u32 s6, $0x7  }
0x9: {  	s7 =	sadd.s32 $0x24A00, s7;
	[sflag:s5] =	ssyncpa.u1 $0x0;
	s8 =	sadd.s32 $0x80, s6  }
0xa: {  	vm0 =	vmmov $0xff;
	vm1 =	vcmask $0x3F20;
	[sflag:s9] =	ssyncpa.u1 $0x0;
	s9 =	simm.s32 $0x80;
	s11 =	smov.u32 s6  }
.LBB2_10:
0xb: {  	[hbm:s16] =	stream.linear.scatter [tilespmem:s13], [sflag:$0x3], $0x800, $0x38;
	[tilespmem:$0x10100] =	vst v63  }
.LBB2_11:
0xc: {  	p0 =	seq.s32 s10, $0x2  }
.Ltmp1:
0xd: {  	_ = 	snop;
	(pc) =	sbr.rel @p0 .LBB2_13-.Ltmp1, $1  }
0xe: {  	_ =	sdelay $0x3  }
.LBB2_12:
0xf: {  	s12 =	sadd.s32 $0x80, s11  }
0x10: {  	s13 =	smov.u32 s6;
	p0 =	slt.s32 s12, s8  }
0x11: {  	s13 =	smov.u32 @p0 s12  }
0x12: {  	s10 =	sadd.s32 $0x1, s10;
	s12 =	smov.u32 s11;
	s11 =	smov.u32 s13  }
.LBB2_1:
0x13: {  	p0 =	sne.s32 s10, $0x0  }
.Ltmp2:
0x14: {  	_ = 	snop;
	(pc) =	sbr.rel @!p0 .LBB2_2-.Ltmp2, $1  }
0x15: {  	_ =	sdelay $0x3  }
0x16: {  	s13 =	sand.u32 $0x1, s10  }
0x17: {  	p0 =	seq.s32 s13, $0x0  }
.Ltmp3:
0x18: {  	_ = 	snop;
	(pc) =	sbr.rel @p0 .LBB2_11-.Ltmp3, $1  }
0x19: {  	_ =	sdelay $0x3  }
0x1a: {  	_ =	swait.ge [sflag:s5], $0x80  }
0x1b: {  	[sflag:s5] =	ssyncset.done $0x0  }
0x1c: {  	s13 =	simm.s32 $0x0;
	[sflag:s5] =	ssyncadd.s32 $0xFFFFFF80  }
.LBB2_5:
0x1d: {  	s14 =	sshll.u32 s13, $0x4  }
0x1e: {  	s14 =	sand.u32 $0x3FFFFFF0, s14  }
0x1f: {  	v0 =	vld.msk [tilespmem:s14+$0x80 ss:$0x1], $0xffff;
	_ =	sdelay $0x4  }
0x20: {  	vm2 =	vgt.s32 v0, $0x0  }
0x21: {  	v0 =	vnsel vm2, $0x0, v0  }
0x22: {  	v0 =	vmin.u32 v0, $0x1869F  }
0x23: {  	s31 =	sshll.u32 s13, $0xC;
	v1 =	vshll.u32 v0, $0x5;
	v0 =	vshll.u32 v0, $0x4  }
0x24: {  	s14 =	sand.u32 $0x3FFFF000, s31;
	v1 =	vand.u32 $0x3FFF00, v1;
	v0 =	vand.u32 $0x70, v0  }
0x25: {  	p0 =	por $0x1, $0x1;
	s15 =	simm.s32 $0x0;
	s14 =	sadd.s32 $0x8100, s14;
	v0 =	vor.u32 v0, v1  }
.LBB2_6:
0x26: {  	_ =	sdelay $0x1  }
0x27: {  	s15 =	sshra.s32 s15, $0x2;
	p1 =	por p0, p0  }
.Ltmp4:
0x28: {  	s15 =	sadd.s32 s15, s14;
	(pc) =	sbr.rel @p1 .LBB2_6-.Ltmp4, $4  }
0x29: {  	[tilespmem:s15], [sflag:$0x1] =	stream.indirect_vreg.gather [hbm:s3], $0x80, v0, vm0, $0x38;
	[tilespmem:$0x10100] =	vst v63  }
0x2a: {  	s15 =	sadd.s32 $0x800, s15  }
0x2b: {  	[tilespmem:s15], [sflag:$0x1] =	stream.indirect_vreg.gather [hbm:s3], $0x80, v0, vm1, $0x38;
	[tilespmem:$0x10100] =	vst v63  }
0x2c: {  	p0 =	por $0x0, $0x0;
	v0 =	vadd.s32 $0x80, v0;
	s15 =	simm.s32 $0x1000  }
0x2d: {  	s13 =	sadd.s32 $0x1, s13  }
0x2e: {  	p0 =	sne.s32 s13, $0x8  }
.Ltmp5:
0x2f: {  	_ = 	snop;
	(pc) =	sbr.rel @p0 .LBB2_5-.Ltmp5, $1  }
0x30: {  	_ =	sdelay $0x3  }
0x31: {  	s13 =	sshll.u32 s12, $0x5  }
0x32: {  	_ =	swait.ge [sflag:s4], $0x8000;
	s31 =	sshll.u32 s12, $0x4;
	s13 =	sand.u32 $0xFFFFFF00, s13  }
0x33: {  	s14 =	simm.s32 $0x100;
	s12 =	sand.u32 $0x70, s31;
	s13 =	sadd.s32 s13, s7  }
0x34: {  	s15 =	simm.s32 $0x8900;
	[sflag:s4] =	ssyncset.done $0x0;
	s12 =	sadd.s32 s12, s13  }
0x35: {  	[sflag:s4] =	ssyncadd.s32 $0xFFFF8000;
	s13 =	simm.s32 $0x8100;
	s16 =	sadd.s32 $0x0, s12  }
.LBB2_9:
0x36: {  	[hbm:s16] =	stream.linear.scatter [tilespmem:s13], [sflag:$0x3], $0x800, $0x38;
	[tilespmem:$0x10100] =	vst v63  }
0x37: {  	s16 =	smov.u32 s14;
	s13 =	smov.u32 s15;
	p0 =	sne.s32 s14, $0xF00  }
.Ltmp6:
0x38: {  	s14 =	sadd.s32 $0x100, s14;
	(pc) =	sbr.rel @p0 .LBB2_9-.Ltmp6, $2  }
0x39: {  	_ =	sdelay $0x2  }
0x3a: {  	s15 =	sadd.s32 $0x800, s15;
	s16 =	sadd.s32 s16, s12  }
.Ltmp7:
0x3b: {  	_ = 	snop;
	(pc) =	sbr.rel .LBB2_10-.Ltmp7, $1  }
0x3c: {  	_ =	sdelay $0x3  }
.LBB2_2:
.Ltmp8:
0x3d: {  	(pc) =	sbr.rel .LBB2_12-.Ltmp8, $4  }
0x3e: {  	_ = 	snop  }
0x3f: {  	s12 =	sshrl.u32 s11, $0x3  }
0x40: {  	s13 =	sand.u32 $0x7, s11;
	s12 =	sadd.s32 s2, s12  }
0x41: {  	[tilespmem:s9], [sflag:$0x2] =	stream.linear.gather [hbm4b:s12+s13], $0x80, $0x38;
	[tilespmem:$0x10100] =	vst v63  }
.LBB2_13:
0x42: {  	s2 =	simm.s32 $0x3  }
0x43: {  	_ =	swait.ge [sflag:s2], $0x8000  }
0x44: {  	[sflag:s2] =	ssyncset.done $0x0  }
0x45: {  	[sflag:s2] =	ssyncadd.s32 $0xFFFF8000  }
0x46: {  	_ =	sfence.sel $0x180000  }
0x47: {  	s3 =	simm.s32 $0x2;
	[bflag:$0x0] =	sbarrier.arrive $0xFFFF  }
0x48: {  	[sflag:s3] =	ssyncpa.u1 $0x1  }
0x49: {  	s31 =	simm.s32 $0x1;
	[sflag:s2] =	ssyncpa.u1 $0x1  }
0x4a: {  	[sflag:s31] =	ssyncpa.u1 $0x1  }
0x4b: {  	p0 =	sne.s32 s1, $0x0;
	_ =	strace $0x9000004A  }
0x4c: {  	s0 =	sadd.s32 @!p0 $0x100000, s0;
	[bflag:$0x2] =	sbarrier.arrive $0xFFFF  }
0x4d: {  	[sflag:s0] =	ssyncadd.tile.s32 @!p0 $0x1;
	_ =	shalt  }
.Lfunc_end2:
_tile_overlayer_lowered:
.L_overlay_start_2:
0x4e: {  	(tag) =	ssettag $0x2  }
0x4f: {  	s0 =	rddreg [dreg:$0x0];
	s2 =	stileid.u32  }
0x50: {  	s1 =	rddreg [dreg:$0x1];
	p0 =	sne.s32 s2, $0x0  }
0x51: {  	s3 =	rddreg [dreg:$0x2];
	[bflag:$0x3] =	sbarrier.arrive $0xFFFF;
	s2 =	simm.s32 @!p0 $0x1C01  }
0x52: {  	[timem:s3], [sflag:s2] =	dma.local @!p0 [hbm:s0], s1  }
0x53: {  	s0 =	simm.s32 @!p0 $0x1  }
0x54: {  	_ =	swait.ge @!p0 [sflag:s0], s1  }
0x55: {  	s1 =	ssub.s32 @!p0 $0x0, s1;
	[sflag:s0] =	ssyncset.done @!p0 $0x0  }
0x56: {  	[sflag:s0] =	ssyncadd.s32 @!p0 s1  }
0x57: {  	[bflag:$0x3] =	sbarrier.arrive $0xFFFF  }
0x58: {  	_ =	shalt  }

// kernel: kernel.4.cloned.1.call-start
scs
__scs_entry_jumppad:
0x0: {  	(pc) =	sbr.rel $0x88, $3  }
0x1: {  	(tag) =	ssettag $0x0;
	lr =	simm.s32 $0x1  }
0x2: {  	[smem:$0x3F91] =	sst lr;
	_ =	strace $0xD0000000  }
0x3: {  	_ = 	snop  }
0x4: {  	_ = 	snop  }
0x5: {  	_ = 	snop  }
0x6: {  	_ = 	snop  }
0x7: {  	_ = 	snop  }
__scs_overlays_trampoline_lowered:
0x8: {  	[smem:$0x3FA0] =	sst s0  }
0x9: {  	[smem:$0x3FA1] =	sst s1  }
0xa: {  	[smem:$0x3FA2] =	sst s2  }
0xb: {  	[smem:$0x3FA3] =	sst s3  }
0xc: {  	[smem:$0x3FA4] =	sst s4  }
0xd: {  	[smem:$0x3FA5] =	sst s5  }
0xe: {  	[smem:$0x3FA6] =	sst s6  }
0xf: {  	[smem:$0x3FA7] =	sst s7  }
0x10: {  	[smem:$0x3FA8] =	sst s8  }
0x11: {  	[smem:$0x3FA9] =	sst s9;
	s0 =	simm.s32 @!p0 $0x0  }
0x12: {  	s1 =	sld [smem:$0x3F8F];
	s0 =	simm.s32 @p0 $0x1  }
0x13: {  	[smem:$0x3FAA] =	sst s0;
	s0 =	simm.s32 @!p1 $0x0  }
0x14: {  	s2 =	sld [smem:$0x3F8E];
	s0 =	simm.s32 @p1 $0x1  }
0x15: {  	[smem:$0x3FAB] =	sst s0;
	s0 =	simm.s32 @!p2 $0x0  }
0x16: {  	s3 =	sld [smem:$0x3FDB];
	s0 =	simm.s32 @p2 $0x1  }
0x17: {  	s4 =	simm.s32 $0x1BF5;
	[smem:$0x3FAD] =	sst s0  }
0x18: {  	s0 =	sld [smem:$0x3F90];
	_ =	swait.ge [sflag:s4], $0x0  }
0x19: {  	s7 =	sld [smem:$0x3F91]  }
0x1a: {  	s8 =	sadd.s32 $0xFFFFE003, lr  }
0x1b: {  	s9 =	sadd.s32 $0xFFFFFEF7, lr;
	s5 =	simm.s32 $0xFFFFFFFF;
	p2 =	slt.u32 s8, $0xFFFFF086  }
0x1c: {  	p1 =	slt.u32 s9, $0xF7A;
	s5 =	simm.s32 @!p2 $0x0  }
0x1d: {  	s5 =	simm.s32 @p1 $0x1;
	p0 =	seq.s32 s7, s2  }
0x1e: {  	s7 =	smul.u32 @!p0 $0xF7A, s2;
	p2 =	seq.s32 @!p0 s5, $0x0  }
0x1f: {  	s9 =	smul.u32 $0xF7A, s1;
	s8 =	simm.s32 @!p0 $0x1BF5;
	p2 =	por !p2, p0  }
0x20: {  	[sflag:s8] =	ssyncset.s32 @!p0 $0xFFFFF086;
	s6 =	sadd.s32 @!p0 s3, s7;
	s7 =	simm.s32 @!p0 $0x108  }
0x21: {  	s3 =	sadd.s32 s3, s9;
	s6 =	sadd.s32 @!p0 $0x88, s6;
	s7 =	simm.s32 @p2 $0x1082  }
0x22: {  	[simem:s7], [sflag:s8] =	dma.local @!p0 [hbm:s6], $0xF7A  }
0x23: {  	s9 =	sor.u32 $0xD0000000, s2;
	s6 =	simm.s32 $0x108;
	_ =	swait.ge @!p0 [sflag:s8], $0x0  }
0x24: {  	s3 =	sadd.s32 $0x88, s3;
	s6 =	simm.s32 @!p1 $0x1082;
	[sflag:s4] =	ssyncset.s32 $0xFFFFF086  }
0x25: {  	[simem:s6], [sflag:s4] =	dma.local [hbm:s3], $0xF7A  }
0x26: {  	[smem:$0x3F91] =	sst s1;
	(tag) =	ssettag s2;
	_ =	strace s9  }
0x27: {  	s1 =	sld [smem:$0x3FA1]  }
0x28: {  	s2 =	sld [smem:$0x3FA2]  }
0x29: {  	s4 =	sld [smem:$0x3FA4]  }
0x2a: {  	p0 =	seq.s32 s5, $0x0;
	s5 =	sld [smem:$0x3FA5]  }
0x2b: {  	s6 =	sld [smem:$0x3FA6]  }
0x2c: {  	s7 =	sld [smem:$0x3FA7]  }
0x2d: {  	s3 =	simm.s32 $0x108;
	s8 =	sld [smem:$0x3FA8]  }
0x2e: {  	s3 =	simm.s32 @!p0 $0x1082;
	s9 =	sld [smem:$0x3FA9]  }
0x2f: {  	lr =	sadd.s32 s0, s3;
	s0 =	sld [smem:$0x3FA0]  }
0x30: {  	s3 =	sld [smem:$0x3FA3]  }
0x31: {  	[smem:$0x3FAC] =	sst s10  }
0x32: {  	s10 =	sld [smem:$0x3FAA];
	_ =	sdelay $0x3  }
0x33: {  	p0 =	seq.s32 s10, $0x1;
	s10 =	sld [smem:$0x3FAC];
	_ =	sdelay $0x3  }
0x34: {  	[smem:$0x3FAC] =	sst s10  }
0x35: {  	s10 =	sld [smem:$0x3FAB];
	_ =	sdelay $0x3  }
0x36: {  	p1 =	seq.s32 s10, $0x1;
	s10 =	sld [smem:$0x3FAC];
	_ =	sdelay $0x3  }
0x37: {  	[smem:$0x3FAC] =	sst s10  }
0x38: {  	s10 =	sld [smem:$0x3FAD]  }
0x39: {  	_ = 	snop;
	(pc) =	sbr.ind lr, $3  }
0x3a: {  	_ = 	snop  }
0x3b: {  	_ = 	snop  }
0x3c: {  	p2 =	seq.s32 s10, $0x1;
	s10 =	sld [smem:$0x3FAC]  }
0x3d: {  	_ =	shalt  }
0x3e: {  	_ =	shalt  }
0x3f: {  	_ =	shalt  }
0x40: {  	_ =	shalt  }
0x41: {  	_ =	shalt  }
0x42: {  	_ =	shalt  }
0x43: {  	_ =	shalt  }
0x44: {  	_ =	shalt  }
0x45: {  	_ =	shalt  }
0x46: {  	_ =	shalt  }
0x47: {  	_ =	shalt  }
0x48: {  	_ =	shalt  }
0x49: {  	_ =	shalt  }
0x4a: {  	_ =	shalt  }
0x4b: {  	_ =	shalt  }
0x4c: {  	_ =	shalt  }
0x4d: {  	_ =	shalt  }
0x4e: {  	_ =	shalt  }
0x4f: {  	_ =	shalt  }
0x50: {  	_ =	shalt  }
0x51: {  	_ =	shalt  }
0x52: {  	_ =	shalt  }
0x53: {  	_ =	shalt  }
0x54: {  	_ =	shalt  }
0x55: {  	_ =	shalt  }
0x56: {  	_ =	shalt  }
0x57: {  	_ =	shalt  }
0x58: {  	_ =	shalt  }
0x59: {  	_ =	shalt  }
0x5a: {  	_ =	shalt  }
0x5b: {  	_ =	shalt  }
0x5c: {  	_ =	shalt  }
0x5d: {  	_ =	shalt  }
0x5e: {  	_ =	shalt  }
0x5f: {  	_ =	shalt  }
0x60: {  	_ =	shalt  }
0x61: {  	_ =	shalt  }
0x62: {  	_ =	shalt  }
0x63: {  	_ =	shalt  }
0x64: {  	_ =	shalt  }
0x65: {  	_ =	shalt  }
0x66: {  	_ =	shalt  }
0x67: {  	_ =	shalt  }
0x68: {  	_ =	shalt  }
0x69: {  	_ =	shalt  }
0x6a: {  	_ =	shalt  }
0x6b: {  	_ =	shalt  }
0x6c: {  	_ =	shalt  }
0x6d: {  	_ =	shalt  }
0x6e: {  	_ =	shalt  }
0x6f: {  	_ =	shalt  }
0x70: {  	_ =	shalt  }
0x71: {  	_ =	shalt  }
0x72: {  	_ =	shalt  }
0x73: {  	_ =	shalt  }
0x74: {  	_ =	shalt  }
0x75: {  	_ =	shalt  }
0x76: {  	_ =	shalt  }
0x77: {  	_ =	shalt  }
0x78: {  	_ =	shalt  }
0x79: {  	_ =	shalt  }
0x7a: {  	_ =	shalt  }
0x7b: {  	_ =	shalt  }
0x7c: {  	_ =	shalt  }
0x7d: {  	_ =	shalt  }
0x7e: {  	_ =	shalt  }
0x7f: {  	_ =	shalt  }
0x80: {  	_ =	shalt  }
0x81: {  	_ =	shalt  }
0x82: {  	_ =	shalt  }
0x83: {  	_ =	shalt  }
0x84: {  	_ =	shalt  }
0x85: {  	_ =	shalt  }
0x86: {  	_ =	shalt  }
0x87: {  	_ =	shalt  }
.Lfunc_end0:
.L_simem_size_0:
called_computation.2_lowered:
.L_overlay_start_0:
0x88: {  	s2 =	sld [smem:$0x3FD9]  }
0x89: {  	s3 =	sld [smem:$0x3FFE];
	_ =	sdelay $0x1  }
0x8a: {  	s1 =	srdreg.scid  }
0x8b: {  	s0 =	sand.u32 $0x1, s1  }
0x8c: {  	s16 =	sshll.u32 s0, $0xA;
	s2 =	sadd.s32 s3, s2  }
0x8d: {  	s2 =	sadd.s32 s2, s16  }
0x8e: {  	[smem:$0x3FB8] =	sst s2  }
0x8f: {  	_ = 	snop  }
0x90: {  	(tm) =	ssettm $0x1  }
0x91: {  	s17 =	sld [smem:$0x3FFB];
	_ =	sdelay $0x3  }
0x92: {  	_ =	strace s17  }
0x93: {  	s2 =	sld [smem:$0x3FFC];
	_ =	sdelay $0x3  }
0x94: {  	_ =	strace s2  }
0x95: {  	s2 =	sld [smem:$0x3FFD];
	_ =	sdelay $0x3  }
0x96: {  	_ =	strace s2  }
0x97: {  	_ =	strace $0x8FFFFFFF  }
0x98: {  	s18 =	sld [smem:$0x3FDB];
	_ =	sdelay $0x1  }
0x99: {  	s19 =	simm.s32 $_scs_section_size  }
0x9a: {  	s4 =	simm.s32 $_size__tile_overlayer_lowered;
	s5 =	simm.s32 $_tile_overlayer_lowered  }
0x9b: {  	s22 =	simm.s32 $0x1BFF;
	s21 =	sshll.u32 s5, $0x1;
	s2 =	sadd.s32 s19, s18  }
0x9c: {  	s6 =	simm.s32 $0x0;
	s20 =	sshll.u32 s4, $0x1;
	s4 =	sadd.s32 s21, s2  }
0x9d: {  	[timem:s6], [sflag:s22] =	dma.local [hbm:s4], s20  }
0x9e: {  	_ =	swait.ge [sflag:s22], s20  }
0x9f: {  	s3 =	ssub.s32 $0x0, s20;
	[sflag:s22] =	ssyncset.done $0x0  }
0xa0: {  	[sflag:s22] =	ssyncadd.s32 s3;
	_ =	sdelay $0x1  }
0xa1: {  	s23 =	simm.s32 $0x1B8B  }
0xa2: {  	_ =	swait.ge [sflag:s23], $0x1  }
0xa3: {  	[sflag:s23] =	ssyncset.done $0x0  }
0xa4: {  	s25 =	simm.s32 $0x1B8E;
	s24 =	sld [smem:$0x3FFE];
	[sflag:s23] =	ssyncadd.s32 $0xFFFFFFFF  }
0xa5: {  	s26 =	simm.s32 $execute0_lowered;
	[smem:$0x3FD2] =	sst s25  }
0xa6: {  	s4 =	sshll.u32 s26, $0x1;
	_ =	strace $0x8000004C;
	[dreg:$0x1] =	wrdreg $0xFFFFFFFF  }
0xa7: {  	s28 =	simm.s32 $_size_execute0_lowered;
	s2 =	sadd.s32 s2, s4;
	[dreg:$0x0] =	wrdreg $0x0  }
0xa8: {  	s4 =	sshll.u32 s28, $0x1;
	[dreg:$0x2] =	wrdreg s2  }
0xa9: {  	[dreg:$0x3] =	wrdreg s4  }
0xaa: {  	[dreg:$0x4] =	wrdreg $0xC0  }
0xab: {  	_ =	task [dreg:s6], $0x5FFFF  }
0xac: {  	[dreg:$0x1] =	wrdreg $0xFFFFFFFF  }
0xad: {  	[dreg:$0x0] =	wrdreg $0x60  }
0xae: {  	[dreg:$0x2] =	wrdreg s24  }
0xaf: {  	[dreg:$0x3] =	wrdreg $0x9  }
0xb0: {  	_ =	task.clear_ibuf [dreg:s6], $0x4FFFF;
	_ =	strace $0x9000004C  }
0xb1: {  	s29 =	simm.s32 $0x9;
	_ =	strace $0x8000004E  }
0xb2: {  	_ =	swait.ge [sflag:s29], $0x1  }
0xb3: {  	[sflag:s29] =	ssyncadd.s32 $0xFFFFFFFF  }
0xb4: {  	_ =	strace $0x9000004E  }
0xb5: {  	_ =	sfence  }
0xb6: {  	s30 =	sld [smem:$0x0];
	_ =	sdelay $0x2  }
0xb7: {  	s31 =	sshll.u32 s1, $0xD;
	s1 =	sshrl.u32 s1, $0x2  }
0xb8: {  	s3 =	sand.u32 $0x4000, s31;
	s1 =	sadd.s32 s1, s30  }
0xb9: {  	s0 =	sor.u32 s3, s0;
	s1 =	sshll.u32 s1, $0x11  }
0xba: {  	s0 =	sor.u32 s1, s0  }
0xbb: {  	s0 =	sadd.s32 $0x8F2B, s0  }
0xbc: {  	[sflag:s0] =	ssyncadd.remote.s32 $0x1  }
0xbd: {  	_ =	sfence.sel $0xFFFF  }
0xbe: {  	[dreg:$0x0] =	wrdreg $0xFFFFFFFF;
	(pc) =	sbr.abs _section_cstart, $3  }
0xbf: {  	[dreg:$0x1] =	wrdreg $0xFFFFFFFF  }
0xc0: {  	_ =	task.clear_ibuf [dreg:s6], $0x2FFFF;
	_ =	strace $0x9FFFFFFF  }
0xc1: {  	(tm) =	ssettm $0x7FFFFFFF  }
tec
execute0_lowered:
.L_overlay_start_1:
0x0: {  	(tag) =	ssettag $0x1  }
0x1: {  	s0 =	srdreg.scid  }
0x2: {  	s1 =	stileid.u32;
	s5 =	rddreg [dreg:$0x0]  }
0x3: {  	s11 =	simm.s32 $0x5;
	s12 =	simm.s32 $0x68;
	s13 =	simm.s32 $0xC800  }
0x4: {  	s14 =	simm.s32 $0x60;
	s15 =	simm.s32 $0xE200;
	s17 =	simm.s32 $0xFA00  }
0x5: {  	s19 =	simm.s32 $0x11400;
	s21 =	simm.s32 $0x12C00;
	s23 =	simm.s32 $0x14600  }
0x6: {  	s25 =	simm.s32 $0x15E00;
	s28 =	simm.s32 $0x17800;
	s29 =	simm.s32 $0x1  }
0x7: {  	s30 =	simm.s32 $0x2;
	s31 =	simm.s32 $0x3;
	s0 =	sand.u32 $0x1, s0  }
0x8: {  	s16 =	simm.s32 $0x6;
	s1 =	sshll.u32 s1, $0x8;
	s2 =	sshll.u32 s0, $0x7  }
0x9: {  	s20 =	simm.s32 $0x0;
	s4 =	sadd.s32 $0x1AB400, s5;
	s1 =	sor.u32 s2, s1  }
0xa: {  	s0 =	ssub.s32 $0x2, s0;
	s2 =	simm.s32 $0x0;
	s3 =	smul.u32 $0x19, s1  }
.Ltmp0:
0xb: {  	s26 =	sshrl.u32 s0, $0x1;
	[smem:$0x7FF] =	sst s2;
	(pc) =	sbr.rel .LBB2_1-.Ltmp0, $4  }
0xc: {  	s1 =	sshll.u32 s1, $0x3;
	s0 =	ssub.s32 s0, s26;
	_ =	strace $0x8000004D  }
0xd: {  	s1 =	sadd.s32 s1, s5;
	s9 =	smax.u32 s0, $0x1;
	s6 =	sadd.s32 s3, s5  }
0xe: {  	s3 =	sadd.s32 $0x26EA00, s5;
	s7 =	sadd.s32 $0x36600, s1;
	s8 =	sadd.s32 $0x3E600, s1  }
0xf: {  	s1 =	simm.s32 $0x4;
	s5 =	sadd.s32 $0x1D600, s6;
	s6 =	sadd.s32 $0x4600, s6  }
.LBB2_23:
0x10: {  	s0 =	simm.s32 $0x19000  }
0x11: {  	[hbm4b:s7+s2] =	stream.linear.scatter [tilespmem:s0], [sflag:$0x6], $0x2000, $0x38;
	[tilespmem:$0x1D000] =	vst v63  }
0x12: {  	s20 =	sadd.s32 $0x1, s20;
	_ =	swait.ge [sflag:s16], $0x2000  }
0x13: {  	p0 =	sne.s32 s20, s9;
	[sflag:s16] =	ssyncset.done $0x0  }
.Ltmp1:
0x14: {  	s26 =	simm.s32 $0x1B000;
	[sflag:s16] =	ssyncadd.s32 $0xFFFFE000;
	(pc) =	sbr.rel @!p0 .LBB2_24-.Ltmp1, $4  }
0x15: {  	[hbm4b:s8+s2] =	stream.linear.scatter [tilespmem:s26], [sflag:$0x6], $0x2000, $0x38;
	[tilespmem:$0x1D000] =	vst v63  }
0x16: {  	_ =	swait.ge [sflag:s16], $0x2000  }
0x17: {  	[sflag:s16] =	ssyncset.done $0x0  }
0x18: {  	[sflag:s16] =	ssyncadd.s32 $0xFFFFE000  }
.LBB2_1:
0x19: {  	[tilespmem:s2], [sflag:$0x5] =	stream.linear.gather [hbm4b:s5+s2], $0x6400, $0x38;
	[tilespmem:$0x1D000] =	vst v63  }
0x1a: {  	s0 =	simm.s32 $0x6400  }
0x1b: {  	[tilespmem:s0], [sflag:$0x5] =	stream.linear.gather [hbm4b:s6+s2], $0x6400, $0x38;
	[tilespmem:$0x1D000] =	vst v63  }
0x1c: {  	_ =	swait.ge [sflag:s11], $0x6400  }
0x1d: {  	[sflag:s11] =	ssyncset.done $0x0  }
0x1e: {  	[sflag:s11] =	ssyncadd.s32 $0xFFFF9C00  }
0x1f: {  	_ =	swait.ge [sflag:s11], $0x6400  }
0x20: {  	[sflag:s11] =	ssyncset.done $0x0  }
0x21: {  	[sflag:s11] =	ssyncadd.s32 $0xFFFF9C00  }
0x22: {  	[tilespmem:s13], [sflag:$0x1] =	stream.indirect.gather [hbm4b:s3+s12], $0x40, s2, s12, $0xb8;
	[tilespmem:$0x1D000] =	vst v63  }
0x23: {  	_ = 	snop  }
0x24: {  	[tilespmem:s15], [sflag:$0x1] =	stream.indirect.gather [hbm4b:s3+s14], $0x40, s12, s14, $0xb8;
	[tilespmem:$0x1D000] =	vst v63  }
0x25: {  	s26 =	simm.s32 $0xC8  }
0x26: {  	[tilespmem:s17], [sflag:$0x2] =	stream.indirect.gather [hbm4b:s3+s12], $0x40, s26, s12, $0xb8;
	[tilespmem:$0x1D000] =	vst v63  }
0x27: {  	s10 =	simm.s32 $0x130  }
0x28: {  	[tilespmem:s19], [sflag:$0x2] =	stream.indirect.gather [hbm4b:s3+s14], $0x40, s10, s14, $0xb8;
	[tilespmem:$0x1D000] =	vst v63  }
0x29: {  	s18 =	simm.s32 $0x190  }
0x2a: {  	[tilespmem:s21], [sflag:$0x3] =	stream.indirect.gather [hbm4b:s3+s12], $0x40, s18, s12, $0xb8;
	[tilespmem:$0x1D000] =	vst v63  }
0x2b: {  	s22 =	simm.s32 $0x1F8  }
0x2c: {  	[tilespmem:s23], [sflag:$0x3] =	stream.indirect.gather [hbm4b:s3+s14], $0x40, s22, s14, $0xb8;
	[tilespmem:$0x1D000] =	vst v63  }
0x2d: {  	s24 =	simm.s32 $0x258  }
0x2e: {  	[tilespmem:s25], [sflag:$0x4] =	stream.indirect.gather [hbm4b:s3+s12], $0x40, s24, s12, $0xb8;
	[tilespmem:$0x1D000] =	vst v63  }
0x2f: {  	s26 =	simm.s32 $0x2C0;
	s22 =	simm.s32 $0x0  }
0x30: {  	[tilespmem:s28], [sflag:$0x4] =	stream.indirect.gather [hbm4b:s3+s14], $0x40, s26, s14, $0xb8;
	[tilespmem:$0x1D000] =	vst v63  }
.LBB2_2:
0x31: {  	_ =	swait.ge [sflag:s29], $0x3200  }
0x32: {  	[sflag:s29] =	ssyncset.done $0x0  }
0x33: {  	s0 =	simm.s32 $0xC900;
	[sflag:s29] =	ssyncadd.s32 $0xFFFFCE00  }
0x34: {  	v0 =	vld [tilespmem:s0+$0xC0]  }
0x35: {  	v1 =	vld [tilespmem:s0+$0xD0]  }
0x36: {  	v2 =	vld [tilespmem:s0+$0x80]  }
0x37: {  	v3 =	vld [tilespmem:s0+$0x90]  }
0x38: {  	v9 =	vld [tilespmem:s0+$0x40]  }
0x39: {  	v12 =	vld [tilespmem:s0+$0x50]  }
0x3a: {  	v5 =	vld [tilespmem:s0+$0x0]  }
0x3b: {  	v8 =	vld [tilespmem:s0+$0x10]  }
0x3c: {  	v6 =	vld [tilespmem:s0+$0xFFFFFFC0]  }
0x3d: {  	v7 =	vld [tilespmem:s0+$0xFFFFFFD0]  }
0x3e: {  	v4 =	vld [tilespmem:s0+$0xFFFFFF80]  }
0x3f: {  	v10 =	vld [tilespmem:s0+$0xFFFFFF90]  }
0x40: {  	v11 =	vld [tilespmem:s0+$0xFFFFFF40]  }
0x41: {  	v13 =	vld [tilespmem:s0+$0xFFFFFF50]  }
0x42: {  	v14 =	vld [tilespmem:s0+$0xFFFFFF00]  }
0x43: {  	v15 =	vld [tilespmem:s0+$0xFFFFFF10]  }
0x44: {  	v16 =	vld [tilespmem:s0+$0xFFFFFF20]  }
0x45: {  	v17 =	vld [tilespmem:s0+$0xFFFFFF30]  }
0x46: {  	v18 =	vld [tilespmem:s0+$0xFFFFFF60]  }
0x47: {  	v19 =	vld [tilespmem:s0+$0xFFFFFF70]  }
0x48: {  	v20 =	vimm.f32 $0.0e+00;
	v21 =	vld [tilespmem:s0+$0xFFFFFFA0]  }
0x49: {  	v22 =	vld [tilespmem:s0+$0xFFFFFFB0];
	v14 =	vadd.f32 v14, v20;
	v15 =	vadd.f32 v15, v20  }
0x4a: {  	v59 =	vld [tilespmem:s0+$0xFFFFFFE0];
	v16 =	vadd.f32 v16, v20;
	v17 =	vadd.f32 v17, v20  }
0x4b: {  	v11 =	vadd.f32 v11, v14;
	v13 =	vadd.f32 v13, v15;
	v14 =	vld [tilespmem:s0+$0xFFFFFFF0]  }
0x4c: {  	v61 =	vld [tilespmem:s0+$0x20];
	v15 =	vadd.f32 v18, v16;
	v60 =	vadd.f32 v19, v17  }
0x4d: {  	v11 =	vadd.f32 v4, v11;
	v10 =	vadd.f32 v10, v13;
	v13 =	vld [tilespmem:s0+$0x30]  }
0x4e: {  	v15 =	vadd.f32 v21, v15;
	v16 =	vadd.f32 v22, v60;
	v4 =	vld [tilespmem:s0+$0x60]  }
0x4f: {  	v11 =	vadd.f32 v6, v11;
	v10 =	vadd.f32 v7, v10;
	v7 =	vld [tilespmem:s0+$0x70]  }
0x50: {  	v15 =	vadd.f32 v59, v15;
	v6 =	vld [tilespmem:s0+$0xA0];
	v14 =	vadd.f32 v14, v16  }
0x51: {  	v62 =	vadd.f32 v5, v11;
	v63 =	vadd.f32 v8, v10;
	v8 =	vld [tilespmem:s0+$0xB0]  }
0x52: {  	v11 =	vadd.f32 v61, v15;
	v5 =	vld [tilespmem:s0+$0xE0];
	v10 =	vadd.f32 v13, v14  }
0x53: {  	s24 =	simm.s32 $0x0;
	v13 =	vadd.f32 v9, v62;
	v12 =	vadd.f32 v12, v63;
	v9 =	vld [tilespmem:s0+$0xF0];
	s0 =	simm.s32 $0xCB00  }
.LBB2_3:
0x54: {  	v14 =	vld [tilespmem:s0+$0xC0];
	v4 =	vadd.f32 v4, v11;
	v7 =	vadd.f32 v7, v10  }
0x55: {  	v10 =	vld [tilespmem:s0+$0xD0];
	v11 =	vadd.f32 v2, v13;
	v12 =	vadd.f32 v3, v12  }
0x56: {  	v2 =	vld [tilespmem:s0+$0x80];
	v4 =	vadd.f32 v6, v4;
	v6 =	vadd.f32 v8, v7  }
0x57: {  	v3 =	vld [tilespmem:s0+$0x90];
	v7 =	vadd.f32 v0, v11;
	v8 =	vadd.f32 v1, v12  }
0x58: {  	v12 =	vld [tilespmem:s0+$0x40];
	v4 =	vadd.f32 v5, v4;
	v5 =	vadd.f32 v9, v6  }
0x59: {  	v9 =	vld [tilespmem:s0+$0x50];
	v0 =	vmov v14  }
0x5a: {  	v11 =	vld [tilespmem:s0+$0x0];
	v1 =	vmov v10  }
0x5b: {  	v10 =	vld [tilespmem:s0+$0x10]  }
0x5c: {  	v6 =	vld [tilespmem:s0+$0xFFFFFFC0]  }
0x5d: {  	v13 =	vld [tilespmem:s0+$0xFFFFFFD0]  }
0x5e: {  	v14 =	vld [tilespmem:s0+$0xFFFFFF80]  }
0x5f: {  	v15 =	vld [tilespmem:s0+$0xFFFFFF90]  }
0x60: {  	v16 =	vld [tilespmem:s0+$0xFFFFFF40]  }
0x61: {  	v17 =	vld [tilespmem:s0+$0xFFFFFF50]  }
0x62: {  	v18 =	vld [tilespmem:s0+$0xFFFFFF00]  }
0x63: {  	v19 =	vld [tilespmem:s0+$0xFFFFFF10]  }
0x64: {  	v20 =	vld [tilespmem:s0+$0xFFFFFF20]  }
0x65: {  	s24 =	sadd.s32 $0x8, s24;
	v21 =	vld [tilespmem:s0+$0xFFFFFF30]  }
0x66: {  	p0 =	slt.u32 s24, $0xC0;
	v22 =	vld [tilespmem:s0+$0xFFFFFF60]  }
0x67: {  	v23 =	vld [tilespmem:s0+$0xFFFFFF70]  }
0x68: {  	v24 =	vld [tilespmem:s0+$0xFFFFFFA0]  }
0x69: {  	v7 =	vadd.f32 v18, v7;
	v8 =	vadd.f32 v19, v8;
	v18 =	vld [tilespmem:s0+$0xFFFFFFB0]  }
0x6a: {  	v4 =	vadd.f32 v20, v4;
	v5 =	vadd.f32 v21, v5;
	v19 =	vld [tilespmem:s0+$0xFFFFFFE0]  }
0x6b: {  	v7 =	vadd.f32 v16, v7;
	v8 =	vadd.f32 v17, v8;
	v16 =	vld [tilespmem:s0+$0xFFFFFFF0]  }
0x6c: {  	v4 =	vadd.f32 v22, v4;
	v5 =	vadd.f32 v23, v5;
	v17 =	vld [tilespmem:s0+$0x20]  }
0x6d: {  	v7 =	vadd.f32 v14, v7;
	v8 =	vadd.f32 v15, v8;
	v14 =	vld [tilespmem:s0+$0x30]  }
0x6e: {  	v15 =	vadd.f32 v24, v4;
	v5 =	vadd.f32 v18, v5;
	v4 =	vld [tilespmem:s0+$0x60]  }
.Ltmp2:
0x6f: {  	v18 =	vadd.f32 v6, v7;
	v8 =	vadd.f32 v13, v8;
	v7 =	vld [tilespmem:s0+$0x70];
	(pc) =	sbr.rel @p0 .LBB2_3-.Ltmp2, $4  }
0x70: {  	v13 =	vadd.f32 v19, v15;
	v5 =	vadd.f32 v16, v5;
	v6 =	vld [tilespmem:s0+$0xA0]  }
0x71: {  	v15 =	vadd.f32 v11, v18;
	v16 =	vadd.f32 v10, v8;
	v8 =	vld [tilespmem:s0+$0xB0]  }
0x72: {  	v11 =	vadd.f32 v17, v13;
	v10 =	vadd.f32 v14, v5;
	v5 =	vld [tilespmem:s0+$0xE0]  }
0x73: {  	v13 =	vadd.f32 v12, v15;
	v12 =	vadd.f32 v9, v16;
	v9 =	vld [tilespmem:s0+$0xF0];
	s0 =	sadd.s32 $0x200, s0  }
0x74: {  	_ = 	snop  }
0x75: {  	v4 =	vadd.f32 v4, v11;
	v2 =	vadd.f32 v2, v13  }
0x76: {  	v7 =	vadd.f32 v7, v10;
	v3 =	vadd.f32 v3, v12  }
0x77: {  	s0 =	sshll.u32 s22, $0x8;
	v4 =	vadd.f32 v6, v4;
	v0 =	vadd.f32 v0, v2  }
0x78: {  	p0 =	seq.s32 s22, $0x1F;
	s24 =	sand.u32 $0x3FFFFF00, s0;
	v2 =	vadd.f32 v8, v7;
	v1 =	vadd.f32 v1, v3  }
0x79: {  	s0 =	smul.u32 @!p0 $0xC80, s22;
	v3 =	vadd.f32 v5, v4;
	[tilespmem:s24+$0x19000] =	vst v0  }
0x7a: {  	v0 =	vadd.f32 v9, v2;
	[tilespmem:s24+$0x19010] =	vst v1  }
0x7b: {  	s26 =	sshra.s32 @!p0 s0, $0x2;
	[tilespmem:s24+$0x19020] =	vst v3  }
0x7c: {  	s18 =	simm.s32 @!p0 $0x68;
	s10 =	simm.s32 @!p0 $0xC800;
	s0 =	sadd.s32 @!p0 $0x320, s26;
	[tilespmem:s24+$0x19030] =	vst v0  }
0x7d: {  	[tilespmem:s10], [sflag:$0x1] =	stream.indirect.gather @!p0 [hbm4b:s3+s18], $0x40, s0, s18, $0xb8;
	[tilespmem:$0x1D000] =	vst v63  }
0x7e: {  	s0 =	sadd.s32 @!p0 $0x388, s26;
	s10 =	simm.s32 @!p0 $0x60;
	s18 =	simm.s32 @!p0 $0xE200  }
0x7f: {  	[tilespmem:s18], [sflag:$0x1] =	stream.indirect.gather @!p0 [hbm4b:s3+s10], $0x40, s0, s10, $0xb8;
	[tilespmem:$0x1D000] =	vst v63  }
0x80: {  	_ =	swait.ge [sflag:s30], $0x3200  }
0x81: {  	[sflag:s30] =	ssyncset.done $0x0  }
0x82: {  	s18 =	simm.s32 $0xFB00;
	[sflag:s30] =	ssyncadd.s32 $0xFFFFCE00  }
0x83: {  	v0 =	vld [tilespmem:s18+$0xC0]  }
0x84: {  	v1 =	vld [tilespmem:s18+$0xD0]  }
0x85: {  	v2 =	vld [tilespmem:s18+$0x80]  }
0x86: {  	v3 =	vld [tilespmem:s18+$0x90]  }
0x87: {  	v9 =	vld [tilespmem:s18+$0x40]  }
0x88: {  	v12 =	vld [tilespmem:s18+$0x50]  }
0x89: {  	v7 =	vld [tilespmem:s18+$0x0]  }
0x8a: {  	v8 =	vld [tilespmem:s18+$0x10]  }
0x8b: {  	v5 =	vld [tilespmem:s18+$0xFFFFFFC0]  }
0x8c: {  	v6 =	vld [tilespmem:s18+$0xFFFFFFD0]  }
0x8d: {  	v4 =	vld [tilespmem:s18+$0xFFFFFF80]  }
0x8e: {  	v10 =	vld [tilespmem:s18+$0xFFFFFF90]  }
0x8f: {  	v11 =	vld [tilespmem:s18+$0xFFFFFF40]  }
0x90: {  	v13 =	vld [tilespmem:s18+$0xFFFFFF50]  }
0x91: {  	v14 =	vld [tilespmem:s18+$0xFFFFFF00]  }
0x92: {  	v15 =	vld [tilespmem:s18+$0xFFFFFF10]  }
0x93: {  	v16 =	vld [tilespmem:s18+$0xFFFFFF20]  }
0x94: {  	v17 =	vld [tilespmem:s18+$0xFFFFFF30]  }
0x95: {  	v18 =	vld [tilespmem:s18+$0xFFFFFF60]  }
0x96: {  	v19 =	vld [tilespmem:s18+$0xFFFFFF70]  }
0x97: {  	v20 =	vimm.f32 $0.0e+00;
	v21 =	vld [tilespmem:s18+$0xFFFFFFA0]  }
0x98: {  	v22 =	vld [tilespmem:s18+$0xFFFFFFB0];
	v14 =	vadd.f32 v14, v20;
	v15 =	vadd.f32 v15, v20  }
0x99: {  	v59 =	vld [tilespmem:s18+$0xFFFFFFE0];
	v16 =	vadd.f32 v16, v20;
	v17 =	vadd.f32 v17, v20  }
0x9a: {  	v11 =	vadd.f32 v11, v14;
	v13 =	vadd.f32 v13, v15;
	v14 =	vld [tilespmem:s18+$0xFFFFFFF0]  }
0x9b: {  	v61 =	vld [tilespmem:s18+$0x20];
	v15 =	vadd.f32 v18, v16;
	v60 =	vadd.f32 v19, v17  }
0x9c: {  	v11 =	vadd.f32 v4, v11;
	v10 =	vadd.f32 v10, v13;
	v13 =	vld [tilespmem:s18+$0x30]  }
0x9d: {  	v15 =	vadd.f32 v21, v15;
	v16 =	vadd.f32 v22, v60;
	v4 =	vld [tilespmem:s18+$0x60]  }
0x9e: {  	v11 =	vadd.f32 v5, v11;
	v10 =	vadd.f32 v6, v10;
	v6 =	vld [tilespmem:s18+$0x70]  }
0x9f: {  	v15 =	vadd.f32 v59, v15;
	v5 =	vld [tilespmem:s18+$0xA0];
	v14 =	vadd.f32 v14, v16  }
0xa0: {  	v62 =	vadd.f32 v7, v11;
	v63 =	vadd.f32 v8, v10;
	v8 =	vld [tilespmem:s18+$0xB0]  }
0xa1: {  	v11 =	vadd.f32 v61, v15;
	v7 =	vld [tilespmem:s18+$0xE0];
	v10 =	vadd.f32 v13, v14  }
0xa2: {  	s0 =	simm.s32 $0x0;
	v13 =	vadd.f32 v9, v62;
	v12 =	vadd.f32 v12, v63;
	v9 =	vld [tilespmem:s18+$0xF0];
	s18 =	simm.s32 $0xFD00  }
.LBB2_5:
0xa3: {  	v14 =	vld [tilespmem:s18+$0xC0];
	v4 =	vadd.f32 v4, v11;
	v6 =	vadd.f32 v6, v10  }
0xa4: {  	v10 =	vld [tilespmem:s18+$0xD0];
	v11 =	vadd.f32 v2, v13;
	v12 =	vadd.f32 v3, v12  }
0xa5: {  	v2 =	vld [tilespmem:s18+$0x80];
	v4 =	vadd.f32 v5, v4;
	v5 =	vadd.f32 v8, v6  }
0xa6: {  	v3 =	vld [tilespmem:s18+$0x90];
	v6 =	vadd.f32 v0, v11;
	v8 =	vadd.f32 v1, v12  }
0xa7: {  	v12 =	vld [tilespmem:s18+$0x40];
	v4 =	vadd.f32 v7, v4;
	v5 =	vadd.f32 v9, v5  }
0xa8: {  	v9 =	vld [tilespmem:s18+$0x50];
	v0 =	vmov v14  }
0xa9: {  	v7 =	vld [tilespmem:s18+$0x0];
	v1 =	vmov v10  }
0xaa: {  	v10 =	vld [tilespmem:s18+$0x10]  }
0xab: {  	v11 =	vld [tilespmem:s18+$0xFFFFFFC0]  }
0xac: {  	v13 =	vld [tilespmem:s18+$0xFFFFFFD0]  }
0xad: {  	v14 =	vld [tilespmem:s18+$0xFFFFFF80]  }
0xae: {  	v15 =	vld [tilespmem:s18+$0xFFFFFF90]  }
0xaf: {  	v16 =	vld [tilespmem:s18+$0xFFFFFF40]  }
0xb0: {  	v17 =	vld [tilespmem:s18+$0xFFFFFF50]  }
0xb1: {  	v18 =	vld [tilespmem:s18+$0xFFFFFF00]  }
0xb2: {  	v19 =	vld [tilespmem:s18+$0xFFFFFF10]  }
0xb3: {  	v20 =	vld [tilespmem:s18+$0xFFFFFF20]  }
0xb4: {  	s0 =	sadd.s32 $0x8, s0;
	v21 =	vld [tilespmem:s18+$0xFFFFFF30]  }
0xb5: {  	p1 =	slt.u32 s0, $0xC0;
	v22 =	vld [tilespmem:s18+$0xFFFFFF60]  }
0xb6: {  	v23 =	vld [tilespmem:s18+$0xFFFFFF70]  }
0xb7: {  	v24 =	vld [tilespmem:s18+$0xFFFFFFA0]  }
0xb8: {  	v6 =	vadd.f32 v18, v6;
	v8 =	vadd.f32 v19, v8;
	v18 =	vld [tilespmem:s18+$0xFFFFFFB0]  }
0xb9: {  	v4 =	vadd.f32 v20, v4;
	v5 =	vadd.f32 v21, v5;
	v19 =	vld [tilespmem:s18+$0xFFFFFFE0]  }
0xba: {  	v6 =	vadd.f32 v16, v6;
	v8 =	vadd.f32 v17, v8;
	v16 =	vld [tilespmem:s18+$0xFFFFFFF0]  }
0xbb: {  	v4 =	vadd.f32 v22, v4;
	v5 =	vadd.f32 v23, v5;
	v17 =	vld [tilespmem:s18+$0x20]  }
0xbc: {  	v6 =	vadd.f32 v14, v6;
	v8 =	vadd.f32 v15, v8;
	v14 =	vld [tilespmem:s18+$0x30]  }
0xbd: {  	v15 =	vadd.f32 v24, v4;
	v5 =	vadd.f32 v18, v5;
	v4 =	vld [tilespmem:s18+$0x60]  }
.Ltmp3:
0xbe: {  	v11 =	vadd.f32 v11, v6;
	v8 =	vadd.f32 v13, v8;
	v6 =	vld [tilespmem:s18+$0x70];
	(pc) =	sbr.rel @p1 .LBB2_5-.Ltmp3, $4  }
0xbf: {  	v13 =	vadd.f32 v19, v15;
	v15 =	vadd.f32 v16, v5;
	v5 =	vld [tilespmem:s18+$0xA0]  }
0xc0: {  	v16 =	vadd.f32 v7, v11;
	v18 =	vadd.f32 v10, v8;
	v8 =	vld [tilespmem:s18+$0xB0]  }
0xc1: {  	v11 =	vadd.f32 v17, v13;
	v10 =	vadd.f32 v14, v15;
	v7 =	vld [tilespmem:s18+$0xE0]  }
0xc2: {  	v13 =	vadd.f32 v12, v16;
	v12 =	vadd.f32 v9, v18;
	v9 =	vld [tilespmem:s18+$0xF0];
	s18 =	sadd.s32 $0x200, s18  }
0xc3: {  	_ = 	snop  }
0xc4: {  	v4 =	vadd.f32 v4, v11;
	v2 =	vadd.f32 v2, v13  }
0xc5: {  	v6 =	vadd.f32 v6, v10;
	v3 =	vadd.f32 v3, v12  }
0xc6: {  	v4 =	vadd.f32 v5, v4;
	v0 =	vadd.f32 v0, v2  }
0xc7: {  	v2 =	vadd.f32 v8, v6;
	v1 =	vadd.f32 v1, v3  }
0xc8: {  	v3 =	vadd.f32 v7, v4;
	[tilespmem:s24+$0x19040] =	vst v0  }
0xc9: {  	v0 =	vadd.f32 v9, v2;
	[tilespmem:s24+$0x19050] =	vst v1  }
0xca: {  	[tilespmem:s24+$0x19060] =	vst v3  }
0xcb: {  	s0 =	sadd.s32 @!p0 $0x3E8, s26;
	s10 =	simm.s32 @!p0 $0x68;
	s18 =	simm.s32 @!p0 $0xFA00;
	[tilespmem:s24+$0x19070] =	vst v0  }
0xcc: {  	[tilespmem:s18], [sflag:$0x2] =	stream.indirect.gather @!p0 [hbm4b:s3+s10], $0x40, s0, s10, $0xb8;
	[tilespmem:$0x1D000] =	vst v63  }
0xcd: {  	s0 =	sadd.s32 @!p0 $0x450, s26;
	s10 =	simm.s32 @!p0 $0x60;
	s18 =	simm.s32 @!p0 $0x11400  }
0xce: {  	[tilespmem:s18], [sflag:$0x2] =	stream.indirect.gather @!p0 [hbm4b:s3+s10], $0x40, s0, s10, $0xb8;
	[tilespmem:$0x1D000] =	vst v63  }
0xcf: {  	_ =	swait.ge [sflag:s31], $0x3200  }
0xd0: {  	[sflag:s31] =	ssyncset.done $0x0  }
0xd1: {  	s18 =	simm.s32 $0x12D00;
	[sflag:s31] =	ssyncadd.s32 $0xFFFFCE00  }
0xd2: {  	v0 =	vld [tilespmem:s18+$0xC0]  }
0xd3: {  	v1 =	vld [tilespmem:s18+$0xD0]  }
0xd4: {  	v2 =	vld [tilespmem:s18+$0x80]  }
0xd5: {  	v3 =	vld [tilespmem:s18+$0x90]  }
0xd6: {  	v9 =	vld [tilespmem:s18+$0x40]  }
0xd7: {  	v12 =	vld [tilespmem:s18+$0x50]  }
0xd8: {  	v7 =	vld [tilespmem:s18+$0x0]  }
0xd9: {  	v8 =	vld [tilespmem:s18+$0x10]  }
0xda: {  	v5 =	vld [tilespmem:s18+$0xFFFFFFC0]  }
0xdb: {  	v6 =	vld [tilespmem:s18+$0xFFFFFFD0]  }
0xdc: {  	v4 =	vld [tilespmem:s18+$0xFFFFFF80]  }
0xdd: {  	v10 =	vld [tilespmem:s18+$0xFFFFFF90]  }
0xde: {  	v11 =	vld [tilespmem:s18+$0xFFFFFF40]  }
0xdf: {  	v13 =	vld [tilespmem:s18+$0xFFFFFF50]  }
0xe0: {  	v14 =	vld [tilespmem:s18+$0xFFFFFF00]  }
0xe1: {  	v15 =	vld [tilespmem:s18+$0xFFFFFF10]  }
0xe2: {  	v16 =	vld [tilespmem:s18+$0xFFFFFF20]  }
0xe3: {  	v17 =	vld [tilespmem:s18+$0xFFFFFF30]  }
0xe4: {  	v18 =	vld [tilespmem:s18+$0xFFFFFF60]  }
0xe5: {  	v19 =	vld [tilespmem:s18+$0xFFFFFF70]  }
0xe6: {  	v20 =	vimm.f32 $0.0e+00;
	v21 =	vld [tilespmem:s18+$0xFFFFFFA0]  }
0xe7: {  	v22 =	vld [tilespmem:s18+$0xFFFFFFB0];
	v14 =	vadd.f32 v14, v20;
	v15 =	vadd.f32 v15, v20  }
0xe8: {  	v59 =	vld [tilespmem:s18+$0xFFFFFFE0];
	v16 =	vadd.f32 v16, v20;
	v17 =	vadd.f32 v17, v20  }
0xe9: {  	v11 =	vadd.f32 v11, v14;
	v13 =	vadd.f32 v13, v15;
	v14 =	vld [tilespmem:s18+$0xFFFFFFF0]  }
0xea: {  	v61 =	vld [tilespmem:s18+$0x20];
	v15 =	vadd.f32 v18, v16;
	v60 =	vadd.f32 v19, v17  }
0xeb: {  	v11 =	vadd.f32 v4, v11;
	v10 =	vadd.f32 v10, v13;
	v13 =	vld [tilespmem:s18+$0x30]  }
0xec: {  	v15 =	vadd.f32 v21, v15;
	v16 =	vadd.f32 v22, v60;
	v4 =	vld [tilespmem:s18+$0x60]  }
0xed: {  	v11 =	vadd.f32 v5, v11;
	v10 =	vadd.f32 v6, v10;
	v6 =	vld [tilespmem:s18+$0x70]  }
0xee: {  	v15 =	vadd.f32 v59, v15;
	v5 =	vld [tilespmem:s18+$0xA0];
	v14 =	vadd.f32 v14, v16  }
0xef: {  	v62 =	vadd.f32 v7, v11;
	v63 =	vadd.f32 v8, v10;
	v8 =	vld [tilespmem:s18+$0xB0]  }
0xf0: {  	v11 =	vadd.f32 v61, v15;
	v7 =	vld [tilespmem:s18+$0xE0];
	v10 =	vadd.f32 v13, v14  }
0xf1: {  	s0 =	simm.s32 $0x0;
	v13 =	vadd.f32 v9, v62;
	v12 =	vadd.f32 v12, v63;
	v9 =	vld [tilespmem:s18+$0xF0];
	s18 =	simm.s32 $0x12F00  }
.LBB2_7:
0xf2: {  	v14 =	vld [tilespmem:s18+$0xC0];
	v4 =	vadd.f32 v4, v11;
	v6 =	vadd.f32 v6, v10  }
0xf3: {  	v10 =	vld [tilespmem:s18+$0xD0];
	v11 =	vadd.f32 v2, v13;
	v12 =	vadd.f32 v3, v12  }
0xf4: {  	v2 =	vld [tilespmem:s18+$0x80];
	v4 =	vadd.f32 v5, v4;
	v5 =	vadd.f32 v8, v6  }
0xf5: {  	v3 =	vld [tilespmem:s18+$0x90];
	v6 =	vadd.f32 v0, v11;
	v8 =	vadd.f32 v1, v12  }
0xf6: {  	v12 =	vld [tilespmem:s18+$0x40];
	v4 =	vadd.f32 v7, v4;
	v5 =	vadd.f32 v9, v5  }
0xf7: {  	v9 =	vld [tilespmem:s18+$0x50];
	v0 =	vmov v14  }
0xf8: {  	v7 =	vld [tilespmem:s18+$0x0];
	v1 =	vmov v10  }
0xf9: {  	v10 =	vld [tilespmem:s18+$0x10]  }
0xfa: {  	v11 =	vld [tilespmem:s18+$0xFFFFFFC0]  }
0xfb: {  	v13 =	vld [tilespmem:s18+$0xFFFFFFD0]  }
0xfc: {  	v14 =	vld [tilespmem:s18+$0xFFFFFF80]  }
0xfd: {  	v15 =	vld [tilespmem:s18+$0xFFFFFF90]  }
0xfe: {  	v16 =	vld [tilespmem:s18+$0xFFFFFF40]  }
0xff: {  	v17 =	vld [tilespmem:s18+$0xFFFFFF50]  }
0x100: {  	v18 =	vld [tilespmem:s18+$0xFFFFFF00]  }
0x101: {  	v19 =	vld [tilespmem:s18+$0xFFFFFF10]  }
0x102: {  	v20 =	vld [tilespmem:s18+$0xFFFFFF20]  }
0x103: {  	s0 =	sadd.s32 $0x8, s0;
	v21 =	vld [tilespmem:s18+$0xFFFFFF30]  }
0x104: {  	p1 =	slt.u32 s0, $0xC0;
	v22 =	vld [tilespmem:s18+$0xFFFFFF60]  }
0x105: {  	v23 =	vld [tilespmem:s18+$0xFFFFFF70]  }
0x106: {  	v24 =	vld [tilespmem:s18+$0xFFFFFFA0]  }
0x107: {  	v6 =	vadd.f32 v18, v6;
	v8 =	vadd.f32 v19, v8;
	v18 =	vld [tilespmem:s18+$0xFFFFFFB0]  }
0x108: {  	v4 =	vadd.f32 v20, v4;
	v5 =	vadd.f32 v21, v5;
	v19 =	vld [tilespmem:s18+$0xFFFFFFE0]  }
0x109: {  	v6 =	vadd.f32 v16, v6;
	v8 =	vadd.f32 v17, v8;
	v16 =	vld [tilespmem:s18+$0xFFFFFFF0]  }
0x10a: {  	v4 =	vadd.f32 v22, v4;
	v5 =	vadd.f32 v23, v5;
	v17 =	vld [tilespmem:s18+$0x20]  }
0x10b: {  	v6 =	vadd.f32 v14, v6;
	v8 =	vadd.f32 v15, v8;
	v14 =	vld [tilespmem:s18+$0x30]  }
0x10c: {  	v15 =	vadd.f32 v24, v4;
	v5 =	vadd.f32 v18, v5;
	v4 =	vld [tilespmem:s18+$0x60]  }
.Ltmp4:
0x10d: {  	v11 =	vadd.f32 v11, v6;
	v8 =	vadd.f32 v13, v8;
	v6 =	vld [tilespmem:s18+$0x70];
	(pc) =	sbr.rel @p1 .LBB2_7-.Ltmp4, $4  }
0x10e: {  	v13 =	vadd.f32 v19, v15;
	v15 =	vadd.f32 v16, v5;
	v5 =	vld [tilespmem:s18+$0xA0]  }
0x10f: {  	v16 =	vadd.f32 v7, v11;
	v18 =	vadd.f32 v10, v8;
	v8 =	vld [tilespmem:s18+$0xB0]  }
0x110: {  	v11 =	vadd.f32 v17, v13;
	v10 =	vadd.f32 v14, v15;
	v7 =	vld [tilespmem:s18+$0xE0]  }
0x111: {  	v13 =	vadd.f32 v12, v16;
	v12 =	vadd.f32 v9, v18;
	v9 =	vld [tilespmem:s18+$0xF0];
	s18 =	sadd.s32 $0x200, s18  }
0x112: {  	_ = 	snop  }
0x113: {  	v4 =	vadd.f32 v4, v11;
	v2 =	vadd.f32 v2, v13  }
0x114: {  	v6 =	vadd.f32 v6, v10;
	v3 =	vadd.f32 v3, v12  }
0x115: {  	v4 =	vadd.f32 v5, v4;
	v0 =	vadd.f32 v0, v2  }
0x116: {  	v2 =	vadd.f32 v8, v6;
	v1 =	vadd.f32 v1, v3  }
0x117: {  	v3 =	vadd.f32 v7, v4;
	[tilespmem:s24+$0x19080] =	vst v0  }
0x118: {  	v0 =	vadd.f32 v9, v2;
	[tilespmem:s24+$0x19090] =	vst v1  }
0x119: {  	[tilespmem:s24+$0x190A0] =	vst v3  }
0x11a: {  	s0 =	sadd.s32 @!p0 $0x4B0, s26;
	s10 =	simm.s32 @!p0 $0x68;
	s18 =	simm.s32 @!p0 $0x12C00;
	[tilespmem:s24+$0x190B0] =	vst v0  }
0x11b: {  	[tilespmem:s18], [sflag:$0x3] =	stream.indirect.gather @!p0 [hbm4b:s3+s10], $0x40, s0, s10, $0xb8;
	[tilespmem:$0x1D000] =	vst v63  }
0x11c: {  	s0 =	sadd.s32 @!p0 $0x518, s26;
	s10 =	simm.s32 @!p0 $0x60;
	s18 =	simm.s32 @!p0 $0x14600  }
0x11d: {  	[tilespmem:s18], [sflag:$0x3] =	stream.indirect.gather @!p0 [hbm4b:s3+s10], $0x40, s0, s10, $0xb8;
	[tilespmem:$0x1D000] =	vst v63  }
0x11e: {  	_ =	swait.ge [sflag:s1], $0x3200  }
0x11f: {  	[sflag:s1] =	ssyncset.done $0x0  }
0x120: {  	s26 =	simm.s32 $0x15F00;
	[sflag:s1] =	ssyncadd.s32 $0xFFFFCE00  }
0x121: {  	v0 =	vld [tilespmem:s26+$0xC0]  }
0x122: {  	v1 =	vld [tilespmem:s26+$0xD0]  }
0x123: {  	v2 =	vld [tilespmem:s26+$0x80]  }
0x124: {  	v3 =	vld [tilespmem:s26+$0x90]  }
0x125: {  	v9 =	vld [tilespmem:s26+$0x40]  }
0x126: {  	v12 =	vld [tilespmem:s26+$0x50]  }
0x127: {  	v7 =	vld [tilespmem:s26+$0x0]  }
0x128: {  	v8 =	vld [tilespmem:s26+$0x10]  }
0x129: {  	v5 =	vld [tilespmem:s26+$0xFFFFFFC0]  }
0x12a: {  	v6 =	vld [tilespmem:s26+$0xFFFFFFD0]  }
0x12b: {  	v4 =	vld [tilespmem:s26+$0xFFFFFF80]  }
0x12c: {  	v10 =	vld [tilespmem:s26+$0xFFFFFF90]  }
0x12d: {  	v11 =	vld [tilespmem:s26+$0xFFFFFF40]  }
0x12e: {  	v13 =	vld [tilespmem:s26+$0xFFFFFF50]  }
0x12f: {  	v14 =	vld [tilespmem:s26+$0xFFFFFF00]  }
0x130: {  	v15 =	vld [tilespmem:s26+$0xFFFFFF10]  }
0x131: {  	v16 =	vld [tilespmem:s26+$0xFFFFFF20]  }
0x132: {  	v17 =	vld [tilespmem:s26+$0xFFFFFF30]  }
0x133: {  	v18 =	vld [tilespmem:s26+$0xFFFFFF60]  }
0x134: {  	v19 =	vld [tilespmem:s26+$0xFFFFFF70]  }
0x135: {  	v20 =	vimm.f32 $0.0e+00;
	v21 =	vld [tilespmem:s26+$0xFFFFFFA0]  }
0x136: {  	v22 =	vld [tilespmem:s26+$0xFFFFFFB0];
	v14 =	vadd.f32 v14, v20;
	v15 =	vadd.f32 v15, v20  }
0x137: {  	v59 =	vld [tilespmem:s26+$0xFFFFFFE0];
	v16 =	vadd.f32 v16, v20;
	v17 =	vadd.f32 v17, v20  }
0x138: {  	v11 =	vadd.f32 v11, v14;
	v13 =	vadd.f32 v13, v15;
	v14 =	vld [tilespmem:s26+$0xFFFFFFF0]  }
0x139: {  	v61 =	vld [tilespmem:s26+$0x20];
	v15 =	vadd.f32 v18, v16;
	v60 =	vadd.f32 v19, v17  }
0x13a: {  	v11 =	vadd.f32 v4, v11;
	v10 =	vadd.f32 v10, v13;
	v13 =	vld [tilespmem:s26+$0x30]  }
0x13b: {  	v15 =	vadd.f32 v21, v15;
	v16 =	vadd.f32 v22, v60;
	v4 =	vld [tilespmem:s26+$0x60]  }
0x13c: {  	v11 =	vadd.f32 v5, v11;
	v10 =	vadd.f32 v6, v10;
	v6 =	vld [tilespmem:s26+$0x70]  }
0x13d: {  	v15 =	vadd.f32 v59, v15;
	v5 =	vld [tilespmem:s26+$0xA0];
	v14 =	vadd.f32 v14, v16  }
0x13e: {  	v62 =	vadd.f32 v7, v11;
	v63 =	vadd.f32 v8, v10;
	v8 =	vld [tilespmem:s26+$0xB0]  }
0x13f: {  	v11 =	vadd.f32 v61, v15;
	v7 =	vld [tilespmem:s26+$0xE0];
	v10 =	vadd.f32 v13, v14  }
0x140: {  	s0 =	simm.s32 $0x0;
	s18 =	simm.s32 $0x16100;
	v13 =	vadd.f32 v9, v62;
	v12 =	vadd.f32 v12, v63;
	v9 =	vld [tilespmem:s26+$0xF0]  }
.LBB2_9:
0x141: {  	v14 =	vld [tilespmem:s18+$0xC0];
	v4 =	vadd.f32 v4, v11;
	v6 =	vadd.f32 v6, v10  }
0x142: {  	v10 =	vld [tilespmem:s18+$0xD0];
	v11 =	vadd.f32 v2, v13;
	v12 =	vadd.f32 v3, v12  }
0x143: {  	v2 =	vld [tilespmem:s18+$0x80];
	v4 =	vadd.f32 v5, v4;
	v5 =	vadd.f32 v8, v6  }
0x144: {  	v3 =	vld [tilespmem:s18+$0x90];
	v6 =	vadd.f32 v0, v11;
	v8 =	vadd.f32 v1, v12  }
0x145: {  	v12 =	vld [tilespmem:s18+$0x40];
	v4 =	vadd.f32 v7, v4;
	v5 =	vadd.f32 v9, v5  }
0x146: {  	v9 =	vld [tilespmem:s18+$0x50];
	v0 =	vmov v14  }
0x147: {  	v7 =	vld [tilespmem:s18+$0x0];
	v1 =	vmov v10  }
0x148: {  	v10 =	vld [tilespmem:s18+$0x10]  }
0x149: {  	v11 =	vld [tilespmem:s18+$0xFFFFFFC0]  }
0x14a: {  	v13 =	vld [tilespmem:s18+$0xFFFFFFD0]  }
0x14b: {  	v14 =	vld [tilespmem:s18+$0xFFFFFF80]  }
0x14c: {  	v15 =	vld [tilespmem:s18+$0xFFFFFF90]  }
0x14d: {  	v16 =	vld [tilespmem:s18+$0xFFFFFF40]  }
0x14e: {  	v17 =	vld [tilespmem:s18+$0xFFFFFF50]  }
0x14f: {  	v18 =	vld [tilespmem:s18+$0xFFFFFF00]  }
0x150: {  	v19 =	vld [tilespmem:s18+$0xFFFFFF10]  }
0x151: {  	v20 =	vld [tilespmem:s18+$0xFFFFFF20]  }
0x152: {  	s0 =	sadd.s32 $0x8, s0;
	v21 =	vld [tilespmem:s18+$0xFFFFFF30]  }
0x153: {  	p1 =	slt.u32 s0, $0xC0;
	v22 =	vld [tilespmem:s18+$0xFFFFFF60]  }
0x154: {  	v23 =	vld [tilespmem:s18+$0xFFFFFF70]  }
0x155: {  	v24 =	vld [tilespmem:s18+$0xFFFFFFA0]  }
0x156: {  	v6 =	vadd.f32 v18, v6;
	v8 =	vadd.f32 v19, v8;
	v18 =	vld [tilespmem:s18+$0xFFFFFFB0]  }
0x157: {  	v4 =	vadd.f32 v20, v4;
	v5 =	vadd.f32 v21, v5;
	v19 =	vld [tilespmem:s18+$0xFFFFFFE0]  }
0x158: {  	v6 =	vadd.f32 v16, v6;
	v8 =	vadd.f32 v17, v8;
	v16 =	vld [tilespmem:s18+$0xFFFFFFF0]  }
0x159: {  	v4 =	vadd.f32 v22, v4;
	v5 =	vadd.f32 v23, v5;
	v17 =	vld [tilespmem:s18+$0x20]  }
0x15a: {  	v6 =	vadd.f32 v14, v6;
	v8 =	vadd.f32 v15, v8;
	v14 =	vld [tilespmem:s18+$0x30]  }
0x15b: {  	v15 =	vadd.f32 v24, v4;
	v5 =	vadd.f32 v18, v5;
	v4 =	vld [tilespmem:s18+$0x60]  }
.Ltmp5:
0x15c: {  	v11 =	vadd.f32 v11, v6;
	v8 =	vadd.f32 v13, v8;
	v6 =	vld [tilespmem:s18+$0x70];
	(pc) =	sbr.rel @p1 .LBB2_9-.Ltmp5, $4  }
0x15d: {  	v13 =	vadd.f32 v19, v15;
	v15 =	vadd.f32 v16, v5;
	v5 =	vld [tilespmem:s18+$0xA0]  }
0x15e: {  	v16 =	vadd.f32 v7, v11;
	v18 =	vadd.f32 v10, v8;
	v8 =	vld [tilespmem:s18+$0xB0]  }
0x15f: {  	v11 =	vadd.f32 v17, v13;
	v10 =	vadd.f32 v14, v15;
	v7 =	vld [tilespmem:s18+$0xE0]  }
0x160: {  	v13 =	vadd.f32 v12, v16;
	v12 =	vadd.f32 v9, v18;
	v9 =	vld [tilespmem:s18+$0xF0];
	s18 =	sadd.s32 $0x200, s18  }
0x161: {  	_ = 	snop  }
0x162: {  	v4 =	vadd.f32 v4, v11;
	v2 =	vadd.f32 v2, v13  }
0x163: {  	v6 =	vadd.f32 v6, v10;
	v3 =	vadd.f32 v3, v12  }
0x164: {  	v4 =	vadd.f32 v5, v4;
	v0 =	vadd.f32 v0, v2  }
.Ltmp6:
0x165: {  	v61 =	vadd.f32 v8, v6;
	v1 =	vadd.f32 v1, v3;
	(pc) =	sbr.rel @p0 .LBB2_12-.Ltmp6, $4  }
0x166: {  	v62 =	vadd.f32 v7, v4;
	[tilespmem:s24+$0x190C0] =	vst v0  }
0x167: {  	v63 =	vadd.f32 v9, v61;
	[tilespmem:s24+$0x190D0] =	vst v1  }
0x168: {  	[tilespmem:s24+$0x190E0] =	vst v62  }
0x169: {  	[tilespmem:s24+$0x190F0] =	vst v63  }
0x16a: {  	s0 =	smul.u32 $0xC80, s22;
	_ =	sdelay $0x1  }
.Ltmp7:
0x16b: {  	s0 =	sshra.s32 s0, $0x2;
	(pc) =	sbr.rel .LBB2_2-.Ltmp7, $4  }
0x16c: {  	s10 =	sadd.s32 $0x578, s0  }
0x16d: {  	[tilespmem:s25], [sflag:$0x4] =	stream.indirect.gather [hbm4b:s3+s12], $0x40, s10, s12, $0xb8;
	[tilespmem:$0x1D000] =	vst v63  }
0x16e: {  	s22 =	sadd.s32 $0x1, s22;
	s0 =	sadd.s32 $0x5E0, s0  }
0x16f: {  	[tilespmem:s28], [sflag:$0x4] =	stream.indirect.gather [hbm4b:s3+s14], $0x40, s0, s14, $0xb8;
	[tilespmem:$0x1D000] =	vst v63  }
.LBB2_12:
0x170: {  	s0 =	simm.s32 $0x6400  }
0x171: {  	[tilespmem:s13], [sflag:$0x1] =	stream.indirect.gather [hbm4b:s4+s12], $0x40, s0, s12, $0xb8;
	[tilespmem:$0x1D000] =	vst v63  }
0x172: {  	s24 =	simm.s32 $0x6468  }
0x173: {  	[tilespmem:s15], [sflag:$0x1] =	stream.indirect.gather [hbm4b:s4+s14], $0x40, s24, s14, $0xb8;
	[tilespmem:$0x1D000] =	vst v63  }
0x174: {  	s26 =	simm.s32 $0x64C8  }
0x175: {  	[tilespmem:s17], [sflag:$0x2] =	stream.indirect.gather [hbm4b:s4+s12], $0x40, s26, s12, $0xb8;
	[tilespmem:$0x1D000] =	vst v63  }
0x176: {  	s10 =	simm.s32 $0x6530  }
0x177: {  	[tilespmem:s19], [sflag:$0x2] =	stream.indirect.gather [hbm4b:s4+s14], $0x40, s10, s14, $0xb8;
	[tilespmem:$0x1D000] =	vst v63  }
0x178: {  	s18 =	simm.s32 $0x6590  }
0x179: {  	[tilespmem:s21], [sflag:$0x3] =	stream.indirect.gather [hbm4b:s4+s12], $0x40, s18, s12, $0xb8;
	[tilespmem:$0x1D000] =	vst v63  }
0x17a: {  	s22 =	simm.s32 $0x65F8  }
0x17b: {  	[tilespmem:s23], [sflag:$0x3] =	stream.indirect.gather [hbm4b:s4+s14], $0x40, s22, s14, $0xb8;
	[tilespmem:$0x1D000] =	vst v63  }
0x17c: {  	s24 =	simm.s32 $0x6658  }
0x17d: {  	[tilespmem:s25], [sflag:$0x4] =	stream.indirect.gather [hbm4b:s4+s12], $0x40, s24, s12, $0xb8;
	[tilespmem:$0x1D000] =	vst v63  }
0x17e: {  	s26 =	simm.s32 $0x66C0;
	s22 =	simm.s32 $0x0  }
0x17f: {  	[tilespmem:s28], [sflag:$0x4] =	stream.indirect.gather [hbm4b:s4+s14], $0x40, s26, s14, $0xb8;
	[tilespmem:$0x1D000] =	vst v63  }
.LBB2_13:
0x180: {  	_ =	swait.ge [sflag:s29], $0x3200  }
0x181: {  	[sflag:s29] =	ssyncset.done $0x0  }
0x182: {  	s10 =	simm.s32 $0xC900;
	[sflag:s29] =	ssyncadd.s32 $0xFFFFCE00  }
0x183: {  	v0 =	vld [tilespmem:s10+$0xC0]  }
0x184: {  	v1 =	vld [tilespmem:s10+$0xD0]  }
0x185: {  	v2 =	vld [tilespmem:s10+$0x80]  }
0x186: {  	v3 =	vld [tilespmem:s10+$0x90]  }
0x187: {  	v9 =	vld [tilespmem:s10+$0x40]  }
0x188: {  	v12 =	vld [tilespmem:s10+$0x50]  }
0x189: {  	v5 =	vld [tilespmem:s10+$0x0]  }
0x18a: {  	v8 =	vld [tilespmem:s10+$0x10]  }
0x18b: {  	v6 =	vld [tilespmem:s10+$0xFFFFFFC0]  }
0x18c: {  	v7 =	vld [tilespmem:s10+$0xFFFFFFD0]  }
0x18d: {  	v4 =	vld [tilespmem:s10+$0xFFFFFF80]  }
0x18e: {  	v10 =	vld [tilespmem:s10+$0xFFFFFF90]  }
0x18f: {  	v11 =	vld [tilespmem:s10+$0xFFFFFF40]  }
0x190: {  	v13 =	vld [tilespmem:s10+$0xFFFFFF50]  }
0x191: {  	v14 =	vld [tilespmem:s10+$0xFFFFFF00]  }
0x192: {  	v15 =	vld [tilespmem:s10+$0xFFFFFF10]  }
0x193: {  	v16 =	vld [tilespmem:s10+$0xFFFFFF20]  }
0x194: {  	v17 =	vld [tilespmem:s10+$0xFFFFFF30]  }
0x195: {  	v18 =	vld [tilespmem:s10+$0xFFFFFF60]  }
0x196: {  	v19 =	vld [tilespmem:s10+$0xFFFFFF70]  }
0x197: {  	v20 =	vimm.f32 $0.0e+00;
	v21 =	vld [tilespmem:s10+$0xFFFFFFA0]  }
0x198: {  	v22 =	vld [tilespmem:s10+$0xFFFFFFB0];
	v14 =	vadd.f32 v14, v20;
	v15 =	vadd.f32 v15, v20  }
0x199: {  	v59 =	vld [tilespmem:s10+$0xFFFFFFE0];
	v16 =	vadd.f32 v16, v20;
	v17 =	vadd.f32 v17, v20  }
0x19a: {  	v11 =	vadd.f32 v11, v14;
	v13 =	vadd.f32 v13, v15;
	v14 =	vld [tilespmem:s10+$0xFFFFFFF0]  }
0x19b: {  	v61 =	vld [tilespmem:s10+$0x20];
	v15 =	vadd.f32 v18, v16;
	v60 =	vadd.f32 v19, v17  }
0x19c: {  	v11 =	vadd.f32 v4, v11;
	v10 =	vadd.f32 v10, v13;
	v13 =	vld [tilespmem:s10+$0x30]  }
0x19d: {  	v15 =	vadd.f32 v21, v15;
	v16 =	vadd.f32 v22, v60;
	v4 =	vld [tilespmem:s10+$0x60]  }
0x19e: {  	v11 =	vadd.f32 v6, v11;
	v10 =	vadd.f32 v7, v10;
	v7 =	vld [tilespmem:s10+$0x70]  }
0x19f: {  	v15 =	vadd.f32 v59, v15;
	v6 =	vld [tilespmem:s10+$0xA0];
	v14 =	vadd.f32 v14, v16  }
0x1a0: {  	v62 =	vadd.f32 v5, v11;
	v63 =	vadd.f32 v8, v10;
	v8 =	vld [tilespmem:s10+$0xB0]  }
0x1a1: {  	v11 =	vadd.f32 v61, v15;
	v5 =	vld [tilespmem:s10+$0xE0];
	v10 =	vadd.f32 v13, v14  }
0x1a2: {  	s0 =	simm.s32 $0x0;
	s18 =	simm.s32 $0xCB00;
	v13 =	vadd.f32 v9, v62;
	v12 =	vadd.f32 v12, v63;
	v9 =	vld [tilespmem:s10+$0xF0]  }
.LBB2_14:
0x1a3: {  	v14 =	vld [tilespmem:s18+$0xC0];
	v4 =	vadd.f32 v4, v11;
	v7 =	vadd.f32 v7, v10  }
0x1a4: {  	v10 =	vld [tilespmem:s18+$0xD0];
	v11 =	vadd.f32 v2, v13;
	v12 =	vadd.f32 v3, v12  }
0x1a5: {  	v2 =	vld [tilespmem:s18+$0x80];
	v4 =	vadd.f32 v6, v4;
	v6 =	vadd.f32 v8, v7  }
0x1a6: {  	v3 =	vld [tilespmem:s18+$0x90];
	v7 =	vadd.f32 v0, v11;
	v8 =	vadd.f32 v1, v12  }
0x1a7: {  	v12 =	vld [tilespmem:s18+$0x40];
	v4 =	vadd.f32 v5, v4;
	v5 =	vadd.f32 v9, v6  }
0x1a8: {  	v9 =	vld [tilespmem:s18+$0x50];
	v0 =	vmov v14  }
0x1a9: {  	v11 =	vld [tilespmem:s18+$0x0];
	v1 =	vmov v10  }
0x1aa: {  	v10 =	vld [tilespmem:s18+$0x10]  }
0x1ab: {  	v6 =	vld [tilespmem:s18+$0xFFFFFFC0]  }
0x1ac: {  	v13 =	vld [tilespmem:s18+$0xFFFFFFD0]  }
0x1ad: {  	v14 =	vld [tilespmem:s18+$0xFFFFFF80]  }
0x1ae: {  	v15 =	vld [tilespmem:s18+$0xFFFFFF90]  }
0x1af: {  	v16 =	vld [tilespmem:s18+$0xFFFFFF40]  }
0x1b0: {  	v17 =	vld [tilespmem:s18+$0xFFFFFF50]  }
0x1b1: {  	v18 =	vld [tilespmem:s18+$0xFFFFFF00]  }
0x1b2: {  	v19 =	vld [tilespmem:s18+$0xFFFFFF10]  }
0x1b3: {  	v20 =	vld [tilespmem:s18+$0xFFFFFF20]  }
0x1b4: {  	s0 =	sadd.s32 $0x8, s0;
	v21 =	vld [tilespmem:s18+$0xFFFFFF30]  }
0x1b5: {  	p0 =	slt.u32 s0, $0xC0;
	v22 =	vld [tilespmem:s18+$0xFFFFFF60]  }
0x1b6: {  	v23 =	vld [tilespmem:s18+$0xFFFFFF70]  }
0x1b7: {  	v24 =	vld [tilespmem:s18+$0xFFFFFFA0]  }
0x1b8: {  	v7 =	vadd.f32 v18, v7;
	v8 =	vadd.f32 v19, v8;
	v18 =	vld [tilespmem:s18+$0xFFFFFFB0]  }
0x1b9: {  	v4 =	vadd.f32 v20, v4;
	v5 =	vadd.f32 v21, v5;
	v19 =	vld [tilespmem:s18+$0xFFFFFFE0]  }
0x1ba: {  	v7 =	vadd.f32 v16, v7;
	v8 =	vadd.f32 v17, v8;
	v16 =	vld [tilespmem:s18+$0xFFFFFFF0]  }
0x1bb: {  	v4 =	vadd.f32 v22, v4;
	v5 =	vadd.f32 v23, v5;
	v17 =	vld [tilespmem:s18+$0x20]  }
0x1bc: {  	v7 =	vadd.f32 v14, v7;
	v8 =	vadd.f32 v15, v8;
	v14 =	vld [tilespmem:s18+$0x30]  }
0x1bd: {  	v15 =	vadd.f32 v24, v4;
	v5 =	vadd.f32 v18, v5;
	v4 =	vld [tilespmem:s18+$0x60]  }
.Ltmp8:
0x1be: {  	v18 =	vadd.f32 v6, v7;
	v8 =	vadd.f32 v13, v8;
	v7 =	vld [tilespmem:s18+$0x70];
	(pc) =	sbr.rel @p0 .LBB2_14-.Ltmp8, $4  }
0x1bf: {  	v13 =	vadd.f32 v19, v15;
	v5 =	vadd.f32 v16, v5;
	v6 =	vld [tilespmem:s18+$0xA0]  }
0x1c0: {  	v15 =	vadd.f32 v11, v18;
	v16 =	vadd.f32 v10, v8;
	v8 =	vld [tilespmem:s18+$0xB0]  }
0x1c1: {  	v11 =	vadd.f32 v17, v13;
	v10 =	vadd.f32 v14, v5;
	v5 =	vld [tilespmem:s18+$0xE0]  }
0x1c2: {  	v13 =	vadd.f32 v12, v15;
	v12 =	vadd.f32 v9, v16;
	v9 =	vld [tilespmem:s18+$0xF0];
	s18 =	sadd.s32 $0x200, s18  }
0x1c3: {  	_ = 	snop  }
0x1c4: {  	v4 =	vadd.f32 v4, v11;
	v2 =	vadd.f32 v2, v13  }
0x1c5: {  	v7 =	vadd.f32 v7, v10;
	v3 =	vadd.f32 v3, v12  }
0x1c6: {  	s0 =	sshll.u32 s22, $0x8;
	v4 =	vadd.f32 v6, v4;
	v0 =	vadd.f32 v0, v2  }
0x1c7: {  	p0 =	seq.s32 s22, $0x1F;
	s24 =	sand.u32 $0x3FFFFF00, s0;
	v2 =	vadd.f32 v8, v7;
	v1 =	vadd.f32 v1, v3  }
0x1c8: {  	s0 =	smul.u32 @!p0 $0xC80, s22;
	v3 =	vadd.f32 v5, v4;
	[tilespmem:s24+$0x1B000] =	vst v0  }
0x1c9: {  	v0 =	vadd.f32 v9, v2;
	[tilespmem:s24+$0x1B010] =	vst v1  }
0x1ca: {  	s26 =	sshra.s32 @!p0 s0, $0x2;
	[tilespmem:s24+$0x1B020] =	vst v3  }
0x1cb: {  	s10 =	simm.s32 @!p0 $0x68;
	s18 =	simm.s32 @!p0 $0xC800;
	s0 =	sadd.s32 @!p0 $0x6720, s26;
	[tilespmem:s24+$0x1B030] =	vst v0  }
0x1cc: {  	[tilespmem:s18], [sflag:$0x1] =	stream.indirect.gather @!p0 [hbm4b:s4+s10], $0x40, s0, s10, $0xb8;
	[tilespmem:$0x1D000] =	vst v63  }
0x1cd: {  	s0 =	sadd.s32 @!p0 $0x6788, s26;
	s10 =	simm.s32 @!p0 $0x60;
	s18 =	simm.s32 @!p0 $0xE200  }
0x1ce: {  	[tilespmem:s18], [sflag:$0x1] =	stream.indirect.gather @!p0 [hbm4b:s4+s10], $0x40, s0, s10, $0xb8;
	[tilespmem:$0x1D000] =	vst v63  }
0x1cf: {  	_ =	swait.ge [sflag:s30], $0x3200  }
0x1d0: {  	[sflag:s30] =	ssyncset.done $0x0  }
0x1d1: {  	s18 =	simm.s32 $0xFB00;
	[sflag:s30] =	ssyncadd.s32 $0xFFFFCE00  }
0x1d2: {  	v0 =	vld [tilespmem:s18+$0xC0]  }
0x1d3: {  	v1 =	vld [tilespmem:s18+$0xD0]  }
0x1d4: {  	v2 =	vld [tilespmem:s18+$0x80]  }
0x1d5: {  	v3 =	vld [tilespmem:s18+$0x90]  }
0x1d6: {  	v9 =	vld [tilespmem:s18+$0x40]  }
0x1d7: {  	v12 =	vld [tilespmem:s18+$0x50]  }
0x1d8: {  	v7 =	vld [tilespmem:s18+$0x0]  }
0x1d9: {  	v8 =	vld [tilespmem:s18+$0x10]  }
0x1da: {  	v5 =	vld [tilespmem:s18+$0xFFFFFFC0]  }
0x1db: {  	v6 =	vld [tilespmem:s18+$0xFFFFFFD0]  }
0x1dc: {  	v4 =	vld [tilespmem:s18+$0xFFFFFF80]  }
0x1dd: {  	v10 =	vld [tilespmem:s18+$0xFFFFFF90]  }
0x1de: {  	v11 =	vld [tilespmem:s18+$0xFFFFFF40]  }
0x1df: {  	v13 =	vld [tilespmem:s18+$0xFFFFFF50]  }
0x1e0: {  	v14 =	vld [tilespmem:s18+$0xFFFFFF00]  }
0x1e1: {  	v15 =	vld [tilespmem:s18+$0xFFFFFF10]  }
0x1e2: {  	v16 =	vld [tilespmem:s18+$0xFFFFFF20]  }
0x1e3: {  	v17 =	vld [tilespmem:s18+$0xFFFFFF30]  }
0x1e4: {  	v18 =	vld [tilespmem:s18+$0xFFFFFF60]  }
0x1e5: {  	v19 =	vld [tilespmem:s18+$0xFFFFFF70]  }
0x1e6: {  	v20 =	vimm.f32 $0.0e+00;
	v21 =	vld [tilespmem:s18+$0xFFFFFFA0]  }
0x1e7: {  	v22 =	vld [tilespmem:s18+$0xFFFFFFB0];
	v14 =	vadd.f32 v14, v20;
	v15 =	vadd.f32 v15, v20  }
0x1e8: {  	v59 =	vld [tilespmem:s18+$0xFFFFFFE0];
	v16 =	vadd.f32 v16, v20;
	v17 =	vadd.f32 v17, v20  }
0x1e9: {  	v11 =	vadd.f32 v11, v14;
	v13 =	vadd.f32 v13, v15;
	v14 =	vld [tilespmem:s18+$0xFFFFFFF0]  }
0x1ea: {  	v61 =	vld [tilespmem:s18+$0x20];
	v15 =	vadd.f32 v18, v16;
	v60 =	vadd.f32 v19, v17  }
0x1eb: {  	v11 =	vadd.f32 v4, v11;
	v10 =	vadd.f32 v10, v13;
	v13 =	vld [tilespmem:s18+$0x30]  }
0x1ec: {  	v15 =	vadd.f32 v21, v15;
	v16 =	vadd.f32 v22, v60;
	v4 =	vld [tilespmem:s18+$0x60]  }
0x1ed: {  	v11 =	vadd.f32 v5, v11;
	v10 =	vadd.f32 v6, v10;
	v6 =	vld [tilespmem:s18+$0x70]  }
0x1ee: {  	v15 =	vadd.f32 v59, v15;
	v5 =	vld [tilespmem:s18+$0xA0];
	v14 =	vadd.f32 v14, v16  }
0x1ef: {  	v62 =	vadd.f32 v7, v11;
	v63 =	vadd.f32 v8, v10;
	v8 =	vld [tilespmem:s18+$0xB0]  }
0x1f0: {  	v11 =	vadd.f32 v61, v15;
	v7 =	vld [tilespmem:s18+$0xE0];
	v10 =	vadd.f32 v13, v14  }
0x1f1: {  	s0 =	simm.s32 $0x0;
	v13 =	vadd.f32 v9, v62;
	v12 =	vadd.f32 v12, v63;
	v9 =	vld [tilespmem:s18+$0xF0];
	s18 =	simm.s32 $0xFD00  }
.LBB2_16:
0x1f2: {  	v14 =	vld [tilespmem:s18+$0xC0];
	v4 =	vadd.f32 v4, v11;
	v6 =	vadd.f32 v6, v10  }
0x1f3: {  	v10 =	vld [tilespmem:s18+$0xD0];
	v11 =	vadd.f32 v2, v13;
	v12 =	vadd.f32 v3, v12  }
0x1f4: {  	v2 =	vld [tilespmem:s18+$0x80];
	v4 =	vadd.f32 v5, v4;
	v5 =	vadd.f32 v8, v6  }
0x1f5: {  	v3 =	vld [tilespmem:s18+$0x90];
	v6 =	vadd.f32 v0, v11;
	v8 =	vadd.f32 v1, v12  }
0x1f6: {  	v12 =	vld [tilespmem:s18+$0x40];
	v4 =	vadd.f32 v7, v4;
	v5 =	vadd.f32 v9, v5  }
0x1f7: {  	v9 =	vld [tilespmem:s18+$0x50];
	v0 =	vmov v14  }
0x1f8: {  	v7 =	vld [tilespmem:s18+$0x0];
	v1 =	vmov v10  }
0x1f9: {  	v10 =	vld [tilespmem:s18+$0x10]  }
0x1fa: {  	v11 =	vld [tilespmem:s18+$0xFFFFFFC0]  }
0x1fb: {  	v13 =	vld [tilespmem:s18+$0xFFFFFFD0]  }
0x1fc: {  	v14 =	vld [tilespmem:s18+$0xFFFFFF80]  }
0x1fd: {  	v15 =	vld [tilespmem:s18+$0xFFFFFF90]  }
0x1fe: {  	v16 =	vld [tilespmem:s18+$0xFFFFFF40]  }
0x1ff: {  	v17 =	vld [tilespmem:s18+$0xFFFFFF50]  }
0x200: {  	v18 =	vld [tilespmem:s18+$0xFFFFFF00]  }
0x201: {  	v19 =	vld [tilespmem:s18+$0xFFFFFF10]  }
0x202: {  	v20 =	vld [tilespmem:s18+$0xFFFFFF20]  }
0x203: {  	s0 =	sadd.s32 $0x8, s0;
	v21 =	vld [tilespmem:s18+$0xFFFFFF30]  }
0x204: {  	p1 =	slt.u32 s0, $0xC0;
	v22 =	vld [tilespmem:s18+$0xFFFFFF60]  }
0x205: {  	v23 =	vld [tilespmem:s18+$0xFFFFFF70]  }
0x206: {  	v24 =	vld [tilespmem:s18+$0xFFFFFFA0]  }
0x207: {  	v6 =	vadd.f32 v18, v6;
	v8 =	vadd.f32 v19, v8;
	v18 =	vld [tilespmem:s18+$0xFFFFFFB0]  }
0x208: {  	v4 =	vadd.f32 v20, v4;
	v5 =	vadd.f32 v21, v5;
	v19 =	vld [tilespmem:s18+$0xFFFFFFE0]  }
0x209: {  	v6 =	vadd.f32 v16, v6;
	v8 =	vadd.f32 v17, v8;
	v16 =	vld [tilespmem:s18+$0xFFFFFFF0]  }
0x20a: {  	v4 =	vadd.f32 v22, v4;
	v5 =	vadd.f32 v23, v5;
	v17 =	vld [tilespmem:s18+$0x20]  }
0x20b: {  	v6 =	vadd.f32 v14, v6;
	v8 =	vadd.f32 v15, v8;
	v14 =	vld [tilespmem:s18+$0x30]  }
0x20c: {  	v15 =	vadd.f32 v24, v4;
	v5 =	vadd.f32 v18, v5;
	v4 =	vld [tilespmem:s18+$0x60]  }
.Ltmp9:
0x20d: {  	v11 =	vadd.f32 v11, v6;
	v8 =	vadd.f32 v13, v8;
	v6 =	vld [tilespmem:s18+$0x70];
	(pc) =	sbr.rel @p1 .LBB2_16-.Ltmp9, $4  }
0x20e: {  	v13 =	vadd.f32 v19, v15;
	v15 =	vadd.f32 v16, v5;
	v5 =	vld [tilespmem:s18+$0xA0]  }
0x20f: {  	v16 =	vadd.f32 v7, v11;
	v18 =	vadd.f32 v10, v8;
	v8 =	vld [tilespmem:s18+$0xB0]  }
0x210: {  	v11 =	vadd.f32 v17, v13;
	v10 =	vadd.f32 v14, v15;
	v7 =	vld [tilespmem:s18+$0xE0]  }
0x211: {  	v13 =	vadd.f32 v12, v16;
	v12 =	vadd.f32 v9, v18;
	v9 =	vld [tilespmem:s18+$0xF0];
	s18 =	sadd.s32 $0x200, s18  }
0x212: {  	_ = 	snop  }
0x213: {  	v4 =	vadd.f32 v4, v11;
	v2 =	vadd.f32 v2, v13  }
0x214: {  	v6 =	vadd.f32 v6, v10;
	v3 =	vadd.f32 v3, v12  }
0x215: {  	v4 =	vadd.f32 v5, v4;
	v0 =	vadd.f32 v0, v2  }
0x216: {  	v2 =	vadd.f32 v8, v6;
	v1 =	vadd.f32 v1, v3  }
0x217: {  	v3 =	vadd.f32 v7, v4;
	[tilespmem:s24+$0x1B040] =	vst v0  }
0x218: {  	v0 =	vadd.f32 v9, v2;
	[tilespmem:s24+$0x1B050] =	vst v1  }
0x219: {  	[tilespmem:s24+$0x1B060] =	vst v3  }
0x21a: {  	s0 =	sadd.s32 @!p0 $0x67E8, s26;
	s10 =	simm.s32 @!p0 $0x68;
	s18 =	simm.s32 @!p0 $0xFA00;
	[tilespmem:s24+$0x1B070] =	vst v0  }
0x21b: {  	[tilespmem:s18], [sflag:$0x2] =	stream.indirect.gather @!p0 [hbm4b:s4+s10], $0x40, s0, s10, $0xb8;
	[tilespmem:$0x1D000] =	vst v63  }
0x21c: {  	s0 =	sadd.s32 @!p0 $0x6850, s26;
	s10 =	simm.s32 @!p0 $0x60;
	s18 =	simm.s32 @!p0 $0x11400  }
0x21d: {  	[tilespmem:s18], [sflag:$0x2] =	stream.indirect.gather @!p0 [hbm4b:s4+s10], $0x40, s0, s10, $0xb8;
	[tilespmem:$0x1D000] =	vst v63  }
0x21e: {  	_ =	swait.ge [sflag:s31], $0x3200  }
0x21f: {  	[sflag:s31] =	ssyncset.done $0x0  }
0x220: {  	s18 =	simm.s32 $0x12D00;
	[sflag:s31] =	ssyncadd.s32 $0xFFFFCE00  }
0x221: {  	v0 =	vld [tilespmem:s18+$0xC0]  }
0x222: {  	v1 =	vld [tilespmem:s18+$0xD0]  }
0x223: {  	v2 =	vld [tilespmem:s18+$0x80]  }
0x224: {  	v3 =	vld [tilespmem:s18+$0x90]  }
0x225: {  	v9 =	vld [tilespmem:s18+$0x40]  }
0x226: {  	v12 =	vld [tilespmem:s18+$0x50]  }
0x227: {  	v7 =	vld [tilespmem:s18+$0x0]  }
0x228: {  	v8 =	vld [tilespmem:s18+$0x10]  }
0x229: {  	v5 =	vld [tilespmem:s18+$0xFFFFFFC0]  }
0x22a: {  	v6 =	vld [tilespmem:s18+$0xFFFFFFD0]  }
0x22b: {  	v4 =	vld [tilespmem:s18+$0xFFFFFF80]  }
0x22c: {  	v10 =	vld [tilespmem:s18+$0xFFFFFF90]  }
0x22d: {  	v11 =	vld [tilespmem:s18+$0xFFFFFF40]  }
0x22e: {  	v13 =	vld [tilespmem:s18+$0xFFFFFF50]  }
0x22f: {  	v14 =	vld [tilespmem:s18+$0xFFFFFF00]  }
0x230: {  	v15 =	vld [tilespmem:s18+$0xFFFFFF10]  }
0x231: {  	v16 =	vld [tilespmem:s18+$0xFFFFFF20]  }
0x232: {  	v17 =	vld [tilespmem:s18+$0xFFFFFF30]  }
0x233: {  	v18 =	vld [tilespmem:s18+$0xFFFFFF60]  }
0x234: {  	v19 =	vld [tilespmem:s18+$0xFFFFFF70]  }
0x235: {  	v20 =	vimm.f32 $0.0e+00;
	v21 =	vld [tilespmem:s18+$0xFFFFFFA0]  }
0x236: {  	v22 =	vld [tilespmem:s18+$0xFFFFFFB0];
	v14 =	vadd.f32 v14, v20;
	v15 =	vadd.f32 v15, v20  }
0x237: {  	v59 =	vld [tilespmem:s18+$0xFFFFFFE0];
	v16 =	vadd.f32 v16, v20;
	v17 =	vadd.f32 v17, v20  }
0x238: {  	v11 =	vadd.f32 v11, v14;
	v13 =	vadd.f32 v13, v15;
	v14 =	vld [tilespmem:s18+$0xFFFFFFF0]  }
0x239: {  	v61 =	vld [tilespmem:s18+$0x20];
	v15 =	vadd.f32 v18, v16;
	v60 =	vadd.f32 v19, v17  }
0x23a: {  	v11 =	vadd.f32 v4, v11;
	v10 =	vadd.f32 v10, v13;
	v13 =	vld [tilespmem:s18+$0x30]  }
0x23b: {  	v15 =	vadd.f32 v21, v15;
	v16 =	vadd.f32 v22, v60;
	v4 =	vld [tilespmem:s18+$0x60]  }
0x23c: {  	v11 =	vadd.f32 v5, v11;
	v10 =	vadd.f32 v6, v10;
	v6 =	vld [tilespmem:s18+$0x70]  }
0x23d: {  	v15 =	vadd.f32 v59, v15;
	v5 =	vld [tilespmem:s18+$0xA0];
	v14 =	vadd.f32 v14, v16  }
0x23e: {  	v62 =	vadd.f32 v7, v11;
	v63 =	vadd.f32 v8, v10;
	v8 =	vld [tilespmem:s18+$0xB0]  }
0x23f: {  	v11 =	vadd.f32 v61, v15;
	v7 =	vld [tilespmem:s18+$0xE0];
	v10 =	vadd.f32 v13, v14  }
0x240: {  	s0 =	simm.s32 $0x0;
	v13 =	vadd.f32 v9, v62;
	v12 =	vadd.f32 v12, v63;
	v9 =	vld [tilespmem:s18+$0xF0];
	s18 =	simm.s32 $0x12F00  }
.LBB2_18:
0x241: {  	v14 =	vld [tilespmem:s18+$0xC0];
	v4 =	vadd.f32 v4, v11;
	v6 =	vadd.f32 v6, v10  }
0x242: {  	v10 =	vld [tilespmem:s18+$0xD0];
	v11 =	vadd.f32 v2, v13;
	v12 =	vadd.f32 v3, v12  }
0x243: {  	v2 =	vld [tilespmem:s18+$0x80];
	v4 =	vadd.f32 v5, v4;
	v5 =	vadd.f32 v8, v6  }
0x244: {  	v3 =	vld [tilespmem:s18+$0x90];
	v6 =	vadd.f32 v0, v11;
	v8 =	vadd.f32 v1, v12  }
0x245: {  	v12 =	vld [tilespmem:s18+$0x40];
	v4 =	vadd.f32 v7, v4;
	v5 =	vadd.f32 v9, v5  }
0x246: {  	v9 =	vld [tilespmem:s18+$0x50];
	v0 =	vmov v14  }
0x247: {  	v7 =	vld [tilespmem:s18+$0x0];
	v1 =	vmov v10  }
0x248: {  	v10 =	vld [tilespmem:s18+$0x10]  }
0x249: {  	v11 =	vld [tilespmem:s18+$0xFFFFFFC0]  }
0x24a: {  	v13 =	vld [tilespmem:s18+$0xFFFFFFD0]  }
0x24b: {  	v14 =	vld [tilespmem:s18+$0xFFFFFF80]  }
0x24c: {  	v15 =	vld [tilespmem:s18+$0xFFFFFF90]  }
0x24d: {  	v16 =	vld [tilespmem:s18+$0xFFFFFF40]  }
0x24e: {  	v17 =	vld [tilespmem:s18+$0xFFFFFF50]  }
0x24f: {  	v18 =	vld [tilespmem:s18+$0xFFFFFF00]  }
0x250: {  	v19 =	vld [tilespmem:s18+$0xFFFFFF10]  }
0x251: {  	v20 =	vld [tilespmem:s18+$0xFFFFFF20]  }
0x252: {  	s0 =	sadd.s32 $0x8, s0;
	v21 =	vld [tilespmem:s18+$0xFFFFFF30]  }
0x253: {  	p1 =	slt.u32 s0, $0xC0;
	v22 =	vld [tilespmem:s18+$0xFFFFFF60]  }
0x254: {  	v23 =	vld [tilespmem:s18+$0xFFFFFF70]  }
0x255: {  	v24 =	vld [tilespmem:s18+$0xFFFFFFA0]  }
0x256: {  	v6 =	vadd.f32 v18, v6;
	v8 =	vadd.f32 v19, v8;
	v18 =	vld [tilespmem:s18+$0xFFFFFFB0]  }
0x257: {  	v4 =	vadd.f32 v20, v4;
	v5 =	vadd.f32 v21, v5;
	v19 =	vld [tilespmem:s18+$0xFFFFFFE0]  }
0x258: {  	v6 =	vadd.f32 v16, v6;
	v8 =	vadd.f32 v17, v8;
	v16 =	vld [tilespmem:s18+$0xFFFFFFF0]  }
0x259: {  	v4 =	vadd.f32 v22, v4;
	v5 =	vadd.f32 v23, v5;
	v17 =	vld [tilespmem:s18+$0x20]  }
0x25a: {  	v6 =	vadd.f32 v14, v6;
	v8 =	vadd.f32 v15, v8;
	v14 =	vld [tilespmem:s18+$0x30]  }
0x25b: {  	v15 =	vadd.f32 v24, v4;
	v5 =	vadd.f32 v18, v5;
	v4 =	vld [tilespmem:s18+$0x60]  }
.Ltmp10:
0x25c: {  	v11 =	vadd.f32 v11, v6;
	v8 =	vadd.f32 v13, v8;
	v6 =	vld [tilespmem:s18+$0x70];
	(pc) =	sbr.rel @p1 .LBB2_18-.Ltmp10, $4  }
0x25d: {  	v13 =	vadd.f32 v19, v15;
	v15 =	vadd.f32 v16, v5;
	v5 =	vld [tilespmem:s18+$0xA0]  }
0x25e: {  	v16 =	vadd.f32 v7, v11;
	v18 =	vadd.f32 v10, v8;
	v8 =	vld [tilespmem:s18+$0xB0]  }
0x25f: {  	v11 =	vadd.f32 v17, v13;
	v10 =	vadd.f32 v14, v15;
	v7 =	vld [tilespmem:s18+$0xE0]  }
0x260: {  	v13 =	vadd.f32 v12, v16;
	v12 =	vadd.f32 v9, v18;
	v9 =	vld [tilespmem:s18+$0xF0];
	s18 =	sadd.s32 $0x200, s18  }
0x261: {  	_ = 	snop  }
0x262: {  	v4 =	vadd.f32 v4, v11;
	v2 =	vadd.f32 v2, v13  }
0x263: {  	v6 =	vadd.f32 v6, v10;
	v3 =	vadd.f32 v3, v12  }
0x264: {  	v4 =	vadd.f32 v5, v4;
	v0 =	vadd.f32 v0, v2  }
0x265: {  	v2 =	vadd.f32 v8, v6;
	v1 =	vadd.f32 v1, v3  }
0x266: {  	v3 =	vadd.f32 v7, v4;
	[tilespmem:s24+$0x1B080] =	vst v0  }
0x267: {  	v0 =	vadd.f32 v9, v2;
	[tilespmem:s24+$0x1B090] =	vst v1  }
0x268: {  	[tilespmem:s24+$0x1B0A0] =	vst v3  }
0x269: {  	s0 =	sadd.s32 @!p0 $0x68B0, s26;
	s10 =	simm.s32 @!p0 $0x68;
	s18 =	simm.s32 @!p0 $0x12C00;
	[tilespmem:s24+$0x1B0B0] =	vst v0  }
0x26a: {  	[tilespmem:s18], [sflag:$0x3] =	stream.indirect.gather @!p0 [hbm4b:s4+s10], $0x40, s0, s10, $0xb8;
	[tilespmem:$0x1D000] =	vst v63  }
0x26b: {  	s0 =	sadd.s32 @!p0 $0x6918, s26;
	s10 =	simm.s32 @!p0 $0x60;
	s18 =	simm.s32 @!p0 $0x14600  }
0x26c: {  	[tilespmem:s18], [sflag:$0x3] =	stream.indirect.gather @!p0 [hbm4b:s4+s10], $0x40, s0, s10, $0xb8;
	[tilespmem:$0x1D000] =	vst v63  }
0x26d: {  	_ =	swait.ge [sflag:s1], $0x3200  }
0x26e: {  	[sflag:s1] =	ssyncset.done $0x0  }
0x26f: {  	s26 =	simm.s32 $0x15F00;
	[sflag:s1] =	ssyncadd.s32 $0xFFFFCE00  }
0x270: {  	v0 =	vld [tilespmem:s26+$0xC0]  }
0x271: {  	v1 =	vld [tilespmem:s26+$0xD0]  }
0x272: {  	v2 =	vld [tilespmem:s26+$0x80]  }
0x273: {  	v3 =	vld [tilespmem:s26+$0x90]  }
0x274: {  	v9 =	vld [tilespmem:s26+$0x40]  }
0x275: {  	v12 =	vld [tilespmem:s26+$0x50]  }
0x276: {  	v7 =	vld [tilespmem:s26+$0x0]  }
0x277: {  	v8 =	vld [tilespmem:s26+$0x10]  }
0x278: {  	v5 =	vld [tilespmem:s26+$0xFFFFFFC0]  }
0x279: {  	v6 =	vld [tilespmem:s26+$0xFFFFFFD0]  }
0x27a: {  	v4 =	vld [tilespmem:s26+$0xFFFFFF80]  }
0x27b: {  	v10 =	vld [tilespmem:s26+$0xFFFFFF90]  }
0x27c: {  	v11 =	vld [tilespmem:s26+$0xFFFFFF40]  }
0x27d: {  	v13 =	vld [tilespmem:s26+$0xFFFFFF50]  }
0x27e: {  	v14 =	vld [tilespmem:s26+$0xFFFFFF00]  }
0x27f: {  	v15 =	vld [tilespmem:s26+$0xFFFFFF10]  }
0x280: {  	v16 =	vld [tilespmem:s26+$0xFFFFFF20]  }
0x281: {  	v17 =	vld [tilespmem:s26+$0xFFFFFF30]  }
0x282: {  	v18 =	vld [tilespmem:s26+$0xFFFFFF60]  }
0x283: {  	v19 =	vld [tilespmem:s26+$0xFFFFFF70]  }
0x284: {  	v20 =	vimm.f32 $0.0e+00;
	v21 =	vld [tilespmem:s26+$0xFFFFFFA0]  }
0x285: {  	v22 =	vld [tilespmem:s26+$0xFFFFFFB0];
	v14 =	vadd.f32 v14, v20;
	v15 =	vadd.f32 v15, v20  }
0x286: {  	v59 =	vld [tilespmem:s26+$0xFFFFFFE0];
	v16 =	vadd.f32 v16, v20;
	v17 =	vadd.f32 v17, v20  }
0x287: {  	v11 =	vadd.f32 v11, v14;
	v13 =	vadd.f32 v13, v15;
	v14 =	vld [tilespmem:s26+$0xFFFFFFF0]  }
0x288: {  	v61 =	vld [tilespmem:s26+$0x20];
	v15 =	vadd.f32 v18, v16;
	v60 =	vadd.f32 v19, v17  }
0x289: {  	v11 =	vadd.f32 v4, v11;
	v10 =	vadd.f32 v10, v13;
	v13 =	vld [tilespmem:s26+$0x30]  }
0x28a: {  	v15 =	vadd.f32 v21, v15;
	v16 =	vadd.f32 v22, v60;
	v4 =	vld [tilespmem:s26+$0x60]  }
0x28b: {  	v11 =	vadd.f32 v5, v11;
	v10 =	vadd.f32 v6, v10;
	v6 =	vld [tilespmem:s26+$0x70]  }
0x28c: {  	v15 =	vadd.f32 v59, v15;
	v5 =	vld [tilespmem:s26+$0xA0];
	v14 =	vadd.f32 v14, v16  }
0x28d: {  	v62 =	vadd.f32 v7, v11;
	v63 =	vadd.f32 v8, v10;
	v8 =	vld [tilespmem:s26+$0xB0]  }
0x28e: {  	v11 =	vadd.f32 v61, v15;
	v7 =	vld [tilespmem:s26+$0xE0];
	v10 =	vadd.f32 v13, v14  }
0x28f: {  	s0 =	simm.s32 $0x0;
	s18 =	simm.s32 $0x16100;
	v13 =	vadd.f32 v9, v62;
	v12 =	vadd.f32 v12, v63;
	v9 =	vld [tilespmem:s26+$0xF0]  }
.LBB2_20:
0x290: {  	v14 =	vld [tilespmem:s18+$0xC0];
	v4 =	vadd.f32 v4, v11;
	v6 =	vadd.f32 v6, v10  }
0x291: {  	v10 =	vld [tilespmem:s18+$0xD0];
	v11 =	vadd.f32 v2, v13;
	v12 =	vadd.f32 v3, v12  }
0x292: {  	v2 =	vld [tilespmem:s18+$0x80];
	v4 =	vadd.f32 v5, v4;
	v5 =	vadd.f32 v8, v6  }
0x293: {  	v3 =	vld [tilespmem:s18+$0x90];
	v6 =	vadd.f32 v0, v11;
	v8 =	vadd.f32 v1, v12  }
0x294: {  	v12 =	vld [tilespmem:s18+$0x40];
	v4 =	vadd.f32 v7, v4;
	v5 =	vadd.f32 v9, v5  }
0x295: {  	v9 =	vld [tilespmem:s18+$0x50];
	v0 =	vmov v14  }
0x296: {  	v7 =	vld [tilespmem:s18+$0x0];
	v1 =	vmov v10  }
0x297: {  	v10 =	vld [tilespmem:s18+$0x10]  }
0x298: {  	v11 =	vld [tilespmem:s18+$0xFFFFFFC0]  }
0x299: {  	v13 =	vld [tilespmem:s18+$0xFFFFFFD0]  }
0x29a: {  	v14 =	vld [tilespmem:s18+$0xFFFFFF80]  }
0x29b: {  	v15 =	vld [tilespmem:s18+$0xFFFFFF90]  }
0x29c: {  	v16 =	vld [tilespmem:s18+$0xFFFFFF40]  }
0x29d: {  	v17 =	vld [tilespmem:s18+$0xFFFFFF50]  }
0x29e: {  	v18 =	vld [tilespmem:s18+$0xFFFFFF00]  }
0x29f: {  	v19 =	vld [tilespmem:s18+$0xFFFFFF10]  }
0x2a0: {  	v20 =	vld [tilespmem:s18+$0xFFFFFF20]  }
0x2a1: {  	s0 =	sadd.s32 $0x8, s0;
	v21 =	vld [tilespmem:s18+$0xFFFFFF30]  }
0x2a2: {  	p1 =	slt.u32 s0, $0xC0;
	v22 =	vld [tilespmem:s18+$0xFFFFFF60]  }
0x2a3: {  	v23 =	vld [tilespmem:s18+$0xFFFFFF70]  }
0x2a4: {  	v24 =	vld [tilespmem:s18+$0xFFFFFFA0]  }
0x2a5: {  	v6 =	vadd.f32 v18, v6;
	v8 =	vadd.f32 v19, v8;
	v18 =	vld [tilespmem:s18+$0xFFFFFFB0]  }
0x2a6: {  	v4 =	vadd.f32 v20, v4;
	v5 =	vadd.f32 v21, v5;
	v19 =	vld [tilespmem:s18+$0xFFFFFFE0]  }
0x2a7: {  	v6 =	vadd.f32 v16, v6;
	v8 =	vadd.f32 v17, v8;
	v16 =	vld [tilespmem:s18+$0xFFFFFFF0]  }
0x2a8: {  	v4 =	vadd.f32 v22, v4;
	v5 =	vadd.f32 v23, v5;
	v17 =	vld [tilespmem:s18+$0x20]  }
0x2a9: {  	v6 =	vadd.f32 v14, v6;
	v8 =	vadd.f32 v15, v8;
	v14 =	vld [tilespmem:s18+$0x30]  }
0x2aa: {  	v15 =	vadd.f32 v24, v4;
	v5 =	vadd.f32 v18, v5;
	v4 =	vld [tilespmem:s18+$0x60]  }
.Ltmp11:
0x2ab: {  	v11 =	vadd.f32 v11, v6;
	v8 =	vadd.f32 v13, v8;
	v6 =	vld [tilespmem:s18+$0x70];
	(pc) =	sbr.rel @p1 .LBB2_20-.Ltmp11, $4  }
0x2ac: {  	v13 =	vadd.f32 v19, v15;
	v15 =	vadd.f32 v16, v5;
	v5 =	vld [tilespmem:s18+$0xA0]  }
0x2ad: {  	v16 =	vadd.f32 v7, v11;
	v18 =	vadd.f32 v10, v8;
	v8 =	vld [tilespmem:s18+$0xB0]  }
0x2ae: {  	v11 =	vadd.f32 v17, v13;
	v10 =	vadd.f32 v14, v15;
	v7 =	vld [tilespmem:s18+$0xE0]  }
0x2af: {  	v13 =	vadd.f32 v12, v16;
	v12 =	vadd.f32 v9, v18;
	v9 =	vld [tilespmem:s18+$0xF0];
	s18 =	sadd.s32 $0x200, s18  }
0x2b0: {  	_ = 	snop  }
0x2b1: {  	v4 =	vadd.f32 v4, v11;
	v2 =	vadd.f32 v2, v13  }
0x2b2: {  	v6 =	vadd.f32 v6, v10;
	v3 =	vadd.f32 v3, v12  }
0x2b3: {  	v4 =	vadd.f32 v5, v4;
	v0 =	vadd.f32 v0, v2  }
.Ltmp12:
0x2b4: {  	v61 =	vadd.f32 v8, v6;
	v1 =	vadd.f32 v1, v3;
	(pc) =	sbr.rel @p0 .LBB2_23-.Ltmp12, $4  }
0x2b5: {  	v62 =	vadd.f32 v7, v4;
	[tilespmem:s24+$0x1B0C0] =	vst v0  }
0x2b6: {  	v63 =	vadd.f32 v9, v61;
	[tilespmem:s24+$0x1B0D0] =	vst v1  }
0x2b7: {  	[tilespmem:s24+$0x1B0E0] =	vst v62  }
0x2b8: {  	[tilespmem:s24+$0x1B0F0] =	vst v63  }
0x2b9: {  	s0 =	smul.u32 $0xC80, s22;
	_ =	sdelay $0x1  }
.Ltmp13:
0x2ba: {  	s0 =	sshra.s32 s0, $0x2;
	(pc) =	sbr.rel .LBB2_13-.Ltmp13, $4  }
0x2bb: {  	s10 =	sadd.s32 $0x6978, s0  }
0x2bc: {  	[tilespmem:s25], [sflag:$0x4] =	stream.indirect.gather [hbm4b:s4+s12], $0x40, s10, s12, $0xb8;
	[tilespmem:$0x1D000] =	vst v63  }
0x2bd: {  	s22 =	sadd.s32 $0x1, s22;
	s0 =	sadd.s32 $0x69E0, s0  }
0x2be: {  	[tilespmem:s28], [sflag:$0x4] =	stream.indirect.gather [hbm4b:s4+s14], $0x40, s0, s14, $0xb8;
	[tilespmem:$0x1D000] =	vst v63  }
.LBB2_24:
0x2bf: {  	_ =	sfence.sel $0x180000  }
0x2c0: {  	[bflag:$0x0] =	sbarrier.arrive $0xFFFF  }
0x2c1: {  	_ =	strace $0x9000004D  }
0x2c2: {  	s0 =	stileid.u32;
	[bflag:$0x2] =	sbarrier.arrive $0xFFFF  }
0x2c3: {  	p0 =	sne.s32 s0, $0x0;
	s0 =	rddreg [dreg:$0x1]  }
0x2c4: {  	s0 =	sadd.s32 @!p0 $0x100000, s0  }
0x2c5: {  	[sflag:s0] =	ssyncadd.tile.s32 @!p0 $0x1;
	_ =	shalt  }
.Lfunc_end2:
_tile_overlayer_lowered:
.L_overlay_start_2:
0x2c6: {  	(tag) =	ssettag $0x2  }
0x2c7: {  	s0 =	rddreg [dreg:$0x0];
	s2 =	stileid.u32  }
0x2c8: {  	s1 =	rddreg [dreg:$0x1];
	p0 =	sne.s32 s2, $0x0  }
0x2c9: {  	s3 =	rddreg [dreg:$0x2];
	[bflag:$0x3] =	sbarrier.arrive $0xFFFF;
	s2 =	simm.s32 @!p0 $0x1C06  }
0x2ca: {  	[timem:s3], [sflag:s2] =	dma.local @!p0 [hbm:s0], s1  }
0x2cb: {  	s0 =	simm.s32 @!p0 $0x6  }
0x2cc: {  	_ =	swait.ge @!p0 [sflag:s0], s1  }
0x2cd: {  	s1 =	ssub.s32 @!p0 $0x0, s1;
	[sflag:s0] =	ssyncset.done @!p0 $0x0  }
0x2ce: {  	[sflag:s0] =	ssyncadd.s32 @!p0 s1  }
0x2cf: {  	[bflag:$0x3] =	sbarrier.arrive $0xFFFF  }
0x2d0: {  	_ =	shalt  }

</sc_bundles>
